<compile_context>
chip_gen: v7x
topology: tpu7x:2x2x1
jax: 0.10.2.dev20260603
libtpu: 0.0.44.dev20260713+nightly
codegen_flags: <defaults>
</compile_context>

<pallas_src>
import jax
import jax.numpy as jnp
from jax import lax
from jax.experimental import pallas as pl
from jax.experimental.pallas import tpu as pltpu
from jax.experimental.pallas import tpu_sc as plsc

N_VOCAB = 100000
N_HEADS = 8
N_FEATURES = 64
BATCH = 4096
HIST = 50

BTILE = 128
FT = N_FEATURES // 8
TILE_ELEMS = 8 * BTILE
GSLOT = N_HEADS
SSLOT = 4
LOOKAHEAD = 4
UNITS = HIST * N_HEADS
L = 16


def _make_kernel():
    info = plsc.get_sparse_core_info()
    nc, ns = info.num_cores, info.num_subcores
    nw = nc * ns
    assert BATCH // BTILE == nw

    mesh = plsc.VectorSubcoreMesh(core_axis_name="c", subcore_axis_name="s")

    def body(seq_hbm, tab_hbm, out_hbm, seq_v, base_v, idx_v, rows_v,
             tbuf_v, gsem, ssem):
        wid = lax.axis_index("s") * nc + lax.axis_index("c")
        seq_per_tile = BTILE * HIST
        pltpu.sync_copy(seq_hbm.at[pl.ds(wid * seq_per_tile, seq_per_tile)],
                        seq_v)
        iota = lax.iota(jnp.int32, L)
        diag_f = [(iota + s) & 15 for s in range(L)]
        diag_s = [(((iota + s) & 15) * BTILE) + iota for s in range(L)]

        def drain_stores(sslot):
            for ft in range(FT):
                pltpu.make_async_copy(
                    out_hbm.at[0, 0, ft, wid],
                    tbuf_v.at[sslot, pl.ds(ft * TILE_ELEMS, TILE_ELEMS)],
                    ssem.at[sslot]).wait()

        def u_body(u, carry):
            h = lax.rem(u, N_HEADS)
            t = lax.div(u, N_HEADS)

            @pl.when(jnp.logical_and(u < UNITS, h == 0))
            def _():
                for j in range(BTILE // L):
                    base_v[pl.ds(j * L, L)] = plsc.load_gather(
                        seq_v, [iota * HIST + (j * L * HIST + t)])

            @pl.when(u < UNITS)
            def _():
                off = h * N_VOCAB
                for j in range(BTILE // L):
                    idx_v[h, pl.ds(j * L, L)] = (
                        base_v[pl.ds(j * L, L)] + off)
                pltpu.async_copy(tab_hbm.at[idx_v.at[h]], rows_v.at[h],
                                 gsem.at[h])

            @pl.when(u >= LOOKAHEAD)
            def _():
                up = u - LOOKAHEAD
                hp = lax.rem(up, N_HEADS)
                tp = lax.div(up, N_HEADS)
                ss = lax.rem(up, SSLOT)

                @pl.when(u >= LOOKAHEAD + SSLOT)
                def _():
                    drain_stores(ss)
                pltpu.make_async_copy(
                    tab_hbm.at[pl.ds(0, BTILE)], rows_v.at[hp],
                    gsem.at[hp]).wait()

                @plsc.parallel_loop(0, BTILE // L, step=1, unroll=4)
                def _(j):
                    bbase = j * L
                    idx_b = iota + bbase
                    for k in range(N_FEATURES // L):
                        for s in range(L):
                            v = plsc.load_gather(
                                rows_v.at[hp], [idx_b, diag_f[s] + (k * L)])
                            plsc.store_scatter(
                                tbuf_v.at[ss],
                                [diag_s[s] + (k * L * BTILE + bbase)], v)

                for ft in range(FT):
                    pltpu.async_copy(
                        tbuf_v.at[ss, pl.ds(ft * TILE_ELEMS, TILE_ELEMS)],
                        out_hbm.at[hp, tp, ft, wid],
                        ssem.at[ss])

            return carry

        lax.fori_loop(0, UNITS + LOOKAHEAD, u_body, 0)
        for sslot in range(SSLOT):
            drain_stores(sslot)

    return pl.kernel(
        body,
        out_type=jax.ShapeDtypeStruct(
            (N_HEADS, HIST, FT, BATCH // BTILE, TILE_ELEMS), jnp.float32),
        mesh=mesh,
        scratch_types=[
            pltpu.VMEM((BTILE * HIST,), jnp.int32),
            pltpu.VMEM((BTILE,), jnp.int32),
            pltpu.VMEM((GSLOT, BTILE), jnp.int32),
            pltpu.VMEM((GSLOT, BTILE, N_FEATURES), jnp.float32),
            pltpu.VMEM((SSLOT, FT * TILE_ELEMS), jnp.float32),
            pltpu.SemaphoreType.DMA((GSLOT,)),
            pltpu.SemaphoreType.DMA((SSLOT,)),
        ],
        compiler_params=pltpu.CompilerParams(
            use_tc_tiling_on_sc=False, needs_layout_passes=False),
    )


def kernel(seq, tables):
    seq_flat = seq.reshape(-1).astype(jnp.int32)
    tab_flat = tables.reshape(N_HEADS * N_VOCAB, N_FEATURES)
    out = _make_kernel()(seq_flat, tab_flat)
    return (out.reshape(N_HEADS, HIST, FT, BATCH // BTILE, 8, BTILE)
            .transpose(3, 5, 0, 1, 2, 4)
            .reshape(BATCH, N_HEADS, HIST, N_FEATURES))

# --- scband reference (transcript-rebuilt; emitter-appended) ---
"""Pipeline reference for scband-embeddings-74577812128171 (READ-ONLY COPY).

The authoritative reference and input builder live on the scoring server;
editing this copy changes nothing except your own understanding.
"""

import jax, jax.numpy as jnp
import numpy as np

N_VOCAB = 100000
N_HEADS = 8
N_FEATURES = 64
BATCH = 4096
HIST = 50


def setup_inputs(seed: int = 0) -> dict:
    key = jax.random.key(seed)
    k_seq, k_tab = jax.random.split(key)
    seq = jax.random.randint(k_seq, (BATCH, HIST), 0, N_VOCAB, dtype=jnp.int64 if jax.config.read('jax_enable_x64') else jnp.int32)
    tables = jax.random.normal(k_tab, (N_HEADS, N_VOCAB, N_FEATURES), dtype=jnp.float32)
    return {"seq": seq, "tables": tables}


def reference(seq, tables):
    # Faithful translation: one embedding lookup per head, stacked on dim=1
    # output: [batch, n_heads, seq_len, n_features]
    outs = [jnp.take(tables[h], seq, axis=0) for h in range(N_HEADS)]
    return jnp.stack(outs, axis=1)

if __name__ == "__main__":
    import jax
    _d = setup_inputs()
    print(jax.jit(kernel)(*tuple(_d.values())))

</pallas_src>

<mosaic_0001>
#map = affine_map<(d0, d1) -> (0)>
#map1 = affine_map<(d0, d1) -> (0, 0)>
#map2 = affine_map<(d0, d1) -> (0, 0, 0, 0, 0)>
module attributes {stable_mosaic.version = 14 : i64} {
  func.func @body(%arg0: i32, %arg1: i32, %arg2: memref<204800xi32, #tpu.memory_space<hbm>>, %arg3: memref<800000x64xf32, #tpu.memory_space<hbm>>, %arg4: memref<8x50x8x32x1024xf32, #tpu.memory_space<hbm>>, %arg5: memref<6400xi32, #tpu.memory_space<vmem>>, %arg6: memref<128xi32, #tpu.memory_space<vmem>>, %arg7: memref<8x128xi32, #tpu.memory_space<vmem>>, %arg8: memref<8x128x64xf32, #tpu.memory_space<vmem>>, %arg9: memref<4x8192xf32, #tpu.memory_space<vmem>>, %arg10: memref<8x!tpu.dma_semaphore, #tpu.memory_space<semaphore_mem>>, %arg11: memref<4x!tpu.dma_semaphore, #tpu.memory_space<semaphore_mem>>) attributes {dimension_semantics = [#tpu.dimension_semantics<core_parallel>, #tpu.dimension_semantics<subcore_parallel>], iteration_bounds = array<i64: 2, 16>, scalar_prefetch = 0 : i64, scratch_operands = 7 : i64, tpu.core_type = #tpu.core_type<sc_vector_subcore>, window_params = [{transform_indices = #map}, {transform_indices = #map1}, {transform_indices = #map2}]} {
    %mul3A = arith.constant 2 : i32
    %mul3A_0 = arith.muli %arg1, %mul3A : i32
    %add3A = arith.addi %mul3A_0, %arg0 : i32
    %mul3A_1 = arith.constant 6400 : i32
    %mul3A_2 = arith.muli %add3A, %mul3A_1 : i32
    "tpu.region"() ({
      %run_scoped3A = tpu.sem_alloc : memref<!tpu.dma_semaphore, #tpu.memory_space<semaphore_mem>>
      %dma_start3A = tpu.memref_slice %arg2[%mul3A_2] : memref<204800xi32, #tpu.memory_space<hbm>> -> memref<6400xi32, #tpu.memory_space<hbm>>
      %dma_start3A_870 = tpu.memref_slice %arg2[%mul3A_2] : memref<204800xi32, #tpu.memory_space<hbm>> -> memref<6400xi32, #tpu.memory_space<hbm>>
      tpu.enqueue_dma source(%dma_start3A_870 : memref<6400xi32, #tpu.memory_space<hbm>>) target(%arg5 : memref<6400xi32, #tpu.memory_space<vmem>>) target_semaphore(%run_scoped3A : memref<!tpu.dma_semaphore, #tpu.memory_space<semaphore_mem>>)
      %dma_wait3A_871 = tpu.memref_slice %arg2[%mul3A_2] : memref<204800xi32, #tpu.memory_space<hbm>> -> memref<6400xi32, #tpu.memory_space<hbm>>
      %dma_wait3A_872 = tpu.memref_slice %arg2[%mul3A_2] : memref<204800xi32, #tpu.memory_space<hbm>> -> memref<6400xi32, #tpu.memory_space<hbm>>
      tpu.wait_dma2 semaphore(%run_scoped3A : memref<!tpu.dma_semaphore, #tpu.memory_space<semaphore_mem>>) src(%dma_wait3A_872 : memref<6400xi32, #tpu.memory_space<hbm>>) dst(%arg5 : memref<6400xi32, #tpu.memory_space<vmem>>)
      tpu.yield
    }) : () -> ()
    %iota3A = tpu.iota {dimensions = array<i32: 0>} : vector<16xi32>
    %add3A_3 = arith.constant 0 : i32
    %add3A_4 = vector.broadcast %add3A_3 : i32 to vector<16xi32>
    %add3A_5 = arith.addi %iota3A, %add3A_4 : vector<16xi32>
    %and3A = arith.constant 15 : i32
    %and3A_6 = vector.broadcast %and3A : i32 to vector<16xi32>
    %and3A_7 = arith.andi %add3A_5, %and3A_6 : vector<16xi32>
    %add3A_8 = arith.constant 1 : i32
    %add3A_9 = vector.broadcast %add3A_8 : i32 to vector<16xi32>
    %add3A_10 = arith.addi %iota3A, %add3A_9 : vector<16xi32>
    %and3A_11 = arith.constant 15 : i32
    %and3A_12 = vector.broadcast %and3A_11 : i32 to vector<16xi32>
    %and3A_13 = arith.andi %add3A_10, %and3A_12 : vector<16xi32>
    %add3A_14 = arith.constant 2 : i32
    %add3A_15 = vector.broadcast %add3A_14 : i32 to vector<16xi32>
    %add3A_16 = arith.addi %iota3A, %add3A_15 : vector<16xi32>
    %and3A_17 = arith.constant 15 : i32
    %and3A_18 = vector.broadcast %and3A_17 : i32 to vector<16xi32>
    %and3A_19 = arith.andi %add3A_16, %and3A_18 : vector<16xi32>
    %add3A_20 = arith.constant 3 : i32
    %add3A_21 = vector.broadcast %add3A_20 : i32 to vector<16xi32>
    %add3A_22 = arith.addi %iota3A, %add3A_21 : vector<16xi32>
    %and3A_23 = arith.constant 15 : i32
    %and3A_24 = vector.broadcast %and3A_23 : i32 to vector<16xi32>
    %and3A_25 = arith.andi %add3A_22, %and3A_24 : vector<16xi32>
    %add3A_26 = arith.constant 4 : i32
    %add3A_27 = vector.broadcast %add3A_26 : i32 to vector<16xi32>
    %add3A_28 = arith.addi %iota3A, %add3A_27 : vector<16xi32>
    %and3A_29 = arith.constant 15 : i32
    %and3A_30 = vector.broadcast %and3A_29 : i32 to vector<16xi32>
    %and3A_31 = arith.andi %add3A_28, %and3A_30 : vector<16xi32>
    %add3A_32 = arith.constant 5 : i32
    %add3A_33 = vector.broadcast %add3A_32 : i32 to vector<16xi32>
    %add3A_34 = arith.addi %iota3A, %add3A_33 : vector<16xi32>
    %and3A_35 = arith.constant 15 : i32
    %and3A_36 = vector.broadcast %and3A_35 : i32 to vector<16xi32>
    %and3A_37 = arith.andi %add3A_34, %and3A_36 : vector<16xi32>
    %add3A_38 = arith.constant 6 : i32
    %add3A_39 = vector.broadcast %add3A_38 : i32 to vector<16xi32>
    %add3A_40 = arith.addi %iota3A, %add3A_39 : vector<16xi32>
    %and3A_41 = arith.constant 15 : i32
    %and3A_42 = vector.broadcast %and3A_41 : i32 to vector<16xi32>
    %and3A_43 = arith.andi %add3A_40, %and3A_42 : vector<16xi32>
    %add3A_44 = arith.constant 7 : i32
    %add3A_45 = vector.broadcast %add3A_44 : i32 to vector<16xi32>
    %add3A_46 = arith.addi %iota3A, %add3A_45 : vector<16xi32>
    %and3A_47 = arith.constant 15 : i32
    %and3A_48 = vector.broadcast %and3A_47 : i32 to vector<16xi32>
    %and3A_49 = arith.andi %add3A_46, %and3A_48 : vector<16xi32>
    %add3A_50 = arith.constant 8 : i32
    %add3A_51 = vector.broadcast %add3A_50 : i32 to vector<16xi32>
    %add3A_52 = arith.addi %iota3A, %add3A_51 : vector<16xi32>
    %and3A_53 = arith.constant 15 : i32
    %and3A_54 = vector.broadcast %and3A_53 : i32 to vector<16xi32>
    %and3A_55 = arith.andi %add3A_52, %and3A_54 : vector<16xi32>
    %add3A_56 = arith.constant 9 : i32
    %add3A_57 = vector.broadcast %add3A_56 : i32 to vector<16xi32>
    %add3A_58 = arith.addi %iota3A, %add3A_57 : vector<16xi32>
    %and3A_59 = arith.constant 15 : i32
    %and3A_60 = vector.broadcast %and3A_59 : i32 to vector<16xi32>
    %and3A_61 = arith.andi %add3A_58, %and3A_60 : vector<16xi32>
    %add3A_62 = arith.constant 10 : i32
    %add3A_63 = vector.broadcast %add3A_62 : i32 to vector<16xi32>
    %add3A_64 = arith.addi %iota3A, %add3A_63 : vector<16xi32>
    %and3A_65 = arith.constant 15 : i32
    %and3A_66 = vector.broadcast %and3A_65 : i32 to vector<16xi32>
    %and3A_67 = arith.andi %add3A_64, %and3A_66 : vector<16xi32>
    %add3A_68 = arith.constant 11 : i32
    %add3A_69 = vector.broadcast %add3A_68 : i32 to vector<16xi32>
    %add3A_70 = arith.addi %iota3A, %add3A_69 : vector<16xi32>
    %and3A_71 = arith.constant 15 : i32
    %and3A_72 = vector.broadcast %and3A_71 : i32 to vector<16xi32>
    %and3A_73 = arith.andi %add3A_70, %and3A_72 : vector<16xi32>
    %add3A_74 = arith.constant 12 : i32
    %add3A_75 = vector.broadcast %add3A_74 : i32 to vector<16xi32>
    %add3A_76 = arith.addi %iota3A, %add3A_75 : vector<16xi32>
    %and3A_77 = arith.constant 15 : i32
    %and3A_78 = vector.broadcast %and3A_77 : i32 to vector<16xi32>
    %and3A_79 = arith.andi %add3A_76, %and3A_78 : vector<16xi32>
    %add3A_80 = arith.constant 13 : i32
    %add3A_81 = vector.broadcast %add3A_80 : i32 to vector<16xi32>
    %add3A_82 = arith.addi %iota3A, %add3A_81 : vector<16xi32>
    %and3A_83 = arith.constant 15 : i32
    %and3A_84 = vector.broadcast %and3A_83 : i32 to vector<16xi32>
    %and3A_85 = arith.andi %add3A_82, %and3A_84 : vector<16xi32>
    %add3A_86 = arith.constant 14 : i32
    %add3A_87 = vector.broadcast %add3A_86 : i32 to vector<16xi32>
    %add3A_88 = arith.addi %iota3A, %add3A_87 : vector<16xi32>
    %and3A_89 = arith.constant 15 : i32
    %and3A_90 = vector.broadcast %and3A_89 : i32 to vector<16xi32>
    %and3A_91 = arith.andi %add3A_88, %and3A_90 : vector<16xi32>
    %add3A_92 = arith.constant 15 : i32
    %add3A_93 = vector.broadcast %add3A_92 : i32 to vector<16xi32>
    %add3A_94 = arith.addi %iota3A, %add3A_93 : vector<16xi32>
    %and3A_95 = arith.constant 15 : i32
    %and3A_96 = vector.broadcast %and3A_95 : i32 to vector<16xi32>
    %and3A_97 = arith.andi %add3A_94, %and3A_96 : vector<16xi32>
    %add3A_98 = arith.constant 0 : i32
    %add3A_99 = vector.broadcast %add3A_98 : i32 to vector<16xi32>
    %add3A_100 = arith.addi %iota3A, %add3A_99 : vector<16xi32>
    %and3A_101 = arith.constant 15 : i32
    %and3A_102 = vector.broadcast %and3A_101 : i32 to vector<16xi32>
    %and3A_103 = arith.andi %add3A_100, %and3A_102 : vector<16xi32>
    %mul3A_104 = arith.constant 128 : i32
    %mul3A_105 = vector.broadcast %mul3A_104 : i32 to vector<16xi32>
    %mul3A_106 = arith.muli %and3A_103, %mul3A_105 : vector<16xi32>
    %add3A_107 = arith.addi %mul3A_106, %iota3A : vector<16xi32>
    %add3A_108 = arith.constant 1 : i32
    %add3A_109 = vector.broadcast %add3A_108 : i32 to vector<16xi32>
    %add3A_110 = arith.addi %iota3A, %add3A_109 : vector<16xi32>
    %and3A_111 = arith.constant 15 : i32
    %and3A_112 = vector.broadcast %and3A_111 : i32 to vector<16xi32>
    %and3A_113 = arith.andi %add3A_110, %and3A_112 : vector<16xi32>
    %mul3A_114 = arith.constant 128 : i32
    %mul3A_115 = vector.broadcast %mul3A_114 : i32 to vector<16xi32>
    %mul3A_116 = arith.muli %and3A_113, %mul3A_115 : vector<16xi32>
    %add3A_117 = arith.addi %mul3A_116, %iota3A : vector<16xi32>
    %add3A_118 = arith.constant 2 : i32
    %add3A_119 = vector.broadcast %add3A_118 : i32 to vector<16xi32>
    %add3A_120 = arith.addi %iota3A, %add3A_119 : vector<16xi32>
    %and3A_121 = arith.constant 15 : i32
    %and3A_122 = vector.broadcast %and3A_121 : i32 to vector<16xi32>
    %and3A_123 = arith.andi %add3A_120, %and3A_122 : vector<16xi32>
    %mul3A_124 = arith.constant 128 : i32
    %mul3A_125 = vector.broadcast %mul3A_124 : i32 to vector<16xi32>
    %mul3A_126 = arith.muli %and3A_123, %mul3A_125 : vector<16xi32>
    %add3A_127 = arith.addi %mul3A_126, %iota3A : vector<16xi32>
    %add3A_128 = arith.constant 3 : i32
    %add3A_129 = vector.broadcast %add3A_128 : i32 to vector<16xi32>
    %add3A_130 = arith.addi %iota3A, %add3A_129 : vector<16xi32>
    %and3A_131 = arith.constant 15 : i32
    %and3A_132 = vector.broadcast %and3A_131 : i32 to vector<16xi32>
    %and3A_133 = arith.andi %add3A_130, %and3A_132 : vector<16xi32>
    %mul3A_134 = arith.constant 128 : i32
    %mul3A_135 = vector.broadcast %mul3A_134 : i32 to vector<16xi32>
    %mul3A_136 = arith.muli %and3A_133, %mul3A_135 : vector<16xi32>
    %add3A_137 = arith.addi %mul3A_136, %iota3A : vector<16xi32>
    %add3A_138 = arith.constant 4 : i32
    %add3A_139 = vector.broadcast %add3A_138 : i32 to vector<16xi32>
    %add3A_140 = arith.addi %iota3A, %add3A_139 : vector<16xi32>
    %and3A_141 = arith.constant 15 : i32
    %and3A_142 = vector.broadcast %and3A_141 : i32 to vector<16xi32>
    %and3A_143 = arith.andi %add3A_140, %and3A_142 : vector<16xi32>
    %mul3A_144 = arith.constant 128 : i32
    %mul3A_145 = vector.broadcast %mul3A_144 : i32 to vector<16xi32>
    %mul3A_146 = arith.muli %and3A_143, %mul3A_145 : vector<16xi32>
    %add3A_147 = arith.addi %mul3A_146, %iota3A : vector<16xi32>
    %add3A_148 = arith.constant 5 : i32
    %add3A_149 = vector.broadcast %add3A_148 : i32 to vector<16xi32>
    %add3A_150 = arith.addi %iota3A, %add3A_149 : vector<16xi32>
    %and3A_151 = arith.constant 15 : i32
    %and3A_152 = vector.broadcast %and3A_151 : i32 to vector<16xi32>
    %and3A_153 = arith.andi %add3A_150, %and3A_152 : vector<16xi32>
    %mul3A_154 = arith.constant 128 : i32
    %mul3A_155 = vector.broadcast %mul3A_154 : i32 to vector<16xi32>
    %mul3A_156 = arith.muli %and3A_153, %mul3A_155 : vector<16xi32>
    %add3A_157 = arith.addi %mul3A_156, %iota3A : vector<16xi32>
    %add3A_158 = arith.constant 6 : i32
    %add3A_159 = vector.broadcast %add3A_158 : i32 to vector<16xi32>
    %add3A_160 = arith.addi %iota3A, %add3A_159 : vector<16xi32>
    %and3A_161 = arith.constant 15 : i32
    %and3A_162 = vector.broadcast %and3A_161 : i32 to vector<16xi32>
    %and3A_163 = arith.andi %add3A_160, %and3A_162 : vector<16xi32>
    %mul3A_164 = arith.constant 128 : i32
    %mul3A_165 = vector.broadcast %mul3A_164 : i32 to vector<16xi32>
    %mul3A_166 = arith.muli %and3A_163, %mul3A_165 : vector<16xi32>
    %add3A_167 = arith.addi %mul3A_166, %iota3A : vector<16xi32>
    %add3A_168 = arith.constant 7 : i32
    %add3A_169 = vector.broadcast %add3A_168 : i32 to vector<16xi32>
    %add3A_170 = arith.addi %iota3A, %add3A_169 : vector<16xi32>
    %and3A_171 = arith.constant 15 : i32
    %and3A_172 = vector.broadcast %and3A_171 : i32 to vector<16xi32>
    %and3A_173 = arith.andi %add3A_170, %and3A_172 : vector<16xi32>
    %mul3A_174 = arith.constant 128 : i32
    %mul3A_175 = vector.broadcast %mul3A_174 : i32 to vector<16xi32>
    %mul3A_176 = arith.muli %and3A_173, %mul3A_175 : vector<16xi32>
    %add3A_177 = arith.addi %mul3A_176, %iota3A : vector<16xi32>
    %add3A_178 = arith.constant 8 : i32
    %add3A_179 = vector.broadcast %add3A_178 : i32 to vector<16xi32>
    %add3A_180 = arith.addi %iota3A, %add3A_179 : vector<16xi32>
    %and3A_181 = arith.constant 15 : i32
    %and3A_182 = vector.broadcast %and3A_181 : i32 to vector<16xi32>
    %and3A_183 = arith.andi %add3A_180, %and3A_182 : vector<16xi32>
    %mul3A_184 = arith.constant 128 : i32
    %mul3A_185 = vector.broadcast %mul3A_184 : i32 to vector<16xi32>
    %mul3A_186 = arith.muli %and3A_183, %mul3A_185 : vector<16xi32>
    %add3A_187 = arith.addi %mul3A_186, %iota3A : vector<16xi32>
    %add3A_188 = arith.constant 9 : i32
    %add3A_189 = vector.broadcast %add3A_188 : i32 to vector<16xi32>
    %add3A_190 = arith.addi %iota3A, %add3A_189 : vector<16xi32>
    %and3A_191 = arith.constant 15 : i32
    %and3A_192 = vector.broadcast %and3A_191 : i32 to vector<16xi32>
    %and3A_193 = arith.andi %add3A_190, %and3A_192 : vector<16xi32>
    %mul3A_194 = arith.constant 128 : i32
    %mul3A_195 = vector.broadcast %mul3A_194 : i32 to vector<16xi32>
    %mul3A_196 = arith.muli %and3A_193, %mul3A_195 : vector<16xi32>
    %add3A_197 = arith.addi %mul3A_196, %iota3A : vector<16xi32>
    %add3A_198 = arith.constant 10 : i32
    %add3A_199 = vector.broadcast %add3A_198 : i32 to vector<16xi32>
    %add3A_200 = arith.addi %iota3A, %add3A_199 : vector<16xi32>
    %and3A_201 = arith.constant 15 : i32
    %and3A_202 = vector.broadcast %and3A_201 : i32 to vector<16xi32>
    %and3A_203 = arith.andi %add3A_200, %and3A_202 : vector<16xi32>
    %mul3A_204 = arith.constant 128 : i32
    %mul3A_205 = vector.broadcast %mul3A_204 : i32 to vector<16xi32>
    %mul3A_206 = arith.muli %and3A_203, %mul3A_205 : vector<16xi32>
    %add3A_207 = arith.addi %mul3A_206, %iota3A : vector<16xi32>
    %add3A_208 = arith.constant 11 : i32
    %add3A_209 = vector.broadcast %add3A_208 : i32 to vector<16xi32>
    %add3A_210 = arith.addi %iota3A, %add3A_209 : vector<16xi32>
    %and3A_211 = arith.constant 15 : i32
    %and3A_212 = vector.broadcast %and3A_211 : i32 to vector<16xi32>
    %and3A_213 = arith.andi %add3A_210, %and3A_212 : vector<16xi32>
    %mul3A_214 = arith.constant 128 : i32
    %mul3A_215 = vector.broadcast %mul3A_214 : i32 to vector<16xi32>
    %mul3A_216 = arith.muli %and3A_213, %mul3A_215 : vector<16xi32>
    %add3A_217 = arith.addi %mul3A_216, %iota3A : vector<16xi32>
    %add3A_218 = arith.constant 12 : i32
    %add3A_219 = vector.broadcast %add3A_218 : i32 to vector<16xi32>
    %add3A_220 = arith.addi %iota3A, %add3A_219 : vector<16xi32>
    %and3A_221 = arith.constant 15 : i32
    %and3A_222 = vector.broadcast %and3A_221 : i32 to vector<16xi32>
    %and3A_223 = arith.andi %add3A_220, %and3A_222 : vector<16xi32>
    %mul3A_224 = arith.constant 128 : i32
    %mul3A_225 = vector.broadcast %mul3A_224 : i32 to vector<16xi32>
    %mul3A_226 = arith.muli %and3A_223, %mul3A_225 : vector<16xi32>
    %add3A_227 = arith.addi %mul3A_226, %iota3A : vector<16xi32>
    %add3A_228 = arith.constant 13 : i32
    %add3A_229 = vector.broadcast %add3A_228 : i32 to vector<16xi32>
    %add3A_230 = arith.addi %iota3A, %add3A_229 : vector<16xi32>
    %and3A_231 = arith.constant 15 : i32
    %and3A_232 = vector.broadcast %and3A_231 : i32 to vector<16xi32>
    %and3A_233 = arith.andi %add3A_230, %and3A_232 : vector<16xi32>
    %mul3A_234 = arith.constant 128 : i32
    %mul3A_235 = vector.broadcast %mul3A_234 : i32 to vector<16xi32>
    %mul3A_236 = arith.muli %and3A_233, %mul3A_235 : vector<16xi32>
    %add3A_237 = arith.addi %mul3A_236, %iota3A : vector<16xi32>
    %add3A_238 = arith.constant 14 : i32
    %add3A_239 = vector.broadcast %add3A_238 : i32 to vector<16xi32>
    %add3A_240 = arith.addi %iota3A, %add3A_239 : vector<16xi32>
    %and3A_241 = arith.constant 15 : i32
    %and3A_242 = vector.broadcast %and3A_241 : i32 to vector<16xi32>
    %and3A_243 = arith.andi %add3A_240, %and3A_242 : vector<16xi32>
    %mul3A_244 = arith.constant 128 : i32
    %mul3A_245 = vector.broadcast %mul3A_244 : i32 to vector<16xi32>
    %mul3A_246 = arith.muli %and3A_243, %mul3A_245 : vector<16xi32>
    %add3A_247 = arith.addi %mul3A_246, %iota3A : vector<16xi32>
    %add3A_248 = arith.constant 15 : i32
    %add3A_249 = vector.broadcast %add3A_248 : i32 to vector<16xi32>
    %add3A_250 = arith.addi %iota3A, %add3A_249 : vector<16xi32>
    %and3A_251 = arith.constant 15 : i32
    %and3A_252 = vector.broadcast %and3A_251 : i32 to vector<16xi32>
    %and3A_253 = arith.andi %add3A_250, %and3A_252 : vector<16xi32>
    %mul3A_254 = arith.constant 128 : i32
    %mul3A_255 = vector.broadcast %mul3A_254 : i32 to vector<16xi32>
    %mul3A_256 = arith.muli %and3A_253, %mul3A_255 : vector<16xi32>
    %add3A_257 = arith.addi %mul3A_256, %iota3A : vector<16xi32>
    %scan3A = arith.constant 0 : i32
    %scan3A_258 = arith.constant 0 : i32
    %scan3A_259 = arith.constant 404 : i32
    %scan3A_260 = arith.addi %scan3A_258, %scan3A_259 : i32
    %scan3A_261 = arith.constant 1 : i32
    scf.for %scan3A_870 = %scan3A_258 to %scan3A_260 step %scan3A_261  : i32 {
      %rem3A = arith.constant 8 : i32
      %rem3A_871 = arith.remsi %scan3A_870, %rem3A : i32
      %div3A = arith.constant 8 : i32
      %div3A_872 = arith.divsi %scan3A_870, %div3A : i32
      %lt3A = arith.constant 400 : i32
      %lt3A_873 = arith.cmpi slt, %scan3A_870, %lt3A : i32
      %eq3A = arith.constant 0 : i32
      %eq3A_874 = arith.cmpi eq, %rem3A_871, %eq3A : i32
      %and3A_875 = arith.andi %lt3A_873, %eq3A_874 : i1
      %convert_element_type3A = arith.extui %and3A_875 : i1 to i32
      %cond3A = arith.constant 0 : i32
      %cond3A_876 = arith.cmpi ne, %convert_element_type3A, %cond3A : i32
      scf.if %cond3A_876 {
        %mul3A_886 = arith.constant 50 : i32
        %mul3A_887 = vector.broadcast %mul3A_886 : i32 to vector<16xi32>
        %mul3A_888 = arith.muli %iota3A, %mul3A_887 : vector<16xi32>
        %add3A_889 = arith.constant 0 : i32
        %add3A_890 = arith.addi %add3A_889, %div3A_872 : i32
        %add3A_891 = vector.broadcast %add3A_890 : i32 to vector<16xi32>
        %add3A_892 = arith.addi %mul3A_888, %add3A_891 : vector<16xi32>
        %gather3A = tpu.vector_load_idx %arg5[%add3A_892] : memref<6400xi32, #tpu.memory_space<vmem>>[vector<16xi32>], vector<16xi32>,
        %swap3A = arith.constant 0 : index
        %swap3A_893 = tpu.vector_load %arg6[%swap3A] {strides = array<i32>} : memref<128xi32, #tpu.memory_space<vmem>>, vector<16xi32>,
        tpu.vector_store %arg6[%swap3A], %gather3A {strides = array<i32>} : memref<128xi32, #tpu.memory_space<vmem>>, vector<16xi32>,
        %mul3A_894 = arith.constant 50 : i32
        %mul3A_895 = vector.broadcast %mul3A_894 : i32 to vector<16xi32>
        %mul3A_896 = arith.muli %iota3A, %mul3A_895 : vector<16xi32>
        %add3A_897 = arith.constant 800 : i32
        %add3A_898 = arith.addi %add3A_897, %div3A_872 : i32
        %add3A_899 = vector.broadcast %add3A_898 : i32 to vector<16xi32>
        %add3A_900 = arith.addi %mul3A_896, %add3A_899 : vector<16xi32>
        %gather3A_901 = tpu.vector_load_idx %arg5[%add3A_900] : memref<6400xi32, #tpu.memory_space<vmem>>[vector<16xi32>], vector<16xi32>,
        %swap3A_902 = arith.constant 16 : index
        %swap3A_903 = tpu.vector_load %arg6[%swap3A_902] {strides = array<i32>} : memref<128xi32, #tpu.memory_space<vmem>>, vector<16xi32>,
        tpu.vector_store %arg6[%swap3A_902], %gather3A_901 {strides = array<i32>} : memref<128xi32, #tpu.memory_space<vmem>>, vector<16xi32>,
        %mul3A_904 = arith.constant 50 : i32
        %mul3A_905 = vector.broadcast %mul3A_904 : i32 to vector<16xi32>
        %mul3A_906 = arith.muli %iota3A, %mul3A_905 : vector<16xi32>
        %add3A_907 = arith.constant 1600 : i32
        %add3A_908 = arith.addi %add3A_907, %div3A_872 : i32
        %add3A_909 = vector.broadcast %add3A_908 : i32 to vector<16xi32>
        %add3A_910 = arith.addi %mul3A_906, %add3A_909 : vector<16xi32>
        %gather3A_911 = tpu.vector_load_idx %arg5[%add3A_910] : memref<6400xi32, #tpu.memory_space<vmem>>[vector<16xi32>], vector<16xi32>,
        %swap3A_912 = arith.constant 32 : index
        %swap3A_913 = tpu.vector_load %arg6[%swap3A_912] {strides = array<i32>} : memref<128xi32, #tpu.memory_space<vmem>>, vector<16xi32>,
        tpu.vector_store %arg6[%swap3A_912], %gather3A_911 {strides = array<i32>} : memref<128xi32, #tpu.memory_space<vmem>>, vector<16xi32>,
        %mul3A_914 = arith.constant 50 : i32
        %mul3A_915 = vector.broadcast %mul3A_914 : i32 to vector<16xi32>
        %mul3A_916 = arith.muli %iota3A, %mul3A_915 : vector<16xi32>
        %add3A_917 = arith.constant 2400 : i32
        %add3A_918 = arith.addi %add3A_917, %div3A_872 : i32
        %add3A_919 = vector.broadcast %add3A_918 : i32 to vector<16xi32>
        %add3A_920 = arith.addi %mul3A_916, %add3A_919 : vector<16xi32>
        %gather3A_921 = tpu.vector_load_idx %arg5[%add3A_920] : memref<6400xi32, #tpu.memory_space<vmem>>[vector<16xi32>], vector<16xi32>,
        %swap3A_922 = arith.constant 48 : index
        %swap3A_923 = tpu.vector_load %arg6[%swap3A_922] {strides = array<i32>} : memref<128xi32, #tpu.memory_space<vmem>>, vector<16xi32>,
        tpu.vector_store %arg6[%swap3A_922], %gather3A_921 {strides = array<i32>} : memref<128xi32, #tpu.memory_space<vmem>>, vector<16xi32>,
        %mul3A_924 = arith.constant 50 : i32
        %mul3A_925 = vector.broadcast %mul3A_924 : i32 to vector<16xi32>
        %mul3A_926 = arith.muli %iota3A, %mul3A_925 : vector<16xi32>
        %add3A_927 = arith.constant 3200 : i32
        %add3A_928 = arith.addi %add3A_927, %div3A_872 : i32
        %add3A_929 = vector.broadcast %add3A_928 : i32 to vector<16xi32>
        %add3A_930 = arith.addi %mul3A_926, %add3A_929 : vector<16xi32>
        %gather3A_931 = tpu.vector_load_idx %arg5[%add3A_930] : memref<6400xi32, #tpu.memory_space<vmem>>[vector<16xi32>], vector<16xi32>,
        %swap3A_932 = arith.constant 64 : index
        %swap3A_933 = tpu.vector_load %arg6[%swap3A_932] {strides = array<i32>} : memref<128xi32, #tpu.memory_space<vmem>>, vector<16xi32>,
        tpu.vector_store %arg6[%swap3A_932], %gather3A_931 {strides = array<i32>} : memref<128xi32, #tpu.memory_space<vmem>>, vector<16xi32>,
        %mul3A_934 = arith.constant 50 : i32
        %mul3A_935 = vector.broadcast %mul3A_934 : i32 to vector<16xi32>
        %mul3A_936 = arith.muli %iota3A, %mul3A_935 : vector<16xi32>
        %add3A_937 = arith.constant 4000 : i32
        %add3A_938 = arith.addi %add3A_937, %div3A_872 : i32
        %add3A_939 = vector.broadcast %add3A_938 : i32 to vector<16xi32>
        %add3A_940 = arith.addi %mul3A_936, %add3A_939 : vector<16xi32>
        %gather3A_941 = tpu.vector_load_idx %arg5[%add3A_940] : memref<6400xi32, #tpu.memory_space<vmem>>[vector<16xi32>], vector<16xi32>,
        %swap3A_942 = arith.constant 80 : index
        %swap3A_943 = tpu.vector_load %arg6[%swap3A_942] {strides = array<i32>} : memref<128xi32, #tpu.memory_space<vmem>>, vector<16xi32>,
        tpu.vector_store %arg6[%swap3A_942], %gather3A_941 {strides = array<i32>} : memref<128xi32, #tpu.memory_space<vmem>>, vector<16xi32>,
        %mul3A_944 = arith.constant 50 : i32
        %mul3A_945 = vector.broadcast %mul3A_944 : i32 to vector<16xi32>
        %mul3A_946 = arith.muli %iota3A, %mul3A_945 : vector<16xi32>
        %add3A_947 = arith.constant 4800 : i32
        %add3A_948 = arith.addi %add3A_947, %div3A_872 : i32
        %add3A_949 = vector.broadcast %add3A_948 : i32 to vector<16xi32>
        %add3A_950 = arith.addi %mul3A_946, %add3A_949 : vector<16xi32>
        %gather3A_951 = tpu.vector_load_idx %arg5[%add3A_950] : memref<6400xi32, #tpu.memory_space<vmem>>[vector<16xi32>], vector<16xi32>,
        %swap3A_952 = arith.constant 96 : index
        %swap3A_953 = tpu.vector_load %arg6[%swap3A_952] {strides = array<i32>} : memref<128xi32, #tpu.memory_space<vmem>>, vector<16xi32>,
        tpu.vector_store %arg6[%swap3A_952], %gather3A_951 {strides = array<i32>} : memref<128xi32, #tpu.memory_space<vmem>>, vector<16xi32>,
        %mul3A_954 = arith.constant 50 : i32
        %mul3A_955 = vector.broadcast %mul3A_954 : i32 to vector<16xi32>
        %mul3A_956 = arith.muli %iota3A, %mul3A_955 : vector<16xi32>
        %add3A_957 = arith.constant 5600 : i32
        %add3A_958 = arith.addi %add3A_957, %div3A_872 : i32
        %add3A_959 = vector.broadcast %add3A_958 : i32 to vector<16xi32>
        %add3A_960 = arith.addi %mul3A_956, %add3A_959 : vector<16xi32>
        %gather3A_961 = tpu.vector_load_idx %arg5[%add3A_960] : memref<6400xi32, #tpu.memory_space<vmem>>[vector<16xi32>], vector<16xi32>,
        %swap3A_962 = arith.constant 112 : index
        %swap3A_963 = tpu.vector_load %arg6[%swap3A_962] {strides = array<i32>} : memref<128xi32, #tpu.memory_space<vmem>>, vector<16xi32>,
        tpu.vector_store %arg6[%swap3A_962], %gather3A_961 {strides = array<i32>} : memref<128xi32, #tpu.memory_space<vmem>>, vector<16xi32>,
      } else {
      }
      %lt3A_877 = arith.constant 400 : i32
      %lt3A_878 = arith.cmpi slt, %scan3A_870, %lt3A_877 : i32
      %convert_element_type3A_879 = arith.extui %lt3A_878 : i1 to i32
      %cond3A_880 = arith.constant 0 : i32
      %cond3A_881 = arith.cmpi ne, %convert_element_type3A_879, %cond3A_880 : i32
      scf.if %cond3A_881 {
        %mul3A_886 = arith.constant 100000 : i32
        %mul3A_887 = arith.muli %rem3A_871, %mul3A_886 : i32
        %get3A = arith.constant 0 : index
        %get3A_888 = tpu.vector_load %arg6[%get3A] {strides = array<i32>} : memref<128xi32, #tpu.memory_space<vmem>>, vector<16xi32>,
        %add3A_889 = vector.broadcast %mul3A_887 : i32 to vector<16xi32>
        %add3A_890 = arith.addi %get3A_888, %add3A_889 : vector<16xi32>
        %swap3A = arith.index_cast %rem3A_871 : i32 to index
        %swap3A_891 = arith.constant 0 : index
        %swap3A_892 = tpu.vector_load %arg7[%swap3A, %swap3A_891] {strides = array<i32>} : memref<8x128xi32, #tpu.memory_space<vmem>>, vector<16xi32>,
        tpu.vector_store %arg7[%swap3A, %swap3A_891], %add3A_890 {strides = array<i32>} : memref<8x128xi32, #tpu.memory_space<vmem>>, vector<16xi32>,
        %get3A_893 = arith.constant 16 : index
        %get3A_894 = tpu.vector_load %arg6[%get3A_893] {strides = array<i32>} : memref<128xi32, #tpu.memory_space<vmem>>, vector<16xi32>,
        %add3A_895 = vector.broadcast %mul3A_887 : i32 to vector<16xi32>
        %add3A_896 = arith.addi %get3A_894, %add3A_895 : vector<16xi32>
        %swap3A_897 = arith.index_cast %rem3A_871 : i32 to index
        %swap3A_898 = arith.constant 16 : index
        %swap3A_899 = tpu.vector_load %arg7[%swap3A_897, %swap3A_898] {strides = array<i32>} : memref<8x128xi32, #tpu.memory_space<vmem>>, vector<16xi32>,
        tpu.vector_store %arg7[%swap3A_897, %swap3A_898], %add3A_896 {strides = array<i32>} : memref<8x128xi32, #tpu.memory_space<vmem>>, vector<16xi32>,
        %get3A_900 = arith.constant 32 : index
        %get3A_901 = tpu.vector_load %arg6[%get3A_900] {strides = array<i32>} : memref<128xi32, #tpu.memory_space<vmem>>, vector<16xi32>,
        %add3A_902 = vector.broadcast %mul3A_887 : i32 to vector<16xi32>
        %add3A_903 = arith.addi %get3A_901, %add3A_902 : vector<16xi32>
        %swap3A_904 = arith.index_cast %rem3A_871 : i32 to index
        %swap3A_905 = arith.constant 32 : index
        %swap3A_906 = tpu.vector_load %arg7[%swap3A_904, %swap3A_905] {strides = array<i32>} : memref<8x128xi32, #tpu.memory_space<vmem>>, vector<16xi32>,
        tpu.vector_store %arg7[%swap3A_904, %swap3A_905], %add3A_903 {strides = array<i32>} : memref<8x128xi32, #tpu.memory_space<vmem>>, vector<16xi32>,
        %get3A_907 = arith.constant 48 : index
        %get3A_908 = tpu.vector_load %arg6[%get3A_907] {strides = array<i32>} : memref<128xi32, #tpu.memory_space<vmem>>, vector<16xi32>,
        %add3A_909 = vector.broadcast %mul3A_887 : i32 to vector<16xi32>
        %add3A_910 = arith.addi %get3A_908, %add3A_909 : vector<16xi32>
        %swap3A_911 = arith.index_cast %rem3A_871 : i32 to index
        %swap3A_912 = arith.constant 48 : index
        %swap3A_913 = tpu.vector_load %arg7[%swap3A_911, %swap3A_912] {strides = array<i32>} : memref<8x128xi32, #tpu.memory_space<vmem>>, vector<16xi32>,
        tpu.vector_store %arg7[%swap3A_911, %swap3A_912], %add3A_910 {strides = array<i32>} : memref<8x128xi32, #tpu.memory_space<vmem>>, vector<16xi32>,
        %get3A_914 = arith.constant 64 : index
        %get3A_915 = tpu.vector_load %arg6[%get3A_914] {strides = array<i32>} : memref<128xi32, #tpu.memory_space<vmem>>, vector<16xi32>,
        %add3A_916 = vector.broadcast %mul3A_887 : i32 to vector<16xi32>
        %add3A_917 = arith.addi %get3A_915, %add3A_916 : vector<16xi32>
        %swap3A_918 = arith.index_cast %rem3A_871 : i32 to index
        %swap3A_919 = arith.constant 64 : index
        %swap3A_920 = tpu.vector_load %arg7[%swap3A_918, %swap3A_919] {strides = array<i32>} : memref<8x128xi32, #tpu.memory_space<vmem>>, vector<16xi32>,
        tpu.vector_store %arg7[%swap3A_918, %swap3A_919], %add3A_917 {strides = array<i32>} : memref<8x128xi32, #tpu.memory_space<vmem>>, vector<16xi32>,
        %get3A_921 = arith.constant 80 : index
        %get3A_922 = tpu.vector_load %arg6[%get3A_921] {strides = array<i32>} : memref<128xi32, #tpu.memory_space<vmem>>, vector<16xi32>,
        %add3A_923 = vector.broadcast %mul3A_887 : i32 to vector<16xi32>
        %add3A_924 = arith.addi %get3A_922, %add3A_923 : vector<16xi32>
        %swap3A_925 = arith.index_cast %rem3A_871 : i32 to index
        %swap3A_926 = arith.constant 80 : index
        %swap3A_927 = tpu.vector_load %arg7[%swap3A_925, %swap3A_926] {strides = array<i32>} : memref<8x128xi32, #tpu.memory_space<vmem>>, vector<16xi32>,
        tpu.vector_store %arg7[%swap3A_925, %swap3A_926], %add3A_924 {strides = array<i32>} : memref<8x128xi32, #tpu.memory_space<vmem>>, vector<16xi32>,
        %get3A_928 = arith.constant 96 : index
        %get3A_929 = tpu.vector_load %arg6[%get3A_928] {strides = array<i32>} : memref<128xi32, #tpu.memory_space<vmem>>, vector<16xi32>,
        %add3A_930 = vector.broadcast %mul3A_887 : i32 to vector<16xi32>
        %add3A_931 = arith.addi %get3A_929, %add3A_930 : vector<16xi32>
        %swap3A_932 = arith.index_cast %rem3A_871 : i32 to index
        %swap3A_933 = arith.constant 96 : index
        %swap3A_934 = tpu.vector_load %arg7[%swap3A_932, %swap3A_933] {strides = array<i32>} : memref<8x128xi32, #tpu.memory_space<vmem>>, vector<16xi32>,
        tpu.vector_store %arg7[%swap3A_932, %swap3A_933], %add3A_931 {strides = array<i32>} : memref<8x128xi32, #tpu.memory_space<vmem>>, vector<16xi32>,
        %get3A_935 = arith.constant 112 : index
        %get3A_936 = tpu.vector_load %arg6[%get3A_935] {strides = array<i32>} : memref<128xi32, #tpu.memory_space<vmem>>, vector<16xi32>,
        %add3A_937 = vector.broadcast %mul3A_887 : i32 to vector<16xi32>
        %add3A_938 = arith.addi %get3A_936, %add3A_937 : vector<16xi32>
        %swap3A_939 = arith.index_cast %rem3A_871 : i32 to index
        %swap3A_940 = arith.constant 112 : index
        %swap3A_941 = tpu.vector_load %arg7[%swap3A_939, %swap3A_940] {strides = array<i32>} : memref<8x128xi32, #tpu.memory_space<vmem>>, vector<16xi32>,
        tpu.vector_store %arg7[%swap3A_939, %swap3A_940], %add3A_938 {strides = array<i32>} : memref<8x128xi32, #tpu.memory_space<vmem>>, vector<16xi32>,
        %dma_start3A = arith.constant 0 : i32
        %dma_start3A_942 = arith.constant 0 : i32
        %dma_start3A_943 = tpu.memref_slice %arg8[%rem3A_871, %dma_start3A, %dma_start3A_942] : memref<8x128x64xf32, #tpu.memory_space<vmem>> -> memref<1x128x64xf32, #tpu.memory_space<vmem>>
        %dma_start3A_944 = tpu.memref_squeeze %dma_start3A_943 : memref<1x128x64xf32, #tpu.memory_space<vmem>> -> memref<128x64xf32, #tpu.memory_space<vmem>>
        %dma_start3A_945 = arith.constant 0 : i32
        %dma_start3A_946 = tpu.memref_slice %arg7[%rem3A_871, %dma_start3A_945] : memref<8x128xi32, #tpu.memory_space<vmem>> -> memref<1x128xi32, #tpu.memory_space<vmem>>
        %dma_start3A_947 = tpu.memref_squeeze %dma_start3A_946 : memref<1x128xi32, #tpu.memory_space<vmem>> -> memref<128xi32, #tpu.memory_space<vmem>>
        %dma_start3A_948 = arith.constant 0 : i32
        %dma_start3A_949 = arith.constant 0 : i32
        %dma_start3A_950 = tpu.memref_slice %arg3[%dma_start3A_948, %dma_start3A_949] : memref<800000x64xf32, #tpu.memory_space<hbm>> -> memref<800000x64xf32, #tpu.memory_space<hbm>>
        %dma_start3A_951 = tpu.memref_slice %arg10[%rem3A_871] : memref<8x!tpu.dma_semaphore, #tpu.memory_space<semaphore_mem>> -> memref<1x!tpu.dma_semaphore, #tpu.memory_space<semaphore_mem>>
        %dma_start3A_952 = tpu.memref_squeeze %dma_start3A_951 : memref<1x!tpu.dma_semaphore, #tpu.memory_space<semaphore_mem>> -> memref<!tpu.dma_semaphore, #tpu.memory_space<semaphore_mem>>
        tpu.enqueue_indirect_dma source(%dma_start3A_950 : memref<800000x64xf32, #tpu.memory_space<hbm>>) target(%dma_start3A_944 : memref<128x64xf32, #tpu.memory_space<vmem>>) offsets(%dma_start3A_947 : memref<128xi32, #tpu.memory_space<vmem>>) semaphore(%dma_start3A_952 : memref<!tpu.dma_semaphore, #tpu.memory_space<semaphore_mem>>)
      } else {
      }
      %ge3A = arith.constant 4 : i32
      %ge3A_882 = arith.cmpi sge, %scan3A_870, %ge3A : i32
      %convert_element_type3A_883 = arith.extui %ge3A_882 : i1 to i32
      %cond3A_884 = arith.constant 0 : i32
      %cond3A_885 = arith.cmpi ne, %convert_element_type3A_883, %cond3A_884 : i32
      scf.if %cond3A_885 {
        %sub3A = arith.constant 4 : i32
        %sub3A_886 = arith.subi %scan3A_870, %sub3A : i32
        %rem3A_887 = arith.constant 8 : i32
        %rem3A_888 = arith.remsi %sub3A_886, %rem3A_887 : i32
        %div3A_889 = arith.constant 8 : i32
        %div3A_890 = arith.divsi %sub3A_886, %div3A_889 : i32
        %rem3A_891 = arith.constant 4 : i32
        %rem3A_892 = arith.remsi %sub3A_886, %rem3A_891 : i32
        %ge3A_893 = arith.constant 8 : i32
        %ge3A_894 = arith.cmpi sge, %scan3A_870, %ge3A_893 : i32
        %convert_element_type3A_895 = arith.extui %ge3A_894 : i1 to i32
        %cond3A_896 = arith.constant 0 : i32
        %cond3A_897 = arith.cmpi ne, %convert_element_type3A_895, %cond3A_896 : i32
        scf.if %cond3A_897 {
          %dma_wait3A_1035 = arith.constant 0 : i32
          %dma_wait3A_1036 = arith.constant 0 : i32
          %dma_wait3A_1037 = arith.constant 0 : i32
          %dma_wait3A_1038 = arith.constant 0 : i32
          %dma_wait3A_1039 = tpu.memref_slice %arg9[%rem3A_892, %dma_wait3A_1038] : memref<4x8192xf32, #tpu.memory_space<vmem>> -> memref<1x1024xf32, #tpu.memory_space<vmem>>
          %dma_wait3A_1040 = tpu.memref_squeeze %dma_wait3A_1039 : memref<1x1024xf32, #tpu.memory_space<vmem>> -> memref<1024xf32, #tpu.memory_space<vmem>>
          %dma_wait3A_1041 = arith.constant 0 : i32
          %dma_wait3A_1042 = tpu.memref_slice %arg4[%dma_wait3A_1035, %dma_wait3A_1036, %dma_wait3A_1037, %add3A, %dma_wait3A_1041] : memref<8x50x8x32x1024xf32, #tpu.memory_space<hbm>> -> memref<1x1x1x1x1024xf32, #tpu.memory_space<hbm>>
          %dma_wait3A_1043 = tpu.memref_squeeze %dma_wait3A_1042 : memref<1x1x1x1x1024xf32, #tpu.memory_space<hbm>> -> memref<1024xf32, #tpu.memory_space<hbm>>
          %dma_wait3A_1044 = tpu.memref_slice %arg11[%rem3A_892] : memref<4x!tpu.dma_semaphore, #tpu.memory_space<semaphore_mem>> -> memref<1x!tpu.dma_semaphore, #tpu.memory_space<semaphore_mem>>
          %dma_wait3A_1045 = tpu.memref_squeeze %dma_wait3A_1044 : memref<1x!tpu.dma_semaphore, #tpu.memory_space<semaphore_mem>> -> memref<!tpu.dma_semaphore, #tpu.memory_space<semaphore_mem>>
          %dma_wait3A_1046 = arith.constant 0 : i32
          %dma_wait3A_1047 = tpu.memref_slice %arg9[%rem3A_892, %dma_wait3A_1046] : memref<4x8192xf32, #tpu.memory_space<vmem>> -> memref<1x1024xf32, #tpu.memory_space<vmem>>
          %dma_wait3A_1048 = tpu.memref_squeeze %dma_wait3A_1047 : memref<1x1024xf32, #tpu.memory_space<vmem>> -> memref<1024xf32, #tpu.memory_space<vmem>>
          %dma_wait3A_1049 = arith.constant 0 : i32
          %dma_wait3A_1050 = tpu.memref_slice %arg4[%dma_wait3A_1035, %dma_wait3A_1036, %dma_wait3A_1037, %add3A, %dma_wait3A_1049] : memref<8x50x8x32x1024xf32, #tpu.memory_space<hbm>> -> memref<1x1x1x1x1024xf32, #tpu.memory_space<hbm>>
          %dma_wait3A_1051 = tpu.memref_squeeze %dma_wait3A_1050 : memref<1x1x1x1x1024xf32, #tpu.memory_space<hbm>> -> memref<1024xf32, #tpu.memory_space<hbm>>
          tpu.wait_dma2 semaphore(%dma_wait3A_1045 : memref<!tpu.dma_semaphore, #tpu.memory_space<semaphore_mem>>) src(%dma_wait3A_1051 : memref<1024xf32, #tpu.memory_space<hbm>>) dst(%dma_wait3A_1048 : memref<1024xf32, #tpu.memory_space<vmem>>)
          %dma_wait3A_1052 = arith.constant 0 : i32
          %dma_wait3A_1053 = arith.constant 0 : i32
          %dma_wait3A_1054 = arith.constant 1 : i32
          %dma_wait3A_1055 = arith.constant 1024 : i32
          %dma_wait3A_1056 = tpu.memref_slice %arg9[%rem3A_892, %dma_wait3A_1055] : memref<4x8192xf32, #tpu.memory_space<vmem>> -> memref<1x1024xf32, #tpu.memory_space<vmem>>
          %dma_wait3A_1057 = tpu.memref_squeeze %dma_wait3A_1056 : memref<1x1024xf32, #tpu.memory_space<vmem>> -> memref<1024xf32, #tpu.memory_space<vmem>>
          %dma_wait3A_1058 = arith.constant 0 : i32
          %dma_wait3A_1059 = tpu.memref_slice %arg4[%dma_wait3A_1052, %dma_wait3A_1053, %dma_wait3A_1054, %add3A, %dma_wait3A_1058] : memref<8x50x8x32x1024xf32, #tpu.memory_space<hbm>> -> memref<1x1x1x1x1024xf32, #tpu.memory_space<hbm>>
          %dma_wait3A_1060 = tpu.memref_squeeze %dma_wait3A_1059 : memref<1x1x1x1x1024xf32, #tpu.memory_space<hbm>> -> memref<1024xf32, #tpu.memory_space<hbm>>
          %dma_wait3A_1061 = tpu.memref_slice %arg11[%rem3A_892] : memref<4x!tpu.dma_semaphore, #tpu.memory_space<semaphore_mem>> -> memref<1x!tpu.dma_semaphore, #tpu.memory_space<semaphore_mem>>
          %dma_wait3A_1062 = tpu.memref_squeeze %dma_wait3A_1061 : memref<1x!tpu.dma_semaphore, #tpu.memory_space<semaphore_mem>> -> memref<!tpu.dma_semaphore, #tpu.memory_space<semaphore_mem>>
          %dma_wait3A_1063 = arith.constant 1024 : i32
          %dma_wait3A_1064 = tpu.memref_slice %arg9[%rem3A_892, %dma_wait3A_1063] : memref<4x8192xf32, #tpu.memory_space<vmem>> -> memref<1x1024xf32, #tpu.memory_space<vmem>>
          %dma_wait3A_1065 = tpu.memref_squeeze %dma_wait3A_1064 : memref<1x1024xf32, #tpu.memory_space<vmem>> -> memref<1024xf32, #tpu.memory_space<vmem>>
          %dma_wait3A_1066 = arith.constant 0 : i32
          %dma_wait3A_1067 = tpu.memref_slice %arg4[%dma_wait3A_1052, %dma_wait3A_1053, %dma_wait3A_1054, %add3A, %dma_wait3A_1066] : memref<8x50x8x32x1024xf32, #tpu.memory_space<hbm>> -> memref<1x1x1x1x1024xf32, #tpu.memory_space<hbm>>
          %dma_wait3A_1068 = tpu.memref_squeeze %dma_wait3A_1067 : memref<1x1x1x1x1024xf32, #tpu.memory_space<hbm>> -> memref<1024xf32, #tpu.memory_space<hbm>>
          tpu.wait_dma2 semaphore(%dma_wait3A_1062 : memref<!tpu.dma_semaphore, #tpu.memory_space<semaphore_mem>>) src(%dma_wait3A_1068 : memref<1024xf32, #tpu.memory_space<hbm>>) dst(%dma_wait3A_1065 : memref<1024xf32, #tpu.memory_space<vmem>>)
          %dma_wait3A_1069 = arith.constant 0 : i32
          %dma_wait3A_1070 = arith.constant 0 : i32
          %dma_wait3A_1071 = arith.constant 2 : i32
          %dma_wait3A_1072 = arith.constant 2048 : i32
          %dma_wait3A_1073 = tpu.memref_slice %arg9[%rem3A_892, %dma_wait3A_1072] : memref<4x8192xf32, #tpu.memory_space<vmem>> -> memref<1x1024xf32, #tpu.memory_space<vmem>>
          %dma_wait3A_1074 = tpu.memref_squeeze %dma_wait3A_1073 : memref<1x1024xf32, #tpu.memory_space<vmem>> -> memref<1024xf32, #tpu.memory_space<vmem>>
          %dma_wait3A_1075 = arith.constant 0 : i32
          %dma_wait3A_1076 = tpu.memref_slice %arg4[%dma_wait3A_1069, %dma_wait3A_1070, %dma_wait3A_1071, %add3A, %dma_wait3A_1075] : memref<8x50x8x32x1024xf32, #tpu.memory_space<hbm>> -> memref<1x1x1x1x1024xf32, #tpu.memory_space<hbm>>
          %dma_wait3A_1077 = tpu.memref_squeeze %dma_wait3A_1076 : memref<1x1x1x1x1024xf32, #tpu.memory_space<hbm>> -> memref<1024xf32, #tpu.memory_space<hbm>>
          %dma_wait3A_1078 = tpu.memref_slice %arg11[%rem3A_892] : memref<4x!tpu.dma_semaphore, #tpu.memory_space<semaphore_mem>> -> memref<1x!tpu.dma_semaphore, #tpu.memory_space<semaphore_mem>>
          %dma_wait3A_1079 = tpu.memref_squeeze %dma_wait3A_1078 : memref<1x!tpu.dma_semaphore, #tpu.memory_space<semaphore_mem>> -> memref<!tpu.dma_semaphore, #tpu.memory_space<semaphore_mem>>
          %dma_wait3A_1080 = arith.constant 2048 : i32
          %dma_wait3A_1081 = tpu.memref_slice %arg9[%rem3A_892, %dma_wait3A_1080] : memref<4x8192xf32, #tpu.memory_space<vmem>> -> memref<1x1024xf32, #tpu.memory_space<vmem>>
          %dma_wait3A_1082 = tpu.memref_squeeze %dma_wait3A_1081 : memref<1x1024xf32, #tpu.memory_space<vmem>> -> memref<1024xf32, #tpu.memory_space<vmem>>
          %dma_wait3A_1083 = arith.constant 0 : i32
          %dma_wait3A_1084 = tpu.memref_slice %arg4[%dma_wait3A_1069, %dma_wait3A_1070, %dma_wait3A_1071, %add3A, %dma_wait3A_1083] : memref<8x50x8x32x1024xf32, #tpu.memory_space<hbm>> -> memref<1x1x1x1x1024xf32, #tpu.memory_space<hbm>>
          %dma_wait3A_1085 = tpu.memref_squeeze %dma_wait3A_1084 : memref<1x1x1x1x1024xf32, #tpu.memory_space<hbm>> -> memref<1024xf32, #tpu.memory_space<hbm>>
          tpu.wait_dma2 semaphore(%dma_wait3A_1079 : memref<!tpu.dma_semaphore, #tpu.memory_space<semaphore_mem>>) src(%dma_wait3A_1085 : memref<1024xf32, #tpu.memory_space<hbm>>) dst(%dma_wait3A_1082 : memref<1024xf32, #tpu.memory_space<vmem>>)
          %dma_wait3A_1086 = arith.constant 0 : i32
          %dma_wait3A_1087 = arith.constant 0 : i32
          %dma_wait3A_1088 = arith.constant 3 : i32
          %dma_wait3A_1089 = arith.constant 3072 : i32
          %dma_wait3A_1090 = tpu.memref_slice %arg9[%rem3A_892, %dma_wait3A_1089] : memref<4x8192xf32, #tpu.memory_space<vmem>> -> memref<1x1024xf32, #tpu.memory_space<vmem>>
          %dma_wait3A_1091 = tpu.memref_squeeze %dma_wait3A_1090 : memref<1x1024xf32, #tpu.memory_space<vmem>> -> memref<1024xf32, #tpu.memory_space<vmem>>
          %dma_wait3A_1092 = arith.constant 0 : i32
          %dma_wait3A_1093 = tpu.memref_slice %arg4[%dma_wait3A_1086, %dma_wait3A_1087, %dma_wait3A_1088, %add3A, %dma_wait3A_1092] : memref<8x50x8x32x1024xf32, #tpu.memory_space<hbm>> -> memref<1x1x1x1x1024xf32, #tpu.memory_space<hbm>>
          %dma_wait3A_1094 = tpu.memref_squeeze %dma_wait3A_1093 : memref<1x1x1x1x1024xf32, #tpu.memory_space<hbm>> -> memref<1024xf32, #tpu.memory_space<hbm>>
          %dma_wait3A_1095 = tpu.memref_slice %arg11[%rem3A_892] : memref<4x!tpu.dma_semaphore, #tpu.memory_space<semaphore_mem>> -> memref<1x!tpu.dma_semaphore, #tpu.memory_space<semaphore_mem>>
          %dma_wait3A_1096 = tpu.memref_squeeze %dma_wait3A_1095 : memref<1x!tpu.dma_semaphore, #tpu.memory_space<semaphore_mem>> -> memref<!tpu.dma_semaphore, #tpu.memory_space<semaphore_mem>>
          %dma_wait3A_1097 = arith.constant 3072 : i32
          %dma_wait3A_1098 = tpu.memref_slice %arg9[%rem3A_892, %dma_wait3A_1097] : memref<4x8192xf32, #tpu.memory_space<vmem>> -> memref<1x1024xf32, #tpu.memory_space<vmem>>
          %dma_wait3A_1099 = tpu.memref_squeeze %dma_wait3A_1098 : memref<1x1024xf32, #tpu.memory_space<vmem>> -> memref<1024xf32, #tpu.memory_space<vmem>>
          %dma_wait3A_1100 = arith.constant 0 : i32
          %dma_wait3A_1101 = tpu.memref_slice %arg4[%dma_wait3A_1086, %dma_wait3A_1087, %dma_wait3A_1088, %add3A, %dma_wait3A_1100] : memref<8x50x8x32x1024xf32, #tpu.memory_space<hbm>> -> memref<1x1x1x1x1024xf32, #tpu.memory_space<hbm>>
          %dma_wait3A_1102 = tpu.memref_squeeze %dma_wait3A_1101 : memref<1x1x1x1x1024xf32, #tpu.memory_space<hbm>> -> memref<1024xf32, #tpu.memory_space<hbm>>
          tpu.wait_dma2 semaphore(%dma_wait3A_1096 : memref<!tpu.dma_semaphore, #tpu.memory_space<semaphore_mem>>) src(%dma_wait3A_1102 : memref<1024xf32, #tpu.memory_space<hbm>>) dst(%dma_wait3A_1099 : memref<1024xf32, #tpu.memory_space<vmem>>)
          %dma_wait3A_1103 = arith.constant 0 : i32
          %dma_wait3A_1104 = arith.constant 0 : i32
          %dma_wait3A_1105 = arith.constant 4 : i32
          %dma_wait3A_1106 = arith.constant 4096 : i32
          %dma_wait3A_1107 = tpu.memref_slice %arg9[%rem3A_892, %dma_wait3A_1106] : memref<4x8192xf32, #tpu.memory_space<vmem>> -> memref<1x1024xf32, #tpu.memory_space<vmem>>
          %dma_wait3A_1108 = tpu.memref_squeeze %dma_wait3A_1107 : memref<1x1024xf32, #tpu.memory_space<vmem>> -> memref<1024xf32, #tpu.memory_space<vmem>>
          %dma_wait3A_1109 = arith.constant 0 : i32
          %dma_wait3A_1110 = tpu.memref_slice %arg4[%dma_wait3A_1103, %dma_wait3A_1104, %dma_wait3A_1105, %add3A, %dma_wait3A_1109] : memref<8x50x8x32x1024xf32, #tpu.memory_space<hbm>> -> memref<1x1x1x1x1024xf32, #tpu.memory_space<hbm>>
          %dma_wait3A_1111 = tpu.memref_squeeze %dma_wait3A_1110 : memref<1x1x1x1x1024xf32, #tpu.memory_space<hbm>> -> memref<1024xf32, #tpu.memory_space<hbm>>
          %dma_wait3A_1112 = tpu.memref_slice %arg11[%rem3A_892] : memref<4x!tpu.dma_semaphore, #tpu.memory_space<semaphore_mem>> -> memref<1x!tpu.dma_semaphore, #tpu.memory_space<semaphore_mem>>
          %dma_wait3A_1113 = tpu.memref_squeeze %dma_wait3A_1112 : memref<1x!tpu.dma_semaphore, #tpu.memory_space<semaphore_mem>> -> memref<!tpu.dma_semaphore, #tpu.memory_space<semaphore_mem>>
          %dma_wait3A_1114 = arith.constant 4096 : i32
          %dma_wait3A_1115 = tpu.memref_slice %arg9[%rem3A_892, %dma_wait3A_1114] : memref<4x8192xf32, #tpu.memory_space<vmem>> -> memref<1x1024xf32, #tpu.memory_space<vmem>>
          %dma_wait3A_1116 = tpu.memref_squeeze %dma_wait3A_1115 : memref<1x1024xf32, #tpu.memory_space<vmem>> -> memref<1024xf32, #tpu.memory_space<vmem>>
          %dma_wait3A_1117 = arith.constant 0 : i32
          %dma_wait3A_1118 = tpu.memref_slice %arg4[%dma_wait3A_1103, %dma_wait3A_1104, %dma_wait3A_1105, %add3A, %dma_wait3A_1117] : memref<8x50x8x32x1024xf32, #tpu.memory_space<hbm>> -> memref<1x1x1x1x1024xf32, #tpu.memory_space<hbm>>
          %dma_wait3A_1119 = tpu.memref_squeeze %dma_wait3A_1118 : memref<1x1x1x1x1024xf32, #tpu.memory_space<hbm>> -> memref<1024xf32, #tpu.memory_space<hbm>>
          tpu.wait_dma2 semaphore(%dma_wait3A_1113 : memref<!tpu.dma_semaphore, #tpu.memory_space<semaphore_mem>>) src(%dma_wait3A_1119 : memref<1024xf32, #tpu.memory_space<hbm>>) dst(%dma_wait3A_1116 : memref<1024xf32, #tpu.memory_space<vmem>>)
          %dma_wait3A_1120 = arith.constant 0 : i32
          %dma_wait3A_1121 = arith.constant 0 : i32
          %dma_wait3A_1122 = arith.constant 5 : i32
          %dma_wait3A_1123 = arith.constant 5120 : i32
          %dma_wait3A_1124 = tpu.memref_slice %arg9[%rem3A_892, %dma_wait3A_1123] : memref<4x8192xf32, #tpu.memory_space<vmem>> -> memref<1x1024xf32, #tpu.memory_space<vmem>>
          %dma_wait3A_1125 = tpu.memref_squeeze %dma_wait3A_1124 : memref<1x1024xf32, #tpu.memory_space<vmem>> -> memref<1024xf32, #tpu.memory_space<vmem>>
          %dma_wait3A_1126 = arith.constant 0 : i32
          %dma_wait3A_1127 = tpu.memref_slice %arg4[%dma_wait3A_1120, %dma_wait3A_1121, %dma_wait3A_1122, %add3A, %dma_wait3A_1126] : memref<8x50x8x32x1024xf32, #tpu.memory_space<hbm>> -> memref<1x1x1x1x1024xf32, #tpu.memory_space<hbm>>
          %dma_wait3A_1128 = tpu.memref_squeeze %dma_wait3A_1127 : memref<1x1x1x1x1024xf32, #tpu.memory_space<hbm>> -> memref<1024xf32, #tpu.memory_space<hbm>>
          %dma_wait3A_1129 = tpu.memref_slice %arg11[%rem3A_892] : memref<4x!tpu.dma_semaphore, #tpu.memory_space<semaphore_mem>> -> memref<1x!tpu.dma_semaphore, #tpu.memory_space<semaphore_mem>>
          %dma_wait3A_1130 = tpu.memref_squeeze %dma_wait3A_1129 : memref<1x!tpu.dma_semaphore, #tpu.memory_space<semaphore_mem>> -> memref<!tpu.dma_semaphore, #tpu.memory_space<semaphore_mem>>
          %dma_wait3A_1131 = arith.constant 5120 : i32
          %dma_wait3A_1132 = tpu.memref_slice %arg9[%rem3A_892, %dma_wait3A_1131] : memref<4x8192xf32, #tpu.memory_space<vmem>> -> memref<1x1024xf32, #tpu.memory_space<vmem>>
          %dma_wait3A_1133 = tpu.memref_squeeze %dma_wait3A_1132 : memref<1x1024xf32, #tpu.memory_space<vmem>> -> memref<1024xf32, #tpu.memory_space<vmem>>
          %dma_wait3A_1134 = arith.constant 0 : i32
          %dma_wait3A_1135 = tpu.memref_slice %arg4[%dma_wait3A_1120, %dma_wait3A_1121, %dma_wait3A_1122, %add3A, %dma_wait3A_1134] : memref<8x50x8x32x1024xf32, #tpu.memory_space<hbm>> -> memref<1x1x1x1x1024xf32, #tpu.memory_space<hbm>>
          %dma_wait3A_1136 = tpu.memref_squeeze %dma_wait3A_1135 : memref<1x1x1x1x1024xf32, #tpu.memory_space<hbm>> -> memref<1024xf32, #tpu.memory_space<hbm>>
          tpu.wait_dma2 semaphore(%dma_wait3A_1130 : memref<!tpu.dma_semaphore, #tpu.memory_space<semaphore_mem>>) src(%dma_wait3A_1136 : memref<1024xf32, #tpu.memory_space<hbm>>) dst(%dma_wait3A_1133 : memref<1024xf32, #tpu.memory_space<vmem>>)
          %dma_wait3A_1137 = arith.constant 0 : i32
          %dma_wait3A_1138 = arith.constant 0 : i32
          %dma_wait3A_1139 = arith.constant 6 : i32
          %dma_wait3A_1140 = arith.constant 6144 : i32
          %dma_wait3A_1141 = tpu.memref_slice %arg9[%rem3A_892, %dma_wait3A_1140] : memref<4x8192xf32, #tpu.memory_space<vmem>> -> memref<1x1024xf32, #tpu.memory_space<vmem>>
          %dma_wait3A_1142 = tpu.memref_squeeze %dma_wait3A_1141 : memref<1x1024xf32, #tpu.memory_space<vmem>> -> memref<1024xf32, #tpu.memory_space<vmem>>
          %dma_wait3A_1143 = arith.constant 0 : i32
          %dma_wait3A_1144 = tpu.memref_slice %arg4[%dma_wait3A_1137, %dma_wait3A_1138, %dma_wait3A_1139, %add3A, %dma_wait3A_1143] : memref<8x50x8x32x1024xf32, #tpu.memory_space<hbm>> -> memref<1x1x1x1x1024xf32, #tpu.memory_space<hbm>>
          %dma_wait3A_1145 = tpu.memref_squeeze %dma_wait3A_1144 : memref<1x1x1x1x1024xf32, #tpu.memory_space<hbm>> -> memref<1024xf32, #tpu.memory_space<hbm>>
          %dma_wait3A_1146 = tpu.memref_slice %arg11[%rem3A_892] : memref<4x!tpu.dma_semaphore, #tpu.memory_space<semaphore_mem>> -> memref<1x!tpu.dma_semaphore, #tpu.memory_space<semaphore_mem>>
          %dma_wait3A_1147 = tpu.memref_squeeze %dma_wait3A_1146 : memref<1x!tpu.dma_semaphore, #tpu.memory_space<semaphore_mem>> -> memref<!tpu.dma_semaphore, #tpu.memory_space<semaphore_mem>>
          %dma_wait3A_1148 = arith.constant 6144 : i32
          %dma_wait3A_1149 = tpu.memref_slice %arg9[%rem3A_892, %dma_wait3A_1148] : memref<4x8192xf32, #tpu.memory_space<vmem>> -> memref<1x1024xf32, #tpu.memory_space<vmem>>
          %dma_wait3A_1150 = tpu.memref_squeeze %dma_wait3A_1149 : memref<1x1024xf32, #tpu.memory_space<vmem>> -> memref<1024xf32, #tpu.memory_space<vmem>>
          %dma_wait3A_1151 = arith.constant 0 : i32
          %dma_wait3A_1152 = tpu.memref_slice %arg4[%dma_wait3A_1137, %dma_wait3A_1138, %dma_wait3A_1139, %add3A, %dma_wait3A_1151] : memref<8x50x8x32x1024xf32, #tpu.memory_space<hbm>> -> memref<1x1x1x1x1024xf32, #tpu.memory_space<hbm>>
          %dma_wait3A_1153 = tpu.memref_squeeze %dma_wait3A_1152 : memref<1x1x1x1x1024xf32, #tpu.memory_space<hbm>> -> memref<1024xf32, #tpu.memory_space<hbm>>
          tpu.wait_dma2 semaphore(%dma_wait3A_1147 : memref<!tpu.dma_semaphore, #tpu.memory_space<semaphore_mem>>) src(%dma_wait3A_1153 : memref<1024xf32, #tpu.memory_space<hbm>>) dst(%dma_wait3A_1150 : memref<1024xf32, #tpu.memory_space<vmem>>)
          %dma_wait3A_1154 = arith.constant 0 : i32
          %dma_wait3A_1155 = arith.constant 0 : i32
          %dma_wait3A_1156 = arith.constant 7 : i32
          %dma_wait3A_1157 = arith.constant 7168 : i32
          %dma_wait3A_1158 = tpu.memref_slice %arg9[%rem3A_892, %dma_wait3A_1157] : memref<4x8192xf32, #tpu.memory_space<vmem>> -> memref<1x1024xf32, #tpu.memory_space<vmem>>
          %dma_wait3A_1159 = tpu.memref_squeeze %dma_wait3A_1158 : memref<1x1024xf32, #tpu.memory_space<vmem>> -> memref<1024xf32, #tpu.memory_space<vmem>>
          %dma_wait3A_1160 = arith.constant 0 : i32
          %dma_wait3A_1161 = tpu.memref_slice %arg4[%dma_wait3A_1154, %dma_wait3A_1155, %dma_wait3A_1156, %add3A, %dma_wait3A_1160] : memref<8x50x8x32x1024xf32, #tpu.memory_space<hbm>> -> memref<1x1x1x1x1024xf32, #tpu.memory_space<hbm>>
          %dma_wait3A_1162 = tpu.memref_squeeze %dma_wait3A_1161 : memref<1x1x1x1x1024xf32, #tpu.memory_space<hbm>> -> memref<1024xf32, #tpu.memory_space<hbm>>
          %dma_wait3A_1163 = tpu.memref_slice %arg11[%rem3A_892] : memref<4x!tpu.dma_semaphore, #tpu.memory_space<semaphore_mem>> -> memref<1x!tpu.dma_semaphore, #tpu.memory_space<semaphore_mem>>
          %dma_wait3A_1164 = tpu.memref_squeeze %dma_wait3A_1163 : memref<1x!tpu.dma_semaphore, #tpu.memory_space<semaphore_mem>> -> memref<!tpu.dma_semaphore, #tpu.memory_space<semaphore_mem>>
          %dma_wait3A_1165 = arith.constant 7168 : i32
          %dma_wait3A_1166 = tpu.memref_slice %arg9[%rem3A_892, %dma_wait3A_1165] : memref<4x8192xf32, #tpu.memory_space<vmem>> -> memref<1x1024xf32, #tpu.memory_space<vmem>>
          %dma_wait3A_1167 = tpu.memref_squeeze %dma_wait3A_1166 : memref<1x1024xf32, #tpu.memory_space<vmem>> -> memref<1024xf32, #tpu.memory_space<vmem>>
          %dma_wait3A_1168 = arith.constant 0 : i32
          %dma_wait3A_1169 = tpu.memref_slice %arg4[%dma_wait3A_1154, %dma_wait3A_1155, %dma_wait3A_1156, %add3A, %dma_wait3A_1168] : memref<8x50x8x32x1024xf32, #tpu.memory_space<hbm>> -> memref<1x1x1x1x1024xf32, #tpu.memory_space<hbm>>
          %dma_wait3A_1170 = tpu.memref_squeeze %dma_wait3A_1169 : memref<1x1x1x1x1024xf32, #tpu.memory_space<hbm>> -> memref<1024xf32, #tpu.memory_space<hbm>>
          tpu.wait_dma2 semaphore(%dma_wait3A_1164 : memref<!tpu.dma_semaphore, #tpu.memory_space<semaphore_mem>>) src(%dma_wait3A_1170 : memref<1024xf32, #tpu.memory_space<hbm>>) dst(%dma_wait3A_1167 : memref<1024xf32, #tpu.memory_space<vmem>>)
        } else {
        }
        %dma_wait3A_898 = arith.constant 0 : i32
        %dma_wait3A_899 = arith.constant 0 : i32
        %dma_wait3A_900 = tpu.memref_slice %arg8[%rem3A_888, %dma_wait3A_898, %dma_wait3A_899] : memref<8x128x64xf32, #tpu.memory_space<vmem>> -> memref<1x128x64xf32, #tpu.memory_space<vmem>>
        %dma_wait3A_901 = tpu.memref_squeeze %dma_wait3A_900 : memref<1x128x64xf32, #tpu.memory_space<vmem>> -> memref<128x64xf32, #tpu.memory_space<vmem>>
        %dma_wait3A_902 = arith.constant 0 : i32
        %dma_wait3A_903 = arith.constant 0 : i32
        %dma_wait3A_904 = tpu.memref_slice %arg3[%dma_wait3A_902, %dma_wait3A_903] : memref<800000x64xf32, #tpu.memory_space<hbm>> -> memref<128x64xf32, #tpu.memory_space<hbm>>
        %dma_wait3A_905 = tpu.memref_slice %arg10[%rem3A_888] : memref<8x!tpu.dma_semaphore, #tpu.memory_space<semaphore_mem>> -> memref<1x!tpu.dma_semaphore, #tpu.memory_space<semaphore_mem>>
        %dma_wait3A_906 = tpu.memref_squeeze %dma_wait3A_905 : memref<1x!tpu.dma_semaphore, #tpu.memory_space<semaphore_mem>> -> memref<!tpu.dma_semaphore, #tpu.memory_space<semaphore_mem>>
        %dma_wait3A_907 = arith.constant 0 : i32
        %dma_wait3A_908 = arith.constant 0 : i32
        %dma_wait3A_909 = tpu.memref_slice %arg8[%rem3A_888, %dma_wait3A_907, %dma_wait3A_908] : memref<8x128x64xf32, #tpu.memory_space<vmem>> -> memref<1x128x64xf32, #tpu.memory_space<vmem>>
        %dma_wait3A_910 = tpu.memref_squeeze %dma_wait3A_909 : memref<1x128x64xf32, #tpu.memory_space<vmem>> -> memref<128x64xf32, #tpu.memory_space<vmem>>
        %dma_wait3A_911 = arith.constant 0 : i32
        %dma_wait3A_912 = arith.constant 0 : i32
        %dma_wait3A_913 = tpu.memref_slice %arg3[%dma_wait3A_911, %dma_wait3A_912] : memref<800000x64xf32, #tpu.memory_space<hbm>> -> memref<128x64xf32, #tpu.memory_space<hbm>>
        tpu.wait_dma2 semaphore(%dma_wait3A_906 : memref<!tpu.dma_semaphore, #tpu.memory_space<semaphore_mem>>) src(%dma_wait3A_913 : memref<128x64xf32, #tpu.memory_space<hbm>>) dst(%dma_wait3A_910 : memref<128x64xf32, #tpu.memory_space<vmem>>)
        %parallel_loop3A = arith.constant 0 : i32
        %parallel_loop3A_914 = arith.constant 8 : i32
        %parallel_loop3A_915 = arith.constant 1 : i32
        scf.for %parallel_loop3A_1035 = %parallel_loop3A to %parallel_loop3A_914 step %parallel_loop3A_915  : i32 {
          %parallel_loop3A_1036 = arith.constant 16 : i32
          %parallel_loop3A_1037 = arith.muli %parallel_loop3A_1035, %parallel_loop3A_1036 : i32
          %parallel_loop3A_1038 = vector.broadcast %parallel_loop3A_1037 : i32 to vector<16xi32>
          %parallel_loop3A_1039 = arith.addi %iota3A, %parallel_loop3A_1038 : vector<16xi32>
          %parallel_loop3A_1040 = arith.constant 0 : i32
          %parallel_loop3A_1041 = vector.broadcast %parallel_loop3A_1040 : i32 to vector<16xi32>
          %parallel_loop3A_1042 = arith.addi %and3A_7, %parallel_loop3A_1041 : vector<16xi32>
          %parallel_loop3A_1043 = arith.constant 0 : i32
          %parallel_loop3A_1044 = arith.constant 0 : i32
          %parallel_loop3A_1045 = tpu.memref_slice %arg8[%rem3A_888, %parallel_loop3A_1043, %parallel_loop3A_1044] : memref<8x128x64xf32, #tpu.memory_space<vmem>> -> memref<1x128x64xf32, #tpu.memory_space<vmem>>
          %parallel_loop3A_1046 = tpu.memref_squeeze %parallel_loop3A_1045 : memref<1x128x64xf32, #tpu.memory_space<vmem>> -> memref<128x64xf32, #tpu.memory_space<vmem>>
          %parallel_loop3A_1047 = tpu.vector_load_idx %parallel_loop3A_1046[%parallel_loop3A_1039, %parallel_loop3A_1042] : memref<128x64xf32, #tpu.memory_space<vmem>>[vector<16xi32>, vector<16xi32>], vector<16xf32>,
          %parallel_loop3A_1048 = arith.constant 0 : i32
          %parallel_loop3A_1049 = arith.addi %parallel_loop3A_1048, %parallel_loop3A_1037 : i32
          %parallel_loop3A_1050 = vector.broadcast %parallel_loop3A_1049 : i32 to vector<16xi32>
          %parallel_loop3A_1051 = arith.addi %add3A_107, %parallel_loop3A_1050 : vector<16xi32>
          %parallel_loop3A_1052 = arith.constant 0 : i32
          %parallel_loop3A_1053 = tpu.memref_slice %arg9[%rem3A_892, %parallel_loop3A_1052] : memref<4x8192xf32, #tpu.memory_space<vmem>> -> memref<1x8192xf32, #tpu.memory_space<vmem>>
          %parallel_loop3A_1054 = tpu.memref_squeeze %parallel_loop3A_1053 : memref<1x8192xf32, #tpu.memory_space<vmem>> -> memref<8192xf32, #tpu.memory_space<vmem>>
          tpu.vector_store_idx %parallel_loop3A_1054[%parallel_loop3A_1051], %parallel_loop3A_1047 : memref<8192xf32, #tpu.memory_space<vmem>>[vector<16xi32>], vector<16xf32>,
          %parallel_loop3A_1055 = arith.constant 0 : i32
          %parallel_loop3A_1056 = vector.broadcast %parallel_loop3A_1055 : i32 to vector<16xi32>
          %parallel_loop3A_1057 = arith.addi %and3A_13, %parallel_loop3A_1056 : vector<16xi32>
          %parallel_loop3A_1058 = arith.constant 0 : i32
          %parallel_loop3A_1059 = arith.constant 0 : i32
          %parallel_loop3A_1060 = tpu.memref_slice %arg8[%rem3A_888, %parallel_loop3A_1058, %parallel_loop3A_1059] : memref<8x128x64xf32, #tpu.memory_space<vmem>> -> memref<1x128x64xf32, #tpu.memory_space<vmem>>
          %parallel_loop3A_1061 = tpu.memref_squeeze %parallel_loop3A_1060 : memref<1x128x64xf32, #tpu.memory_space<vmem>> -> memref<128x64xf32, #tpu.memory_space<vmem>>
          %parallel_loop3A_1062 = tpu.vector_load_idx %parallel_loop3A_1061[%parallel_loop3A_1039, %parallel_loop3A_1057] : memref<128x64xf32, #tpu.memory_space<vmem>>[vector<16xi32>, vector<16xi32>], vector<16xf32>,
          %parallel_loop3A_1063 = arith.constant 0 : i32
          %parallel_loop3A_1064 = arith.addi %parallel_loop3A_1063, %parallel_loop3A_1037 : i32
          %parallel_loop3A_1065 = vector.broadcast %parallel_loop3A_1064 : i32 to vector<16xi32>
          %parallel_loop3A_1066 = arith.addi %add3A_117, %parallel_loop3A_1065 : vector<16xi32>
          %parallel_loop3A_1067 = arith.constant 0 : i32
          %parallel_loop3A_1068 = tpu.memref_slice %arg9[%rem3A_892, %parallel_loop3A_1067] : memref<4x8192xf32, #tpu.memory_space<vmem>> -> memref<1x8192xf32, #tpu.memory_space<vmem>>
          %parallel_loop3A_1069 = tpu.memref_squeeze %parallel_loop3A_1068 : memref<1x8192xf32, #tpu.memory_space<vmem>> -> memref<8192xf32, #tpu.memory_space<vmem>>
          tpu.vector_store_idx %parallel_loop3A_1069[%parallel_loop3A_1066], %parallel_loop3A_1062 : memref<8192xf32, #tpu.memory_space<vmem>>[vector<16xi32>], vector<16xf32>,
          %parallel_loop3A_1070 = arith.constant 0 : i32
          %parallel_loop3A_1071 = vector.broadcast %parallel_loop3A_1070 : i32 to vector<16xi32>
          %parallel_loop3A_1072 = arith.addi %and3A_19, %parallel_loop3A_1071 : vector<16xi32>
          %parallel_loop3A_1073 = arith.constant 0 : i32
          %parallel_loop3A_1074 = arith.constant 0 : i32
          %parallel_loop3A_1075 = tpu.memref_slice %arg8[%rem3A_888, %parallel_loop3A_1073, %parallel_loop3A_1074] : memref<8x128x64xf32, #tpu.memory_space<vmem>> -> memref<1x128x64xf32, #tpu.memory_space<vmem>>
          %parallel_loop3A_1076 = tpu.memref_squeeze %parallel_loop3A_1075 : memref<1x128x64xf32, #tpu.memory_space<vmem>> -> memref<128x64xf32, #tpu.memory_space<vmem>>
          %parallel_loop3A_1077 = tpu.vector_load_idx %parallel_loop3A_1076[%parallel_loop3A_1039, %parallel_loop3A_1072] : memref<128x64xf32, #tpu.memory_space<vmem>>[vector<16xi32>, vector<16xi32>], vector<16xf32>,
          %parallel_loop3A_1078 = arith.constant 0 : i32
          %parallel_loop3A_1079 = arith.addi %parallel_loop3A_1078, %parallel_loop3A_1037 : i32
          %parallel_loop3A_1080 = vector.broadcast %parallel_loop3A_1079 : i32 to vector<16xi32>
          %parallel_loop3A_1081 = arith.addi %add3A_127, %parallel_loop3A_1080 : vector<16xi32>
          %parallel_loop3A_1082 = arith.constant 0 : i32
          %parallel_loop3A_1083 = tpu.memref_slice %arg9[%rem3A_892, %parallel_loop3A_1082] : memref<4x8192xf32, #tpu.memory_space<vmem>> -> memref<1x8192xf32, #tpu.memory_space<vmem>>
          %parallel_loop3A_1084 = tpu.memref_squeeze %parallel_loop3A_1083 : memref<1x8192xf32, #tpu.memory_space<vmem>> -> memref<8192xf32, #tpu.memory_space<vmem>>
          tpu.vector_store_idx %parallel_loop3A_1084[%parallel_loop3A_1081], %parallel_loop3A_1077 : memref<8192xf32, #tpu.memory_space<vmem>>[vector<16xi32>], vector<16xf32>,
          %parallel_loop3A_1085 = arith.constant 0 : i32
          %parallel_loop3A_1086 = vector.broadcast %parallel_loop3A_1085 : i32 to vector<16xi32>
          %parallel_loop3A_1087 = arith.addi %and3A_25, %parallel_loop3A_1086 : vector<16xi32>
          %parallel_loop3A_1088 = arith.constant 0 : i32
          %parallel_loop3A_1089 = arith.constant 0 : i32
          %parallel_loop3A_1090 = tpu.memref_slice %arg8[%rem3A_888, %parallel_loop3A_1088, %parallel_loop3A_1089] : memref<8x128x64xf32, #tpu.memory_space<vmem>> -> memref<1x128x64xf32, #tpu.memory_space<vmem>>
          %parallel_loop3A_1091 = tpu.memref_squeeze %parallel_loop3A_1090 : memref<1x128x64xf32, #tpu.memory_space<vmem>> -> memref<128x64xf32, #tpu.memory_space<vmem>>
          %parallel_loop3A_1092 = tpu.vector_load_idx %parallel_loop3A_1091[%parallel_loop3A_1039, %parallel_loop3A_1087] : memref<128x64xf32, #tpu.memory_space<vmem>>[vector<16xi32>, vector<16xi32>], vector<16xf32>,
          %parallel_loop3A_1093 = arith.constant 0 : i32
          %parallel_loop3A_1094 = arith.addi %parallel_loop3A_1093, %parallel_loop3A_1037 : i32
          %parallel_loop3A_1095 = vector.broadcast %parallel_loop3A_1094 : i32 to vector<16xi32>
          %parallel_loop3A_1096 = arith.addi %add3A_137, %parallel_loop3A_1095 : vector<16xi32>
          %parallel_loop3A_1097 = arith.constant 0 : i32
          %parallel_loop3A_1098 = tpu.memref_slice %arg9[%rem3A_892, %parallel_loop3A_1097] : memref<4x8192xf32, #tpu.memory_space<vmem>> -> memref<1x8192xf32, #tpu.memory_space<vmem>>
          %parallel_loop3A_1099 = tpu.memref_squeeze %parallel_loop3A_1098 : memref<1x8192xf32, #tpu.memory_space<vmem>> -> memref<8192xf32, #tpu.memory_space<vmem>>
          tpu.vector_store_idx %parallel_loop3A_1099[%parallel_loop3A_1096], %parallel_loop3A_1092 : memref<8192xf32, #tpu.memory_space<vmem>>[vector<16xi32>], vector<16xf32>,
          %parallel_loop3A_1100 = arith.constant 0 : i32
          %parallel_loop3A_1101 = vector.broadcast %parallel_loop3A_1100 : i32 to vector<16xi32>
          %parallel_loop3A_1102 = arith.addi %and3A_31, %parallel_loop3A_1101 : vector<16xi32>
          %parallel_loop3A_1103 = arith.constant 0 : i32
          %parallel_loop3A_1104 = arith.constant 0 : i32
          %parallel_loop3A_1105 = tpu.memref_slice %arg8[%rem3A_888, %parallel_loop3A_1103, %parallel_loop3A_1104] : memref<8x128x64xf32, #tpu.memory_space<vmem>> -> memref<1x128x64xf32, #tpu.memory_space<vmem>>
          %parallel_loop3A_1106 = tpu.memref_squeeze %parallel_loop3A_1105 : memref<1x128x64xf32, #tpu.memory_space<vmem>> -> memref<128x64xf32, #tpu.memory_space<vmem>>
          %parallel_loop3A_1107 = tpu.vector_load_idx %parallel_loop3A_1106[%parallel_loop3A_1039, %parallel_loop3A_1102] : memref<128x64xf32, #tpu.memory_space<vmem>>[vector<16xi32>, vector<16xi32>], vector<16xf32>,
          %parallel_loop3A_1108 = arith.constant 0 : i32
          %parallel_loop3A_1109 = arith.addi %parallel_loop3A_1108, %parallel_loop3A_1037 : i32
          %parallel_loop3A_1110 = vector.broadcast %parallel_loop3A_1109 : i32 to vector<16xi32>
          %parallel_loop3A_1111 = arith.addi %add3A_147, %parallel_loop3A_1110 : vector<16xi32>
          %parallel_loop3A_1112 = arith.constant 0 : i32
          %parallel_loop3A_1113 = tpu.memref_slice %arg9[%rem3A_892, %parallel_loop3A_1112] : memref<4x8192xf32, #tpu.memory_space<vmem>> -> memref<1x8192xf32, #tpu.memory_space<vmem>>
          %parallel_loop3A_1114 = tpu.memref_squeeze %parallel_loop3A_1113 : memref<1x8192xf32, #tpu.memory_space<vmem>> -> memref<8192xf32, #tpu.memory_space<vmem>>
          tpu.vector_store_idx %parallel_loop3A_1114[%parallel_loop3A_1111], %parallel_loop3A_1107 : memref<8192xf32, #tpu.memory_space<vmem>>[vector<16xi32>], vector<16xf32>,
          %parallel_loop3A_1115 = arith.constant 0 : i32
          %parallel_loop3A_1116 = vector.broadcast %parallel_loop3A_1115 : i32 to vector<16xi32>
          %parallel_loop3A_1117 = arith.addi %and3A_37, %parallel_loop3A_1116 : vector<16xi32>
          %parallel_loop3A_1118 = arith.constant 0 : i32
          %parallel_loop3A_1119 = arith.constant 0 : i32
          %parallel_loop3A_1120 = tpu.memref_slice %arg8[%rem3A_888, %parallel_loop3A_1118, %parallel_loop3A_1119] : memref<8x128x64xf32, #tpu.memory_space<vmem>> -> memref<1x128x64xf32, #tpu.memory_space<vmem>>
          %parallel_loop3A_1121 = tpu.memref_squeeze %parallel_loop3A_1120 : memref<1x128x64xf32, #tpu.memory_space<vmem>> -> memref<128x64xf32, #tpu.memory_space<vmem>>
          %parallel_loop3A_1122 = tpu.vector_load_idx %parallel_loop3A_1121[%parallel_loop3A_1039, %parallel_loop3A_1117] : memref<128x64xf32, #tpu.memory_space<vmem>>[vector<16xi32>, vector<16xi32>], vector<16xf32>,
          %parallel_loop3A_1123 = arith.constant 0 : i32
          %parallel_loop3A_1124 = arith.addi %parallel_loop3A_1123, %parallel_loop3A_1037 : i32
          %parallel_loop3A_1125 = vector.broadcast %parallel_loop3A_1124 : i32 to vector<16xi32>
          %parallel_loop3A_1126 = arith.addi %add3A_157, %parallel_loop3A_1125 : vector<16xi32>
          %parallel_loop3A_1127 = arith.constant 0 : i32
          %parallel_loop3A_1128 = tpu.memref_slice %arg9[%rem3A_892, %parallel_loop3A_1127] : memref<4x8192xf32, #tpu.memory_space<vmem>> -> memref<1x8192xf32, #tpu.memory_space<vmem>>
          %parallel_loop3A_1129 = tpu.memref_squeeze %parallel_loop3A_1128 : memref<1x8192xf32, #tpu.memory_space<vmem>> -> memref<8192xf32, #tpu.memory_space<vmem>>
          tpu.vector_store_idx %parallel_loop3A_1129[%parallel_loop3A_1126], %parallel_loop3A_1122 : memref<8192xf32, #tpu.memory_space<vmem>>[vector<16xi32>], vector<16xf32>,
          %parallel_loop3A_1130 = arith.constant 0 : i32
          %parallel_loop3A_1131 = vector.broadcast %parallel_loop3A_1130 : i32 to vector<16xi32>
          %parallel_loop3A_1132 = arith.addi %and3A_43, %parallel_loop3A_1131 : vector<16xi32>
          %parallel_loop3A_1133 = arith.constant 0 : i32
          %parallel_loop3A_1134 = arith.constant 0 : i32
          %parallel_loop3A_1135 = tpu.memref_slice %arg8[%rem3A_888, %parallel_loop3A_1133, %parallel_loop3A_1134] : memref<8x128x64xf32, #tpu.memory_space<vmem>> -> memref<1x128x64xf32, #tpu.memory_space<vmem>>
          %parallel_loop3A_1136 = tpu.memref_squeeze %parallel_loop3A_1135 : memref<1x128x64xf32, #tpu.memory_space<vmem>> -> memref<128x64xf32, #tpu.memory_space<vmem>>
          %parallel_loop3A_1137 = tpu.vector_load_idx %parallel_loop3A_1136[%parallel_loop3A_1039, %parallel_loop3A_1132] : memref<128x64xf32, #tpu.memory_space<vmem>>[vector<16xi32>, vector<16xi32>], vector<16xf32>,
          %parallel_loop3A_1138 = arith.constant 0 : i32
          %parallel_loop3A_1139 = arith.addi %parallel_loop3A_1138, %parallel_loop3A_1037 : i32
          %parallel_loop3A_1140 = vector.broadcast %parallel_loop3A_1139 : i32 to vector<16xi32>
          %parallel_loop3A_1141 = arith.addi %add3A_167, %parallel_loop3A_1140 : vector<16xi32>
          %parallel_loop3A_1142 = arith.constant 0 : i32
          %parallel_loop3A_1143 = tpu.memref_slice %arg9[%rem3A_892, %parallel_loop3A_1142] : memref<4x8192xf32, #tpu.memory_space<vmem>> -> memref<1x8192xf32, #tpu.memory_space<vmem>>
          %parallel_loop3A_1144 = tpu.memref_squeeze %parallel_loop3A_1143 : memref<1x8192xf32, #tpu.memory_space<vmem>> -> memref<8192xf32, #tpu.memory_space<vmem>>
          tpu.vector_store_idx %parallel_loop3A_1144[%parallel_loop3A_1141], %parallel_loop3A_1137 : memref<8192xf32, #tpu.memory_space<vmem>>[vector<16xi32>], vector<16xf32>,
          %parallel_loop3A_1145 = arith.constant 0 : i32
          %parallel_loop3A_1146 = vector.broadcast %parallel_loop3A_1145 : i32 to vector<16xi32>
          %parallel_loop3A_1147 = arith.addi %and3A_49, %parallel_loop3A_1146 : vector<16xi32>
          %parallel_loop3A_1148 = arith.constant 0 : i32
          %parallel_loop3A_1149 = arith.constant 0 : i32
          %parallel_loop3A_1150 = tpu.memref_slice %arg8[%rem3A_888, %parallel_loop3A_1148, %parallel_loop3A_1149] : memref<8x128x64xf32, #tpu.memory_space<vmem>> -> memref<1x128x64xf32, #tpu.memory_space<vmem>>
          %parallel_loop3A_1151 = tpu.memref_squeeze %parallel_loop3A_1150 : memref<1x128x64xf32, #tpu.memory_space<vmem>> -> memref<128x64xf32, #tpu.memory_space<vmem>>
          %parallel_loop3A_1152 = tpu.vector_load_idx %parallel_loop3A_1151[%parallel_loop3A_1039, %parallel_loop3A_1147] : memref<128x64xf32, #tpu.memory_space<vmem>>[vector<16xi32>, vector<16xi32>], vector<16xf32>,
          %parallel_loop3A_1153 = arith.constant 0 : i32
          %parallel_loop3A_1154 = arith.addi %parallel_loop3A_1153, %parallel_loop3A_1037 : i32
          %parallel_loop3A_1155 = vector.broadcast %parallel_loop3A_1154 : i32 to vector<16xi32>
          %parallel_loop3A_1156 = arith.addi %add3A_177, %parallel_loop3A_1155 : vector<16xi32>
          %parallel_loop3A_1157 = arith.constant 0 : i32
          %parallel_loop3A_1158 = tpu.memref_slice %arg9[%rem3A_892, %parallel_loop3A_1157] : memref<4x8192xf32, #tpu.memory_space<vmem>> -> memref<1x8192xf32, #tpu.memory_space<vmem>>
          %parallel_loop3A_1159 = tpu.memref_squeeze %parallel_loop3A_1158 : memref<1x8192xf32, #tpu.memory_space<vmem>> -> memref<8192xf32, #tpu.memory_space<vmem>>
          tpu.vector_store_idx %parallel_loop3A_1159[%parallel_loop3A_1156], %parallel_loop3A_1152 : memref<8192xf32, #tpu.memory_space<vmem>>[vector<16xi32>], vector<16xf32>,
          %parallel_loop3A_1160 = arith.constant 0 : i32
          %parallel_loop3A_1161 = vector.broadcast %parallel_loop3A_1160 : i32 to vector<16xi32>
          %parallel_loop3A_1162 = arith.addi %and3A_55, %parallel_loop3A_1161 : vector<16xi32>
          %parallel_loop3A_1163 = arith.constant 0 : i32
          %parallel_loop3A_1164 = arith.constant 0 : i32
          %parallel_loop3A_1165 = tpu.memref_slice %arg8[%rem3A_888, %parallel_loop3A_1163, %parallel_loop3A_1164] : memref<8x128x64xf32, #tpu.memory_space<vmem>> -> memref<1x128x64xf32, #tpu.memory_space<vmem>>
          %parallel_loop3A_1166 = tpu.memref_squeeze %parallel_loop3A_1165 : memref<1x128x64xf32, #tpu.memory_space<vmem>> -> memref<128x64xf32, #tpu.memory_space<vmem>>
          %parallel_loop3A_1167 = tpu.vector_load_idx %parallel_loop3A_1166[%parallel_loop3A_1039, %parallel_loop3A_1162] : memref<128x64xf32, #tpu.memory_space<vmem>>[vector<16xi32>, vector<16xi32>], vector<16xf32>,
          %parallel_loop3A_1168 = arith.constant 0 : i32
          %parallel_loop3A_1169 = arith.addi %parallel_loop3A_1168, %parallel_loop3A_1037 : i32
          %parallel_loop3A_1170 = vector.broadcast %parallel_loop3A_1169 : i32 to vector<16xi32>
          %parallel_loop3A_1171 = arith.addi %add3A_187, %parallel_loop3A_1170 : vector<16xi32>
          %parallel_loop3A_1172 = arith.constant 0 : i32
          %parallel_loop3A_1173 = tpu.memref_slice %arg9[%rem3A_892, %parallel_loop3A_1172] : memref<4x8192xf32, #tpu.memory_space<vmem>> -> memref<1x8192xf32, #tpu.memory_space<vmem>>
          %parallel_loop3A_1174 = tpu.memref_squeeze %parallel_loop3A_1173 : memref<1x8192xf32, #tpu.memory_space<vmem>> -> memref<8192xf32, #tpu.memory_space<vmem>>
          tpu.vector_store_idx %parallel_loop3A_1174[%parallel_loop3A_1171], %parallel_loop3A_1167 : memref<8192xf32, #tpu.memory_space<vmem>>[vector<16xi32>], vector<16xf32>,
          %parallel_loop3A_1175 = arith.constant 0 : i32
          %parallel_loop3A_1176 = vector.broadcast %parallel_loop3A_1175 : i32 to vector<16xi32>
          %parallel_loop3A_1177 = arith.addi %and3A_61, %parallel_loop3A_1176 : vector<16xi32>
          %parallel_loop3A_1178 = arith.constant 0 : i32
          %parallel_loop3A_1179 = arith.constant 0 : i32
          %parallel_loop3A_1180 = tpu.memref_slice %arg8[%rem3A_888, %parallel_loop3A_1178, %parallel_loop3A_1179] : memref<8x128x64xf32, #tpu.memory_space<vmem>> -> memref<1x128x64xf32, #tpu.memory_space<vmem>>
          %parallel_loop3A_1181 = tpu.memref_squeeze %parallel_loop3A_1180 : memref<1x128x64xf32, #tpu.memory_space<vmem>> -> memref<128x64xf32, #tpu.memory_space<vmem>>
          %parallel_loop3A_1182 = tpu.vector_load_idx %parallel_loop3A_1181[%parallel_loop3A_1039, %parallel_loop3A_1177] : memref<128x64xf32, #tpu.memory_space<vmem>>[vector<16xi32>, vector<16xi32>], vector<16xf32>,
          %parallel_loop3A_1183 = arith.constant 0 : i32
          %parallel_loop3A_1184 = arith.addi %parallel_loop3A_1183, %parallel_loop3A_1037 : i32
          %parallel_loop3A_1185 = vector.broadcast %parallel_loop3A_1184 : i32 to vector<16xi32>
          %parallel_loop3A_1186 = arith.addi %add3A_197, %parallel_loop3A_1185 : vector<16xi32>
          %parallel_loop3A_1187 = arith.constant 0 : i32
          %parallel_loop3A_1188 = tpu.memref_slice %arg9[%rem3A_892, %parallel_loop3A_1187] : memref<4x8192xf32, #tpu.memory_space<vmem>> -> memref<1x8192xf32, #tpu.memory_space<vmem>>
          %parallel_loop3A_1189 = tpu.memref_squeeze %parallel_loop3A_1188 : memref<1x8192xf32, #tpu.memory_space<vmem>> -> memref<8192xf32, #tpu.memory_space<vmem>>
          tpu.vector_store_idx %parallel_loop3A_1189[%parallel_loop3A_1186], %parallel_loop3A_1182 : memref<8192xf32, #tpu.memory_space<vmem>>[vector<16xi32>], vector<16xf32>,
          %parallel_loop3A_1190 = arith.constant 0 : i32
          %parallel_loop3A_1191 = vector.broadcast %parallel_loop3A_1190 : i32 to vector<16xi32>
          %parallel_loop3A_1192 = arith.addi %and3A_67, %parallel_loop3A_1191 : vector<16xi32>
          %parallel_loop3A_1193 = arith.constant 0 : i32
          %parallel_loop3A_1194 = arith.constant 0 : i32
          %parallel_loop3A_1195 = tpu.memref_slice %arg8[%rem3A_888, %parallel_loop3A_1193, %parallel_loop3A_1194] : memref<8x128x64xf32, #tpu.memory_space<vmem>> -> memref<1x128x64xf32, #tpu.memory_space<vmem>>
          %parallel_loop3A_1196 = tpu.memref_squeeze %parallel_loop3A_1195 : memref<1x128x64xf32, #tpu.memory_space<vmem>> -> memref<128x64xf32, #tpu.memory_space<vmem>>
          %parallel_loop3A_1197 = tpu.vector_load_idx %parallel_loop3A_1196[%parallel_loop3A_1039, %parallel_loop3A_1192] : memref<128x64xf32, #tpu.memory_space<vmem>>[vector<16xi32>, vector<16xi32>], vector<16xf32>,
          %parallel_loop3A_1198 = arith.constant 0 : i32
          %parallel_loop3A_1199 = arith.addi %parallel_loop3A_1198, %parallel_loop3A_1037 : i32
          %parallel_loop3A_1200 = vector.broadcast %parallel_loop3A_1199 : i32 to vector<16xi32>
          %parallel_loop3A_1201 = arith.addi %add3A_207, %parallel_loop3A_1200 : vector<16xi32>
          %parallel_loop3A_1202 = arith.constant 0 : i32
          %parallel_loop3A_1203 = tpu.memref_slice %arg9[%rem3A_892, %parallel_loop3A_1202] : memref<4x8192xf32, #tpu.memory_space<vmem>> -> memref<1x8192xf32, #tpu.memory_space<vmem>>
          %parallel_loop3A_1204 = tpu.memref_squeeze %parallel_loop3A_1203 : memref<1x8192xf32, #tpu.memory_space<vmem>> -> memref<8192xf32, #tpu.memory_space<vmem>>
          tpu.vector_store_idx %parallel_loop3A_1204[%parallel_loop3A_1201], %parallel_loop3A_1197 : memref<8192xf32, #tpu.memory_space<vmem>>[vector<16xi32>], vector<16xf32>,
          %parallel_loop3A_1205 = arith.constant 0 : i32
          %parallel_loop3A_1206 = vector.broadcast %parallel_loop3A_1205 : i32 to vector<16xi32>
          %parallel_loop3A_1207 = arith.addi %and3A_73, %parallel_loop3A_1206 : vector<16xi32>
          %parallel_loop3A_1208 = arith.constant 0 : i32
          %parallel_loop3A_1209 = arith.constant 0 : i32
          %parallel_loop3A_1210 = tpu.memref_slice %arg8[%rem3A_888, %parallel_loop3A_1208, %parallel_loop3A_1209] : memref<8x128x64xf32, #tpu.memory_space<vmem>> -> memref<1x128x64xf32, #tpu.memory_space<vmem>>
          %parallel_loop3A_1211 = tpu.memref_squeeze %parallel_loop3A_1210 : memref<1x128x64xf32, #tpu.memory_space<vmem>> -> memref<128x64xf32, #tpu.memory_space<vmem>>
          %parallel_loop3A_1212 = tpu.vector_load_idx %parallel_loop3A_1211[%parallel_loop3A_1039, %parallel_loop3A_1207] : memref<128x64xf32, #tpu.memory_space<vmem>>[vector<16xi32>, vector<16xi32>], vector<16xf32>,
          %parallel_loop3A_1213 = arith.constant 0 : i32
          %parallel_loop3A_1214 = arith.addi %parallel_loop3A_1213, %parallel_loop3A_1037 : i32
          %parallel_loop3A_1215 = vector.broadcast %parallel_loop3A_1214 : i32 to vector<16xi32>
          %parallel_loop3A_1216 = arith.addi %add3A_217, %parallel_loop3A_1215 : vector<16xi32>
          %parallel_loop3A_1217 = arith.constant 0 : i32
          %parallel_loop3A_1218 = tpu.memref_slice %arg9[%rem3A_892, %parallel_loop3A_1217] : memref<4x8192xf32, #tpu.memory_space<vmem>> -> memref<1x8192xf32, #tpu.memory_space<vmem>>
          %parallel_loop3A_1219 = tpu.memref_squeeze %parallel_loop3A_1218 : memref<1x8192xf32, #tpu.memory_space<vmem>> -> memref<8192xf32, #tpu.memory_space<vmem>>
          tpu.vector_store_idx %parallel_loop3A_1219[%parallel_loop3A_1216], %parallel_loop3A_1212 : memref<8192xf32, #tpu.memory_space<vmem>>[vector<16xi32>], vector<16xf32>,
          %parallel_loop3A_1220 = arith.constant 0 : i32
          %parallel_loop3A_1221 = vector.broadcast %parallel_loop3A_1220 : i32 to vector<16xi32>
          %parallel_loop3A_1222 = arith.addi %and3A_79, %parallel_loop3A_1221 : vector<16xi32>
          %parallel_loop3A_1223 = arith.constant 0 : i32
          %parallel_loop3A_1224 = arith.constant 0 : i32
          %parallel_loop3A_1225 = tpu.memref_slice %arg8[%rem3A_888, %parallel_loop3A_1223, %parallel_loop3A_1224] : memref<8x128x64xf32, #tpu.memory_space<vmem>> -> memref<1x128x64xf32, #tpu.memory_space<vmem>>
          %parallel_loop3A_1226 = tpu.memref_squeeze %parallel_loop3A_1225 : memref<1x128x64xf32, #tpu.memory_space<vmem>> -> memref<128x64xf32, #tpu.memory_space<vmem>>
          %parallel_loop3A_1227 = tpu.vector_load_idx %parallel_loop3A_1226[%parallel_loop3A_1039, %parallel_loop3A_1222] : memref<128x64xf32, #tpu.memory_space<vmem>>[vector<16xi32>, vector<16xi32>], vector<16xf32>,
          %parallel_loop3A_1228 = arith.constant 0 : i32
          %parallel_loop3A_1229 = arith.addi %parallel_loop3A_1228, %parallel_loop3A_1037 : i32
          %parallel_loop3A_1230 = vector.broadcast %parallel_loop3A_1229 : i32 to vector<16xi32>
          %parallel_loop3A_1231 = arith.addi %add3A_227, %parallel_loop3A_1230 : vector<16xi32>
          %parallel_loop3A_1232 = arith.constant 0 : i32
          %parallel_loop3A_1233 = tpu.memref_slice %arg9[%rem3A_892, %parallel_loop3A_1232] : memref<4x8192xf32, #tpu.memory_space<vmem>> -> memref<1x8192xf32, #tpu.memory_space<vmem>>
          %parallel_loop3A_1234 = tpu.memref_squeeze %parallel_loop3A_1233 : memref<1x8192xf32, #tpu.memory_space<vmem>> -> memref<8192xf32, #tpu.memory_space<vmem>>
          tpu.vector_store_idx %parallel_loop3A_1234[%parallel_loop3A_1231], %parallel_loop3A_1227 : memref<8192xf32, #tpu.memory_space<vmem>>[vector<16xi32>], vector<16xf32>,
          %parallel_loop3A_1235 = arith.constant 0 : i32
          %parallel_loop3A_1236 = vector.broadcast %parallel_loop3A_1235 : i32 to vector<16xi32>
          %parallel_loop3A_1237 = arith.addi %and3A_85, %parallel_loop3A_1236 : vector<16xi32>
          %parallel_loop3A_1238 = arith.constant 0 : i32
          %parallel_loop3A_1239 = arith.constant 0 : i32
          %parallel_loop3A_1240 = tpu.memref_slice %arg8[%rem3A_888, %parallel_loop3A_1238, %parallel_loop3A_1239] : memref<8x128x64xf32, #tpu.memory_space<vmem>> -> memref<1x128x64xf32, #tpu.memory_space<vmem>>
          %parallel_loop3A_1241 = tpu.memref_squeeze %parallel_loop3A_1240 : memref<1x128x64xf32, #tpu.memory_space<vmem>> -> memref<128x64xf32, #tpu.memory_space<vmem>>
          %parallel_loop3A_1242 = tpu.vector_load_idx %parallel_loop3A_1241[%parallel_loop3A_1039, %parallel_loop3A_1237] : memref<128x64xf32, #tpu.memory_space<vmem>>[vector<16xi32>, vector<16xi32>], vector<16xf32>,
          %parallel_loop3A_1243 = arith.constant 0 : i32
          %parallel_loop3A_1244 = arith.addi %parallel_loop3A_1243, %parallel_loop3A_1037 : i32
          %parallel_loop3A_1245 = vector.broadcast %parallel_loop3A_1244 : i32 to vector<16xi32>
          %parallel_loop3A_1246 = arith.addi %add3A_237, %parallel_loop3A_1245 : vector<16xi32>
          %parallel_loop3A_1247 = arith.constant 0 : i32
          %parallel_loop3A_1248 = tpu.memref_slice %arg9[%rem3A_892, %parallel_loop3A_1247] : memref<4x8192xf32, #tpu.memory_space<vmem>> -> memref<1x8192xf32, #tpu.memory_space<vmem>>
          %parallel_loop3A_1249 = tpu.memref_squeeze %parallel_loop3A_1248 : memref<1x8192xf32, #tpu.memory_space<vmem>> -> memref<8192xf32, #tpu.memory_space<vmem>>
          tpu.vector_store_idx %parallel_loop3A_1249[%parallel_loop3A_1246], %parallel_loop3A_1242 : memref<8192xf32, #tpu.memory_space<vmem>>[vector<16xi32>], vector<16xf32>,
          %parallel_loop3A_1250 = arith.constant 0 : i32
          %parallel_loop3A_1251 = vector.broadcast %parallel_loop3A_1250 : i32 to vector<16xi32>
          %parallel_loop3A_1252 = arith.addi %and3A_91, %parallel_loop3A_1251 : vector<16xi32>
          %parallel_loop3A_1253 = arith.constant 0 : i32
          %parallel_loop3A_1254 = arith.constant 0 : i32
          %parallel_loop3A_1255 = tpu.memref_slice %arg8[%rem3A_888, %parallel_loop3A_1253, %parallel_loop3A_1254] : memref<8x128x64xf32, #tpu.memory_space<vmem>> -> memref<1x128x64xf32, #tpu.memory_space<vmem>>
          %parallel_loop3A_1256 = tpu.memref_squeeze %parallel_loop3A_1255 : memref<1x128x64xf32, #tpu.memory_space<vmem>> -> memref<128x64xf32, #tpu.memory_space<vmem>>
          %parallel_loop3A_1257 = tpu.vector_load_idx %parallel_loop3A_1256[%parallel_loop3A_1039, %parallel_loop3A_1252] : memref<128x64xf32, #tpu.memory_space<vmem>>[vector<16xi32>, vector<16xi32>], vector<16xf32>,
          %parallel_loop3A_1258 = arith.constant 0 : i32
          %parallel_loop3A_1259 = arith.addi %parallel_loop3A_1258, %parallel_loop3A_1037 : i32
          %parallel_loop3A_1260 = vector.broadcast %parallel_loop3A_1259 : i32 to vector<16xi32>
          %parallel_loop3A_1261 = arith.addi %add3A_247, %parallel_loop3A_1260 : vector<16xi32>
          %parallel_loop3A_1262 = arith.constant 0 : i32
          %parallel_loop3A_1263 = tpu.memref_slice %arg9[%rem3A_892, %parallel_loop3A_1262] : memref<4x8192xf32, #tpu.memory_space<vmem>> -> memref<1x8192xf32, #tpu.memory_space<vmem>>
          %parallel_loop3A_1264 = tpu.memref_squeeze %parallel_loop3A_1263 : memref<1x8192xf32, #tpu.memory_space<vmem>> -> memref<8192xf32, #tpu.memory_space<vmem>>
          tpu.vector_store_idx %parallel_loop3A_1264[%parallel_loop3A_1261], %parallel_loop3A_1257 : memref<8192xf32, #tpu.memory_space<vmem>>[vector<16xi32>], vector<16xf32>,
          %parallel_loop3A_1265 = arith.constant 0 : i32
          %parallel_loop3A_1266 = vector.broadcast %parallel_loop3A_1265 : i32 to vector<16xi32>
          %parallel_loop3A_1267 = arith.addi %and3A_97, %parallel_loop3A_1266 : vector<16xi32>
          %parallel_loop3A_1268 = arith.constant 0 : i32
          %parallel_loop3A_1269 = arith.constant 0 : i32
          %parallel_loop3A_1270 = tpu.memref_slice %arg8[%rem3A_888, %parallel_loop3A_1268, %parallel_loop3A_1269] : memref<8x128x64xf32, #tpu.memory_space<vmem>> -> memref<1x128x64xf32, #tpu.memory_space<vmem>>
          %parallel_loop3A_1271 = tpu.memref_squeeze %parallel_loop3A_1270 : memref<1x128x64xf32, #tpu.memory_space<vmem>> -> memref<128x64xf32, #tpu.memory_space<vmem>>
          %parallel_loop3A_1272 = tpu.vector_load_idx %parallel_loop3A_1271[%parallel_loop3A_1039, %parallel_loop3A_1267] : memref<128x64xf32, #tpu.memory_space<vmem>>[vector<16xi32>, vector<16xi32>], vector<16xf32>,
          %parallel_loop3A_1273 = arith.constant 0 : i32
          %parallel_loop3A_1274 = arith.addi %parallel_loop3A_1273, %parallel_loop3A_1037 : i32
          %parallel_loop3A_1275 = vector.broadcast %parallel_loop3A_1274 : i32 to vector<16xi32>
          %parallel_loop3A_1276 = arith.addi %add3A_257, %parallel_loop3A_1275 : vector<16xi32>
          %parallel_loop3A_1277 = arith.constant 0 : i32
          %parallel_loop3A_1278 = tpu.memref_slice %arg9[%rem3A_892, %parallel_loop3A_1277] : memref<4x8192xf32, #tpu.memory_space<vmem>> -> memref<1x8192xf32, #tpu.memory_space<vmem>>
          %parallel_loop3A_1279 = tpu.memref_squeeze %parallel_loop3A_1278 : memref<1x8192xf32, #tpu.memory_space<vmem>> -> memref<8192xf32, #tpu.memory_space<vmem>>
          tpu.vector_store_idx %parallel_loop3A_1279[%parallel_loop3A_1276], %parallel_loop3A_1272 : memref<8192xf32, #tpu.memory_space<vmem>>[vector<16xi32>], vector<16xf32>,
          %parallel_loop3A_1280 = arith.constant 16 : i32
          %parallel_loop3A_1281 = vector.broadcast %parallel_loop3A_1280 : i32 to vector<16xi32>
          %parallel_loop3A_1282 = arith.addi %and3A_7, %parallel_loop3A_1281 : vector<16xi32>
          %parallel_loop3A_1283 = arith.constant 0 : i32
          %parallel_loop3A_1284 = arith.constant 0 : i32
          %parallel_loop3A_1285 = tpu.memref_slice %arg8[%rem3A_888, %parallel_loop3A_1283, %parallel_loop3A_1284] : memref<8x128x64xf32, #tpu.memory_space<vmem>> -> memref<1x128x64xf32, #tpu.memory_space<vmem>>
          %parallel_loop3A_1286 = tpu.memref_squeeze %parallel_loop3A_1285 : memref<1x128x64xf32, #tpu.memory_space<vmem>> -> memref<128x64xf32, #tpu.memory_space<vmem>>
          %parallel_loop3A_1287 = tpu.vector_load_idx %parallel_loop3A_1286[%parallel_loop3A_1039, %parallel_loop3A_1282] : memref<128x64xf32, #tpu.memory_space<vmem>>[vector<16xi32>, vector<16xi32>], vector<16xf32>,
          %parallel_loop3A_1288 = arith.constant 2048 : i32
          %parallel_loop3A_1289 = arith.addi %parallel_loop3A_1288, %parallel_loop3A_1037 : i32
          %parallel_loop3A_1290 = vector.broadcast %parallel_loop3A_1289 : i32 to vector<16xi32>
          %parallel_loop3A_1291 = arith.addi %add3A_107, %parallel_loop3A_1290 : vector<16xi32>
          %parallel_loop3A_1292 = arith.constant 0 : i32
          %parallel_loop3A_1293 = tpu.memref_slice %arg9[%rem3A_892, %parallel_loop3A_1292] : memref<4x8192xf32, #tpu.memory_space<vmem>> -> memref<1x8192xf32, #tpu.memory_space<vmem>>
          %parallel_loop3A_1294 = tpu.memref_squeeze %parallel_loop3A_1293 : memref<1x8192xf32, #tpu.memory_space<vmem>> -> memref<8192xf32, #tpu.memory_space<vmem>>
          tpu.vector_store_idx %parallel_loop3A_1294[%parallel_loop3A_1291], %parallel_loop3A_1287 : memref<8192xf32, #tpu.memory_space<vmem>>[vector<16xi32>], vector<16xf32>,
          %parallel_loop3A_1295 = arith.constant 16 : i32
          %parallel_loop3A_1296 = vector.broadcast %parallel_loop3A_1295 : i32 to vector<16xi32>
          %parallel_loop3A_1297 = arith.addi %and3A_13, %parallel_loop3A_1296 : vector<16xi32>
          %parallel_loop3A_1298 = arith.constant 0 : i32
          %parallel_loop3A_1299 = arith.constant 0 : i32
          %parallel_loop3A_1300 = tpu.memref_slice %arg8[%rem3A_888, %parallel_loop3A_1298, %parallel_loop3A_1299] : memref<8x128x64xf32, #tpu.memory_space<vmem>> -> memref<1x128x64xf32, #tpu.memory_space<vmem>>
          %parallel_loop3A_1301 = tpu.memref_squeeze %parallel_loop3A_1300 : memref<1x128x64xf32, #tpu.memory_space<vmem>> -> memref<128x64xf32, #tpu.memory_space<vmem>>
          %parallel_loop3A_1302 = tpu.vector_load_idx %parallel_loop3A_1301[%parallel_loop3A_1039, %parallel_loop3A_1297] : memref<128x64xf32, #tpu.memory_space<vmem>>[vector<16xi32>, vector<16xi32>], vector<16xf32>,
          %parallel_loop3A_1303 = arith.constant 2048 : i32
          %parallel_loop3A_1304 = arith.addi %parallel_loop3A_1303, %parallel_loop3A_1037 : i32
          %parallel_loop3A_1305 = vector.broadcast %parallel_loop3A_1304 : i32 to vector<16xi32>
          %parallel_loop3A_1306 = arith.addi %add3A_117, %parallel_loop3A_1305 : vector<16xi32>
          %parallel_loop3A_1307 = arith.constant 0 : i32
          %parallel_loop3A_1308 = tpu.memref_slice %arg9[%rem3A_892, %parallel_loop3A_1307] : memref<4x8192xf32, #tpu.memory_space<vmem>> -> memref<1x8192xf32, #tpu.memory_space<vmem>>
          %parallel_loop3A_1309 = tpu.memref_squeeze %parallel_loop3A_1308 : memref<1x8192xf32, #tpu.memory_space<vmem>> -> memref<8192xf32, #tpu.memory_space<vmem>>
          tpu.vector_store_idx %parallel_loop3A_1309[%parallel_loop3A_1306], %parallel_loop3A_1302 : memref<8192xf32, #tpu.memory_space<vmem>>[vector<16xi32>], vector<16xf32>,
          %parallel_loop3A_1310 = arith.constant 16 : i32
          %parallel_loop3A_1311 = vector.broadcast %parallel_loop3A_1310 : i32 to vector<16xi32>
          %parallel_loop3A_1312 = arith.addi %and3A_19, %parallel_loop3A_1311 : vector<16xi32>
          %parallel_loop3A_1313 = arith.constant 0 : i32
          %parallel_loop3A_1314 = arith.constant 0 : i32
          %parallel_loop3A_1315 = tpu.memref_slice %arg8[%rem3A_888, %parallel_loop3A_1313, %parallel_loop3A_1314] : memref<8x128x64xf32, #tpu.memory_space<vmem>> -> memref<1x128x64xf32, #tpu.memory_space<vmem>>
          %parallel_loop3A_1316 = tpu.memref_squeeze %parallel_loop3A_1315 : memref<1x128x64xf32, #tpu.memory_space<vmem>> -> memref<128x64xf32, #tpu.memory_space<vmem>>
          %parallel_loop3A_1317 = tpu.vector_load_idx %parallel_loop3A_1316[%parallel_loop3A_1039, %parallel_loop3A_1312] : memref<128x64xf32, #tpu.memory_space<vmem>>[vector<16xi32>, vector<16xi32>], vector<16xf32>,
          %parallel_loop3A_1318 = arith.constant 2048 : i32
          %parallel_loop3A_1319 = arith.addi %parallel_loop3A_1318, %parallel_loop3A_1037 : i32
          %parallel_loop3A_1320 = vector.broadcast %parallel_loop3A_1319 : i32 to vector<16xi32>
          %parallel_loop3A_1321 = arith.addi %add3A_127, %parallel_loop3A_1320 : vector<16xi32>
          %parallel_loop3A_1322 = arith.constant 0 : i32
          %parallel_loop3A_1323 = tpu.memref_slice %arg9[%rem3A_892, %parallel_loop3A_1322] : memref<4x8192xf32, #tpu.memory_space<vmem>> -> memref<1x8192xf32, #tpu.memory_space<vmem>>
          %parallel_loop3A_1324 = tpu.memref_squeeze %parallel_loop3A_1323 : memref<1x8192xf32, #tpu.memory_space<vmem>> -> memref<8192xf32, #tpu.memory_space<vmem>>
          tpu.vector_store_idx %parallel_loop3A_1324[%parallel_loop3A_1321], %parallel_loop3A_1317 : memref<8192xf32, #tpu.memory_space<vmem>>[vector<16xi32>], vector<16xf32>,
          %parallel_loop3A_1325 = arith.constant 16 : i32
          %parallel_loop3A_1326 = vector.broadcast %parallel_loop3A_1325 : i32 to vector<16xi32>
          %parallel_loop3A_1327 = arith.addi %and3A_25, %parallel_loop3A_1326 : vector<16xi32>
          %parallel_loop3A_1328 = arith.constant 0 : i32
          %parallel_loop3A_1329 = arith.constant 0 : i32
          %parallel_loop3A_1330 = tpu.memref_slice %arg8[%rem3A_888, %parallel_loop3A_1328, %parallel_loop3A_1329] : memref<8x128x64xf32, #tpu.memory_space<vmem>> -> memref<1x128x64xf32, #tpu.memory_space<vmem>>
          %parallel_loop3A_1331 = tpu.memref_squeeze %parallel_loop3A_1330 : memref<1x128x64xf32, #tpu.memory_space<vmem>> -> memref<128x64xf32, #tpu.memory_space<vmem>>
          %parallel_loop3A_1332 = tpu.vector_load_idx %parallel_loop3A_1331[%parallel_loop3A_1039, %parallel_loop3A_1327] : memref<128x64xf32, #tpu.memory_space<vmem>>[vector<16xi32>, vector<16xi32>], vector<16xf32>,
          %parallel_loop3A_1333 = arith.constant 2048 : i32
          %parallel_loop3A_1334 = arith.addi %parallel_loop3A_1333, %parallel_loop3A_1037 : i32
          %parallel_loop3A_1335 = vector.broadcast %parallel_loop3A_1334 : i32 to vector<16xi32>
          %parallel_loop3A_1336 = arith.addi %add3A_137, %parallel_loop3A_1335 : vector<16xi32>
          %parallel_loop3A_1337 = arith.constant 0 : i32
          %parallel_loop3A_1338 = tpu.memref_slice %arg9[%rem3A_892, %parallel_loop3A_1337] : memref<4x8192xf32, #tpu.memory_space<vmem>> -> memref<1x8192xf32, #tpu.memory_space<vmem>>
          %parallel_loop3A_1339 = tpu.memref_squeeze %parallel_loop3A_1338 : memref<1x8192xf32, #tpu.memory_space<vmem>> -> memref<8192xf32, #tpu.memory_space<vmem>>
          tpu.vector_store_idx %parallel_loop3A_1339[%parallel_loop3A_1336], %parallel_loop3A_1332 : memref<8192xf32, #tpu.memory_space<vmem>>[vector<16xi32>], vector<16xf32>,
          %parallel_loop3A_1340 = arith.constant 16 : i32
          %parallel_loop3A_1341 = vector.broadcast %parallel_loop3A_1340 : i32 to vector<16xi32>
          %parallel_loop3A_1342 = arith.addi %and3A_31, %parallel_loop3A_1341 : vector<16xi32>
          %parallel_loop3A_1343 = arith.constant 0 : i32
          %parallel_loop3A_1344 = arith.constant 0 : i32
          %parallel_loop3A_1345 = tpu.memref_slice %arg8[%rem3A_888, %parallel_loop3A_1343, %parallel_loop3A_1344] : memref<8x128x64xf32, #tpu.memory_space<vmem>> -> memref<1x128x64xf32, #tpu.memory_space<vmem>>
          %parallel_loop3A_1346 = tpu.memref_squeeze %parallel_loop3A_1345 : memref<1x128x64xf32, #tpu.memory_space<vmem>> -> memref<128x64xf32, #tpu.memory_space<vmem>>
          %parallel_loop3A_1347 = tpu.vector_load_idx %parallel_loop3A_1346[%parallel_loop3A_1039, %parallel_loop3A_1342] : memref<128x64xf32, #tpu.memory_space<vmem>>[vector<16xi32>, vector<16xi32>], vector<16xf32>,
          %parallel_loop3A_1348 = arith.constant 2048 : i32
          %parallel_loop3A_1349 = arith.addi %parallel_loop3A_1348, %parallel_loop3A_1037 : i32
          %parallel_loop3A_1350 = vector.broadcast %parallel_loop3A_1349 : i32 to vector<16xi32>
          %parallel_loop3A_1351 = arith.addi %add3A_147, %parallel_loop3A_1350 : vector<16xi32>
          %parallel_loop3A_1352 = arith.constant 0 : i32
          %parallel_loop3A_1353 = tpu.memref_slice %arg9[%rem3A_892, %parallel_loop3A_1352] : memref<4x8192xf32, #tpu.memory_space<vmem>> -> memref<1x8192xf32, #tpu.memory_space<vmem>>
          %parallel_loop3A_1354 = tpu.memref_squeeze %parallel_loop3A_1353 : memref<1x8192xf32, #tpu.memory_space<vmem>> -> memref<8192xf32, #tpu.memory_space<vmem>>
          tpu.vector_store_idx %parallel_loop3A_1354[%parallel_loop3A_1351], %parallel_loop3A_1347 : memref<8192xf32, #tpu.memory_space<vmem>>[vector<16xi32>], vector<16xf32>,
          %parallel_loop3A_1355 = arith.constant 16 : i32
          %parallel_loop3A_1356 = vector.broadcast %parallel_loop3A_1355 : i32 to vector<16xi32>
          %parallel_loop3A_1357 = arith.addi %and3A_37, %parallel_loop3A_1356 : vector<16xi32>
          %parallel_loop3A_1358 = arith.constant 0 : i32
          %parallel_loop3A_1359 = arith.constant 0 : i32
          %parallel_loop3A_1360 = tpu.memref_slice %arg8[%rem3A_888, %parallel_loop3A_1358, %parallel_loop3A_1359] : memref<8x128x64xf32, #tpu.memory_space<vmem>> -> memref<1x128x64xf32, #tpu.memory_space<vmem>>
          %parallel_loop3A_1361 = tpu.memref_squeeze %parallel_loop3A_1360 : memref<1x128x64xf32, #tpu.memory_space<vmem>> -> memref<128x64xf32, #tpu.memory_space<vmem>>
          %parallel_loop3A_1362 = tpu.vector_load_idx %parallel_loop3A_1361[%parallel_loop3A_1039, %parallel_loop3A_1357] : memref<128x64xf32, #tpu.memory_space<vmem>>[vector<16xi32>, vector<16xi32>], vector<16xf32>,
          %parallel_loop3A_1363 = arith.constant 2048 : i32
          %parallel_loop3A_1364 = arith.addi %parallel_loop3A_1363, %parallel_loop3A_1037 : i32
          %parallel_loop3A_1365 = vector.broadcast %parallel_loop3A_1364 : i32 to vector<16xi32>
          %parallel_loop3A_1366 = arith.addi %add3A_157, %parallel_loop3A_1365 : vector<16xi32>
          %parallel_loop3A_1367 = arith.constant 0 : i32
          %parallel_loop3A_1368 = tpu.memref_slice %arg9[%rem3A_892, %parallel_loop3A_1367] : memref<4x8192xf32, #tpu.memory_space<vmem>> -> memref<1x8192xf32, #tpu.memory_space<vmem>>
          %parallel_loop3A_1369 = tpu.memref_squeeze %parallel_loop3A_1368 : memref<1x8192xf32, #tpu.memory_space<vmem>> -> memref<8192xf32, #tpu.memory_space<vmem>>
          tpu.vector_store_idx %parallel_loop3A_1369[%parallel_loop3A_1366], %parallel_loop3A_1362 : memref<8192xf32, #tpu.memory_space<vmem>>[vector<16xi32>], vector<16xf32>,
          %parallel_loop3A_1370 = arith.constant 16 : i32
          %parallel_loop3A_1371 = vector.broadcast %parallel_loop3A_1370 : i32 to vector<16xi32>
          %parallel_loop3A_1372 = arith.addi %and3A_43, %parallel_loop3A_1371 : vector<16xi32>
          %parallel_loop3A_1373 = arith.constant 0 : i32
          %parallel_loop3A_1374 = arith.constant 0 : i32
          %parallel_loop3A_1375 = tpu.memref_slice %arg8[%rem3A_888, %parallel_loop3A_1373, %parallel_loop3A_1374] : memref<8x128x64xf32, #tpu.memory_space<vmem>> -> memref<1x128x64xf32, #tpu.memory_space<vmem>>
          %parallel_loop3A_1376 = tpu.memref_squeeze %parallel_loop3A_1375 : memref<1x128x64xf32, #tpu.memory_space<vmem>> -> memref<128x64xf32, #tpu.memory_space<vmem>>
          %parallel_loop3A_1377 = tpu.vector_load_idx %parallel_loop3A_1376[%parallel_loop3A_1039, %parallel_loop3A_1372] : memref<128x64xf32, #tpu.memory_space<vmem>>[vector<16xi32>, vector<16xi32>], vector<16xf32>,
          %parallel_loop3A_1378 = arith.constant 2048 : i32
          %parallel_loop3A_1379 = arith.addi %parallel_loop3A_1378, %parallel_loop3A_1037 : i32
          %parallel_loop3A_1380 = vector.broadcast %parallel_loop3A_1379 : i32 to vector<16xi32>
          %parallel_loop3A_1381 = arith.addi %add3A_167, %parallel_loop3A_1380 : vector<16xi32>
          %parallel_loop3A_1382 = arith.constant 0 : i32
          %parallel_loop3A_1383 = tpu.memref_slice %arg9[%rem3A_892, %parallel_loop3A_1382] : memref<4x8192xf32, #tpu.memory_space<vmem>> -> memref<1x8192xf32, #tpu.memory_space<vmem>>
          %parallel_loop3A_1384 = tpu.memref_squeeze %parallel_loop3A_1383 : memref<1x8192xf32, #tpu.memory_space<vmem>> -> memref<8192xf32, #tpu.memory_space<vmem>>
          tpu.vector_store_idx %parallel_loop3A_1384[%parallel_loop3A_1381], %parallel_loop3A_1377 : memref<8192xf32, #tpu.memory_space<vmem>>[vector<16xi32>], vector<16xf32>,
          %parallel_loop3A_1385 = arith.constant 16 : i32
          %parallel_loop3A_1386 = vector.broadcast %parallel_loop3A_1385 : i32 to vector<16xi32>
          %parallel_loop3A_1387 = arith.addi %and3A_49, %parallel_loop3A_1386 : vector<16xi32>
          %parallel_loop3A_1388 = arith.constant 0 : i32
          %parallel_loop3A_1389 = arith.constant 0 : i32
          %parallel_loop3A_1390 = tpu.memref_slice %arg8[%rem3A_888, %parallel_loop3A_1388, %parallel_loop3A_1389] : memref<8x128x64xf32, #tpu.memory_space<vmem>> -> memref<1x128x64xf32, #tpu.memory_space<vmem>>
          %parallel_loop3A_1391 = tpu.memref_squeeze %parallel_loop3A_1390 : memref<1x128x64xf32, #tpu.memory_space<vmem>> -> memref<128x64xf32, #tpu.memory_space<vmem>>
          %parallel_loop3A_1392 = tpu.vector_load_idx %parallel_loop3A_1391[%parallel_loop3A_1039, %parallel_loop3A_1387] : memref<128x64xf32, #tpu.memory_space<vmem>>[vector<16xi32>, vector<16xi32>], vector<16xf32>,
          %parallel_loop3A_1393 = arith.constant 2048 : i32
          %parallel_loop3A_1394 = arith.addi %parallel_loop3A_1393, %parallel_loop3A_1037 : i32
          %parallel_loop3A_1395 = vector.broadcast %parallel_loop3A_1394 : i32 to vector<16xi32>
          %parallel_loop3A_1396 = arith.addi %add3A_177, %parallel_loop3A_1395 : vector<16xi32>
          %parallel_loop3A_1397 = arith.constant 0 : i32
          %parallel_loop3A_1398 = tpu.memref_slice %arg9[%rem3A_892, %parallel_loop3A_1397] : memref<4x8192xf32, #tpu.memory_space<vmem>> -> memref<1x8192xf32, #tpu.memory_space<vmem>>
          %parallel_loop3A_1399 = tpu.memref_squeeze %parallel_loop3A_1398 : memref<1x8192xf32, #tpu.memory_space<vmem>> -> memref<8192xf32, #tpu.memory_space<vmem>>
          tpu.vector_store_idx %parallel_loop3A_1399[%parallel_loop3A_1396], %parallel_loop3A_1392 : memref<8192xf32, #tpu.memory_space<vmem>>[vector<16xi32>], vector<16xf32>,
          %parallel_loop3A_1400 = arith.constant 16 : i32
          %parallel_loop3A_1401 = vector.broadcast %parallel_loop3A_1400 : i32 to vector<16xi32>
          %parallel_loop3A_1402 = arith.addi %and3A_55, %parallel_loop3A_1401 : vector<16xi32>
          %parallel_loop3A_1403 = arith.constant 0 : i32
          %parallel_loop3A_1404 = arith.constant 0 : i32
          %parallel_loop3A_1405 = tpu.memref_slice %arg8[%rem3A_888, %parallel_loop3A_1403, %parallel_loop3A_1404] : memref<8x128x64xf32, #tpu.memory_space<vmem>> -> memref<1x128x64xf32, #tpu.memory_space<vmem>>
          %parallel_loop3A_1406 = tpu.memref_squeeze %parallel_loop3A_1405 : memref<1x128x64xf32, #tpu.memory_space<vmem>> -> memref<128x64xf32, #tpu.memory_space<vmem>>
          %parallel_loop3A_1407 = tpu.vector_load_idx %parallel_loop3A_1406[%parallel_loop3A_1039, %parallel_loop3A_1402] : memref<128x64xf32, #tpu.memory_space<vmem>>[vector<16xi32>, vector<16xi32>], vector<16xf32>,
          %parallel_loop3A_1408 = arith.constant 2048 : i32
          %parallel_loop3A_1409 = arith.addi %parallel_loop3A_1408, %parallel_loop3A_1037 : i32
          %parallel_loop3A_1410 = vector.broadcast %parallel_loop3A_1409 : i32 to vector<16xi32>
          %parallel_loop3A_1411 = arith.addi %add3A_187, %parallel_loop3A_1410 : vector<16xi32>
          %parallel_loop3A_1412 = arith.constant 0 : i32
          %parallel_loop3A_1413 = tpu.memref_slice %arg9[%rem3A_892, %parallel_loop3A_1412] : memref<4x8192xf32, #tpu.memory_space<vmem>> -> memref<1x8192xf32, #tpu.memory_space<vmem>>
          %parallel_loop3A_1414 = tpu.memref_squeeze %parallel_loop3A_1413 : memref<1x8192xf32, #tpu.memory_space<vmem>> -> memref<8192xf32, #tpu.memory_space<vmem>>
          tpu.vector_store_idx %parallel_loop3A_1414[%parallel_loop3A_1411], %parallel_loop3A_1407 : memref<8192xf32, #tpu.memory_space<vmem>>[vector<16xi32>], vector<16xf32>,
          %parallel_loop3A_1415 = arith.constant 16 : i32
          %parallel_loop3A_1416 = vector.broadcast %parallel_loop3A_1415 : i32 to vector<16xi32>
          %parallel_loop3A_1417 = arith.addi %and3A_61, %parallel_loop3A_1416 : vector<16xi32>
          %parallel_loop3A_1418 = arith.constant 0 : i32
          %parallel_loop3A_1419 = arith.constant 0 : i32
          %parallel_loop3A_1420 = tpu.memref_slice %arg8[%rem3A_888, %parallel_loop3A_1418, %parallel_loop3A_1419] : memref<8x128x64xf32, #tpu.memory_space<vmem>> -> memref<1x128x64xf32, #tpu.memory_space<vmem>>
          %parallel_loop3A_1421 = tpu.memref_squeeze %parallel_loop3A_1420 : memref<1x128x64xf32, #tpu.memory_space<vmem>> -> memref<128x64xf32, #tpu.memory_space<vmem>>
          %parallel_loop3A_1422 = tpu.vector_load_idx %parallel_loop3A_1421[%parallel_loop3A_1039, %parallel_loop3A_1417] : memref<128x64xf32, #tpu.memory_space<vmem>>[vector<16xi32>, vector<16xi32>], vector<16xf32>,
          %parallel_loop3A_1423 = arith.constant 2048 : i32
          %parallel_loop3A_1424 = arith.addi %parallel_loop3A_1423, %parallel_loop3A_1037 : i32
          %parallel_loop3A_1425 = vector.broadcast %parallel_loop3A_1424 : i32 to vector<16xi32>
          %parallel_loop3A_1426 = arith.addi %add3A_197, %parallel_loop3A_1425 : vector<16xi32>
          %parallel_loop3A_1427 = arith.constant 0 : i32
          %parallel_loop3A_1428 = tpu.memref_slice %arg9[%rem3A_892, %parallel_loop3A_1427] : memref<4x8192xf32, #tpu.memory_space<vmem>> -> memref<1x8192xf32, #tpu.memory_space<vmem>>
          %parallel_loop3A_1429 = tpu.memref_squeeze %parallel_loop3A_1428 : memref<1x8192xf32, #tpu.memory_space<vmem>> -> memref<8192xf32, #tpu.memory_space<vmem>>
          tpu.vector_store_idx %parallel_loop3A_1429[%parallel_loop3A_1426], %parallel_loop3A_1422 : memref<8192xf32, #tpu.memory_space<vmem>>[vector<16xi32>], vector<16xf32>,
          %parallel_loop3A_1430 = arith.constant 16 : i32
          %parallel_loop3A_1431 = vector.broadcast %parallel_loop3A_1430 : i32 to vector<16xi32>
          %parallel_loop3A_1432 = arith.addi %and3A_67, %parallel_loop3A_1431 : vector<16xi32>
          %parallel_loop3A_1433 = arith.constant 0 : i32
          %parallel_loop3A_1434 = arith.constant 0 : i32
          %parallel_loop3A_1435 = tpu.memref_slice %arg8[%rem3A_888, %parallel_loop3A_1433, %parallel_loop3A_1434] : memref<8x128x64xf32, #tpu.memory_space<vmem>> -> memref<1x128x64xf32, #tpu.memory_space<vmem>>
          %parallel_loop3A_1436 = tpu.memref_squeeze %parallel_loop3A_1435 : memref<1x128x64xf32, #tpu.memory_space<vmem>> -> memref<128x64xf32, #tpu.memory_space<vmem>>
          %parallel_loop3A_1437 = tpu.vector_load_idx %parallel_loop3A_1436[%parallel_loop3A_1039, %parallel_loop3A_1432] : memref<128x64xf32, #tpu.memory_space<vmem>>[vector<16xi32>, vector<16xi32>], vector<16xf32>,
          %parallel_loop3A_1438 = arith.constant 2048 : i32
          %parallel_loop3A_1439 = arith.addi %parallel_loop3A_1438, %parallel_loop3A_1037 : i32
          %parallel_loop3A_1440 = vector.broadcast %parallel_loop3A_1439 : i32 to vector<16xi32>
          %parallel_loop3A_1441 = arith.addi %add3A_207, %parallel_loop3A_1440 : vector<16xi32>
          %parallel_loop3A_1442 = arith.constant 0 : i32
          %parallel_loop3A_1443 = tpu.memref_slice %arg9[%rem3A_892, %parallel_loop3A_1442] : memref<4x8192xf32, #tpu.memory_space<vmem>> -> memref<1x8192xf32, #tpu.memory_space<vmem>>
          %parallel_loop3A_1444 = tpu.memref_squeeze %parallel_loop3A_1443 : memref<1x8192xf32, #tpu.memory_space<vmem>> -> memref<8192xf32, #tpu.memory_space<vmem>>
          tpu.vector_store_idx %parallel_loop3A_1444[%parallel_loop3A_1441], %parallel_loop3A_1437 : memref<8192xf32, #tpu.memory_space<vmem>>[vector<16xi32>], vector<16xf32>,
          %parallel_loop3A_1445 = arith.constant 16 : i32
          %parallel_loop3A_1446 = vector.broadcast %parallel_loop3A_1445 : i32 to vector<16xi32>
          %parallel_loop3A_1447 = arith.addi %and3A_73, %parallel_loop3A_1446 : vector<16xi32>
          %parallel_loop3A_1448 = arith.constant 0 : i32
          %parallel_loop3A_1449 = arith.constant 0 : i32
          %parallel_loop3A_1450 = tpu.memref_slice %arg8[%rem3A_888, %parallel_loop3A_1448, %parallel_loop3A_1449] : memref<8x128x64xf32, #tpu.memory_space<vmem>> -> memref<1x128x64xf32, #tpu.memory_space<vmem>>
          %parallel_loop3A_1451 = tpu.memref_squeeze %parallel_loop3A_1450 : memref<1x128x64xf32, #tpu.memory_space<vmem>> -> memref<128x64xf32, #tpu.memory_space<vmem>>
          %parallel_loop3A_1452 = tpu.vector_load_idx %parallel_loop3A_1451[%parallel_loop3A_1039, %parallel_loop3A_1447] : memref<128x64xf32, #tpu.memory_space<vmem>>[vector<16xi32>, vector<16xi32>], vector<16xf32>,
          %parallel_loop3A_1453 = arith.constant 2048 : i32
          %parallel_loop3A_1454 = arith.addi %parallel_loop3A_1453, %parallel_loop3A_1037 : i32
          %parallel_loop3A_1455 = vector.broadcast %parallel_loop3A_1454 : i32 to vector<16xi32>
          %parallel_loop3A_1456 = arith.addi %add3A_217, %parallel_loop3A_1455 : vector<16xi32>
          %parallel_loop3A_1457 = arith.constant 0 : i32
          %parallel_loop3A_1458 = tpu.memref_slice %arg9[%rem3A_892, %parallel_loop3A_1457] : memref<4x8192xf32, #tpu.memory_space<vmem>> -> memref<1x8192xf32, #tpu.memory_space<vmem>>
          %parallel_loop3A_1459 = tpu.memref_squeeze %parallel_loop3A_1458 : memref<1x8192xf32, #tpu.memory_space<vmem>> -> memref<8192xf32, #tpu.memory_space<vmem>>
          tpu.vector_store_idx %parallel_loop3A_1459[%parallel_loop3A_1456], %parallel_loop3A_1452 : memref<8192xf32, #tpu.memory_space<vmem>>[vector<16xi32>], vector<16xf32>,
          %parallel_loop3A_1460 = arith.constant 16 : i32
          %parallel_loop3A_1461 = vector.broadcast %parallel_loop3A_1460 : i32 to vector<16xi32>
          %parallel_loop3A_1462 = arith.addi %and3A_79, %parallel_loop3A_1461 : vector<16xi32>
          %parallel_loop3A_1463 = arith.constant 0 : i32
          %parallel_loop3A_1464 = arith.constant 0 : i32
          %parallel_loop3A_1465 = tpu.memref_slice %arg8[%rem3A_888, %parallel_loop3A_1463, %parallel_loop3A_1464] : memref<8x128x64xf32, #tpu.memory_space<vmem>> -> memref<1x128x64xf32, #tpu.memory_space<vmem>>
          %parallel_loop3A_1466 = tpu.memref_squeeze %parallel_loop3A_1465 : memref<1x128x64xf32, #tpu.memory_space<vmem>> -> memref<128x64xf32, #tpu.memory_space<vmem>>
          %parallel_loop3A_1467 = tpu.vector_load_idx %parallel_loop3A_1466[%parallel_loop3A_1039, %parallel_loop3A_1462] : memref<128x64xf32, #tpu.memory_space<vmem>>[vector<16xi32>, vector<16xi32>], vector<16xf32>,
          %parallel_loop3A_1468 = arith.constant 2048 : i32
          %parallel_loop3A_1469 = arith.addi %parallel_loop3A_1468, %parallel_loop3A_1037 : i32
          %parallel_loop3A_1470 = vector.broadcast %parallel_loop3A_1469 : i32 to vector<16xi32>
          %parallel_loop3A_1471 = arith.addi %add3A_227, %parallel_loop3A_1470 : vector<16xi32>
          %parallel_loop3A_1472 = arith.constant 0 : i32
          %parallel_loop3A_1473 = tpu.memref_slice %arg9[%rem3A_892, %parallel_loop3A_1472] : memref<4x8192xf32, #tpu.memory_space<vmem>> -> memref<1x8192xf32, #tpu.memory_space<vmem>>
          %parallel_loop3A_1474 = tpu.memref_squeeze %parallel_loop3A_1473 : memref<1x8192xf32, #tpu.memory_space<vmem>> -> memref<8192xf32, #tpu.memory_space<vmem>>
          tpu.vector_store_idx %parallel_loop3A_1474[%parallel_loop3A_1471], %parallel_loop3A_1467 : memref<8192xf32, #tpu.memory_space<vmem>>[vector<16xi32>], vector<16xf32>,
          %parallel_loop3A_1475 = arith.constant 16 : i32
          %parallel_loop3A_1476 = vector.broadcast %parallel_loop3A_1475 : i32 to vector<16xi32>
          %parallel_loop3A_1477 = arith.addi %and3A_85, %parallel_loop3A_1476 : vector<16xi32>
          %parallel_loop3A_1478 = arith.constant 0 : i32
          %parallel_loop3A_1479 = arith.constant 0 : i32
          %parallel_loop3A_1480 = tpu.memref_slice %arg8[%rem3A_888, %parallel_loop3A_1478, %parallel_loop3A_1479] : memref<8x128x64xf32, #tpu.memory_space<vmem>> -> memref<1x128x64xf32, #tpu.memory_space<vmem>>
          %parallel_loop3A_1481 = tpu.memref_squeeze %parallel_loop3A_1480 : memref<1x128x64xf32, #tpu.memory_space<vmem>> -> memref<128x64xf32, #tpu.memory_space<vmem>>
          %parallel_loop3A_1482 = tpu.vector_load_idx %parallel_loop3A_1481[%parallel_loop3A_1039, %parallel_loop3A_1477] : memref<128x64xf32, #tpu.memory_space<vmem>>[vector<16xi32>, vector<16xi32>], vector<16xf32>,
          %parallel_loop3A_1483 = arith.constant 2048 : i32
          %parallel_loop3A_1484 = arith.addi %parallel_loop3A_1483, %parallel_loop3A_1037 : i32
          %parallel_loop3A_1485 = vector.broadcast %parallel_loop3A_1484 : i32 to vector<16xi32>
          %parallel_loop3A_1486 = arith.addi %add3A_237, %parallel_loop3A_1485 : vector<16xi32>
          %parallel_loop3A_1487 = arith.constant 0 : i32
          %parallel_loop3A_1488 = tpu.memref_slice %arg9[%rem3A_892, %parallel_loop3A_1487] : memref<4x8192xf32, #tpu.memory_space<vmem>> -> memref<1x8192xf32, #tpu.memory_space<vmem>>
          %parallel_loop3A_1489 = tpu.memref_squeeze %parallel_loop3A_1488 : memref<1x8192xf32, #tpu.memory_space<vmem>> -> memref<8192xf32, #tpu.memory_space<vmem>>
          tpu.vector_store_idx %parallel_loop3A_1489[%parallel_loop3A_1486], %parallel_loop3A_1482 : memref<8192xf32, #tpu.memory_space<vmem>>[vector<16xi32>], vector<16xf32>,
          %parallel_loop3A_1490 = arith.constant 16 : i32
          %parallel_loop3A_1491 = vector.broadcast %parallel_loop3A_1490 : i32 to vector<16xi32>
          %parallel_loop3A_1492 = arith.addi %and3A_91, %parallel_loop3A_1491 : vector<16xi32>
          %parallel_loop3A_1493 = arith.constant 0 : i32
          %parallel_loop3A_1494 = arith.constant 0 : i32
          %parallel_loop3A_1495 = tpu.memref_slice %arg8[%rem3A_888, %parallel_loop3A_1493, %parallel_loop3A_1494] : memref<8x128x64xf32, #tpu.memory_space<vmem>> -> memref<1x128x64xf32, #tpu.memory_space<vmem>>
          %parallel_loop3A_1496 = tpu.memref_squeeze %parallel_loop3A_1495 : memref<1x128x64xf32, #tpu.memory_space<vmem>> -> memref<128x64xf32, #tpu.memory_space<vmem>>
          %parallel_loop3A_1497 = tpu.vector_load_idx %parallel_loop3A_1496[%parallel_loop3A_1039, %parallel_loop3A_1492] : memref<128x64xf32, #tpu.memory_space<vmem>>[vector<16xi32>, vector<16xi32>], vector<16xf32>,
          %parallel_loop3A_1498 = arith.constant 2048 : i32
          %parallel_loop3A_1499 = arith.addi %parallel_loop3A_1498, %parallel_loop3A_1037 : i32
          %parallel_loop3A_1500 = vector.broadcast %parallel_loop3A_1499 : i32 to vector<16xi32>
          %parallel_loop3A_1501 = arith.addi %add3A_247, %parallel_loop3A_1500 : vector<16xi32>
          %parallel_loop3A_1502 = arith.constant 0 : i32
          %parallel_loop3A_1503 = tpu.memref_slice %arg9[%rem3A_892, %parallel_loop3A_1502] : memref<4x8192xf32, #tpu.memory_space<vmem>> -> memref<1x8192xf32, #tpu.memory_space<vmem>>
          %parallel_loop3A_1504 = tpu.memref_squeeze %parallel_loop3A_1503 : memref<1x8192xf32, #tpu.memory_space<vmem>> -> memref<8192xf32, #tpu.memory_space<vmem>>
          tpu.vector_store_idx %parallel_loop3A_1504[%parallel_loop3A_1501], %parallel_loop3A_1497 : memref<8192xf32, #tpu.memory_space<vmem>>[vector<16xi32>], vector<16xf32>,
          %parallel_loop3A_1505 = arith.constant 16 : i32
          %parallel_loop3A_1506 = vector.broadcast %parallel_loop3A_1505 : i32 to vector<16xi32>
          %parallel_loop3A_1507 = arith.addi %and3A_97, %parallel_loop3A_1506 : vector<16xi32>
          %parallel_loop3A_1508 = arith.constant 0 : i32
          %parallel_loop3A_1509 = arith.constant 0 : i32
          %parallel_loop3A_1510 = tpu.memref_slice %arg8[%rem3A_888, %parallel_loop3A_1508, %parallel_loop3A_1509] : memref<8x128x64xf32, #tpu.memory_space<vmem>> -> memref<1x128x64xf32, #tpu.memory_space<vmem>>
          %parallel_loop3A_1511 = tpu.memref_squeeze %parallel_loop3A_1510 : memref<1x128x64xf32, #tpu.memory_space<vmem>> -> memref<128x64xf32, #tpu.memory_space<vmem>>
          %parallel_loop3A_1512 = tpu.vector_load_idx %parallel_loop3A_1511[%parallel_loop3A_1039, %parallel_loop3A_1507] : memref<128x64xf32, #tpu.memory_space<vmem>>[vector<16xi32>, vector<16xi32>], vector<16xf32>,
          %parallel_loop3A_1513 = arith.constant 2048 : i32
          %parallel_loop3A_1514 = arith.addi %parallel_loop3A_1513, %parallel_loop3A_1037 : i32
          %parallel_loop3A_1515 = vector.broadcast %parallel_loop3A_1514 : i32 to vector<16xi32>
          %parallel_loop3A_1516 = arith.addi %add3A_257, %parallel_loop3A_1515 : vector<16xi32>
          %parallel_loop3A_1517 = arith.constant 0 : i32
          %parallel_loop3A_1518 = tpu.memref_slice %arg9[%rem3A_892, %parallel_loop3A_1517] : memref<4x8192xf32, #tpu.memory_space<vmem>> -> memref<1x8192xf32, #tpu.memory_space<vmem>>
          %parallel_loop3A_1519 = tpu.memref_squeeze %parallel_loop3A_1518 : memref<1x8192xf32, #tpu.memory_space<vmem>> -> memref<8192xf32, #tpu.memory_space<vmem>>
          tpu.vector_store_idx %parallel_loop3A_1519[%parallel_loop3A_1516], %parallel_loop3A_1512 : memref<8192xf32, #tpu.memory_space<vmem>>[vector<16xi32>], vector<16xf32>,
          %parallel_loop3A_1520 = arith.constant 32 : i32
          %parallel_loop3A_1521 = vector.broadcast %parallel_loop3A_1520 : i32 to vector<16xi32>
          %parallel_loop3A_1522 = arith.addi %and3A_7, %parallel_loop3A_1521 : vector<16xi32>
          %parallel_loop3A_1523 = arith.constant 0 : i32
          %parallel_loop3A_1524 = arith.constant 0 : i32
          %parallel_loop3A_1525 = tpu.memref_slice %arg8[%rem3A_888, %parallel_loop3A_1523, %parallel_loop3A_1524] : memref<8x128x64xf32, #tpu.memory_space<vmem>> -> memref<1x128x64xf32, #tpu.memory_space<vmem>>
          %parallel_loop3A_1526 = tpu.memref_squeeze %parallel_loop3A_1525 : memref<1x128x64xf32, #tpu.memory_space<vmem>> -> memref<128x64xf32, #tpu.memory_space<vmem>>
          %parallel_loop3A_1527 = tpu.vector_load_idx %parallel_loop3A_1526[%parallel_loop3A_1039, %parallel_loop3A_1522] : memref<128x64xf32, #tpu.memory_space<vmem>>[vector<16xi32>, vector<16xi32>], vector<16xf32>,
          %parallel_loop3A_1528 = arith.constant 4096 : i32
          %parallel_loop3A_1529 = arith.addi %parallel_loop3A_1528, %parallel_loop3A_1037 : i32
          %parallel_loop3A_1530 = vector.broadcast %parallel_loop3A_1529 : i32 to vector<16xi32>
          %parallel_loop3A_1531 = arith.addi %add3A_107, %parallel_loop3A_1530 : vector<16xi32>
          %parallel_loop3A_1532 = arith.constant 0 : i32
          %parallel_loop3A_1533 = tpu.memref_slice %arg9[%rem3A_892, %parallel_loop3A_1532] : memref<4x8192xf32, #tpu.memory_space<vmem>> -> memref<1x8192xf32, #tpu.memory_space<vmem>>
          %parallel_loop3A_1534 = tpu.memref_squeeze %parallel_loop3A_1533 : memref<1x8192xf32, #tpu.memory_space<vmem>> -> memref<8192xf32, #tpu.memory_space<vmem>>
          tpu.vector_store_idx %parallel_loop3A_1534[%parallel_loop3A_1531], %parallel_loop3A_1527 : memref<8192xf32, #tpu.memory_space<vmem>>[vector<16xi32>], vector<16xf32>,
          %parallel_loop3A_1535 = arith.constant 32 : i32
          %parallel_loop3A_1536 = vector.broadcast %parallel_loop3A_1535 : i32 to vector<16xi32>
          %parallel_loop3A_1537 = arith.addi %and3A_13, %parallel_loop3A_1536 : vector<16xi32>
          %parallel_loop3A_1538 = arith.constant 0 : i32
          %parallel_loop3A_1539 = arith.constant 0 : i32
          %parallel_loop3A_1540 = tpu.memref_slice %arg8[%rem3A_888, %parallel_loop3A_1538, %parallel_loop3A_1539] : memref<8x128x64xf32, #tpu.memory_space<vmem>> -> memref<1x128x64xf32, #tpu.memory_space<vmem>>
          %parallel_loop3A_1541 = tpu.memref_squeeze %parallel_loop3A_1540 : memref<1x128x64xf32, #tpu.memory_space<vmem>> -> memref<128x64xf32, #tpu.memory_space<vmem>>
          %parallel_loop3A_1542 = tpu.vector_load_idx %parallel_loop3A_1541[%parallel_loop3A_1039, %parallel_loop3A_1537] : memref<128x64xf32, #tpu.memory_space<vmem>>[vector<16xi32>, vector<16xi32>], vector<16xf32>,
          %parallel_loop3A_1543 = arith.constant 4096 : i32
          %parallel_loop3A_1544 = arith.addi %parallel_loop3A_1543, %parallel_loop3A_1037 : i32
          %parallel_loop3A_1545 = vector.broadcast %parallel_loop3A_1544 : i32 to vector<16xi32>
          %parallel_loop3A_1546 = arith.addi %add3A_117, %parallel_loop3A_1545 : vector<16xi32>
          %parallel_loop3A_1547 = arith.constant 0 : i32
          %parallel_loop3A_1548 = tpu.memref_slice %arg9[%rem3A_892, %parallel_loop3A_1547] : memref<4x8192xf32, #tpu.memory_space<vmem>> -> memref<1x8192xf32, #tpu.memory_space<vmem>>
          %parallel_loop3A_1549 = tpu.memref_squeeze %parallel_loop3A_1548 : memref<1x8192xf32, #tpu.memory_space<vmem>> -> memref<8192xf32, #tpu.memory_space<vmem>>
          tpu.vector_store_idx %parallel_loop3A_1549[%parallel_loop3A_1546], %parallel_loop3A_1542 : memref<8192xf32, #tpu.memory_space<vmem>>[vector<16xi32>], vector<16xf32>,
          %parallel_loop3A_1550 = arith.constant 32 : i32
          %parallel_loop3A_1551 = vector.broadcast %parallel_loop3A_1550 : i32 to vector<16xi32>
          %parallel_loop3A_1552 = arith.addi %and3A_19, %parallel_loop3A_1551 : vector<16xi32>
          %parallel_loop3A_1553 = arith.constant 0 : i32
          %parallel_loop3A_1554 = arith.constant 0 : i32
          %parallel_loop3A_1555 = tpu.memref_slice %arg8[%rem3A_888, %parallel_loop3A_1553, %parallel_loop3A_1554] : memref<8x128x64xf32, #tpu.memory_space<vmem>> -> memref<1x128x64xf32, #tpu.memory_space<vmem>>
          %parallel_loop3A_1556 = tpu.memref_squeeze %parallel_loop3A_1555 : memref<1x128x64xf32, #tpu.memory_space<vmem>> -> memref<128x64xf32, #tpu.memory_space<vmem>>
          %parallel_loop3A_1557 = tpu.vector_load_idx %parallel_loop3A_1556[%parallel_loop3A_1039, %parallel_loop3A_1552] : memref<128x64xf32, #tpu.memory_space<vmem>>[vector<16xi32>, vector<16xi32>], vector<16xf32>,
          %parallel_loop3A_1558 = arith.constant 4096 : i32
          %parallel_loop3A_1559 = arith.addi %parallel_loop3A_1558, %parallel_loop3A_1037 : i32
          %parallel_loop3A_1560 = vector.broadcast %parallel_loop3A_1559 : i32 to vector<16xi32>
          %parallel_loop3A_1561 = arith.addi %add3A_127, %parallel_loop3A_1560 : vector<16xi32>
          %parallel_loop3A_1562 = arith.constant 0 : i32
          %parallel_loop3A_1563 = tpu.memref_slice %arg9[%rem3A_892, %parallel_loop3A_1562] : memref<4x8192xf32, #tpu.memory_space<vmem>> -> memref<1x8192xf32, #tpu.memory_space<vmem>>
          %parallel_loop3A_1564 = tpu.memref_squeeze %parallel_loop3A_1563 : memref<1x8192xf32, #tpu.memory_space<vmem>> -> memref<8192xf32, #tpu.memory_space<vmem>>
          tpu.vector_store_idx %parallel_loop3A_1564[%parallel_loop3A_1561], %parallel_loop3A_1557 : memref<8192xf32, #tpu.memory_space<vmem>>[vector<16xi32>], vector<16xf32>,
          %parallel_loop3A_1565 = arith.constant 32 : i32
          %parallel_loop3A_1566 = vector.broadcast %parallel_loop3A_1565 : i32 to vector<16xi32>
          %parallel_loop3A_1567 = arith.addi %and3A_25, %parallel_loop3A_1566 : vector<16xi32>
          %parallel_loop3A_1568 = arith.constant 0 : i32
          %parallel_loop3A_1569 = arith.constant 0 : i32
          %parallel_loop3A_1570 = tpu.memref_slice %arg8[%rem3A_888, %parallel_loop3A_1568, %parallel_loop3A_1569] : memref<8x128x64xf32, #tpu.memory_space<vmem>> -> memref<1x128x64xf32, #tpu.memory_space<vmem>>
          %parallel_loop3A_1571 = tpu.memref_squeeze %parallel_loop3A_1570 : memref<1x128x64xf32, #tpu.memory_space<vmem>> -> memref<128x64xf32, #tpu.memory_space<vmem>>
          %parallel_loop3A_1572 = tpu.vector_load_idx %parallel_loop3A_1571[%parallel_loop3A_1039, %parallel_loop3A_1567] : memref<128x64xf32, #tpu.memory_space<vmem>>[vector<16xi32>, vector<16xi32>], vector<16xf32>,
          %parallel_loop3A_1573 = arith.constant 4096 : i32
          %parallel_loop3A_1574 = arith.addi %parallel_loop3A_1573, %parallel_loop3A_1037 : i32
          %parallel_loop3A_1575 = vector.broadcast %parallel_loop3A_1574 : i32 to vector<16xi32>
          %parallel_loop3A_1576 = arith.addi %add3A_137, %parallel_loop3A_1575 : vector<16xi32>
          %parallel_loop3A_1577 = arith.constant 0 : i32
          %parallel_loop3A_1578 = tpu.memref_slice %arg9[%rem3A_892, %parallel_loop3A_1577] : memref<4x8192xf32, #tpu.memory_space<vmem>> -> memref<1x8192xf32, #tpu.memory_space<vmem>>
          %parallel_loop3A_1579 = tpu.memref_squeeze %parallel_loop3A_1578 : memref<1x8192xf32, #tpu.memory_space<vmem>> -> memref<8192xf32, #tpu.memory_space<vmem>>
          tpu.vector_store_idx %parallel_loop3A_1579[%parallel_loop3A_1576], %parallel_loop3A_1572 : memref<8192xf32, #tpu.memory_space<vmem>>[vector<16xi32>], vector<16xf32>,
          %parallel_loop3A_1580 = arith.constant 32 : i32
          %parallel_loop3A_1581 = vector.broadcast %parallel_loop3A_1580 : i32 to vector<16xi32>
          %parallel_loop3A_1582 = arith.addi %and3A_31, %parallel_loop3A_1581 : vector<16xi32>
          %parallel_loop3A_1583 = arith.constant 0 : i32
          %parallel_loop3A_1584 = arith.constant 0 : i32
          %parallel_loop3A_1585 = tpu.memref_slice %arg8[%rem3A_888, %parallel_loop3A_1583, %parallel_loop3A_1584] : memref<8x128x64xf32, #tpu.memory_space<vmem>> -> memref<1x128x64xf32, #tpu.memory_space<vmem>>
          %parallel_loop3A_1586 = tpu.memref_squeeze %parallel_loop3A_1585 : memref<1x128x64xf32, #tpu.memory_space<vmem>> -> memref<128x64xf32, #tpu.memory_space<vmem>>
          %parallel_loop3A_1587 = tpu.vector_load_idx %parallel_loop3A_1586[%parallel_loop3A_1039, %parallel_loop3A_1582] : memref<128x64xf32, #tpu.memory_space<vmem>>[vector<16xi32>, vector<16xi32>], vector<16xf32>,
          %parallel_loop3A_1588 = arith.constant 4096 : i32
          %parallel_loop3A_1589 = arith.addi %parallel_loop3A_1588, %parallel_loop3A_1037 : i32
          %parallel_loop3A_1590 = vector.broadcast %parallel_loop3A_1589 : i32 to vector<16xi32>
          %parallel_loop3A_1591 = arith.addi %add3A_147, %parallel_loop3A_1590 : vector<16xi32>
          %parallel_loop3A_1592 = arith.constant 0 : i32
          %parallel_loop3A_1593 = tpu.memref_slice %arg9[%rem3A_892, %parallel_loop3A_1592] : memref<4x8192xf32, #tpu.memory_space<vmem>> -> memref<1x8192xf32, #tpu.memory_space<vmem>>
          %parallel_loop3A_1594 = tpu.memref_squeeze %parallel_loop3A_1593 : memref<1x8192xf32, #tpu.memory_space<vmem>> -> memref<8192xf32, #tpu.memory_space<vmem>>
          tpu.vector_store_idx %parallel_loop3A_1594[%parallel_loop3A_1591], %parallel_loop3A_1587 : memref<8192xf32, #tpu.memory_space<vmem>>[vector<16xi32>], vector<16xf32>,
          %parallel_loop3A_1595 = arith.constant 32 : i32
          %parallel_loop3A_1596 = vector.broadcast %parallel_loop3A_1595 : i32 to vector<16xi32>
          %parallel_loop3A_1597 = arith.addi %and3A_37, %parallel_loop3A_1596 : vector<16xi32>
          %parallel_loop3A_1598 = arith.constant 0 : i32
          %parallel_loop3A_1599 = arith.constant 0 : i32
          %parallel_loop3A_1600 = tpu.memref_slice %arg8[%rem3A_888, %parallel_loop3A_1598, %parallel_loop3A_1599] : memref<8x128x64xf32, #tpu.memory_space<vmem>> -> memref<1x128x64xf32, #tpu.memory_space<vmem>>
          %parallel_loop3A_1601 = tpu.memref_squeeze %parallel_loop3A_1600 : memref<1x128x64xf32, #tpu.memory_space<vmem>> -> memref<128x64xf32, #tpu.memory_space<vmem>>
          %parallel_loop3A_1602 = tpu.vector_load_idx %parallel_loop3A_1601[%parallel_loop3A_1039, %parallel_loop3A_1597] : memref<128x64xf32, #tpu.memory_space<vmem>>[vector<16xi32>, vector<16xi32>], vector<16xf32>,
          %parallel_loop3A_1603 = arith.constant 4096 : i32
          %parallel_loop3A_1604 = arith.addi %parallel_loop3A_1603, %parallel_loop3A_1037 : i32
          %parallel_loop3A_1605 = vector.broadcast %parallel_loop3A_1604 : i32 to vector<16xi32>
          %parallel_loop3A_1606 = arith.addi %add3A_157, %parallel_loop3A_1605 : vector<16xi32>
          %parallel_loop3A_1607 = arith.constant 0 : i32
          %parallel_loop3A_1608 = tpu.memref_slice %arg9[%rem3A_892, %parallel_loop3A_1607] : memref<4x8192xf32, #tpu.memory_space<vmem>> -> memref<1x8192xf32, #tpu.memory_space<vmem>>
          %parallel_loop3A_1609 = tpu.memref_squeeze %parallel_loop3A_1608 : memref<1x8192xf32, #tpu.memory_space<vmem>> -> memref<8192xf32, #tpu.memory_space<vmem>>
          tpu.vector_store_idx %parallel_loop3A_1609[%parallel_loop3A_1606], %parallel_loop3A_1602 : memref<8192xf32, #tpu.memory_space<vmem>>[vector<16xi32>], vector<16xf32>,
          %parallel_loop3A_1610 = arith.constant 32 : i32
          %parallel_loop3A_1611 = vector.broadcast %parallel_loop3A_1610 : i32 to vector<16xi32>
          %parallel_loop3A_1612 = arith.addi %and3A_43, %parallel_loop3A_1611 : vector<16xi32>
          %parallel_loop3A_1613 = arith.constant 0 : i32
          %parallel_loop3A_1614 = arith.constant 0 : i32
          %parallel_loop3A_1615 = tpu.memref_slice %arg8[%rem3A_888, %parallel_loop3A_1613, %parallel_loop3A_1614] : memref<8x128x64xf32, #tpu.memory_space<vmem>> -> memref<1x128x64xf32, #tpu.memory_space<vmem>>
          %parallel_loop3A_1616 = tpu.memref_squeeze %parallel_loop3A_1615 : memref<1x128x64xf32, #tpu.memory_space<vmem>> -> memref<128x64xf32, #tpu.memory_space<vmem>>
          %parallel_loop3A_1617 = tpu.vector_load_idx %parallel_loop3A_1616[%parallel_loop3A_1039, %parallel_loop3A_1612] : memref<128x64xf32, #tpu.memory_space<vmem>>[vector<16xi32>, vector<16xi32>], vector<16xf32>,
          %parallel_loop3A_1618 = arith.constant 4096 : i32
          %parallel_loop3A_1619 = arith.addi %parallel_loop3A_1618, %parallel_loop3A_1037 : i32
          %parallel_loop3A_1620 = vector.broadcast %parallel_loop3A_1619 : i32 to vector<16xi32>
          %parallel_loop3A_1621 = arith.addi %add3A_167, %parallel_loop3A_1620 : vector<16xi32>
          %parallel_loop3A_1622 = arith.constant 0 : i32
          %parallel_loop3A_1623 = tpu.memref_slice %arg9[%rem3A_892, %parallel_loop3A_1622] : memref<4x8192xf32, #tpu.memory_space<vmem>> -> memref<1x8192xf32, #tpu.memory_space<vmem>>
          %parallel_loop3A_1624 = tpu.memref_squeeze %parallel_loop3A_1623 : memref<1x8192xf32, #tpu.memory_space<vmem>> -> memref<8192xf32, #tpu.memory_space<vmem>>
          tpu.vector_store_idx %parallel_loop3A_1624[%parallel_loop3A_1621], %parallel_loop3A_1617 : memref<8192xf32, #tpu.memory_space<vmem>>[vector<16xi32>], vector<16xf32>,
          %parallel_loop3A_1625 = arith.constant 32 : i32
          %parallel_loop3A_1626 = vector.broadcast %parallel_loop3A_1625 : i32 to vector<16xi32>
          %parallel_loop3A_1627 = arith.addi %and3A_49, %parallel_loop3A_1626 : vector<16xi32>
          %parallel_loop3A_1628 = arith.constant 0 : i32
          %parallel_loop3A_1629 = arith.constant 0 : i32
          %parallel_loop3A_1630 = tpu.memref_slice %arg8[%rem3A_888, %parallel_loop3A_1628, %parallel_loop3A_1629] : memref<8x128x64xf32, #tpu.memory_space<vmem>> -> memref<1x128x64xf32, #tpu.memory_space<vmem>>
          %parallel_loop3A_1631 = tpu.memref_squeeze %parallel_loop3A_1630 : memref<1x128x64xf32, #tpu.memory_space<vmem>> -> memref<128x64xf32, #tpu.memory_space<vmem>>
          %parallel_loop3A_1632 = tpu.vector_load_idx %parallel_loop3A_1631[%parallel_loop3A_1039, %parallel_loop3A_1627] : memref<128x64xf32, #tpu.memory_space<vmem>>[vector<16xi32>, vector<16xi32>], vector<16xf32>,
          %parallel_loop3A_1633 = arith.constant 4096 : i32
          %parallel_loop3A_1634 = arith.addi %parallel_loop3A_1633, %parallel_loop3A_1037 : i32
          %parallel_loop3A_1635 = vector.broadcast %parallel_loop3A_1634 : i32 to vector<16xi32>
          %parallel_loop3A_1636 = arith.addi %add3A_177, %parallel_loop3A_1635 : vector<16xi32>
          %parallel_loop3A_1637 = arith.constant 0 : i32
          %parallel_loop3A_1638 = tpu.memref_slice %arg9[%rem3A_892, %parallel_loop3A_1637] : memref<4x8192xf32, #tpu.memory_space<vmem>> -> memref<1x8192xf32, #tpu.memory_space<vmem>>
          %parallel_loop3A_1639 = tpu.memref_squeeze %parallel_loop3A_1638 : memref<1x8192xf32, #tpu.memory_space<vmem>> -> memref<8192xf32, #tpu.memory_space<vmem>>
          tpu.vector_store_idx %parallel_loop3A_1639[%parallel_loop3A_1636], %parallel_loop3A_1632 : memref<8192xf32, #tpu.memory_space<vmem>>[vector<16xi32>], vector<16xf32>,
          %parallel_loop3A_1640 = arith.constant 32 : i32
          %parallel_loop3A_1641 = vector.broadcast %parallel_loop3A_1640 : i32 to vector<16xi32>
          %parallel_loop3A_1642 = arith.addi %and3A_55, %parallel_loop3A_1641 : vector<16xi32>
          %parallel_loop3A_1643 = arith.constant 0 : i32
          %parallel_loop3A_1644 = arith.constant 0 : i32
          %parallel_loop3A_1645 = tpu.memref_slice %arg8[%rem3A_888, %parallel_loop3A_1643, %parallel_loop3A_1644] : memref<8x128x64xf32, #tpu.memory_space<vmem>> -> memref<1x128x64xf32, #tpu.memory_space<vmem>>
          %parallel_loop3A_1646 = tpu.memref_squeeze %parallel_loop3A_1645 : memref<1x128x64xf32, #tpu.memory_space<vmem>> -> memref<128x64xf32, #tpu.memory_space<vmem>>
          %parallel_loop3A_1647 = tpu.vector_load_idx %parallel_loop3A_1646[%parallel_loop3A_1039, %parallel_loop3A_1642] : memref<128x64xf32, #tpu.memory_space<vmem>>[vector<16xi32>, vector<16xi32>], vector<16xf32>,
          %parallel_loop3A_1648 = arith.constant 4096 : i32
          %parallel_loop3A_1649 = arith.addi %parallel_loop3A_1648, %parallel_loop3A_1037 : i32
          %parallel_loop3A_1650 = vector.broadcast %parallel_loop3A_1649 : i32 to vector<16xi32>
          %parallel_loop3A_1651 = arith.addi %add3A_187, %parallel_loop3A_1650 : vector<16xi32>
          %parallel_loop3A_1652 = arith.constant 0 : i32
          %parallel_loop3A_1653 = tpu.memref_slice %arg9[%rem3A_892, %parallel_loop3A_1652] : memref<4x8192xf32, #tpu.memory_space<vmem>> -> memref<1x8192xf32, #tpu.memory_space<vmem>>
          %parallel_loop3A_1654 = tpu.memref_squeeze %parallel_loop3A_1653 : memref<1x8192xf32, #tpu.memory_space<vmem>> -> memref<8192xf32, #tpu.memory_space<vmem>>
          tpu.vector_store_idx %parallel_loop3A_1654[%parallel_loop3A_1651], %parallel_loop3A_1647 : memref<8192xf32, #tpu.memory_space<vmem>>[vector<16xi32>], vector<16xf32>,
          %parallel_loop3A_1655 = arith.constant 32 : i32
          %parallel_loop3A_1656 = vector.broadcast %parallel_loop3A_1655 : i32 to vector<16xi32>
          %parallel_loop3A_1657 = arith.addi %and3A_61, %parallel_loop3A_1656 : vector<16xi32>
          %parallel_loop3A_1658 = arith.constant 0 : i32
          %parallel_loop3A_1659 = arith.constant 0 : i32
          %parallel_loop3A_1660 = tpu.memref_slice %arg8[%rem3A_888, %parallel_loop3A_1658, %parallel_loop3A_1659] : memref<8x128x64xf32, #tpu.memory_space<vmem>> -> memref<1x128x64xf32, #tpu.memory_space<vmem>>
          %parallel_loop3A_1661 = tpu.memref_squeeze %parallel_loop3A_1660 : memref<1x128x64xf32, #tpu.memory_space<vmem>> -> memref<128x64xf32, #tpu.memory_space<vmem>>
          %parallel_loop3A_1662 = tpu.vector_load_idx %parallel_loop3A_1661[%parallel_loop3A_1039, %parallel_loop3A_1657] : memref<128x64xf32, #tpu.memory_space<vmem>>[vector<16xi32>, vector<16xi32>], vector<16xf32>,
          %parallel_loop3A_1663 = arith.constant 4096 : i32
          %parallel_loop3A_1664 = arith.addi %parallel_loop3A_1663, %parallel_loop3A_1037 : i32
          %parallel_loop3A_1665 = vector.broadcast %parallel_loop3A_1664 : i32 to vector<16xi32>
          %parallel_loop3A_1666 = arith.addi %add3A_197, %parallel_loop3A_1665 : vector<16xi32>
          %parallel_loop3A_1667 = arith.constant 0 : i32
          %parallel_loop3A_1668 = tpu.memref_slice %arg9[%rem3A_892, %parallel_loop3A_1667] : memref<4x8192xf32, #tpu.memory_space<vmem>> -> memref<1x8192xf32, #tpu.memory_space<vmem>>
          %parallel_loop3A_1669 = tpu.memref_squeeze %parallel_loop3A_1668 : memref<1x8192xf32, #tpu.memory_space<vmem>> -> memref<8192xf32, #tpu.memory_space<vmem>>
          tpu.vector_store_idx %parallel_loop3A_1669[%parallel_loop3A_1666], %parallel_loop3A_1662 : memref<8192xf32, #tpu.memory_space<vmem>>[vector<16xi32>], vector<16xf32>,
          %parallel_loop3A_1670 = arith.constant 32 : i32
          %parallel_loop3A_1671 = vector.broadcast %parallel_loop3A_1670 : i32 to vector<16xi32>
          %parallel_loop3A_1672 = arith.addi %and3A_67, %parallel_loop3A_1671 : vector<16xi32>
          %parallel_loop3A_1673 = arith.constant 0 : i32
          %parallel_loop3A_1674 = arith.constant 0 : i32
          %parallel_loop3A_1675 = tpu.memref_slice %arg8[%rem3A_888, %parallel_loop3A_1673, %parallel_loop3A_1674] : memref<8x128x64xf32, #tpu.memory_space<vmem>> -> memref<1x128x64xf32, #tpu.memory_space<vmem>>
          %parallel_loop3A_1676 = tpu.memref_squeeze %parallel_loop3A_1675 : memref<1x128x64xf32, #tpu.memory_space<vmem>> -> memref<128x64xf32, #tpu.memory_space<vmem>>
          %parallel_loop3A_1677 = tpu.vector_load_idx %parallel_loop3A_1676[%parallel_loop3A_1039, %parallel_loop3A_1672] : memref<128x64xf32, #tpu.memory_space<vmem>>[vector<16xi32>, vector<16xi32>], vector<16xf32>,
          %parallel_loop3A_1678 = arith.constant 4096 : i32
          %parallel_loop3A_1679 = arith.addi %parallel_loop3A_1678, %parallel_loop3A_1037 : i32
          %parallel_loop3A_1680 = vector.broadcast %parallel_loop3A_1679 : i32 to vector<16xi32>
          %parallel_loop3A_1681 = arith.addi %add3A_207, %parallel_loop3A_1680 : vector<16xi32>
          %parallel_loop3A_1682 = arith.constant 0 : i32
          %parallel_loop3A_1683 = tpu.memref_slice %arg9[%rem3A_892, %parallel_loop3A_1682] : memref<4x8192xf32, #tpu.memory_space<vmem>> -> memref<1x8192xf32, #tpu.memory_space<vmem>>
          %parallel_loop3A_1684 = tpu.memref_squeeze %parallel_loop3A_1683 : memref<1x8192xf32, #tpu.memory_space<vmem>> -> memref<8192xf32, #tpu.memory_space<vmem>>
          tpu.vector_store_idx %parallel_loop3A_1684[%parallel_loop3A_1681], %parallel_loop3A_1677 : memref<8192xf32, #tpu.memory_space<vmem>>[vector<16xi32>], vector<16xf32>,
          %parallel_loop3A_1685 = arith.constant 32 : i32
          %parallel_loop3A_1686 = vector.broadcast %parallel_loop3A_1685 : i32 to vector<16xi32>
          %parallel_loop3A_1687 = arith.addi %and3A_73, %parallel_loop3A_1686 : vector<16xi32>
          %parallel_loop3A_1688 = arith.constant 0 : i32
          %parallel_loop3A_1689 = arith.constant 0 : i32
          %parallel_loop3A_1690 = tpu.memref_slice %arg8[%rem3A_888, %parallel_loop3A_1688, %parallel_loop3A_1689] : memref<8x128x64xf32, #tpu.memory_space<vmem>> -> memref<1x128x64xf32, #tpu.memory_space<vmem>>
          %parallel_loop3A_1691 = tpu.memref_squeeze %parallel_loop3A_1690 : memref<1x128x64xf32, #tpu.memory_space<vmem>> -> memref<128x64xf32, #tpu.memory_space<vmem>>
          %parallel_loop3A_1692 = tpu.vector_load_idx %parallel_loop3A_1691[%parallel_loop3A_1039, %parallel_loop3A_1687] : memref<128x64xf32, #tpu.memory_space<vmem>>[vector<16xi32>, vector<16xi32>], vector<16xf32>,
          %parallel_loop3A_1693 = arith.constant 4096 : i32
          %parallel_loop3A_1694 = arith.addi %parallel_loop3A_1693, %parallel_loop3A_1037 : i32
          %parallel_loop3A_1695 = vector.broadcast %parallel_loop3A_1694 : i32 to vector<16xi32>
          %parallel_loop3A_1696 = arith.addi %add3A_217, %parallel_loop3A_1695 : vector<16xi32>
          %parallel_loop3A_1697 = arith.constant 0 : i32
          %parallel_loop3A_1698 = tpu.memref_slice %arg9[%rem3A_892, %parallel_loop3A_1697] : memref<4x8192xf32, #tpu.memory_space<vmem>> -> memref<1x8192xf32, #tpu.memory_space<vmem>>
          %parallel_loop3A_1699 = tpu.memref_squeeze %parallel_loop3A_1698 : memref<1x8192xf32, #tpu.memory_space<vmem>> -> memref<8192xf32, #tpu.memory_space<vmem>>
          tpu.vector_store_idx %parallel_loop3A_1699[%parallel_loop3A_1696], %parallel_loop3A_1692 : memref<8192xf32, #tpu.memory_space<vmem>>[vector<16xi32>], vector<16xf32>,
          %parallel_loop3A_1700 = arith.constant 32 : i32
          %parallel_loop3A_1701 = vector.broadcast %parallel_loop3A_1700 : i32 to vector<16xi32>
          %parallel_loop3A_1702 = arith.addi %and3A_79, %parallel_loop3A_1701 : vector<16xi32>
          %parallel_loop3A_1703 = arith.constant 0 : i32
          %parallel_loop3A_1704 = arith.constant 0 : i32
          %parallel_loop3A_1705 = tpu.memref_slice %arg8[%rem3A_888, %parallel_loop3A_1703, %parallel_loop3A_1704] : memref<8x128x64xf32, #tpu.memory_space<vmem>> -> memref<1x128x64xf32, #tpu.memory_space<vmem>>
          %parallel_loop3A_1706 = tpu.memref_squeeze %parallel_loop3A_1705 : memref<1x128x64xf32, #tpu.memory_space<vmem>> -> memref<128x64xf32, #tpu.memory_space<vmem>>
          %parallel_loop3A_1707 = tpu.vector_load_idx %parallel_loop3A_1706[%parallel_loop3A_1039, %parallel_loop3A_1702] : memref<128x64xf32, #tpu.memory_space<vmem>>[vector<16xi32>, vector<16xi32>], vector<16xf32>,
          %parallel_loop3A_1708 = arith.constant 4096 : i32
          %parallel_loop3A_1709 = arith.addi %parallel_loop3A_1708, %parallel_loop3A_1037 : i32
          %parallel_loop3A_1710 = vector.broadcast %parallel_loop3A_1709 : i32 to vector<16xi32>
          %parallel_loop3A_1711 = arith.addi %add3A_227, %parallel_loop3A_1710 : vector<16xi32>
          %parallel_loop3A_1712 = arith.constant 0 : i32
          %parallel_loop3A_1713 = tpu.memref_slice %arg9[%rem3A_892, %parallel_loop3A_1712] : memref<4x8192xf32, #tpu.memory_space<vmem>> -> memref<1x8192xf32, #tpu.memory_space<vmem>>
          %parallel_loop3A_1714 = tpu.memref_squeeze %parallel_loop3A_1713 : memref<1x8192xf32, #tpu.memory_space<vmem>> -> memref<8192xf32, #tpu.memory_space<vmem>>
          tpu.vector_store_idx %parallel_loop3A_1714[%parallel_loop3A_1711], %parallel_loop3A_1707 : memref<8192xf32, #tpu.memory_space<vmem>>[vector<16xi32>], vector<16xf32>,
          %parallel_loop3A_1715 = arith.constant 32 : i32
          %parallel_loop3A_1716 = vector.broadcast %parallel_loop3A_1715 : i32 to vector<16xi32>
          %parallel_loop3A_1717 = arith.addi %and3A_85, %parallel_loop3A_1716 : vector<16xi32>
          %parallel_loop3A_1718 = arith.constant 0 : i32
          %parallel_loop3A_1719 = arith.constant 0 : i32
          %parallel_loop3A_1720 = tpu.memref_slice %arg8[%rem3A_888, %parallel_loop3A_1718, %parallel_loop3A_1719] : memref<8x128x64xf32, #tpu.memory_space<vmem>> -> memref<1x128x64xf32, #tpu.memory_space<vmem>>
          %parallel_loop3A_1721 = tpu.memref_squeeze %parallel_loop3A_1720 : memref<1x128x64xf32, #tpu.memory_space<vmem>> -> memref<128x64xf32, #tpu.memory_space<vmem>>
          %parallel_loop3A_1722 = tpu.vector_load_idx %parallel_loop3A_1721[%parallel_loop3A_1039, %parallel_loop3A_1717] : memref<128x64xf32, #tpu.memory_space<vmem>>[vector<16xi32>, vector<16xi32>], vector<16xf32>,
          %parallel_loop3A_1723 = arith.constant 4096 : i32
          %parallel_loop3A_1724 = arith.addi %parallel_loop3A_1723, %parallel_loop3A_1037 : i32
          %parallel_loop3A_1725 = vector.broadcast %parallel_loop3A_1724 : i32 to vector<16xi32>
          %parallel_loop3A_1726 = arith.addi %add3A_237, %parallel_loop3A_1725 : vector<16xi32>
          %parallel_loop3A_1727 = arith.constant 0 : i32
          %parallel_loop3A_1728 = tpu.memref_slice %arg9[%rem3A_892, %parallel_loop3A_1727] : memref<4x8192xf32, #tpu.memory_space<vmem>> -> memref<1x8192xf32, #tpu.memory_space<vmem>>
          %parallel_loop3A_1729 = tpu.memref_squeeze %parallel_loop3A_1728 : memref<1x8192xf32, #tpu.memory_space<vmem>> -> memref<8192xf32, #tpu.memory_space<vmem>>
          tpu.vector_store_idx %parallel_loop3A_1729[%parallel_loop3A_1726], %parallel_loop3A_1722 : memref<8192xf32, #tpu.memory_space<vmem>>[vector<16xi32>], vector<16xf32>,
          %parallel_loop3A_1730 = arith.constant 32 : i32
          %parallel_loop3A_1731 = vector.broadcast %parallel_loop3A_1730 : i32 to vector<16xi32>
          %parallel_loop3A_1732 = arith.addi %and3A_91, %parallel_loop3A_1731 : vector<16xi32>
          %parallel_loop3A_1733 = arith.constant 0 : i32
          %parallel_loop3A_1734 = arith.constant 0 : i32
          %parallel_loop3A_1735 = tpu.memref_slice %arg8[%rem3A_888, %parallel_loop3A_1733, %parallel_loop3A_1734] : memref<8x128x64xf32, #tpu.memory_space<vmem>> -> memref<1x128x64xf32, #tpu.memory_space<vmem>>
          %parallel_loop3A_1736 = tpu.memref_squeeze %parallel_loop3A_1735 : memref<1x128x64xf32, #tpu.memory_space<vmem>> -> memref<128x64xf32, #tpu.memory_space<vmem>>
          %parallel_loop3A_1737 = tpu.vector_load_idx %parallel_loop3A_1736[%parallel_loop3A_1039, %parallel_loop3A_1732] : memref<128x64xf32, #tpu.memory_space<vmem>>[vector<16xi32>, vector<16xi32>], vector<16xf32>,
          %parallel_loop3A_1738 = arith.constant 4096 : i32
          %parallel_loop3A_1739 = arith.addi %parallel_loop3A_1738, %parallel_loop3A_1037 : i32
          %parallel_loop3A_1740 = vector.broadcast %parallel_loop3A_1739 : i32 to vector<16xi32>
          %parallel_loop3A_1741 = arith.addi %add3A_247, %parallel_loop3A_1740 : vector<16xi32>
          %parallel_loop3A_1742 = arith.constant 0 : i32
          %parallel_loop3A_1743 = tpu.memref_slice %arg9[%rem3A_892, %parallel_loop3A_1742] : memref<4x8192xf32, #tpu.memory_space<vmem>> -> memref<1x8192xf32, #tpu.memory_space<vmem>>
          %parallel_loop3A_1744 = tpu.memref_squeeze %parallel_loop3A_1743 : memref<1x8192xf32, #tpu.memory_space<vmem>> -> memref<8192xf32, #tpu.memory_space<vmem>>
          tpu.vector_store_idx %parallel_loop3A_1744[%parallel_loop3A_1741], %parallel_loop3A_1737 : memref<8192xf32, #tpu.memory_space<vmem>>[vector<16xi32>], vector<16xf32>,
          %parallel_loop3A_1745 = arith.constant 32 : i32
          %parallel_loop3A_1746 = vector.broadcast %parallel_loop3A_1745 : i32 to vector<16xi32>
          %parallel_loop3A_1747 = arith.addi %and3A_97, %parallel_loop3A_1746 : vector<16xi32>
          %parallel_loop3A_1748 = arith.constant 0 : i32
          %parallel_loop3A_1749 = arith.constant 0 : i32
          %parallel_loop3A_1750 = tpu.memref_slice %arg8[%rem3A_888, %parallel_loop3A_1748, %parallel_loop3A_1749] : memref<8x128x64xf32, #tpu.memory_space<vmem>> -> memref<1x128x64xf32, #tpu.memory_space<vmem>>
          %parallel_loop3A_1751 = tpu.memref_squeeze %parallel_loop3A_1750 : memref<1x128x64xf32, #tpu.memory_space<vmem>> -> memref<128x64xf32, #tpu.memory_space<vmem>>
          %parallel_loop3A_1752 = tpu.vector_load_idx %parallel_loop3A_1751[%parallel_loop3A_1039, %parallel_loop3A_1747] : memref<128x64xf32, #tpu.memory_space<vmem>>[vector<16xi32>, vector<16xi32>], vector<16xf32>,
          %parallel_loop3A_1753 = arith.constant 4096 : i32
          %parallel_loop3A_1754 = arith.addi %parallel_loop3A_1753, %parallel_loop3A_1037 : i32
          %parallel_loop3A_1755 = vector.broadcast %parallel_loop3A_1754 : i32 to vector<16xi32>
          %parallel_loop3A_1756 = arith.addi %add3A_257, %parallel_loop3A_1755 : vector<16xi32>
          %parallel_loop3A_1757 = arith.constant 0 : i32
          %parallel_loop3A_1758 = tpu.memref_slice %arg9[%rem3A_892, %parallel_loop3A_1757] : memref<4x8192xf32, #tpu.memory_space<vmem>> -> memref<1x8192xf32, #tpu.memory_space<vmem>>
          %parallel_loop3A_1759 = tpu.memref_squeeze %parallel_loop3A_1758 : memref<1x8192xf32, #tpu.memory_space<vmem>> -> memref<8192xf32, #tpu.memory_space<vmem>>
          tpu.vector_store_idx %parallel_loop3A_1759[%parallel_loop3A_1756], %parallel_loop3A_1752 : memref<8192xf32, #tpu.memory_space<vmem>>[vector<16xi32>], vector<16xf32>,
          %parallel_loop3A_1760 = arith.constant 48 : i32
          %parallel_loop3A_1761 = vector.broadcast %parallel_loop3A_1760 : i32 to vector<16xi32>
          %parallel_loop3A_1762 = arith.addi %and3A_7, %parallel_loop3A_1761 : vector<16xi32>
          %parallel_loop3A_1763 = arith.constant 0 : i32
          %parallel_loop3A_1764 = arith.constant 0 : i32
          %parallel_loop3A_1765 = tpu.memref_slice %arg8[%rem3A_888, %parallel_loop3A_1763, %parallel_loop3A_1764] : memref<8x128x64xf32, #tpu.memory_space<vmem>> -> memref<1x128x64xf32, #tpu.memory_space<vmem>>
          %parallel_loop3A_1766 = tpu.memref_squeeze %parallel_loop3A_1765 : memref<1x128x64xf32, #tpu.memory_space<vmem>> -> memref<128x64xf32, #tpu.memory_space<vmem>>
          %parallel_loop3A_1767 = tpu.vector_load_idx %parallel_loop3A_1766[%parallel_loop3A_1039, %parallel_loop3A_1762] : memref<128x64xf32, #tpu.memory_space<vmem>>[vector<16xi32>, vector<16xi32>], vector<16xf32>,
          %parallel_loop3A_1768 = arith.constant 6144 : i32
          %parallel_loop3A_1769 = arith.addi %parallel_loop3A_1768, %parallel_loop3A_1037 : i32
          %parallel_loop3A_1770 = vector.broadcast %parallel_loop3A_1769 : i32 to vector<16xi32>
          %parallel_loop3A_1771 = arith.addi %add3A_107, %parallel_loop3A_1770 : vector<16xi32>
          %parallel_loop3A_1772 = arith.constant 0 : i32
          %parallel_loop3A_1773 = tpu.memref_slice %arg9[%rem3A_892, %parallel_loop3A_1772] : memref<4x8192xf32, #tpu.memory_space<vmem>> -> memref<1x8192xf32, #tpu.memory_space<vmem>>
          %parallel_loop3A_1774 = tpu.memref_squeeze %parallel_loop3A_1773 : memref<1x8192xf32, #tpu.memory_space<vmem>> -> memref<8192xf32, #tpu.memory_space<vmem>>
          tpu.vector_store_idx %parallel_loop3A_1774[%parallel_loop3A_1771], %parallel_loop3A_1767 : memref<8192xf32, #tpu.memory_space<vmem>>[vector<16xi32>], vector<16xf32>,
          %parallel_loop3A_1775 = arith.constant 48 : i32
          %parallel_loop3A_1776 = vector.broadcast %parallel_loop3A_1775 : i32 to vector<16xi32>
          %parallel_loop3A_1777 = arith.addi %and3A_13, %parallel_loop3A_1776 : vector<16xi32>
          %parallel_loop3A_1778 = arith.constant 0 : i32
          %parallel_loop3A_1779 = arith.constant 0 : i32
          %parallel_loop3A_1780 = tpu.memref_slice %arg8[%rem3A_888, %parallel_loop3A_1778, %parallel_loop3A_1779] : memref<8x128x64xf32, #tpu.memory_space<vmem>> -> memref<1x128x64xf32, #tpu.memory_space<vmem>>
          %parallel_loop3A_1781 = tpu.memref_squeeze %parallel_loop3A_1780 : memref<1x128x64xf32, #tpu.memory_space<vmem>> -> memref<128x64xf32, #tpu.memory_space<vmem>>
          %parallel_loop3A_1782 = tpu.vector_load_idx %parallel_loop3A_1781[%parallel_loop3A_1039, %parallel_loop3A_1777] : memref<128x64xf32, #tpu.memory_space<vmem>>[vector<16xi32>, vector<16xi32>], vector<16xf32>,
          %parallel_loop3A_1783 = arith.constant 6144 : i32
          %parallel_loop3A_1784 = arith.addi %parallel_loop3A_1783, %parallel_loop3A_1037 : i32
          %parallel_loop3A_1785 = vector.broadcast %parallel_loop3A_1784 : i32 to vector<16xi32>
          %parallel_loop3A_1786 = arith.addi %add3A_117, %parallel_loop3A_1785 : vector<16xi32>
          %parallel_loop3A_1787 = arith.constant 0 : i32
          %parallel_loop3A_1788 = tpu.memref_slice %arg9[%rem3A_892, %parallel_loop3A_1787] : memref<4x8192xf32, #tpu.memory_space<vmem>> -> memref<1x8192xf32, #tpu.memory_space<vmem>>
          %parallel_loop3A_1789 = tpu.memref_squeeze %parallel_loop3A_1788 : memref<1x8192xf32, #tpu.memory_space<vmem>> -> memref<8192xf32, #tpu.memory_space<vmem>>
          tpu.vector_store_idx %parallel_loop3A_1789[%parallel_loop3A_1786], %parallel_loop3A_1782 : memref<8192xf32, #tpu.memory_space<vmem>>[vector<16xi32>], vector<16xf32>,
          %parallel_loop3A_1790 = arith.constant 48 : i32
          %parallel_loop3A_1791 = vector.broadcast %parallel_loop3A_1790 : i32 to vector<16xi32>
          %parallel_loop3A_1792 = arith.addi %and3A_19, %parallel_loop3A_1791 : vector<16xi32>
          %parallel_loop3A_1793 = arith.constant 0 : i32
          %parallel_loop3A_1794 = arith.constant 0 : i32
          %parallel_loop3A_1795 = tpu.memref_slice %arg8[%rem3A_888, %parallel_loop3A_1793, %parallel_loop3A_1794] : memref<8x128x64xf32, #tpu.memory_space<vmem>> -> memref<1x128x64xf32, #tpu.memory_space<vmem>>
          %parallel_loop3A_1796 = tpu.memref_squeeze %parallel_loop3A_1795 : memref<1x128x64xf32, #tpu.memory_space<vmem>> -> memref<128x64xf32, #tpu.memory_space<vmem>>
          %parallel_loop3A_1797 = tpu.vector_load_idx %parallel_loop3A_1796[%parallel_loop3A_1039, %parallel_loop3A_1792] : memref<128x64xf32, #tpu.memory_space<vmem>>[vector<16xi32>, vector<16xi32>], vector<16xf32>,
          %parallel_loop3A_1798 = arith.constant 6144 : i32
          %parallel_loop3A_1799 = arith.addi %parallel_loop3A_1798, %parallel_loop3A_1037 : i32
          %parallel_loop3A_1800 = vector.broadcast %parallel_loop3A_1799 : i32 to vector<16xi32>
          %parallel_loop3A_1801 = arith.addi %add3A_127, %parallel_loop3A_1800 : vector<16xi32>
          %parallel_loop3A_1802 = arith.constant 0 : i32
          %parallel_loop3A_1803 = tpu.memref_slice %arg9[%rem3A_892, %parallel_loop3A_1802] : memref<4x8192xf32, #tpu.memory_space<vmem>> -> memref<1x8192xf32, #tpu.memory_space<vmem>>
          %parallel_loop3A_1804 = tpu.memref_squeeze %parallel_loop3A_1803 : memref<1x8192xf32, #tpu.memory_space<vmem>> -> memref<8192xf32, #tpu.memory_space<vmem>>
          tpu.vector_store_idx %parallel_loop3A_1804[%parallel_loop3A_1801], %parallel_loop3A_1797 : memref<8192xf32, #tpu.memory_space<vmem>>[vector<16xi32>], vector<16xf32>,
          %parallel_loop3A_1805 = arith.constant 48 : i32
          %parallel_loop3A_1806 = vector.broadcast %parallel_loop3A_1805 : i32 to vector<16xi32>
          %parallel_loop3A_1807 = arith.addi %and3A_25, %parallel_loop3A_1806 : vector<16xi32>
          %parallel_loop3A_1808 = arith.constant 0 : i32
          %parallel_loop3A_1809 = arith.constant 0 : i32
          %parallel_loop3A_1810 = tpu.memref_slice %arg8[%rem3A_888, %parallel_loop3A_1808, %parallel_loop3A_1809] : memref<8x128x64xf32, #tpu.memory_space<vmem>> -> memref<1x128x64xf32, #tpu.memory_space<vmem>>
          %parallel_loop3A_1811 = tpu.memref_squeeze %parallel_loop3A_1810 : memref<1x128x64xf32, #tpu.memory_space<vmem>> -> memref<128x64xf32, #tpu.memory_space<vmem>>
          %parallel_loop3A_1812 = tpu.vector_load_idx %parallel_loop3A_1811[%parallel_loop3A_1039, %parallel_loop3A_1807] : memref<128x64xf32, #tpu.memory_space<vmem>>[vector<16xi32>, vector<16xi32>], vector<16xf32>,
          %parallel_loop3A_1813 = arith.constant 6144 : i32
          %parallel_loop3A_1814 = arith.addi %parallel_loop3A_1813, %parallel_loop3A_1037 : i32
          %parallel_loop3A_1815 = vector.broadcast %parallel_loop3A_1814 : i32 to vector<16xi32>
          %parallel_loop3A_1816 = arith.addi %add3A_137, %parallel_loop3A_1815 : vector<16xi32>
          %parallel_loop3A_1817 = arith.constant 0 : i32
          %parallel_loop3A_1818 = tpu.memref_slice %arg9[%rem3A_892, %parallel_loop3A_1817] : memref<4x8192xf32, #tpu.memory_space<vmem>> -> memref<1x8192xf32, #tpu.memory_space<vmem>>
          %parallel_loop3A_1819 = tpu.memref_squeeze %parallel_loop3A_1818 : memref<1x8192xf32, #tpu.memory_space<vmem>> -> memref<8192xf32, #tpu.memory_space<vmem>>
          tpu.vector_store_idx %parallel_loop3A_1819[%parallel_loop3A_1816], %parallel_loop3A_1812 : memref<8192xf32, #tpu.memory_space<vmem>>[vector<16xi32>], vector<16xf32>,
          %parallel_loop3A_1820 = arith.constant 48 : i32
          %parallel_loop3A_1821 = vector.broadcast %parallel_loop3A_1820 : i32 to vector<16xi32>
          %parallel_loop3A_1822 = arith.addi %and3A_31, %parallel_loop3A_1821 : vector<16xi32>
          %parallel_loop3A_1823 = arith.constant 0 : i32
          %parallel_loop3A_1824 = arith.constant 0 : i32
          %parallel_loop3A_1825 = tpu.memref_slice %arg8[%rem3A_888, %parallel_loop3A_1823, %parallel_loop3A_1824] : memref<8x128x64xf32, #tpu.memory_space<vmem>> -> memref<1x128x64xf32, #tpu.memory_space<vmem>>
          %parallel_loop3A_1826 = tpu.memref_squeeze %parallel_loop3A_1825 : memref<1x128x64xf32, #tpu.memory_space<vmem>> -> memref<128x64xf32, #tpu.memory_space<vmem>>
          %parallel_loop3A_1827 = tpu.vector_load_idx %parallel_loop3A_1826[%parallel_loop3A_1039, %parallel_loop3A_1822] : memref<128x64xf32, #tpu.memory_space<vmem>>[vector<16xi32>, vector<16xi32>], vector<16xf32>,
          %parallel_loop3A_1828 = arith.constant 6144 : i32
          %parallel_loop3A_1829 = arith.addi %parallel_loop3A_1828, %parallel_loop3A_1037 : i32
          %parallel_loop3A_1830 = vector.broadcast %parallel_loop3A_1829 : i32 to vector<16xi32>
          %parallel_loop3A_1831 = arith.addi %add3A_147, %parallel_loop3A_1830 : vector<16xi32>
          %parallel_loop3A_1832 = arith.constant 0 : i32
          %parallel_loop3A_1833 = tpu.memref_slice %arg9[%rem3A_892, %parallel_loop3A_1832] : memref<4x8192xf32, #tpu.memory_space<vmem>> -> memref<1x8192xf32, #tpu.memory_space<vmem>>
          %parallel_loop3A_1834 = tpu.memref_squeeze %parallel_loop3A_1833 : memref<1x8192xf32, #tpu.memory_space<vmem>> -> memref<8192xf32, #tpu.memory_space<vmem>>
          tpu.vector_store_idx %parallel_loop3A_1834[%parallel_loop3A_1831], %parallel_loop3A_1827 : memref<8192xf32, #tpu.memory_space<vmem>>[vector<16xi32>], vector<16xf32>,
          %parallel_loop3A_1835 = arith.constant 48 : i32
          %parallel_loop3A_1836 = vector.broadcast %parallel_loop3A_1835 : i32 to vector<16xi32>
          %parallel_loop3A_1837 = arith.addi %and3A_37, %parallel_loop3A_1836 : vector<16xi32>
          %parallel_loop3A_1838 = arith.constant 0 : i32
          %parallel_loop3A_1839 = arith.constant 0 : i32
          %parallel_loop3A_1840 = tpu.memref_slice %arg8[%rem3A_888, %parallel_loop3A_1838, %parallel_loop3A_1839] : memref<8x128x64xf32, #tpu.memory_space<vmem>> -> memref<1x128x64xf32, #tpu.memory_space<vmem>>
          %parallel_loop3A_1841 = tpu.memref_squeeze %parallel_loop3A_1840 : memref<1x128x64xf32, #tpu.memory_space<vmem>> -> memref<128x64xf32, #tpu.memory_space<vmem>>
          %parallel_loop3A_1842 = tpu.vector_load_idx %parallel_loop3A_1841[%parallel_loop3A_1039, %parallel_loop3A_1837] : memref<128x64xf32, #tpu.memory_space<vmem>>[vector<16xi32>, vector<16xi32>], vector<16xf32>,
          %parallel_loop3A_1843 = arith.constant 6144 : i32
          %parallel_loop3A_1844 = arith.addi %parallel_loop3A_1843, %parallel_loop3A_1037 : i32
          %parallel_loop3A_1845 = vector.broadcast %parallel_loop3A_1844 : i32 to vector<16xi32>
          %parallel_loop3A_1846 = arith.addi %add3A_157, %parallel_loop3A_1845 : vector<16xi32>
          %parallel_loop3A_1847 = arith.constant 0 : i32
          %parallel_loop3A_1848 = tpu.memref_slice %arg9[%rem3A_892, %parallel_loop3A_1847] : memref<4x8192xf32, #tpu.memory_space<vmem>> -> memref<1x8192xf32, #tpu.memory_space<vmem>>
          %parallel_loop3A_1849 = tpu.memref_squeeze %parallel_loop3A_1848 : memref<1x8192xf32, #tpu.memory_space<vmem>> -> memref<8192xf32, #tpu.memory_space<vmem>>
          tpu.vector_store_idx %parallel_loop3A_1849[%parallel_loop3A_1846], %parallel_loop3A_1842 : memref<8192xf32, #tpu.memory_space<vmem>>[vector<16xi32>], vector<16xf32>,
          %parallel_loop3A_1850 = arith.constant 48 : i32
          %parallel_loop3A_1851 = vector.broadcast %parallel_loop3A_1850 : i32 to vector<16xi32>
          %parallel_loop3A_1852 = arith.addi %and3A_43, %parallel_loop3A_1851 : vector<16xi32>
          %parallel_loop3A_1853 = arith.constant 0 : i32
          %parallel_loop3A_1854 = arith.constant 0 : i32
          %parallel_loop3A_1855 = tpu.memref_slice %arg8[%rem3A_888, %parallel_loop3A_1853, %parallel_loop3A_1854] : memref<8x128x64xf32, #tpu.memory_space<vmem>> -> memref<1x128x64xf32, #tpu.memory_space<vmem>>
          %parallel_loop3A_1856 = tpu.memref_squeeze %parallel_loop3A_1855 : memref<1x128x64xf32, #tpu.memory_space<vmem>> -> memref<128x64xf32, #tpu.memory_space<vmem>>
          %parallel_loop3A_1857 = tpu.vector_load_idx %parallel_loop3A_1856[%parallel_loop3A_1039, %parallel_loop3A_1852] : memref<128x64xf32, #tpu.memory_space<vmem>>[vector<16xi32>, vector<16xi32>], vector<16xf32>,
          %parallel_loop3A_1858 = arith.constant 6144 : i32
          %parallel_loop3A_1859 = arith.addi %parallel_loop3A_1858, %parallel_loop3A_1037 : i32
          %parallel_loop3A_1860 = vector.broadcast %parallel_loop3A_1859 : i32 to vector<16xi32>
          %parallel_loop3A_1861 = arith.addi %add3A_167, %parallel_loop3A_1860 : vector<16xi32>
          %parallel_loop3A_1862 = arith.constant 0 : i32
          %parallel_loop3A_1863 = tpu.memref_slice %arg9[%rem3A_892, %parallel_loop3A_1862] : memref<4x8192xf32, #tpu.memory_space<vmem>> -> memref<1x8192xf32, #tpu.memory_space<vmem>>
          %parallel_loop3A_1864 = tpu.memref_squeeze %parallel_loop3A_1863 : memref<1x8192xf32, #tpu.memory_space<vmem>> -> memref<8192xf32, #tpu.memory_space<vmem>>
          tpu.vector_store_idx %parallel_loop3A_1864[%parallel_loop3A_1861], %parallel_loop3A_1857 : memref<8192xf32, #tpu.memory_space<vmem>>[vector<16xi32>], vector<16xf32>,
          %parallel_loop3A_1865 = arith.constant 48 : i32
          %parallel_loop3A_1866 = vector.broadcast %parallel_loop3A_1865 : i32 to vector<16xi32>
          %parallel_loop3A_1867 = arith.addi %and3A_49, %parallel_loop3A_1866 : vector<16xi32>
          %parallel_loop3A_1868 = arith.constant 0 : i32
          %parallel_loop3A_1869 = arith.constant 0 : i32
          %parallel_loop3A_1870 = tpu.memref_slice %arg8[%rem3A_888, %parallel_loop3A_1868, %parallel_loop3A_1869] : memref<8x128x64xf32, #tpu.memory_space<vmem>> -> memref<1x128x64xf32, #tpu.memory_space<vmem>>
          %parallel_loop3A_1871 = tpu.memref_squeeze %parallel_loop3A_1870 : memref<1x128x64xf32, #tpu.memory_space<vmem>> -> memref<128x64xf32, #tpu.memory_space<vmem>>
          %parallel_loop3A_1872 = tpu.vector_load_idx %parallel_loop3A_1871[%parallel_loop3A_1039, %parallel_loop3A_1867] : memref<128x64xf32, #tpu.memory_space<vmem>>[vector<16xi32>, vector<16xi32>], vector<16xf32>,
          %parallel_loop3A_1873 = arith.constant 6144 : i32
          %parallel_loop3A_1874 = arith.addi %parallel_loop3A_1873, %parallel_loop3A_1037 : i32
          %parallel_loop3A_1875 = vector.broadcast %parallel_loop3A_1874 : i32 to vector<16xi32>
          %parallel_loop3A_1876 = arith.addi %add3A_177, %parallel_loop3A_1875 : vector<16xi32>
          %parallel_loop3A_1877 = arith.constant 0 : i32
          %parallel_loop3A_1878 = tpu.memref_slice %arg9[%rem3A_892, %parallel_loop3A_1877] : memref<4x8192xf32, #tpu.memory_space<vmem>> -> memref<1x8192xf32, #tpu.memory_space<vmem>>
          %parallel_loop3A_1879 = tpu.memref_squeeze %parallel_loop3A_1878 : memref<1x8192xf32, #tpu.memory_space<vmem>> -> memref<8192xf32, #tpu.memory_space<vmem>>
          tpu.vector_store_idx %parallel_loop3A_1879[%parallel_loop3A_1876], %parallel_loop3A_1872 : memref<8192xf32, #tpu.memory_space<vmem>>[vector<16xi32>], vector<16xf32>,
          %parallel_loop3A_1880 = arith.constant 48 : i32
          %parallel_loop3A_1881 = vector.broadcast %parallel_loop3A_1880 : i32 to vector<16xi32>
          %parallel_loop3A_1882 = arith.addi %and3A_55, %parallel_loop3A_1881 : vector<16xi32>
          %parallel_loop3A_1883 = arith.constant 0 : i32
          %parallel_loop3A_1884 = arith.constant 0 : i32
          %parallel_loop3A_1885 = tpu.memref_slice %arg8[%rem3A_888, %parallel_loop3A_1883, %parallel_loop3A_1884] : memref<8x128x64xf32, #tpu.memory_space<vmem>> -> memref<1x128x64xf32, #tpu.memory_space<vmem>>
          %parallel_loop3A_1886 = tpu.memref_squeeze %parallel_loop3A_1885 : memref<1x128x64xf32, #tpu.memory_space<vmem>> -> memref<128x64xf32, #tpu.memory_space<vmem>>
          %parallel_loop3A_1887 = tpu.vector_load_idx %parallel_loop3A_1886[%parallel_loop3A_1039, %parallel_loop3A_1882] : memref<128x64xf32, #tpu.memory_space<vmem>>[vector<16xi32>, vector<16xi32>], vector<16xf32>,
          %parallel_loop3A_1888 = arith.constant 6144 : i32
          %parallel_loop3A_1889 = arith.addi %parallel_loop3A_1888, %parallel_loop3A_1037 : i32
          %parallel_loop3A_1890 = vector.broadcast %parallel_loop3A_1889 : i32 to vector<16xi32>
          %parallel_loop3A_1891 = arith.addi %add3A_187, %parallel_loop3A_1890 : vector<16xi32>
          %parallel_loop3A_1892 = arith.constant 0 : i32
          %parallel_loop3A_1893 = tpu.memref_slice %arg9[%rem3A_892, %parallel_loop3A_1892] : memref<4x8192xf32, #tpu.memory_space<vmem>> -> memref<1x8192xf32, #tpu.memory_space<vmem>>
          %parallel_loop3A_1894 = tpu.memref_squeeze %parallel_loop3A_1893 : memref<1x8192xf32, #tpu.memory_space<vmem>> -> memref<8192xf32, #tpu.memory_space<vmem>>
          tpu.vector_store_idx %parallel_loop3A_1894[%parallel_loop3A_1891], %parallel_loop3A_1887 : memref<8192xf32, #tpu.memory_space<vmem>>[vector<16xi32>], vector<16xf32>,
          %parallel_loop3A_1895 = arith.constant 48 : i32
          %parallel_loop3A_1896 = vector.broadcast %parallel_loop3A_1895 : i32 to vector<16xi32>
          %parallel_loop3A_1897 = arith.addi %and3A_61, %parallel_loop3A_1896 : vector<16xi32>
          %parallel_loop3A_1898 = arith.constant 0 : i32
          %parallel_loop3A_1899 = arith.constant 0 : i32
          %parallel_loop3A_1900 = tpu.memref_slice %arg8[%rem3A_888, %parallel_loop3A_1898, %parallel_loop3A_1899] : memref<8x128x64xf32, #tpu.memory_space<vmem>> -> memref<1x128x64xf32, #tpu.memory_space<vmem>>
          %parallel_loop3A_1901 = tpu.memref_squeeze %parallel_loop3A_1900 : memref<1x128x64xf32, #tpu.memory_space<vmem>> -> memref<128x64xf32, #tpu.memory_space<vmem>>
          %parallel_loop3A_1902 = tpu.vector_load_idx %parallel_loop3A_1901[%parallel_loop3A_1039, %parallel_loop3A_1897] : memref<128x64xf32, #tpu.memory_space<vmem>>[vector<16xi32>, vector<16xi32>], vector<16xf32>,
          %parallel_loop3A_1903 = arith.constant 6144 : i32
          %parallel_loop3A_1904 = arith.addi %parallel_loop3A_1903, %parallel_loop3A_1037 : i32
          %parallel_loop3A_1905 = vector.broadcast %parallel_loop3A_1904 : i32 to vector<16xi32>
          %parallel_loop3A_1906 = arith.addi %add3A_197, %parallel_loop3A_1905 : vector<16xi32>
          %parallel_loop3A_1907 = arith.constant 0 : i32
          %parallel_loop3A_1908 = tpu.memref_slice %arg9[%rem3A_892, %parallel_loop3A_1907] : memref<4x8192xf32, #tpu.memory_space<vmem>> -> memref<1x8192xf32, #tpu.memory_space<vmem>>
          %parallel_loop3A_1909 = tpu.memref_squeeze %parallel_loop3A_1908 : memref<1x8192xf32, #tpu.memory_space<vmem>> -> memref<8192xf32, #tpu.memory_space<vmem>>
          tpu.vector_store_idx %parallel_loop3A_1909[%parallel_loop3A_1906], %parallel_loop3A_1902 : memref<8192xf32, #tpu.memory_space<vmem>>[vector<16xi32>], vector<16xf32>,
          %parallel_loop3A_1910 = arith.constant 48 : i32
          %parallel_loop3A_1911 = vector.broadcast %parallel_loop3A_1910 : i32 to vector<16xi32>
          %parallel_loop3A_1912 = arith.addi %and3A_67, %parallel_loop3A_1911 : vector<16xi32>
          %parallel_loop3A_1913 = arith.constant 0 : i32
          %parallel_loop3A_1914 = arith.constant 0 : i32
          %parallel_loop3A_1915 = tpu.memref_slice %arg8[%rem3A_888, %parallel_loop3A_1913, %parallel_loop3A_1914] : memref<8x128x64xf32, #tpu.memory_space<vmem>> -> memref<1x128x64xf32, #tpu.memory_space<vmem>>
          %parallel_loop3A_1916 = tpu.memref_squeeze %parallel_loop3A_1915 : memref<1x128x64xf32, #tpu.memory_space<vmem>> -> memref<128x64xf32, #tpu.memory_space<vmem>>
          %parallel_loop3A_1917 = tpu.vector_load_idx %parallel_loop3A_1916[%parallel_loop3A_1039, %parallel_loop3A_1912] : memref<128x64xf32, #tpu.memory_space<vmem>>[vector<16xi32>, vector<16xi32>], vector<16xf32>,
          %parallel_loop3A_1918 = arith.constant 6144 : i32
          %parallel_loop3A_1919 = arith.addi %parallel_loop3A_1918, %parallel_loop3A_1037 : i32
          %parallel_loop3A_1920 = vector.broadcast %parallel_loop3A_1919 : i32 to vector<16xi32>
          %parallel_loop3A_1921 = arith.addi %add3A_207, %parallel_loop3A_1920 : vector<16xi32>
          %parallel_loop3A_1922 = arith.constant 0 : i32
          %parallel_loop3A_1923 = tpu.memref_slice %arg9[%rem3A_892, %parallel_loop3A_1922] : memref<4x8192xf32, #tpu.memory_space<vmem>> -> memref<1x8192xf32, #tpu.memory_space<vmem>>
          %parallel_loop3A_1924 = tpu.memref_squeeze %parallel_loop3A_1923 : memref<1x8192xf32, #tpu.memory_space<vmem>> -> memref<8192xf32, #tpu.memory_space<vmem>>
          tpu.vector_store_idx %parallel_loop3A_1924[%parallel_loop3A_1921], %parallel_loop3A_1917 : memref<8192xf32, #tpu.memory_space<vmem>>[vector<16xi32>], vector<16xf32>,
          %parallel_loop3A_1925 = arith.constant 48 : i32
          %parallel_loop3A_1926 = vector.broadcast %parallel_loop3A_1925 : i32 to vector<16xi32>
          %parallel_loop3A_1927 = arith.addi %and3A_73, %parallel_loop3A_1926 : vector<16xi32>
          %parallel_loop3A_1928 = arith.constant 0 : i32
          %parallel_loop3A_1929 = arith.constant 0 : i32
          %parallel_loop3A_1930 = tpu.memref_slice %arg8[%rem3A_888, %parallel_loop3A_1928, %parallel_loop3A_1929] : memref<8x128x64xf32, #tpu.memory_space<vmem>> -> memref<1x128x64xf32, #tpu.memory_space<vmem>>
          %parallel_loop3A_1931 = tpu.memref_squeeze %parallel_loop3A_1930 : memref<1x128x64xf32, #tpu.memory_space<vmem>> -> memref<128x64xf32, #tpu.memory_space<vmem>>
          %parallel_loop3A_1932 = tpu.vector_load_idx %parallel_loop3A_1931[%parallel_loop3A_1039, %parallel_loop3A_1927] : memref<128x64xf32, #tpu.memory_space<vmem>>[vector<16xi32>, vector<16xi32>], vector<16xf32>,
          %parallel_loop3A_1933 = arith.constant 6144 : i32
          %parallel_loop3A_1934 = arith.addi %parallel_loop3A_1933, %parallel_loop3A_1037 : i32
          %parallel_loop3A_1935 = vector.broadcast %parallel_loop3A_1934 : i32 to vector<16xi32>
          %parallel_loop3A_1936 = arith.addi %add3A_217, %parallel_loop3A_1935 : vector<16xi32>
          %parallel_loop3A_1937 = arith.constant 0 : i32
          %parallel_loop3A_1938 = tpu.memref_slice %arg9[%rem3A_892, %parallel_loop3A_1937] : memref<4x8192xf32, #tpu.memory_space<vmem>> -> memref<1x8192xf32, #tpu.memory_space<vmem>>
          %parallel_loop3A_1939 = tpu.memref_squeeze %parallel_loop3A_1938 : memref<1x8192xf32, #tpu.memory_space<vmem>> -> memref<8192xf32, #tpu.memory_space<vmem>>
          tpu.vector_store_idx %parallel_loop3A_1939[%parallel_loop3A_1936], %parallel_loop3A_1932 : memref<8192xf32, #tpu.memory_space<vmem>>[vector<16xi32>], vector<16xf32>,
          %parallel_loop3A_1940 = arith.constant 48 : i32
          %parallel_loop3A_1941 = vector.broadcast %parallel_loop3A_1940 : i32 to vector<16xi32>
          %parallel_loop3A_1942 = arith.addi %and3A_79, %parallel_loop3A_1941 : vector<16xi32>
          %parallel_loop3A_1943 = arith.constant 0 : i32
          %parallel_loop3A_1944 = arith.constant 0 : i32
          %parallel_loop3A_1945 = tpu.memref_slice %arg8[%rem3A_888, %parallel_loop3A_1943, %parallel_loop3A_1944] : memref<8x128x64xf32, #tpu.memory_space<vmem>> -> memref<1x128x64xf32, #tpu.memory_space<vmem>>
          %parallel_loop3A_1946 = tpu.memref_squeeze %parallel_loop3A_1945 : memref<1x128x64xf32, #tpu.memory_space<vmem>> -> memref<128x64xf32, #tpu.memory_space<vmem>>
          %parallel_loop3A_1947 = tpu.vector_load_idx %parallel_loop3A_1946[%parallel_loop3A_1039, %parallel_loop3A_1942] : memref<128x64xf32, #tpu.memory_space<vmem>>[vector<16xi32>, vector<16xi32>], vector<16xf32>,
          %parallel_loop3A_1948 = arith.constant 6144 : i32
          %parallel_loop3A_1949 = arith.addi %parallel_loop3A_1948, %parallel_loop3A_1037 : i32
          %parallel_loop3A_1950 = vector.broadcast %parallel_loop3A_1949 : i32 to vector<16xi32>
          %parallel_loop3A_1951 = arith.addi %add3A_227, %parallel_loop3A_1950 : vector<16xi32>
          %parallel_loop3A_1952 = arith.constant 0 : i32
          %parallel_loop3A_1953 = tpu.memref_slice %arg9[%rem3A_892, %parallel_loop3A_1952] : memref<4x8192xf32, #tpu.memory_space<vmem>> -> memref<1x8192xf32, #tpu.memory_space<vmem>>
          %parallel_loop3A_1954 = tpu.memref_squeeze %parallel_loop3A_1953 : memref<1x8192xf32, #tpu.memory_space<vmem>> -> memref<8192xf32, #tpu.memory_space<vmem>>
          tpu.vector_store_idx %parallel_loop3A_1954[%parallel_loop3A_1951], %parallel_loop3A_1947 : memref<8192xf32, #tpu.memory_space<vmem>>[vector<16xi32>], vector<16xf32>,
          %parallel_loop3A_1955 = arith.constant 48 : i32
          %parallel_loop3A_1956 = vector.broadcast %parallel_loop3A_1955 : i32 to vector<16xi32>
          %parallel_loop3A_1957 = arith.addi %and3A_85, %parallel_loop3A_1956 : vector<16xi32>
          %parallel_loop3A_1958 = arith.constant 0 : i32
          %parallel_loop3A_1959 = arith.constant 0 : i32
          %parallel_loop3A_1960 = tpu.memref_slice %arg8[%rem3A_888, %parallel_loop3A_1958, %parallel_loop3A_1959] : memref<8x128x64xf32, #tpu.memory_space<vmem>> -> memref<1x128x64xf32, #tpu.memory_space<vmem>>
          %parallel_loop3A_1961 = tpu.memref_squeeze %parallel_loop3A_1960 : memref<1x128x64xf32, #tpu.memory_space<vmem>> -> memref<128x64xf32, #tpu.memory_space<vmem>>
          %parallel_loop3A_1962 = tpu.vector_load_idx %parallel_loop3A_1961[%parallel_loop3A_1039, %parallel_loop3A_1957] : memref<128x64xf32, #tpu.memory_space<vmem>>[vector<16xi32>, vector<16xi32>], vector<16xf32>,
          %parallel_loop3A_1963 = arith.constant 6144 : i32
          %parallel_loop3A_1964 = arith.addi %parallel_loop3A_1963, %parallel_loop3A_1037 : i32
          %parallel_loop3A_1965 = vector.broadcast %parallel_loop3A_1964 : i32 to vector<16xi32>
          %parallel_loop3A_1966 = arith.addi %add3A_237, %parallel_loop3A_1965 : vector<16xi32>
          %parallel_loop3A_1967 = arith.constant 0 : i32
          %parallel_loop3A_1968 = tpu.memref_slice %arg9[%rem3A_892, %parallel_loop3A_1967] : memref<4x8192xf32, #tpu.memory_space<vmem>> -> memref<1x8192xf32, #tpu.memory_space<vmem>>
          %parallel_loop3A_1969 = tpu.memref_squeeze %parallel_loop3A_1968 : memref<1x8192xf32, #tpu.memory_space<vmem>> -> memref<8192xf32, #tpu.memory_space<vmem>>
          tpu.vector_store_idx %parallel_loop3A_1969[%parallel_loop3A_1966], %parallel_loop3A_1962 : memref<8192xf32, #tpu.memory_space<vmem>>[vector<16xi32>], vector<16xf32>,
          %parallel_loop3A_1970 = arith.constant 48 : i32
          %parallel_loop3A_1971 = vector.broadcast %parallel_loop3A_1970 : i32 to vector<16xi32>
          %parallel_loop3A_1972 = arith.addi %and3A_91, %parallel_loop3A_1971 : vector<16xi32>
          %parallel_loop3A_1973 = arith.constant 0 : i32
          %parallel_loop3A_1974 = arith.constant 0 : i32
          %parallel_loop3A_1975 = tpu.memref_slice %arg8[%rem3A_888, %parallel_loop3A_1973, %parallel_loop3A_1974] : memref<8x128x64xf32, #tpu.memory_space<vmem>> -> memref<1x128x64xf32, #tpu.memory_space<vmem>>
          %parallel_loop3A_1976 = tpu.memref_squeeze %parallel_loop3A_1975 : memref<1x128x64xf32, #tpu.memory_space<vmem>> -> memref<128x64xf32, #tpu.memory_space<vmem>>
          %parallel_loop3A_1977 = tpu.vector_load_idx %parallel_loop3A_1976[%parallel_loop3A_1039, %parallel_loop3A_1972] : memref<128x64xf32, #tpu.memory_space<vmem>>[vector<16xi32>, vector<16xi32>], vector<16xf32>,
          %parallel_loop3A_1978 = arith.constant 6144 : i32
          %parallel_loop3A_1979 = arith.addi %parallel_loop3A_1978, %parallel_loop3A_1037 : i32
          %parallel_loop3A_1980 = vector.broadcast %parallel_loop3A_1979 : i32 to vector<16xi32>
          %parallel_loop3A_1981 = arith.addi %add3A_247, %parallel_loop3A_1980 : vector<16xi32>
          %parallel_loop3A_1982 = arith.constant 0 : i32
          %parallel_loop3A_1983 = tpu.memref_slice %arg9[%rem3A_892, %parallel_loop3A_1982] : memref<4x8192xf32, #tpu.memory_space<vmem>> -> memref<1x8192xf32, #tpu.memory_space<vmem>>
          %parallel_loop3A_1984 = tpu.memref_squeeze %parallel_loop3A_1983 : memref<1x8192xf32, #tpu.memory_space<vmem>> -> memref<8192xf32, #tpu.memory_space<vmem>>
          tpu.vector_store_idx %parallel_loop3A_1984[%parallel_loop3A_1981], %parallel_loop3A_1977 : memref<8192xf32, #tpu.memory_space<vmem>>[vector<16xi32>], vector<16xf32>,
          %parallel_loop3A_1985 = arith.constant 48 : i32
          %parallel_loop3A_1986 = vector.broadcast %parallel_loop3A_1985 : i32 to vector<16xi32>
          %parallel_loop3A_1987 = arith.addi %and3A_97, %parallel_loop3A_1986 : vector<16xi32>
          %parallel_loop3A_1988 = arith.constant 0 : i32
          %parallel_loop3A_1989 = arith.constant 0 : i32
          %parallel_loop3A_1990 = tpu.memref_slice %arg8[%rem3A_888, %parallel_loop3A_1988, %parallel_loop3A_1989] : memref<8x128x64xf32, #tpu.memory_space<vmem>> -> memref<1x128x64xf32, #tpu.memory_space<vmem>>
          %parallel_loop3A_1991 = tpu.memref_squeeze %parallel_loop3A_1990 : memref<1x128x64xf32, #tpu.memory_space<vmem>> -> memref<128x64xf32, #tpu.memory_space<vmem>>
          %parallel_loop3A_1992 = tpu.vector_load_idx %parallel_loop3A_1991[%parallel_loop3A_1039, %parallel_loop3A_1987] : memref<128x64xf32, #tpu.memory_space<vmem>>[vector<16xi32>, vector<16xi32>], vector<16xf32>,
          %parallel_loop3A_1993 = arith.constant 6144 : i32
          %parallel_loop3A_1994 = arith.addi %parallel_loop3A_1993, %parallel_loop3A_1037 : i32
          %parallel_loop3A_1995 = vector.broadcast %parallel_loop3A_1994 : i32 to vector<16xi32>
          %parallel_loop3A_1996 = arith.addi %add3A_257, %parallel_loop3A_1995 : vector<16xi32>
          %parallel_loop3A_1997 = arith.constant 0 : i32
          %parallel_loop3A_1998 = tpu.memref_slice %arg9[%rem3A_892, %parallel_loop3A_1997] : memref<4x8192xf32, #tpu.memory_space<vmem>> -> memref<1x8192xf32, #tpu.memory_space<vmem>>
          %parallel_loop3A_1999 = tpu.memref_squeeze %parallel_loop3A_1998 : memref<1x8192xf32, #tpu.memory_space<vmem>> -> memref<8192xf32, #tpu.memory_space<vmem>>
          tpu.vector_store_idx %parallel_loop3A_1999[%parallel_loop3A_1996], %parallel_loop3A_1992 : memref<8192xf32, #tpu.memory_space<vmem>>[vector<16xi32>], vector<16xf32>,
        } {sc.loop_unroll_factor = 4 : i64, sc.parallel_access}
        %dma_start3A = arith.constant 0 : i32
        %dma_start3A_916 = arith.constant 0 : i32
        %dma_start3A_917 = tpu.memref_slice %arg9[%rem3A_892, %dma_start3A_916] : memref<4x8192xf32, #tpu.memory_space<vmem>> -> memref<1x1024xf32, #tpu.memory_space<vmem>>
        %dma_start3A_918 = tpu.memref_squeeze %dma_start3A_917 : memref<1x1024xf32, #tpu.memory_space<vmem>> -> memref<1024xf32, #tpu.memory_space<vmem>>
        %dma_start3A_919 = arith.constant 0 : i32
        %dma_start3A_920 = tpu.memref_slice %arg4[%rem3A_888, %div3A_890, %dma_start3A, %add3A, %dma_start3A_919] : memref<8x50x8x32x1024xf32, #tpu.memory_space<hbm>> -> memref<1x1x1x1x1024xf32, #tpu.memory_space<hbm>>
        %dma_start3A_921 = tpu.memref_squeeze %dma_start3A_920 : memref<1x1x1x1x1024xf32, #tpu.memory_space<hbm>> -> memref<1024xf32, #tpu.memory_space<hbm>>
        %dma_start3A_922 = tpu.memref_slice %arg11[%rem3A_892] : memref<4x!tpu.dma_semaphore, #tpu.memory_space<semaphore_mem>> -> memref<1x!tpu.dma_semaphore, #tpu.memory_space<semaphore_mem>>
        %dma_start3A_923 = tpu.memref_squeeze %dma_start3A_922 : memref<1x!tpu.dma_semaphore, #tpu.memory_space<semaphore_mem>> -> memref<!tpu.dma_semaphore, #tpu.memory_space<semaphore_mem>>
        %dma_start3A_924 = arith.constant 0 : i32
        %dma_start3A_925 = tpu.memref_slice %arg4[%rem3A_888, %div3A_890, %dma_start3A, %add3A, %dma_start3A_924] : memref<8x50x8x32x1024xf32, #tpu.memory_space<hbm>> -> memref<1x1x1x1x1024xf32, #tpu.memory_space<hbm>>
        %dma_start3A_926 = tpu.memref_squeeze %dma_start3A_925 : memref<1x1x1x1x1024xf32, #tpu.memory_space<hbm>> -> memref<1024xf32, #tpu.memory_space<hbm>>
        %dma_start3A_927 = arith.constant 0 : i32
        %dma_start3A_928 = tpu.memref_slice %arg9[%rem3A_892, %dma_start3A_927] : memref<4x8192xf32, #tpu.memory_space<vmem>> -> memref<1x1024xf32, #tpu.memory_space<vmem>>
        %dma_start3A_929 = tpu.memref_squeeze %dma_start3A_928 : memref<1x1024xf32, #tpu.memory_space<vmem>> -> memref<1024xf32, #tpu.memory_space<vmem>>
        tpu.enqueue_dma source(%dma_start3A_929 : memref<1024xf32, #tpu.memory_space<vmem>>) target(%dma_start3A_926 : memref<1024xf32, #tpu.memory_space<hbm>>) target_semaphore(%dma_start3A_923 : memref<!tpu.dma_semaphore, #tpu.memory_space<semaphore_mem>>)
        %dma_start3A_930 = arith.constant 1 : i32
        %dma_start3A_931 = arith.constant 1024 : i32
        %dma_start3A_932 = tpu.memref_slice %arg9[%rem3A_892, %dma_start3A_931] : memref<4x8192xf32, #tpu.memory_space<vmem>> -> memref<1x1024xf32, #tpu.memory_space<vmem>>
        %dma_start3A_933 = tpu.memref_squeeze %dma_start3A_932 : memref<1x1024xf32, #tpu.memory_space<vmem>> -> memref<1024xf32, #tpu.memory_space<vmem>>
        %dma_start3A_934 = arith.constant 0 : i32
        %dma_start3A_935 = tpu.memref_slice %arg4[%rem3A_888, %div3A_890, %dma_start3A_930, %add3A, %dma_start3A_934] : memref<8x50x8x32x1024xf32, #tpu.memory_space<hbm>> -> memref<1x1x1x1x1024xf32, #tpu.memory_space<hbm>>
        %dma_start3A_936 = tpu.memref_squeeze %dma_start3A_935 : memref<1x1x1x1x1024xf32, #tpu.memory_space<hbm>> -> memref<1024xf32, #tpu.memory_space<hbm>>
        %dma_start3A_937 = tpu.memref_slice %arg11[%rem3A_892] : memref<4x!tpu.dma_semaphore, #tpu.memory_space<semaphore_mem>> -> memref<1x!tpu.dma_semaphore, #tpu.memory_space<semaphore_mem>>
        %dma_start3A_938 = tpu.memref_squeeze %dma_start3A_937 : memref<1x!tpu.dma_semaphore, #tpu.memory_space<semaphore_mem>> -> memref<!tpu.dma_semaphore, #tpu.memory_space<semaphore_mem>>
        %dma_start3A_939 = arith.constant 0 : i32
        %dma_start3A_940 = tpu.memref_slice %arg4[%rem3A_888, %div3A_890, %dma_start3A_930, %add3A, %dma_start3A_939] : memref<8x50x8x32x1024xf32, #tpu.memory_space<hbm>> -> memref<1x1x1x1x1024xf32, #tpu.memory_space<hbm>>
        %dma_start3A_941 = tpu.memref_squeeze %dma_start3A_940 : memref<1x1x1x1x1024xf32, #tpu.memory_space<hbm>> -> memref<1024xf32, #tpu.memory_space<hbm>>
        %dma_start3A_942 = arith.constant 1024 : i32
        %dma_start3A_943 = tpu.memref_slice %arg9[%rem3A_892, %dma_start3A_942] : memref<4x8192xf32, #tpu.memory_space<vmem>> -> memref<1x1024xf32, #tpu.memory_space<vmem>>
        %dma_start3A_944 = tpu.memref_squeeze %dma_start3A_943 : memref<1x1024xf32, #tpu.memory_space<vmem>> -> memref<1024xf32, #tpu.memory_space<vmem>>
        tpu.enqueue_dma source(%dma_start3A_944 : memref<1024xf32, #tpu.memory_space<vmem>>) target(%dma_start3A_941 : memref<1024xf32, #tpu.memory_space<hbm>>) target_semaphore(%dma_start3A_938 : memref<!tpu.dma_semaphore, #tpu.memory_space<semaphore_mem>>)
        %dma_start3A_945 = arith.constant 2 : i32
        %dma_start3A_946 = arith.constant 2048 : i32
        %dma_start3A_947 = tpu.memref_slice %arg9[%rem3A_892, %dma_start3A_946] : memref<4x8192xf32, #tpu.memory_space<vmem>> -> memref<1x1024xf32, #tpu.memory_space<vmem>>
        %dma_start3A_948 = tpu.memref_squeeze %dma_start3A_947 : memref<1x1024xf32, #tpu.memory_space<vmem>> -> memref<1024xf32, #tpu.memory_space<vmem>>
        %dma_start3A_949 = arith.constant 0 : i32
        %dma_start3A_950 = tpu.memref_slice %arg4[%rem3A_888, %div3A_890, %dma_start3A_945, %add3A, %dma_start3A_949] : memref<8x50x8x32x1024xf32, #tpu.memory_space<hbm>> -> memref<1x1x1x1x1024xf32, #tpu.memory_space<hbm>>
        %dma_start3A_951 = tpu.memref_squeeze %dma_start3A_950 : memref<1x1x1x1x1024xf32, #tpu.memory_space<hbm>> -> memref<1024xf32, #tpu.memory_space<hbm>>
        %dma_start3A_952 = tpu.memref_slice %arg11[%rem3A_892] : memref<4x!tpu.dma_semaphore, #tpu.memory_space<semaphore_mem>> -> memref<1x!tpu.dma_semaphore, #tpu.memory_space<semaphore_mem>>
        %dma_start3A_953 = tpu.memref_squeeze %dma_start3A_952 : memref<1x!tpu.dma_semaphore, #tpu.memory_space<semaphore_mem>> -> memref<!tpu.dma_semaphore, #tpu.memory_space<semaphore_mem>>
        %dma_start3A_954 = arith.constant 0 : i32
        %dma_start3A_955 = tpu.memref_slice %arg4[%rem3A_888, %div3A_890, %dma_start3A_945, %add3A, %dma_start3A_954] : memref<8x50x8x32x1024xf32, #tpu.memory_space<hbm>> -> memref<1x1x1x1x1024xf32, #tpu.memory_space<hbm>>
        %dma_start3A_956 = tpu.memref_squeeze %dma_start3A_955 : memref<1x1x1x1x1024xf32, #tpu.memory_space<hbm>> -> memref<1024xf32, #tpu.memory_space<hbm>>
        %dma_start3A_957 = arith.constant 2048 : i32
        %dma_start3A_958 = tpu.memref_slice %arg9[%rem3A_892, %dma_start3A_957] : memref<4x8192xf32, #tpu.memory_space<vmem>> -> memref<1x1024xf32, #tpu.memory_space<vmem>>
        %dma_start3A_959 = tpu.memref_squeeze %dma_start3A_958 : memref<1x1024xf32, #tpu.memory_space<vmem>> -> memref<1024xf32, #tpu.memory_space<vmem>>
        tpu.enqueue_dma source(%dma_start3A_959 : memref<1024xf32, #tpu.memory_space<vmem>>) target(%dma_start3A_956 : memref<1024xf32, #tpu.memory_space<hbm>>) target_semaphore(%dma_start3A_953 : memref<!tpu.dma_semaphore, #tpu.memory_space<semaphore_mem>>)
        %dma_start3A_960 = arith.constant 3 : i32
        %dma_start3A_961 = arith.constant 3072 : i32
        %dma_start3A_962 = tpu.memref_slice %arg9[%rem3A_892, %dma_start3A_961] : memref<4x8192xf32, #tpu.memory_space<vmem>> -> memref<1x1024xf32, #tpu.memory_space<vmem>>
        %dma_start3A_963 = tpu.memref_squeeze %dma_start3A_962 : memref<1x1024xf32, #tpu.memory_space<vmem>> -> memref<1024xf32, #tpu.memory_space<vmem>>
        %dma_start3A_964 = arith.constant 0 : i32
        %dma_start3A_965 = tpu.memref_slice %arg4[%rem3A_888, %div3A_890, %dma_start3A_960, %add3A, %dma_start3A_964] : memref<8x50x8x32x1024xf32, #tpu.memory_space<hbm>> -> memref<1x1x1x1x1024xf32, #tpu.memory_space<hbm>>
        %dma_start3A_966 = tpu.memref_squeeze %dma_start3A_965 : memref<1x1x1x1x1024xf32, #tpu.memory_space<hbm>> -> memref<1024xf32, #tpu.memory_space<hbm>>
        %dma_start3A_967 = tpu.memref_slice %arg11[%rem3A_892] : memref<4x!tpu.dma_semaphore, #tpu.memory_space<semaphore_mem>> -> memref<1x!tpu.dma_semaphore, #tpu.memory_space<semaphore_mem>>
        %dma_start3A_968 = tpu.memref_squeeze %dma_start3A_967 : memref<1x!tpu.dma_semaphore, #tpu.memory_space<semaphore_mem>> -> memref<!tpu.dma_semaphore, #tpu.memory_space<semaphore_mem>>
        %dma_start3A_969 = arith.constant 0 : i32
        %dma_start3A_970 = tpu.memref_slice %arg4[%rem3A_888, %div3A_890, %dma_start3A_960, %add3A, %dma_start3A_969] : memref<8x50x8x32x1024xf32, #tpu.memory_space<hbm>> -> memref<1x1x1x1x1024xf32, #tpu.memory_space<hbm>>
        %dma_start3A_971 = tpu.memref_squeeze %dma_start3A_970 : memref<1x1x1x1x1024xf32, #tpu.memory_space<hbm>> -> memref<1024xf32, #tpu.memory_space<hbm>>
        %dma_start3A_972 = arith.constant 3072 : i32
        %dma_start3A_973 = tpu.memref_slice %arg9[%rem3A_892, %dma_start3A_972] : memref<4x8192xf32, #tpu.memory_space<vmem>> -> memref<1x1024xf32, #tpu.memory_space<vmem>>
        %dma_start3A_974 = tpu.memref_squeeze %dma_start3A_973 : memref<1x1024xf32, #tpu.memory_space<vmem>> -> memref<1024xf32, #tpu.memory_space<vmem>>
        tpu.enqueue_dma source(%dma_start3A_974 : memref<1024xf32, #tpu.memory_space<vmem>>) target(%dma_start3A_971 : memref<1024xf32, #tpu.memory_space<hbm>>) target_semaphore(%dma_start3A_968 : memref<!tpu.dma_semaphore, #tpu.memory_space<semaphore_mem>>)
        %dma_start3A_975 = arith.constant 4 : i32
        %dma_start3A_976 = arith.constant 4096 : i32
        %dma_start3A_977 = tpu.memref_slice %arg9[%rem3A_892, %dma_start3A_976] : memref<4x8192xf32, #tpu.memory_space<vmem>> -> memref<1x1024xf32, #tpu.memory_space<vmem>>
        %dma_start3A_978 = tpu.memref_squeeze %dma_start3A_977 : memref<1x1024xf32, #tpu.memory_space<vmem>> -> memref<1024xf32, #tpu.memory_space<vmem>>
        %dma_start3A_979 = arith.constant 0 : i32
        %dma_start3A_980 = tpu.memref_slice %arg4[%rem3A_888, %div3A_890, %dma_start3A_975, %add3A, %dma_start3A_979] : memref<8x50x8x32x1024xf32, #tpu.memory_space<hbm>> -> memref<1x1x1x1x1024xf32, #tpu.memory_space<hbm>>
        %dma_start3A_981 = tpu.memref_squeeze %dma_start3A_980 : memref<1x1x1x1x1024xf32, #tpu.memory_space<hbm>> -> memref<1024xf32, #tpu.memory_space<hbm>>
        %dma_start3A_982 = tpu.memref_slice %arg11[%rem3A_892] : memref<4x!tpu.dma_semaphore, #tpu.memory_space<semaphore_mem>> -> memref<1x!tpu.dma_semaphore, #tpu.memory_space<semaphore_mem>>
        %dma_start3A_983 = tpu.memref_squeeze %dma_start3A_982 : memref<1x!tpu.dma_semaphore, #tpu.memory_space<semaphore_mem>> -> memref<!tpu.dma_semaphore, #tpu.memory_space<semaphore_mem>>
        %dma_start3A_984 = arith.constant 0 : i32
        %dma_start3A_985 = tpu.memref_slice %arg4[%rem3A_888, %div3A_890, %dma_start3A_975, %add3A, %dma_start3A_984] : memref<8x50x8x32x1024xf32, #tpu.memory_space<hbm>> -> memref<1x1x1x1x1024xf32, #tpu.memory_space<hbm>>
        %dma_start3A_986 = tpu.memref_squeeze %dma_start3A_985 : memref<1x1x1x1x1024xf32, #tpu.memory_space<hbm>> -> memref<1024xf32, #tpu.memory_space<hbm>>
        %dma_start3A_987 = arith.constant 4096 : i32
        %dma_start3A_988 = tpu.memref_slice %arg9[%rem3A_892, %dma_start3A_987] : memref<4x8192xf32, #tpu.memory_space<vmem>> -> memref<1x1024xf32, #tpu.memory_space<vmem>>
        %dma_start3A_989 = tpu.memref_squeeze %dma_start3A_988 : memref<1x1024xf32, #tpu.memory_space<vmem>> -> memref<1024xf32, #tpu.memory_space<vmem>>
        tpu.enqueue_dma source(%dma_start3A_989 : memref<1024xf32, #tpu.memory_space<vmem>>) target(%dma_start3A_986 : memref<1024xf32, #tpu.memory_space<hbm>>) target_semaphore(%dma_start3A_983 : memref<!tpu.dma_semaphore, #tpu.memory_space<semaphore_mem>>)
        %dma_start3A_990 = arith.constant 5 : i32
        %dma_start3A_991 = arith.constant 5120 : i32
        %dma_start3A_992 = tpu.memref_slice %arg9[%rem3A_892, %dma_start3A_991] : memref<4x8192xf32, #tpu.memory_space<vmem>> -> memref<1x1024xf32, #tpu.memory_space<vmem>>
        %dma_start3A_993 = tpu.memref_squeeze %dma_start3A_992 : memref<1x1024xf32, #tpu.memory_space<vmem>> -> memref<1024xf32, #tpu.memory_space<vmem>>
        %dma_start3A_994 = arith.constant 0 : i32
        %dma_start3A_995 = tpu.memref_slice %arg4[%rem3A_888, %div3A_890, %dma_start3A_990, %add3A, %dma_start3A_994] : memref<8x50x8x32x1024xf32, #tpu.memory_space<hbm>> -> memref<1x1x1x1x1024xf32, #tpu.memory_space<hbm>>
        %dma_start3A_996 = tpu.memref_squeeze %dma_start3A_995 : memref<1x1x1x1x1024xf32, #tpu.memory_space<hbm>> -> memref<1024xf32, #tpu.memory_space<hbm>>
        %dma_start3A_997 = tpu.memref_slice %arg11[%rem3A_892] : memref<4x!tpu.dma_semaphore, #tpu.memory_space<semaphore_mem>> -> memref<1x!tpu.dma_semaphore, #tpu.memory_space<semaphore_mem>>
        %dma_start3A_998 = tpu.memref_squeeze %dma_start3A_997 : memref<1x!tpu.dma_semaphore, #tpu.memory_space<semaphore_mem>> -> memref<!tpu.dma_semaphore, #tpu.memory_space<semaphore_mem>>
        %dma_start3A_999 = arith.constant 0 : i32
        %dma_start3A_1000 = tpu.memref_slice %arg4[%rem3A_888, %div3A_890, %dma_start3A_990, %add3A, %dma_start3A_999] : memref<8x50x8x32x1024xf32, #tpu.memory_space<hbm>> -> memref<1x1x1x1x1024xf32, #tpu.memory_space<hbm>>
        %dma_start3A_1001 = tpu.memref_squeeze %dma_start3A_1000 : memref<1x1x1x1x1024xf32, #tpu.memory_space<hbm>> -> memref<1024xf32, #tpu.memory_space<hbm>>
        %dma_start3A_1002 = arith.constant 5120 : i32
        %dma_start3A_1003 = tpu.memref_slice %arg9[%rem3A_892, %dma_start3A_1002] : memref<4x8192xf32, #tpu.memory_space<vmem>> -> memref<1x1024xf32, #tpu.memory_space<vmem>>
        %dma_start3A_1004 = tpu.memref_squeeze %dma_start3A_1003 : memref<1x1024xf32, #tpu.memory_space<vmem>> -> memref<1024xf32, #tpu.memory_space<vmem>>
        tpu.enqueue_dma source(%dma_start3A_1004 : memref<1024xf32, #tpu.memory_space<vmem>>) target(%dma_start3A_1001 : memref<1024xf32, #tpu.memory_space<hbm>>) target_semaphore(%dma_start3A_998 : memref<!tpu.dma_semaphore, #tpu.memory_space<semaphore_mem>>)
        %dma_start3A_1005 = arith.constant 6 : i32
        %dma_start3A_1006 = arith.constant 6144 : i32
        %dma_start3A_1007 = tpu.memref_slice %arg9[%rem3A_892, %dma_start3A_1006] : memref<4x8192xf32, #tpu.memory_space<vmem>> -> memref<1x1024xf32, #tpu.memory_space<vmem>>
        %dma_start3A_1008 = tpu.memref_squeeze %dma_start3A_1007 : memref<1x1024xf32, #tpu.memory_space<vmem>> -> memref<1024xf32, #tpu.memory_space<vmem>>
        %dma_start3A_1009 = arith.constant 0 : i32
        %dma_start3A_1010 = tpu.memref_slice %arg4[%rem3A_888, %div3A_890, %dma_start3A_1005, %add3A, %dma_start3A_1009] : memref<8x50x8x32x1024xf32, #tpu.memory_space<hbm>> -> memref<1x1x1x1x1024xf32, #tpu.memory_space<hbm>>
        %dma_start3A_1011 = tpu.memref_squeeze %dma_start3A_1010 : memref<1x1x1x1x1024xf32, #tpu.memory_space<hbm>> -> memref<1024xf32, #tpu.memory_space<hbm>>
        %dma_start3A_1012 = tpu.memref_slice %arg11[%rem3A_892] : memref<4x!tpu.dma_semaphore, #tpu.memory_space<semaphore_mem>> -> memref<1x!tpu.dma_semaphore, #tpu.memory_space<semaphore_mem>>
        %dma_start3A_1013 = tpu.memref_squeeze %dma_start3A_1012 : memref<1x!tpu.dma_semaphore, #tpu.memory_space<semaphore_mem>> -> memref<!tpu.dma_semaphore, #tpu.memory_space<semaphore_mem>>
        %dma_start3A_1014 = arith.constant 0 : i32
        %dma_start3A_1015 = tpu.memref_slice %arg4[%rem3A_888, %div3A_890, %dma_start3A_1005, %add3A, %dma_start3A_1014] : memref<8x50x8x32x1024xf32, #tpu.memory_space<hbm>> -> memref<1x1x1x1x1024xf32, #tpu.memory_space<hbm>>
        %dma_start3A_1016 = tpu.memref_squeeze %dma_start3A_1015 : memref<1x1x1x1x1024xf32, #tpu.memory_space<hbm>> -> memref<1024xf32, #tpu.memory_space<hbm>>
        %dma_start3A_1017 = arith.constant 6144 : i32
        %dma_start3A_1018 = tpu.memref_slice %arg9[%rem3A_892, %dma_start3A_1017] : memref<4x8192xf32, #tpu.memory_space<vmem>> -> memref<1x1024xf32, #tpu.memory_space<vmem>>
        %dma_start3A_1019 = tpu.memref_squeeze %dma_start3A_1018 : memref<1x1024xf32, #tpu.memory_space<vmem>> -> memref<1024xf32, #tpu.memory_space<vmem>>
        tpu.enqueue_dma source(%dma_start3A_1019 : memref<1024xf32, #tpu.memory_space<vmem>>) target(%dma_start3A_1016 : memref<1024xf32, #tpu.memory_space<hbm>>) target_semaphore(%dma_start3A_1013 : memref<!tpu.dma_semaphore, #tpu.memory_space<semaphore_mem>>)
        %dma_start3A_1020 = arith.constant 7 : i32
        %dma_start3A_1021 = arith.constant 7168 : i32
        %dma_start3A_1022 = tpu.memref_slice %arg9[%rem3A_892, %dma_start3A_1021] : memref<4x8192xf32, #tpu.memory_space<vmem>> -> memref<1x1024xf32, #tpu.memory_space<vmem>>
        %dma_start3A_1023 = tpu.memref_squeeze %dma_start3A_1022 : memref<1x1024xf32, #tpu.memory_space<vmem>> -> memref<1024xf32, #tpu.memory_space<vmem>>
        %dma_start3A_1024 = arith.constant 0 : i32
        %dma_start3A_1025 = tpu.memref_slice %arg4[%rem3A_888, %div3A_890, %dma_start3A_1020, %add3A, %dma_start3A_1024] : memref<8x50x8x32x1024xf32, #tpu.memory_space<hbm>> -> memref<1x1x1x1x1024xf32, #tpu.memory_space<hbm>>
        %dma_start3A_1026 = tpu.memref_squeeze %dma_start3A_1025 : memref<1x1x1x1x1024xf32, #tpu.memory_space<hbm>> -> memref<1024xf32, #tpu.memory_space<hbm>>
        %dma_start3A_1027 = tpu.memref_slice %arg11[%rem3A_892] : memref<4x!tpu.dma_semaphore, #tpu.memory_space<semaphore_mem>> -> memref<1x!tpu.dma_semaphore, #tpu.memory_space<semaphore_mem>>
        %dma_start3A_1028 = tpu.memref_squeeze %dma_start3A_1027 : memref<1x!tpu.dma_semaphore, #tpu.memory_space<semaphore_mem>> -> memref<!tpu.dma_semaphore, #tpu.memory_space<semaphore_mem>>
        %dma_start3A_1029 = arith.constant 0 : i32
        %dma_start3A_1030 = tpu.memref_slice %arg4[%rem3A_888, %div3A_890, %dma_start3A_1020, %add3A, %dma_start3A_1029] : memref<8x50x8x32x1024xf32, #tpu.memory_space<hbm>> -> memref<1x1x1x1x1024xf32, #tpu.memory_space<hbm>>
        %dma_start3A_1031 = tpu.memref_squeeze %dma_start3A_1030 : memref<1x1x1x1x1024xf32, #tpu.memory_space<hbm>> -> memref<1024xf32, #tpu.memory_space<hbm>>
        %dma_start3A_1032 = arith.constant 7168 : i32
        %dma_start3A_1033 = tpu.memref_slice %arg9[%rem3A_892, %dma_start3A_1032] : memref<4x8192xf32, #tpu.memory_space<vmem>> -> memref<1x1024xf32, #tpu.memory_space<vmem>>
        %dma_start3A_1034 = tpu.memref_squeeze %dma_start3A_1033 : memref<1x1024xf32, #tpu.memory_space<vmem>> -> memref<1024xf32, #tpu.memory_space<vmem>>
        tpu.enqueue_dma source(%dma_start3A_1034 : memref<1024xf32, #tpu.memory_space<vmem>>) target(%dma_start3A_1031 : memref<1024xf32, #tpu.memory_space<hbm>>) target_semaphore(%dma_start3A_1028 : memref<!tpu.dma_semaphore, #tpu.memory_space<semaphore_mem>>)
      } else {
      }
    }
    %scan3A_262 = arith.constant 404 : i32
    %dma_wait3A = arith.constant 0 : i32
    %dma_wait3A_263 = arith.constant 0 : i32
    %dma_wait3A_264 = arith.constant 0 : i32
    %dma_wait3A_265 = arith.constant 0 : i32
    %dma_wait3A_266 = arith.constant 0 : i32
    %dma_wait3A_267 = arith.constant 0 : i32
    %dma_wait3A_268 = tpu.memref_slice %arg9[%dma_wait3A_265, %dma_wait3A_267] : memref<4x8192xf32, #tpu.memory_space<vmem>> -> memref<1x1024xf32, #tpu.memory_space<vmem>>
    %dma_wait3A_269 = tpu.memref_squeeze %dma_wait3A_268 : memref<1x1024xf32, #tpu.memory_space<vmem>> -> memref<1024xf32, #tpu.memory_space<vmem>>
    %dma_wait3A_270 = arith.constant 0 : i32
    %dma_wait3A_271 = tpu.memref_slice %arg4[%dma_wait3A, %dma_wait3A_263, %dma_wait3A_264, %add3A, %dma_wait3A_270] : memref<8x50x8x32x1024xf32, #tpu.memory_space<hbm>> -> memref<1x1x1x1x1024xf32, #tpu.memory_space<hbm>>
    %dma_wait3A_272 = tpu.memref_squeeze %dma_wait3A_271 : memref<1x1x1x1x1024xf32, #tpu.memory_space<hbm>> -> memref<1024xf32, #tpu.memory_space<hbm>>
    %dma_wait3A_273 = tpu.memref_slice %arg11[%dma_wait3A_266] : memref<4x!tpu.dma_semaphore, #tpu.memory_space<semaphore_mem>> -> memref<1x!tpu.dma_semaphore, #tpu.memory_space<semaphore_mem>>
    %dma_wait3A_274 = tpu.memref_squeeze %dma_wait3A_273 : memref<1x!tpu.dma_semaphore, #tpu.memory_space<semaphore_mem>> -> memref<!tpu.dma_semaphore, #tpu.memory_space<semaphore_mem>>
    %dma_wait3A_275 = arith.constant 0 : i32
    %dma_wait3A_276 = tpu.memref_slice %arg9[%dma_wait3A_265, %dma_wait3A_275] : memref<4x8192xf32, #tpu.memory_space<vmem>> -> memref<1x1024xf32, #tpu.memory_space<vmem>>
    %dma_wait3A_277 = tpu.memref_squeeze %dma_wait3A_276 : memref<1x1024xf32, #tpu.memory_space<vmem>> -> memref<1024xf32, #tpu.memory_space<vmem>>
    %dma_wait3A_278 = arith.constant 0 : i32
    %dma_wait3A_279 = tpu.memref_slice %arg4[%dma_wait3A, %dma_wait3A_263, %dma_wait3A_264, %add3A, %dma_wait3A_278] : memref<8x50x8x32x1024xf32, #tpu.memory_space<hbm>> -> memref<1x1x1x1x1024xf32, #tpu.memory_space<hbm>>
    %dma_wait3A_280 = tpu.memref_squeeze %dma_wait3A_279 : memref<1x1x1x1x1024xf32, #tpu.memory_space<hbm>> -> memref<1024xf32, #tpu.memory_space<hbm>>
    tpu.wait_dma2 semaphore(%dma_wait3A_274 : memref<!tpu.dma_semaphore, #tpu.memory_space<semaphore_mem>>) src(%dma_wait3A_280 : memref<1024xf32, #tpu.memory_space<hbm>>) dst(%dma_wait3A_277 : memref<1024xf32, #tpu.memory_space<vmem>>)
    %dma_wait3A_281 = arith.constant 0 : i32
    %dma_wait3A_282 = arith.constant 0 : i32
    %dma_wait3A_283 = arith.constant 1 : i32
    %dma_wait3A_284 = arith.constant 0 : i32
    %dma_wait3A_285 = arith.constant 0 : i32
    %dma_wait3A_286 = arith.constant 1024 : i32
    %dma_wait3A_287 = tpu.memref_slice %arg9[%dma_wait3A_284, %dma_wait3A_286] : memref<4x8192xf32, #tpu.memory_space<vmem>> -> memref<1x1024xf32, #tpu.memory_space<vmem>>
    %dma_wait3A_288 = tpu.memref_squeeze %dma_wait3A_287 : memref<1x1024xf32, #tpu.memory_space<vmem>> -> memref<1024xf32, #tpu.memory_space<vmem>>
    %dma_wait3A_289 = arith.constant 0 : i32
    %dma_wait3A_290 = tpu.memref_slice %arg4[%dma_wait3A_281, %dma_wait3A_282, %dma_wait3A_283, %add3A, %dma_wait3A_289] : memref<8x50x8x32x1024xf32, #tpu.memory_space<hbm>> -> memref<1x1x1x1x1024xf32, #tpu.memory_space<hbm>>
    %dma_wait3A_291 = tpu.memref_squeeze %dma_wait3A_290 : memref<1x1x1x1x1024xf32, #tpu.memory_space<hbm>> -> memref<1024xf32, #tpu.memory_space<hbm>>
    %dma_wait3A_292 = tpu.memref_slice %arg11[%dma_wait3A_285] : memref<4x!tpu.dma_semaphore, #tpu.memory_space<semaphore_mem>> -> memref<1x!tpu.dma_semaphore, #tpu.memory_space<semaphore_mem>>
    %dma_wait3A_293 = tpu.memref_squeeze %dma_wait3A_292 : memref<1x!tpu.dma_semaphore, #tpu.memory_space<semaphore_mem>> -> memref<!tpu.dma_semaphore, #tpu.memory_space<semaphore_mem>>
    %dma_wait3A_294 = arith.constant 1024 : i32
    %dma_wait3A_295 = tpu.memref_slice %arg9[%dma_wait3A_284, %dma_wait3A_294] : memref<4x8192xf32, #tpu.memory_space<vmem>> -> memref<1x1024xf32, #tpu.memory_space<vmem>>
    %dma_wait3A_296 = tpu.memref_squeeze %dma_wait3A_295 : memref<1x1024xf32, #tpu.memory_space<vmem>> -> memref<1024xf32, #tpu.memory_space<vmem>>
    %dma_wait3A_297 = arith.constant 0 : i32
    %dma_wait3A_298 = tpu.memref_slice %arg4[%dma_wait3A_281, %dma_wait3A_282, %dma_wait3A_283, %add3A, %dma_wait3A_297] : memref<8x50x8x32x1024xf32, #tpu.memory_space<hbm>> -> memref<1x1x1x1x1024xf32, #tpu.memory_space<hbm>>
    %dma_wait3A_299 = tpu.memref_squeeze %dma_wait3A_298 : memref<1x1x1x1x1024xf32, #tpu.memory_space<hbm>> -> memref<1024xf32, #tpu.memory_space<hbm>>
    tpu.wait_dma2 semaphore(%dma_wait3A_293 : memref<!tpu.dma_semaphore, #tpu.memory_space<semaphore_mem>>) src(%dma_wait3A_299 : memref<1024xf32, #tpu.memory_space<hbm>>) dst(%dma_wait3A_296 : memref<1024xf32, #tpu.memory_space<vmem>>)
    %dma_wait3A_300 = arith.constant 0 : i32
    %dma_wait3A_301 = arith.constant 0 : i32
    %dma_wait3A_302 = arith.constant 2 : i32
    %dma_wait3A_303 = arith.constant 0 : i32
    %dma_wait3A_304 = arith.constant 0 : i32
    %dma_wait3A_305 = arith.constant 2048 : i32
    %dma_wait3A_306 = tpu.memref_slice %arg9[%dma_wait3A_303, %dma_wait3A_305] : memref<4x8192xf32, #tpu.memory_space<vmem>> -> memref<1x1024xf32, #tpu.memory_space<vmem>>
    %dma_wait3A_307 = tpu.memref_squeeze %dma_wait3A_306 : memref<1x1024xf32, #tpu.memory_space<vmem>> -> memref<1024xf32, #tpu.memory_space<vmem>>
    %dma_wait3A_308 = arith.constant 0 : i32
    %dma_wait3A_309 = tpu.memref_slice %arg4[%dma_wait3A_300, %dma_wait3A_301, %dma_wait3A_302, %add3A, %dma_wait3A_308] : memref<8x50x8x32x1024xf32, #tpu.memory_space<hbm>> -> memref<1x1x1x1x1024xf32, #tpu.memory_space<hbm>>
    %dma_wait3A_310 = tpu.memref_squeeze %dma_wait3A_309 : memref<1x1x1x1x1024xf32, #tpu.memory_space<hbm>> -> memref<1024xf32, #tpu.memory_space<hbm>>
    %dma_wait3A_311 = tpu.memref_slice %arg11[%dma_wait3A_304] : memref<4x!tpu.dma_semaphore, #tpu.memory_space<semaphore_mem>> -> memref<1x!tpu.dma_semaphore, #tpu.memory_space<semaphore_mem>>
    %dma_wait3A_312 = tpu.memref_squeeze %dma_wait3A_311 : memref<1x!tpu.dma_semaphore, #tpu.memory_space<semaphore_mem>> -> memref<!tpu.dma_semaphore, #tpu.memory_space<semaphore_mem>>
    %dma_wait3A_313 = arith.constant 2048 : i32
    %dma_wait3A_314 = tpu.memref_slice %arg9[%dma_wait3A_303, %dma_wait3A_313] : memref<4x8192xf32, #tpu.memory_space<vmem>> -> memref<1x1024xf32, #tpu.memory_space<vmem>>
    %dma_wait3A_315 = tpu.memref_squeeze %dma_wait3A_314 : memref<1x1024xf32, #tpu.memory_space<vmem>> -> memref<1024xf32, #tpu.memory_space<vmem>>
    %dma_wait3A_316 = arith.constant 0 : i32
    %dma_wait3A_317 = tpu.memref_slice %arg4[%dma_wait3A_300, %dma_wait3A_301, %dma_wait3A_302, %add3A, %dma_wait3A_316] : memref<8x50x8x32x1024xf32, #tpu.memory_space<hbm>> -> memref<1x1x1x1x1024xf32, #tpu.memory_space<hbm>>
    %dma_wait3A_318 = tpu.memref_squeeze %dma_wait3A_317 : memref<1x1x1x1x1024xf32, #tpu.memory_space<hbm>> -> memref<1024xf32, #tpu.memory_space<hbm>>
    tpu.wait_dma2 semaphore(%dma_wait3A_312 : memref<!tpu.dma_semaphore, #tpu.memory_space<semaphore_mem>>) src(%dma_wait3A_318 : memref<1024xf32, #tpu.memory_space<hbm>>) dst(%dma_wait3A_315 : memref<1024xf32, #tpu.memory_space<vmem>>)
    %dma_wait3A_319 = arith.constant 0 : i32
    %dma_wait3A_320 = arith.constant 0 : i32
    %dma_wait3A_321 = arith.constant 3 : i32
    %dma_wait3A_322 = arith.constant 0 : i32
    %dma_wait3A_323 = arith.constant 0 : i32
    %dma_wait3A_324 = arith.constant 3072 : i32
    %dma_wait3A_325 = tpu.memref_slice %arg9[%dma_wait3A_322, %dma_wait3A_324] : memref<4x8192xf32, #tpu.memory_space<vmem>> -> memref<1x1024xf32, #tpu.memory_space<vmem>>
    %dma_wait3A_326 = tpu.memref_squeeze %dma_wait3A_325 : memref<1x1024xf32, #tpu.memory_space<vmem>> -> memref<1024xf32, #tpu.memory_space<vmem>>
    %dma_wait3A_327 = arith.constant 0 : i32
    %dma_wait3A_328 = tpu.memref_slice %arg4[%dma_wait3A_319, %dma_wait3A_320, %dma_wait3A_321, %add3A, %dma_wait3A_327] : memref<8x50x8x32x1024xf32, #tpu.memory_space<hbm>> -> memref<1x1x1x1x1024xf32, #tpu.memory_space<hbm>>
    %dma_wait3A_329 = tpu.memref_squeeze %dma_wait3A_328 : memref<1x1x1x1x1024xf32, #tpu.memory_space<hbm>> -> memref<1024xf32, #tpu.memory_space<hbm>>
    %dma_wait3A_330 = tpu.memref_slice %arg11[%dma_wait3A_323] : memref<4x!tpu.dma_semaphore, #tpu.memory_space<semaphore_mem>> -> memref<1x!tpu.dma_semaphore, #tpu.memory_space<semaphore_mem>>
    %dma_wait3A_331 = tpu.memref_squeeze %dma_wait3A_330 : memref<1x!tpu.dma_semaphore, #tpu.memory_space<semaphore_mem>> -> memref<!tpu.dma_semaphore, #tpu.memory_space<semaphore_mem>>
    %dma_wait3A_332 = arith.constant 3072 : i32
    %dma_wait3A_333 = tpu.memref_slice %arg9[%dma_wait3A_322, %dma_wait3A_332] : memref<4x8192xf32, #tpu.memory_space<vmem>> -> memref<1x1024xf32, #tpu.memory_space<vmem>>
    %dma_wait3A_334 = tpu.memref_squeeze %dma_wait3A_333 : memref<1x1024xf32, #tpu.memory_space<vmem>> -> memref<1024xf32, #tpu.memory_space<vmem>>
    %dma_wait3A_335 = arith.constant 0 : i32
    %dma_wait3A_336 = tpu.memref_slice %arg4[%dma_wait3A_319, %dma_wait3A_320, %dma_wait3A_321, %add3A, %dma_wait3A_335] : memref<8x50x8x32x1024xf32, #tpu.memory_space<hbm>> -> memref<1x1x1x1x1024xf32, #tpu.memory_space<hbm>>
    %dma_wait3A_337 = tpu.memref_squeeze %dma_wait3A_336 : memref<1x1x1x1x1024xf32, #tpu.memory_space<hbm>> -> memref<1024xf32, #tpu.memory_space<hbm>>
    tpu.wait_dma2 semaphore(%dma_wait3A_331 : memref<!tpu.dma_semaphore, #tpu.memory_space<semaphore_mem>>) src(%dma_wait3A_337 : memref<1024xf32, #tpu.memory_space<hbm>>) dst(%dma_wait3A_334 : memref<1024xf32, #tpu.memory_space<vmem>>)
    %dma_wait3A_338 = arith.constant 0 : i32
    %dma_wait3A_339 = arith.constant 0 : i32
    %dma_wait3A_340 = arith.constant 4 : i32
    %dma_wait3A_341 = arith.constant 0 : i32
    %dma_wait3A_342 = arith.constant 0 : i32
    %dma_wait3A_343 = arith.constant 4096 : i32
    %dma_wait3A_344 = tpu.memref_slice %arg9[%dma_wait3A_341, %dma_wait3A_343] : memref<4x8192xf32, #tpu.memory_space<vmem>> -> memref<1x1024xf32, #tpu.memory_space<vmem>>
    %dma_wait3A_345 = tpu.memref_squeeze %dma_wait3A_344 : memref<1x1024xf32, #tpu.memory_space<vmem>> -> memref<1024xf32, #tpu.memory_space<vmem>>
    %dma_wait3A_346 = arith.constant 0 : i32
    %dma_wait3A_347 = tpu.memref_slice %arg4[%dma_wait3A_338, %dma_wait3A_339, %dma_wait3A_340, %add3A, %dma_wait3A_346] : memref<8x50x8x32x1024xf32, #tpu.memory_space<hbm>> -> memref<1x1x1x1x1024xf32, #tpu.memory_space<hbm>>
    %dma_wait3A_348 = tpu.memref_squeeze %dma_wait3A_347 : memref<1x1x1x1x1024xf32, #tpu.memory_space<hbm>> -> memref<1024xf32, #tpu.memory_space<hbm>>
    %dma_wait3A_349 = tpu.memref_slice %arg11[%dma_wait3A_342] : memref<4x!tpu.dma_semaphore, #tpu.memory_space<semaphore_mem>> -> memref<1x!tpu.dma_semaphore, #tpu.memory_space<semaphore_mem>>
    %dma_wait3A_350 = tpu.memref_squeeze %dma_wait3A_349 : memref<1x!tpu.dma_semaphore, #tpu.memory_space<semaphore_mem>> -> memref<!tpu.dma_semaphore, #tpu.memory_space<semaphore_mem>>
    %dma_wait3A_351 = arith.constant 4096 : i32
    %dma_wait3A_352 = tpu.memref_slice %arg9[%dma_wait3A_341, %dma_wait3A_351] : memref<4x8192xf32, #tpu.memory_space<vmem>> -> memref<1x1024xf32, #tpu.memory_space<vmem>>
    %dma_wait3A_353 = tpu.memref_squeeze %dma_wait3A_352 : memref<1x1024xf32, #tpu.memory_space<vmem>> -> memref<1024xf32, #tpu.memory_space<vmem>>
    %dma_wait3A_354 = arith.constant 0 : i32
    %dma_wait3A_355 = tpu.memref_slice %arg4[%dma_wait3A_338, %dma_wait3A_339, %dma_wait3A_340, %add3A, %dma_wait3A_354] : memref<8x50x8x32x1024xf32, #tpu.memory_space<hbm>> -> memref<1x1x1x1x1024xf32, #tpu.memory_space<hbm>>
    %dma_wait3A_356 = tpu.memref_squeeze %dma_wait3A_355 : memref<1x1x1x1x1024xf32, #tpu.memory_space<hbm>> -> memref<1024xf32, #tpu.memory_space<hbm>>
    tpu.wait_dma2 semaphore(%dma_wait3A_350 : memref<!tpu.dma_semaphore, #tpu.memory_space<semaphore_mem>>) src(%dma_wait3A_356 : memref<1024xf32, #tpu.memory_space<hbm>>) dst(%dma_wait3A_353 : memref<1024xf32, #tpu.memory_space<vmem>>)
    %dma_wait3A_357 = arith.constant 0 : i32
    %dma_wait3A_358 = arith.constant 0 : i32
    %dma_wait3A_359 = arith.constant 5 : i32
    %dma_wait3A_360 = arith.constant 0 : i32
    %dma_wait3A_361 = arith.constant 0 : i32
    %dma_wait3A_362 = arith.constant 5120 : i32
    %dma_wait3A_363 = tpu.memref_slice %arg9[%dma_wait3A_360, %dma_wait3A_362] : memref<4x8192xf32, #tpu.memory_space<vmem>> -> memref<1x1024xf32, #tpu.memory_space<vmem>>
    %dma_wait3A_364 = tpu.memref_squeeze %dma_wait3A_363 : memref<1x1024xf32, #tpu.memory_space<vmem>> -> memref<1024xf32, #tpu.memory_space<vmem>>
    %dma_wait3A_365 = arith.constant 0 : i32
    %dma_wait3A_366 = tpu.memref_slice %arg4[%dma_wait3A_357, %dma_wait3A_358, %dma_wait3A_359, %add3A, %dma_wait3A_365] : memref<8x50x8x32x1024xf32, #tpu.memory_space<hbm>> -> memref<1x1x1x1x1024xf32, #tpu.memory_space<hbm>>
    %dma_wait3A_367 = tpu.memref_squeeze %dma_wait3A_366 : memref<1x1x1x1x1024xf32, #tpu.memory_space<hbm>> -> memref<1024xf32, #tpu.memory_space<hbm>>
    %dma_wait3A_368 = tpu.memref_slice %arg11[%dma_wait3A_361] : memref<4x!tpu.dma_semaphore, #tpu.memory_space<semaphore_mem>> -> memref<1x!tpu.dma_semaphore, #tpu.memory_space<semaphore_mem>>
    %dma_wait3A_369 = tpu.memref_squeeze %dma_wait3A_368 : memref<1x!tpu.dma_semaphore, #tpu.memory_space<semaphore_mem>> -> memref<!tpu.dma_semaphore, #tpu.memory_space<semaphore_mem>>
    %dma_wait3A_370 = arith.constant 5120 : i32
    %dma_wait3A_371 = tpu.memref_slice %arg9[%dma_wait3A_360, %dma_wait3A_370] : memref<4x8192xf32, #tpu.memory_space<vmem>> -> memref<1x1024xf32, #tpu.memory_space<vmem>>
    %dma_wait3A_372 = tpu.memref_squeeze %dma_wait3A_371 : memref<1x1024xf32, #tpu.memory_space<vmem>> -> memref<1024xf32, #tpu.memory_space<vmem>>
    %dma_wait3A_373 = arith.constant 0 : i32
    %dma_wait3A_374 = tpu.memref_slice %arg4[%dma_wait3A_357, %dma_wait3A_358, %dma_wait3A_359, %add3A, %dma_wait3A_373] : memref<8x50x8x32x1024xf32, #tpu.memory_space<hbm>> -> memref<1x1x1x1x1024xf32, #tpu.memory_space<hbm>>
    %dma_wait3A_375 = tpu.memref_squeeze %dma_wait3A_374 : memref<1x1x1x1x1024xf32, #tpu.memory_space<hbm>> -> memref<1024xf32, #tpu.memory_space<hbm>>
    tpu.wait_dma2 semaphore(%dma_wait3A_369 : memref<!tpu.dma_semaphore, #tpu.memory_space<semaphore_mem>>) src(%dma_wait3A_375 : memref<1024xf32, #tpu.memory_space<hbm>>) dst(%dma_wait3A_372 : memref<1024xf32, #tpu.memory_space<vmem>>)
    %dma_wait3A_376 = arith.constant 0 : i32
    %dma_wait3A_377 = arith.constant 0 : i32
    %dma_wait3A_378 = arith.constant 6 : i32
    %dma_wait3A_379 = arith.constant 0 : i32
    %dma_wait3A_380 = arith.constant 0 : i32
    %dma_wait3A_381 = arith.constant 6144 : i32
    %dma_wait3A_382 = tpu.memref_slice %arg9[%dma_wait3A_379, %dma_wait3A_381] : memref<4x8192xf32, #tpu.memory_space<vmem>> -> memref<1x1024xf32, #tpu.memory_space<vmem>>
    %dma_wait3A_383 = tpu.memref_squeeze %dma_wait3A_382 : memref<1x1024xf32, #tpu.memory_space<vmem>> -> memref<1024xf32, #tpu.memory_space<vmem>>
    %dma_wait3A_384 = arith.constant 0 : i32
    %dma_wait3A_385 = tpu.memref_slice %arg4[%dma_wait3A_376, %dma_wait3A_377, %dma_wait3A_378, %add3A, %dma_wait3A_384] : memref<8x50x8x32x1024xf32, #tpu.memory_space<hbm>> -> memref<1x1x1x1x1024xf32, #tpu.memory_space<hbm>>
    %dma_wait3A_386 = tpu.memref_squeeze %dma_wait3A_385 : memref<1x1x1x1x1024xf32, #tpu.memory_space<hbm>> -> memref<1024xf32, #tpu.memory_space<hbm>>
    %dma_wait3A_387 = tpu.memref_slice %arg11[%dma_wait3A_380] : memref<4x!tpu.dma_semaphore, #tpu.memory_space<semaphore_mem>> -> memref<1x!tpu.dma_semaphore, #tpu.memory_space<semaphore_mem>>
    %dma_wait3A_388 = tpu.memref_squeeze %dma_wait3A_387 : memref<1x!tpu.dma_semaphore, #tpu.memory_space<semaphore_mem>> -> memref<!tpu.dma_semaphore, #tpu.memory_space<semaphore_mem>>
    %dma_wait3A_389 = arith.constant 6144 : i32
    %dma_wait3A_390 = tpu.memref_slice %arg9[%dma_wait3A_379, %dma_wait3A_389] : memref<4x8192xf32, #tpu.memory_space<vmem>> -> memref<1x1024xf32, #tpu.memory_space<vmem>>
    %dma_wait3A_391 = tpu.memref_squeeze %dma_wait3A_390 : memref<1x1024xf32, #tpu.memory_space<vmem>> -> memref<1024xf32, #tpu.memory_space<vmem>>
    %dma_wait3A_392 = arith.constant 0 : i32
    %dma_wait3A_393 = tpu.memref_slice %arg4[%dma_wait3A_376, %dma_wait3A_377, %dma_wait3A_378, %add3A, %dma_wait3A_392] : memref<8x50x8x32x1024xf32, #tpu.memory_space<hbm>> -> memref<1x1x1x1x1024xf32, #tpu.memory_space<hbm>>
    %dma_wait3A_394 = tpu.memref_squeeze %dma_wait3A_393 : memref<1x1x1x1x1024xf32, #tpu.memory_space<hbm>> -> memref<1024xf32, #tpu.memory_space<hbm>>
    tpu.wait_dma2 semaphore(%dma_wait3A_388 : memref<!tpu.dma_semaphore, #tpu.memory_space<semaphore_mem>>) src(%dma_wait3A_394 : memref<1024xf32, #tpu.memory_space<hbm>>) dst(%dma_wait3A_391 : memref<1024xf32, #tpu.memory_space<vmem>>)
    %dma_wait3A_395 = arith.constant 0 : i32
    %dma_wait3A_396 = arith.constant 0 : i32
    %dma_wait3A_397 = arith.constant 7 : i32
    %dma_wait3A_398 = arith.constant 0 : i32
    %dma_wait3A_399 = arith.constant 0 : i32
    %dma_wait3A_400 = arith.constant 7168 : i32
    %dma_wait3A_401 = tpu.memref_slice %arg9[%dma_wait3A_398, %dma_wait3A_400] : memref<4x8192xf32, #tpu.memory_space<vmem>> -> memref<1x1024xf32, #tpu.memory_space<vmem>>
    %dma_wait3A_402 = tpu.memref_squeeze %dma_wait3A_401 : memref<1x1024xf32, #tpu.memory_space<vmem>> -> memref<1024xf32, #tpu.memory_space<vmem>>
    %dma_wait3A_403 = arith.constant 0 : i32
    %dma_wait3A_404 = tpu.memref_slice %arg4[%dma_wait3A_395, %dma_wait3A_396, %dma_wait3A_397, %add3A, %dma_wait3A_403] : memref<8x50x8x32x1024xf32, #tpu.memory_space<hbm>> -> memref<1x1x1x1x1024xf32, #tpu.memory_space<hbm>>
    %dma_wait3A_405 = tpu.memref_squeeze %dma_wait3A_404 : memref<1x1x1x1x1024xf32, #tpu.memory_space<hbm>> -> memref<1024xf32, #tpu.memory_space<hbm>>
    %dma_wait3A_406 = tpu.memref_slice %arg11[%dma_wait3A_399] : memref<4x!tpu.dma_semaphore, #tpu.memory_space<semaphore_mem>> -> memref<1x!tpu.dma_semaphore, #tpu.memory_space<semaphore_mem>>
    %dma_wait3A_407 = tpu.memref_squeeze %dma_wait3A_406 : memref<1x!tpu.dma_semaphore, #tpu.memory_space<semaphore_mem>> -> memref<!tpu.dma_semaphore, #tpu.memory_space<semaphore_mem>>
    %dma_wait3A_408 = arith.constant 7168 : i32
    %dma_wait3A_409 = tpu.memref_slice %arg9[%dma_wait3A_398, %dma_wait3A_408] : memref<4x8192xf32, #tpu.memory_space<vmem>> -> memref<1x1024xf32, #tpu.memory_space<vmem>>
    %dma_wait3A_410 = tpu.memref_squeeze %dma_wait3A_409 : memref<1x1024xf32, #tpu.memory_space<vmem>> -> memref<1024xf32, #tpu.memory_space<vmem>>
    %dma_wait3A_411 = arith.constant 0 : i32
    %dma_wait3A_412 = tpu.memref_slice %arg4[%dma_wait3A_395, %dma_wait3A_396, %dma_wait3A_397, %add3A, %dma_wait3A_411] : memref<8x50x8x32x1024xf32, #tpu.memory_space<hbm>> -> memref<1x1x1x1x1024xf32, #tpu.memory_space<hbm>>
    %dma_wait3A_413 = tpu.memref_squeeze %dma_wait3A_412 : memref<1x1x1x1x1024xf32, #tpu.memory_space<hbm>> -> memref<1024xf32, #tpu.memory_space<hbm>>
    tpu.wait_dma2 semaphore(%dma_wait3A_407 : memref<!tpu.dma_semaphore, #tpu.memory_space<semaphore_mem>>) src(%dma_wait3A_413 : memref<1024xf32, #tpu.memory_space<hbm>>) dst(%dma_wait3A_410 : memref<1024xf32, #tpu.memory_space<vmem>>)
    %dma_wait3A_414 = arith.constant 0 : i32
    %dma_wait3A_415 = arith.constant 0 : i32
    %dma_wait3A_416 = arith.constant 0 : i32
    %dma_wait3A_417 = arith.constant 1 : i32
    %dma_wait3A_418 = arith.constant 1 : i32
    %dma_wait3A_419 = arith.constant 0 : i32
    %dma_wait3A_420 = tpu.memref_slice %arg9[%dma_wait3A_417, %dma_wait3A_419] : memref<4x8192xf32, #tpu.memory_space<vmem>> -> memref<1x1024xf32, #tpu.memory_space<vmem>>
    %dma_wait3A_421 = tpu.memref_squeeze %dma_wait3A_420 : memref<1x1024xf32, #tpu.memory_space<vmem>> -> memref<1024xf32, #tpu.memory_space<vmem>>
    %dma_wait3A_422 = arith.constant 0 : i32
    %dma_wait3A_423 = tpu.memref_slice %arg4[%dma_wait3A_414, %dma_wait3A_415, %dma_wait3A_416, %add3A, %dma_wait3A_422] : memref<8x50x8x32x1024xf32, #tpu.memory_space<hbm>> -> memref<1x1x1x1x1024xf32, #tpu.memory_space<hbm>>
    %dma_wait3A_424 = tpu.memref_squeeze %dma_wait3A_423 : memref<1x1x1x1x1024xf32, #tpu.memory_space<hbm>> -> memref<1024xf32, #tpu.memory_space<hbm>>
    %dma_wait3A_425 = tpu.memref_slice %arg11[%dma_wait3A_418] : memref<4x!tpu.dma_semaphore, #tpu.memory_space<semaphore_mem>> -> memref<1x!tpu.dma_semaphore, #tpu.memory_space<semaphore_mem>>
    %dma_wait3A_426 = tpu.memref_squeeze %dma_wait3A_425 : memref<1x!tpu.dma_semaphore, #tpu.memory_space<semaphore_mem>> -> memref<!tpu.dma_semaphore, #tpu.memory_space<semaphore_mem>>
    %dma_wait3A_427 = arith.constant 0 : i32
    %dma_wait3A_428 = tpu.memref_slice %arg9[%dma_wait3A_417, %dma_wait3A_427] : memref<4x8192xf32, #tpu.memory_space<vmem>> -> memref<1x1024xf32, #tpu.memory_space<vmem>>
    %dma_wait3A_429 = tpu.memref_squeeze %dma_wait3A_428 : memref<1x1024xf32, #tpu.memory_space<vmem>> -> memref<1024xf32, #tpu.memory_space<vmem>>
    %dma_wait3A_430 = arith.constant 0 : i32
    %dma_wait3A_431 = tpu.memref_slice %arg4[%dma_wait3A_414, %dma_wait3A_415, %dma_wait3A_416, %add3A, %dma_wait3A_430] : memref<8x50x8x32x1024xf32, #tpu.memory_space<hbm>> -> memref<1x1x1x1x1024xf32, #tpu.memory_space<hbm>>
    %dma_wait3A_432 = tpu.memref_squeeze %dma_wait3A_431 : memref<1x1x1x1x1024xf32, #tpu.memory_space<hbm>> -> memref<1024xf32, #tpu.memory_space<hbm>>
    tpu.wait_dma2 semaphore(%dma_wait3A_426 : memref<!tpu.dma_semaphore, #tpu.memory_space<semaphore_mem>>) src(%dma_wait3A_432 : memref<1024xf32, #tpu.memory_space<hbm>>) dst(%dma_wait3A_429 : memref<1024xf32, #tpu.memory_space<vmem>>)
    %dma_wait3A_433 = arith.constant 0 : i32
    %dma_wait3A_434 = arith.constant 0 : i32
    %dma_wait3A_435 = arith.constant 1 : i32
    %dma_wait3A_436 = arith.constant 1 : i32
    %dma_wait3A_437 = arith.constant 1 : i32
    %dma_wait3A_438 = arith.constant 1024 : i32
    %dma_wait3A_439 = tpu.memref_slice %arg9[%dma_wait3A_436, %dma_wait3A_438] : memref<4x8192xf32, #tpu.memory_space<vmem>> -> memref<1x1024xf32, #tpu.memory_space<vmem>>
    %dma_wait3A_440 = tpu.memref_squeeze %dma_wait3A_439 : memref<1x1024xf32, #tpu.memory_space<vmem>> -> memref<1024xf32, #tpu.memory_space<vmem>>
    %dma_wait3A_441 = arith.constant 0 : i32
    %dma_wait3A_442 = tpu.memref_slice %arg4[%dma_wait3A_433, %dma_wait3A_434, %dma_wait3A_435, %add3A, %dma_wait3A_441] : memref<8x50x8x32x1024xf32, #tpu.memory_space<hbm>> -> memref<1x1x1x1x1024xf32, #tpu.memory_space<hbm>>
    %dma_wait3A_443 = tpu.memref_squeeze %dma_wait3A_442 : memref<1x1x1x1x1024xf32, #tpu.memory_space<hbm>> -> memref<1024xf32, #tpu.memory_space<hbm>>
    %dma_wait3A_444 = tpu.memref_slice %arg11[%dma_wait3A_437] : memref<4x!tpu.dma_semaphore, #tpu.memory_space<semaphore_mem>> -> memref<1x!tpu.dma_semaphore, #tpu.memory_space<semaphore_mem>>
    %dma_wait3A_445 = tpu.memref_squeeze %dma_wait3A_444 : memref<1x!tpu.dma_semaphore, #tpu.memory_space<semaphore_mem>> -> memref<!tpu.dma_semaphore, #tpu.memory_space<semaphore_mem>>
    %dma_wait3A_446 = arith.constant 1024 : i32
    %dma_wait3A_447 = tpu.memref_slice %arg9[%dma_wait3A_436, %dma_wait3A_446] : memref<4x8192xf32, #tpu.memory_space<vmem>> -> memref<1x1024xf32, #tpu.memory_space<vmem>>
    %dma_wait3A_448 = tpu.memref_squeeze %dma_wait3A_447 : memref<1x1024xf32, #tpu.memory_space<vmem>> -> memref<1024xf32, #tpu.memory_space<vmem>>
    %dma_wait3A_449 = arith.constant 0 : i32
    %dma_wait3A_450 = tpu.memref_slice %arg4[%dma_wait3A_433, %dma_wait3A_434, %dma_wait3A_435, %add3A, %dma_wait3A_449] : memref<8x50x8x32x1024xf32, #tpu.memory_space<hbm>> -> memref<1x1x1x1x1024xf32, #tpu.memory_space<hbm>>
    %dma_wait3A_451 = tpu.memref_squeeze %dma_wait3A_450 : memref<1x1x1x1x1024xf32, #tpu.memory_space<hbm>> -> memref<1024xf32, #tpu.memory_space<hbm>>
    tpu.wait_dma2 semaphore(%dma_wait3A_445 : memref<!tpu.dma_semaphore, #tpu.memory_space<semaphore_mem>>) src(%dma_wait3A_451 : memref<1024xf32, #tpu.memory_space<hbm>>) dst(%dma_wait3A_448 : memref<1024xf32, #tpu.memory_space<vmem>>)
    %dma_wait3A_452 = arith.constant 0 : i32
    %dma_wait3A_453 = arith.constant 0 : i32
    %dma_wait3A_454 = arith.constant 2 : i32
    %dma_wait3A_455 = arith.constant 1 : i32
    %dma_wait3A_456 = arith.constant 1 : i32
    %dma_wait3A_457 = arith.constant 2048 : i32
    %dma_wait3A_458 = tpu.memref_slice %arg9[%dma_wait3A_455, %dma_wait3A_457] : memref<4x8192xf32, #tpu.memory_space<vmem>> -> memref<1x1024xf32, #tpu.memory_space<vmem>>
    %dma_wait3A_459 = tpu.memref_squeeze %dma_wait3A_458 : memref<1x1024xf32, #tpu.memory_space<vmem>> -> memref<1024xf32, #tpu.memory_space<vmem>>
    %dma_wait3A_460 = arith.constant 0 : i32
    %dma_wait3A_461 = tpu.memref_slice %arg4[%dma_wait3A_452, %dma_wait3A_453, %dma_wait3A_454, %add3A, %dma_wait3A_460] : memref<8x50x8x32x1024xf32, #tpu.memory_space<hbm>> -> memref<1x1x1x1x1024xf32, #tpu.memory_space<hbm>>
    %dma_wait3A_462 = tpu.memref_squeeze %dma_wait3A_461 : memref<1x1x1x1x1024xf32, #tpu.memory_space<hbm>> -> memref<1024xf32, #tpu.memory_space<hbm>>
    %dma_wait3A_463 = tpu.memref_slice %arg11[%dma_wait3A_456] : memref<4x!tpu.dma_semaphore, #tpu.memory_space<semaphore_mem>> -> memref<1x!tpu.dma_semaphore, #tpu.memory_space<semaphore_mem>>
    %dma_wait3A_464 = tpu.memref_squeeze %dma_wait3A_463 : memref<1x!tpu.dma_semaphore, #tpu.memory_space<semaphore_mem>> -> memref<!tpu.dma_semaphore, #tpu.memory_space<semaphore_mem>>
    %dma_wait3A_465 = arith.constant 2048 : i32
    %dma_wait3A_466 = tpu.memref_slice %arg9[%dma_wait3A_455, %dma_wait3A_465] : memref<4x8192xf32, #tpu.memory_space<vmem>> -> memref<1x1024xf32, #tpu.memory_space<vmem>>
    %dma_wait3A_467 = tpu.memref_squeeze %dma_wait3A_466 : memref<1x1024xf32, #tpu.memory_space<vmem>> -> memref<1024xf32, #tpu.memory_space<vmem>>
    %dma_wait3A_468 = arith.constant 0 : i32
    %dma_wait3A_469 = tpu.memref_slice %arg4[%dma_wait3A_452, %dma_wait3A_453, %dma_wait3A_454, %add3A, %dma_wait3A_468] : memref<8x50x8x32x1024xf32, #tpu.memory_space<hbm>> -> memref<1x1x1x1x1024xf32, #tpu.memory_space<hbm>>
    %dma_wait3A_470 = tpu.memref_squeeze %dma_wait3A_469 : memref<1x1x1x1x1024xf32, #tpu.memory_space<hbm>> -> memref<1024xf32, #tpu.memory_space<hbm>>
    tpu.wait_dma2 semaphore(%dma_wait3A_464 : memref<!tpu.dma_semaphore, #tpu.memory_space<semaphore_mem>>) src(%dma_wait3A_470 : memref<1024xf32, #tpu.memory_space<hbm>>) dst(%dma_wait3A_467 : memref<1024xf32, #tpu.memory_space<vmem>>)
    %dma_wait3A_471 = arith.constant 0 : i32
    %dma_wait3A_472 = arith.constant 0 : i32
    %dma_wait3A_473 = arith.constant 3 : i32
    %dma_wait3A_474 = arith.constant 1 : i32
    %dma_wait3A_475 = arith.constant 1 : i32
    %dma_wait3A_476 = arith.constant 3072 : i32
    %dma_wait3A_477 = tpu.memref_slice %arg9[%dma_wait3A_474, %dma_wait3A_476] : memref<4x8192xf32, #tpu.memory_space<vmem>> -> memref<1x1024xf32, #tpu.memory_space<vmem>>
    %dma_wait3A_478 = tpu.memref_squeeze %dma_wait3A_477 : memref<1x1024xf32, #tpu.memory_space<vmem>> -> memref<1024xf32, #tpu.memory_space<vmem>>
    %dma_wait3A_479 = arith.constant 0 : i32
    %dma_wait3A_480 = tpu.memref_slice %arg4[%dma_wait3A_471, %dma_wait3A_472, %dma_wait3A_473, %add3A, %dma_wait3A_479] : memref<8x50x8x32x1024xf32, #tpu.memory_space<hbm>> -> memref<1x1x1x1x1024xf32, #tpu.memory_space<hbm>>
    %dma_wait3A_481 = tpu.memref_squeeze %dma_wait3A_480 : memref<1x1x1x1x1024xf32, #tpu.memory_space<hbm>> -> memref<1024xf32, #tpu.memory_space<hbm>>
    %dma_wait3A_482 = tpu.memref_slice %arg11[%dma_wait3A_475] : memref<4x!tpu.dma_semaphore, #tpu.memory_space<semaphore_mem>> -> memref<1x!tpu.dma_semaphore, #tpu.memory_space<semaphore_mem>>
    %dma_wait3A_483 = tpu.memref_squeeze %dma_wait3A_482 : memref<1x!tpu.dma_semaphore, #tpu.memory_space<semaphore_mem>> -> memref<!tpu.dma_semaphore, #tpu.memory_space<semaphore_mem>>
    %dma_wait3A_484 = arith.constant 3072 : i32
    %dma_wait3A_485 = tpu.memref_slice %arg9[%dma_wait3A_474, %dma_wait3A_484] : memref<4x8192xf32, #tpu.memory_space<vmem>> -> memref<1x1024xf32, #tpu.memory_space<vmem>>
    %dma_wait3A_486 = tpu.memref_squeeze %dma_wait3A_485 : memref<1x1024xf32, #tpu.memory_space<vmem>> -> memref<1024xf32, #tpu.memory_space<vmem>>
    %dma_wait3A_487 = arith.constant 0 : i32
    %dma_wait3A_488 = tpu.memref_slice %arg4[%dma_wait3A_471, %dma_wait3A_472, %dma_wait3A_473, %add3A, %dma_wait3A_487] : memref<8x50x8x32x1024xf32, #tpu.memory_space<hbm>> -> memref<1x1x1x1x1024xf32, #tpu.memory_space<hbm>>
    %dma_wait3A_489 = tpu.memref_squeeze %dma_wait3A_488 : memref<1x1x1x1x1024xf32, #tpu.memory_space<hbm>> -> memref<1024xf32, #tpu.memory_space<hbm>>
    tpu.wait_dma2 semaphore(%dma_wait3A_483 : memref<!tpu.dma_semaphore, #tpu.memory_space<semaphore_mem>>) src(%dma_wait3A_489 : memref<1024xf32, #tpu.memory_space<hbm>>) dst(%dma_wait3A_486 : memref<1024xf32, #tpu.memory_space<vmem>>)
    %dma_wait3A_490 = arith.constant 0 : i32
    %dma_wait3A_491 = arith.constant 0 : i32
    %dma_wait3A_492 = arith.constant 4 : i32
    %dma_wait3A_493 = arith.constant 1 : i32
    %dma_wait3A_494 = arith.constant 1 : i32
    %dma_wait3A_495 = arith.constant 4096 : i32
    %dma_wait3A_496 = tpu.memref_slice %arg9[%dma_wait3A_493, %dma_wait3A_495] : memref<4x8192xf32, #tpu.memory_space<vmem>> -> memref<1x1024xf32, #tpu.memory_space<vmem>>
    %dma_wait3A_497 = tpu.memref_squeeze %dma_wait3A_496 : memref<1x1024xf32, #tpu.memory_space<vmem>> -> memref<1024xf32, #tpu.memory_space<vmem>>
    %dma_wait3A_498 = arith.constant 0 : i32
    %dma_wait3A_499 = tpu.memref_slice %arg4[%dma_wait3A_490, %dma_wait3A_491, %dma_wait3A_492, %add3A, %dma_wait3A_498] : memref<8x50x8x32x1024xf32, #tpu.memory_space<hbm>> -> memref<1x1x1x1x1024xf32, #tpu.memory_space<hbm>>
    %dma_wait3A_500 = tpu.memref_squeeze %dma_wait3A_499 : memref<1x1x1x1x1024xf32, #tpu.memory_space<hbm>> -> memref<1024xf32, #tpu.memory_space<hbm>>
    %dma_wait3A_501 = tpu.memref_slice %arg11[%dma_wait3A_494] : memref<4x!tpu.dma_semaphore, #tpu.memory_space<semaphore_mem>> -> memref<1x!tpu.dma_semaphore, #tpu.memory_space<semaphore_mem>>
    %dma_wait3A_502 = tpu.memref_squeeze %dma_wait3A_501 : memref<1x!tpu.dma_semaphore, #tpu.memory_space<semaphore_mem>> -> memref<!tpu.dma_semaphore, #tpu.memory_space<semaphore_mem>>
    %dma_wait3A_503 = arith.constant 4096 : i32
    %dma_wait3A_504 = tpu.memref_slice %arg9[%dma_wait3A_493, %dma_wait3A_503] : memref<4x8192xf32, #tpu.memory_space<vmem>> -> memref<1x1024xf32, #tpu.memory_space<vmem>>
    %dma_wait3A_505 = tpu.memref_squeeze %dma_wait3A_504 : memref<1x1024xf32, #tpu.memory_space<vmem>> -> memref<1024xf32, #tpu.memory_space<vmem>>
    %dma_wait3A_506 = arith.constant 0 : i32
    %dma_wait3A_507 = tpu.memref_slice %arg4[%dma_wait3A_490, %dma_wait3A_491, %dma_wait3A_492, %add3A, %dma_wait3A_506] : memref<8x50x8x32x1024xf32, #tpu.memory_space<hbm>> -> memref<1x1x1x1x1024xf32, #tpu.memory_space<hbm>>
    %dma_wait3A_508 = tpu.memref_squeeze %dma_wait3A_507 : memref<1x1x1x1x1024xf32, #tpu.memory_space<hbm>> -> memref<1024xf32, #tpu.memory_space<hbm>>
    tpu.wait_dma2 semaphore(%dma_wait3A_502 : memref<!tpu.dma_semaphore, #tpu.memory_space<semaphore_mem>>) src(%dma_wait3A_508 : memref<1024xf32, #tpu.memory_space<hbm>>) dst(%dma_wait3A_505 : memref<1024xf32, #tpu.memory_space<vmem>>)
    %dma_wait3A_509 = arith.constant 0 : i32
    %dma_wait3A_510 = arith.constant 0 : i32
    %dma_wait3A_511 = arith.constant 5 : i32
    %dma_wait3A_512 = arith.constant 1 : i32
    %dma_wait3A_513 = arith.constant 1 : i32
    %dma_wait3A_514 = arith.constant 5120 : i32
    %dma_wait3A_515 = tpu.memref_slice %arg9[%dma_wait3A_512, %dma_wait3A_514] : memref<4x8192xf32, #tpu.memory_space<vmem>> -> memref<1x1024xf32, #tpu.memory_space<vmem>>
    %dma_wait3A_516 = tpu.memref_squeeze %dma_wait3A_515 : memref<1x1024xf32, #tpu.memory_space<vmem>> -> memref<1024xf32, #tpu.memory_space<vmem>>
    %dma_wait3A_517 = arith.constant 0 : i32
    %dma_wait3A_518 = tpu.memref_slice %arg4[%dma_wait3A_509, %dma_wait3A_510, %dma_wait3A_511, %add3A, %dma_wait3A_517] : memref<8x50x8x32x1024xf32, #tpu.memory_space<hbm>> -> memref<1x1x1x1x1024xf32, #tpu.memory_space<hbm>>
    %dma_wait3A_519 = tpu.memref_squeeze %dma_wait3A_518 : memref<1x1x1x1x1024xf32, #tpu.memory_space<hbm>> -> memref<1024xf32, #tpu.memory_space<hbm>>
    %dma_wait3A_520 = tpu.memref_slice %arg11[%dma_wait3A_513] : memref<4x!tpu.dma_semaphore, #tpu.memory_space<semaphore_mem>> -> memref<1x!tpu.dma_semaphore, #tpu.memory_space<semaphore_mem>>
    %dma_wait3A_521 = tpu.memref_squeeze %dma_wait3A_520 : memref<1x!tpu.dma_semaphore, #tpu.memory_space<semaphore_mem>> -> memref<!tpu.dma_semaphore, #tpu.memory_space<semaphore_mem>>
    %dma_wait3A_522 = arith.constant 5120 : i32
    %dma_wait3A_523 = tpu.memref_slice %arg9[%dma_wait3A_512, %dma_wait3A_522] : memref<4x8192xf32, #tpu.memory_space<vmem>> -> memref<1x1024xf32, #tpu.memory_space<vmem>>
    %dma_wait3A_524 = tpu.memref_squeeze %dma_wait3A_523 : memref<1x1024xf32, #tpu.memory_space<vmem>> -> memref<1024xf32, #tpu.memory_space<vmem>>
    %dma_wait3A_525 = arith.constant 0 : i32
    %dma_wait3A_526 = tpu.memref_slice %arg4[%dma_wait3A_509, %dma_wait3A_510, %dma_wait3A_511, %add3A, %dma_wait3A_525] : memref<8x50x8x32x1024xf32, #tpu.memory_space<hbm>> -> memref<1x1x1x1x1024xf32, #tpu.memory_space<hbm>>
    %dma_wait3A_527 = tpu.memref_squeeze %dma_wait3A_526 : memref<1x1x1x1x1024xf32, #tpu.memory_space<hbm>> -> memref<1024xf32, #tpu.memory_space<hbm>>
    tpu.wait_dma2 semaphore(%dma_wait3A_521 : memref<!tpu.dma_semaphore, #tpu.memory_space<semaphore_mem>>) src(%dma_wait3A_527 : memref<1024xf32, #tpu.memory_space<hbm>>) dst(%dma_wait3A_524 : memref<1024xf32, #tpu.memory_space<vmem>>)
    %dma_wait3A_528 = arith.constant 0 : i32
    %dma_wait3A_529 = arith.constant 0 : i32
    %dma_wait3A_530 = arith.constant 6 : i32
    %dma_wait3A_531 = arith.constant 1 : i32
    %dma_wait3A_532 = arith.constant 1 : i32
    %dma_wait3A_533 = arith.constant 6144 : i32
    %dma_wait3A_534 = tpu.memref_slice %arg9[%dma_wait3A_531, %dma_wait3A_533] : memref<4x8192xf32, #tpu.memory_space<vmem>> -> memref<1x1024xf32, #tpu.memory_space<vmem>>
    %dma_wait3A_535 = tpu.memref_squeeze %dma_wait3A_534 : memref<1x1024xf32, #tpu.memory_space<vmem>> -> memref<1024xf32, #tpu.memory_space<vmem>>
    %dma_wait3A_536 = arith.constant 0 : i32
    %dma_wait3A_537 = tpu.memref_slice %arg4[%dma_wait3A_528, %dma_wait3A_529, %dma_wait3A_530, %add3A, %dma_wait3A_536] : memref<8x50x8x32x1024xf32, #tpu.memory_space<hbm>> -> memref<1x1x1x1x1024xf32, #tpu.memory_space<hbm>>
    %dma_wait3A_538 = tpu.memref_squeeze %dma_wait3A_537 : memref<1x1x1x1x1024xf32, #tpu.memory_space<hbm>> -> memref<1024xf32, #tpu.memory_space<hbm>>
    %dma_wait3A_539 = tpu.memref_slice %arg11[%dma_wait3A_532] : memref<4x!tpu.dma_semaphore, #tpu.memory_space<semaphore_mem>> -> memref<1x!tpu.dma_semaphore, #tpu.memory_space<semaphore_mem>>
    %dma_wait3A_540 = tpu.memref_squeeze %dma_wait3A_539 : memref<1x!tpu.dma_semaphore, #tpu.memory_space<semaphore_mem>> -> memref<!tpu.dma_semaphore, #tpu.memory_space<semaphore_mem>>
    %dma_wait3A_541 = arith.constant 6144 : i32
    %dma_wait3A_542 = tpu.memref_slice %arg9[%dma_wait3A_531, %dma_wait3A_541] : memref<4x8192xf32, #tpu.memory_space<vmem>> -> memref<1x1024xf32, #tpu.memory_space<vmem>>
    %dma_wait3A_543 = tpu.memref_squeeze %dma_wait3A_542 : memref<1x1024xf32, #tpu.memory_space<vmem>> -> memref<1024xf32, #tpu.memory_space<vmem>>
    %dma_wait3A_544 = arith.constant 0 : i32
    %dma_wait3A_545 = tpu.memref_slice %arg4[%dma_wait3A_528, %dma_wait3A_529, %dma_wait3A_530, %add3A, %dma_wait3A_544] : memref<8x50x8x32x1024xf32, #tpu.memory_space<hbm>> -> memref<1x1x1x1x1024xf32, #tpu.memory_space<hbm>>
    %dma_wait3A_546 = tpu.memref_squeeze %dma_wait3A_545 : memref<1x1x1x1x1024xf32, #tpu.memory_space<hbm>> -> memref<1024xf32, #tpu.memory_space<hbm>>
    tpu.wait_dma2 semaphore(%dma_wait3A_540 : memref<!tpu.dma_semaphore, #tpu.memory_space<semaphore_mem>>) src(%dma_wait3A_546 : memref<1024xf32, #tpu.memory_space<hbm>>) dst(%dma_wait3A_543 : memref<1024xf32, #tpu.memory_space<vmem>>)
    %dma_wait3A_547 = arith.constant 0 : i32
    %dma_wait3A_548 = arith.constant 0 : i32
    %dma_wait3A_549 = arith.constant 7 : i32
    %dma_wait3A_550 = arith.constant 1 : i32
    %dma_wait3A_551 = arith.constant 1 : i32
    %dma_wait3A_552 = arith.constant 7168 : i32
    %dma_wait3A_553 = tpu.memref_slice %arg9[%dma_wait3A_550, %dma_wait3A_552] : memref<4x8192xf32, #tpu.memory_space<vmem>> -> memref<1x1024xf32, #tpu.memory_space<vmem>>
    %dma_wait3A_554 = tpu.memref_squeeze %dma_wait3A_553 : memref<1x1024xf32, #tpu.memory_space<vmem>> -> memref<1024xf32, #tpu.memory_space<vmem>>
    %dma_wait3A_555 = arith.constant 0 : i32
    %dma_wait3A_556 = tpu.memref_slice %arg4[%dma_wait3A_547, %dma_wait3A_548, %dma_wait3A_549, %add3A, %dma_wait3A_555] : memref<8x50x8x32x1024xf32, #tpu.memory_space<hbm>> -> memref<1x1x1x1x1024xf32, #tpu.memory_space<hbm>>
    %dma_wait3A_557 = tpu.memref_squeeze %dma_wait3A_556 : memref<1x1x1x1x1024xf32, #tpu.memory_space<hbm>> -> memref<1024xf32, #tpu.memory_space<hbm>>
    %dma_wait3A_558 = tpu.memref_slice %arg11[%dma_wait3A_551] : memref<4x!tpu.dma_semaphore, #tpu.memory_space<semaphore_mem>> -> memref<1x!tpu.dma_semaphore, #tpu.memory_space<semaphore_mem>>
    %dma_wait3A_559 = tpu.memref_squeeze %dma_wait3A_558 : memref<1x!tpu.dma_semaphore, #tpu.memory_space<semaphore_mem>> -> memref<!tpu.dma_semaphore, #tpu.memory_space<semaphore_mem>>
    %dma_wait3A_560 = arith.constant 7168 : i32
    %dma_wait3A_561 = tpu.memref_slice %arg9[%dma_wait3A_550, %dma_wait3A_560] : memref<4x8192xf32, #tpu.memory_space<vmem>> -> memref<1x1024xf32, #tpu.memory_space<vmem>>
    %dma_wait3A_562 = tpu.memref_squeeze %dma_wait3A_561 : memref<1x1024xf32, #tpu.memory_space<vmem>> -> memref<1024xf32, #tpu.memory_space<vmem>>
    %dma_wait3A_563 = arith.constant 0 : i32
    %dma_wait3A_564 = tpu.memref_slice %arg4[%dma_wait3A_547, %dma_wait3A_548, %dma_wait3A_549, %add3A, %dma_wait3A_563] : memref<8x50x8x32x1024xf32, #tpu.memory_space<hbm>> -> memref<1x1x1x1x1024xf32, #tpu.memory_space<hbm>>
    %dma_wait3A_565 = tpu.memref_squeeze %dma_wait3A_564 : memref<1x1x1x1x1024xf32, #tpu.memory_space<hbm>> -> memref<1024xf32, #tpu.memory_space<hbm>>
    tpu.wait_dma2 semaphore(%dma_wait3A_559 : memref<!tpu.dma_semaphore, #tpu.memory_space<semaphore_mem>>) src(%dma_wait3A_565 : memref<1024xf32, #tpu.memory_space<hbm>>) dst(%dma_wait3A_562 : memref<1024xf32, #tpu.memory_space<vmem>>)
    %dma_wait3A_566 = arith.constant 0 : i32
    %dma_wait3A_567 = arith.constant 0 : i32
    %dma_wait3A_568 = arith.constant 0 : i32
    %dma_wait3A_569 = arith.constant 2 : i32
    %dma_wait3A_570 = arith.constant 2 : i32
    %dma_wait3A_571 = arith.constant 0 : i32
    %dma_wait3A_572 = tpu.memref_slice %arg9[%dma_wait3A_569, %dma_wait3A_571] : memref<4x8192xf32, #tpu.memory_space<vmem>> -> memref<1x1024xf32, #tpu.memory_space<vmem>>
    %dma_wait3A_573 = tpu.memref_squeeze %dma_wait3A_572 : memref<1x1024xf32, #tpu.memory_space<vmem>> -> memref<1024xf32, #tpu.memory_space<vmem>>
    %dma_wait3A_574 = arith.constant 0 : i32
    %dma_wait3A_575 = tpu.memref_slice %arg4[%dma_wait3A_566, %dma_wait3A_567, %dma_wait3A_568, %add3A, %dma_wait3A_574] : memref<8x50x8x32x1024xf32, #tpu.memory_space<hbm>> -> memref<1x1x1x1x1024xf32, #tpu.memory_space<hbm>>
    %dma_wait3A_576 = tpu.memref_squeeze %dma_wait3A_575 : memref<1x1x1x1x1024xf32, #tpu.memory_space<hbm>> -> memref<1024xf32, #tpu.memory_space<hbm>>
    %dma_wait3A_577 = tpu.memref_slice %arg11[%dma_wait3A_570] : memref<4x!tpu.dma_semaphore, #tpu.memory_space<semaphore_mem>> -> memref<1x!tpu.dma_semaphore, #tpu.memory_space<semaphore_mem>>
    %dma_wait3A_578 = tpu.memref_squeeze %dma_wait3A_577 : memref<1x!tpu.dma_semaphore, #tpu.memory_space<semaphore_mem>> -> memref<!tpu.dma_semaphore, #tpu.memory_space<semaphore_mem>>
    %dma_wait3A_579 = arith.constant 0 : i32
    %dma_wait3A_580 = tpu.memref_slice %arg9[%dma_wait3A_569, %dma_wait3A_579] : memref<4x8192xf32, #tpu.memory_space<vmem>> -> memref<1x1024xf32, #tpu.memory_space<vmem>>
    %dma_wait3A_581 = tpu.memref_squeeze %dma_wait3A_580 : memref<1x1024xf32, #tpu.memory_space<vmem>> -> memref<1024xf32, #tpu.memory_space<vmem>>
    %dma_wait3A_582 = arith.constant 0 : i32
    %dma_wait3A_583 = tpu.memref_slice %arg4[%dma_wait3A_566, %dma_wait3A_567, %dma_wait3A_568, %add3A, %dma_wait3A_582] : memref<8x50x8x32x1024xf32, #tpu.memory_space<hbm>> -> memref<1x1x1x1x1024xf32, #tpu.memory_space<hbm>>
    %dma_wait3A_584 = tpu.memref_squeeze %dma_wait3A_583 : memref<1x1x1x1x1024xf32, #tpu.memory_space<hbm>> -> memref<1024xf32, #tpu.memory_space<hbm>>
    tpu.wait_dma2 semaphore(%dma_wait3A_578 : memref<!tpu.dma_semaphore, #tpu.memory_space<semaphore_mem>>) src(%dma_wait3A_584 : memref<1024xf32, #tpu.memory_space<hbm>>) dst(%dma_wait3A_581 : memref<1024xf32, #tpu.memory_space<vmem>>)
    %dma_wait3A_585 = arith.constant 0 : i32
    %dma_wait3A_586 = arith.constant 0 : i32
    %dma_wait3A_587 = arith.constant 1 : i32
    %dma_wait3A_588 = arith.constant 2 : i32
    %dma_wait3A_589 = arith.constant 2 : i32
    %dma_wait3A_590 = arith.constant 1024 : i32
    %dma_wait3A_591 = tpu.memref_slice %arg9[%dma_wait3A_588, %dma_wait3A_590] : memref<4x8192xf32, #tpu.memory_space<vmem>> -> memref<1x1024xf32, #tpu.memory_space<vmem>>
    %dma_wait3A_592 = tpu.memref_squeeze %dma_wait3A_591 : memref<1x1024xf32, #tpu.memory_space<vmem>> -> memref<1024xf32, #tpu.memory_space<vmem>>
    %dma_wait3A_593 = arith.constant 0 : i32
    %dma_wait3A_594 = tpu.memref_slice %arg4[%dma_wait3A_585, %dma_wait3A_586, %dma_wait3A_587, %add3A, %dma_wait3A_593] : memref<8x50x8x32x1024xf32, #tpu.memory_space<hbm>> -> memref<1x1x1x1x1024xf32, #tpu.memory_space<hbm>>
    %dma_wait3A_595 = tpu.memref_squeeze %dma_wait3A_594 : memref<1x1x1x1x1024xf32, #tpu.memory_space<hbm>> -> memref<1024xf32, #tpu.memory_space<hbm>>
    %dma_wait3A_596 = tpu.memref_slice %arg11[%dma_wait3A_589] : memref<4x!tpu.dma_semaphore, #tpu.memory_space<semaphore_mem>> -> memref<1x!tpu.dma_semaphore, #tpu.memory_space<semaphore_mem>>
    %dma_wait3A_597 = tpu.memref_squeeze %dma_wait3A_596 : memref<1x!tpu.dma_semaphore, #tpu.memory_space<semaphore_mem>> -> memref<!tpu.dma_semaphore, #tpu.memory_space<semaphore_mem>>
    %dma_wait3A_598 = arith.constant 1024 : i32
    %dma_wait3A_599 = tpu.memref_slice %arg9[%dma_wait3A_588, %dma_wait3A_598] : memref<4x8192xf32, #tpu.memory_space<vmem>> -> memref<1x1024xf32, #tpu.memory_space<vmem>>
    %dma_wait3A_600 = tpu.memref_squeeze %dma_wait3A_599 : memref<1x1024xf32, #tpu.memory_space<vmem>> -> memref<1024xf32, #tpu.memory_space<vmem>>
    %dma_wait3A_601 = arith.constant 0 : i32
    %dma_wait3A_602 = tpu.memref_slice %arg4[%dma_wait3A_585, %dma_wait3A_586, %dma_wait3A_587, %add3A, %dma_wait3A_601] : memref<8x50x8x32x1024xf32, #tpu.memory_space<hbm>> -> memref<1x1x1x1x1024xf32, #tpu.memory_space<hbm>>
    %dma_wait3A_603 = tpu.memref_squeeze %dma_wait3A_602 : memref<1x1x1x1x1024xf32, #tpu.memory_space<hbm>> -> memref<1024xf32, #tpu.memory_space<hbm>>
    tpu.wait_dma2 semaphore(%dma_wait3A_597 : memref<!tpu.dma_semaphore, #tpu.memory_space<semaphore_mem>>) src(%dma_wait3A_603 : memref<1024xf32, #tpu.memory_space<hbm>>) dst(%dma_wait3A_600 : memref<1024xf32, #tpu.memory_space<vmem>>)
    %dma_wait3A_604 = arith.constant 0 : i32
    %dma_wait3A_605 = arith.constant 0 : i32
    %dma_wait3A_606 = arith.constant 2 : i32
    %dma_wait3A_607 = arith.constant 2 : i32
    %dma_wait3A_608 = arith.constant 2 : i32
    %dma_wait3A_609 = arith.constant 2048 : i32
    %dma_wait3A_610 = tpu.memref_slice %arg9[%dma_wait3A_607, %dma_wait3A_609] : memref<4x8192xf32, #tpu.memory_space<vmem>> -> memref<1x1024xf32, #tpu.memory_space<vmem>>
    %dma_wait3A_611 = tpu.memref_squeeze %dma_wait3A_610 : memref<1x1024xf32, #tpu.memory_space<vmem>> -> memref<1024xf32, #tpu.memory_space<vmem>>
    %dma_wait3A_612 = arith.constant 0 : i32
    %dma_wait3A_613 = tpu.memref_slice %arg4[%dma_wait3A_604, %dma_wait3A_605, %dma_wait3A_606, %add3A, %dma_wait3A_612] : memref<8x50x8x32x1024xf32, #tpu.memory_space<hbm>> -> memref<1x1x1x1x1024xf32, #tpu.memory_space<hbm>>
    %dma_wait3A_614 = tpu.memref_squeeze %dma_wait3A_613 : memref<1x1x1x1x1024xf32, #tpu.memory_space<hbm>> -> memref<1024xf32, #tpu.memory_space<hbm>>
    %dma_wait3A_615 = tpu.memref_slice %arg11[%dma_wait3A_608] : memref<4x!tpu.dma_semaphore, #tpu.memory_space<semaphore_mem>> -> memref<1x!tpu.dma_semaphore, #tpu.memory_space<semaphore_mem>>
    %dma_wait3A_616 = tpu.memref_squeeze %dma_wait3A_615 : memref<1x!tpu.dma_semaphore, #tpu.memory_space<semaphore_mem>> -> memref<!tpu.dma_semaphore, #tpu.memory_space<semaphore_mem>>
    %dma_wait3A_617 = arith.constant 2048 : i32
    %dma_wait3A_618 = tpu.memref_slice %arg9[%dma_wait3A_607, %dma_wait3A_617] : memref<4x8192xf32, #tpu.memory_space<vmem>> -> memref<1x1024xf32, #tpu.memory_space<vmem>>
    %dma_wait3A_619 = tpu.memref_squeeze %dma_wait3A_618 : memref<1x1024xf32, #tpu.memory_space<vmem>> -> memref<1024xf32, #tpu.memory_space<vmem>>
    %dma_wait3A_620 = arith.constant 0 : i32
    %dma_wait3A_621 = tpu.memref_slice %arg4[%dma_wait3A_604, %dma_wait3A_605, %dma_wait3A_606, %add3A, %dma_wait3A_620] : memref<8x50x8x32x1024xf32, #tpu.memory_space<hbm>> -> memref<1x1x1x1x1024xf32, #tpu.memory_space<hbm>>
    %dma_wait3A_622 = tpu.memref_squeeze %dma_wait3A_621 : memref<1x1x1x1x1024xf32, #tpu.memory_space<hbm>> -> memref<1024xf32, #tpu.memory_space<hbm>>
    tpu.wait_dma2 semaphore(%dma_wait3A_616 : memref<!tpu.dma_semaphore, #tpu.memory_space<semaphore_mem>>) src(%dma_wait3A_622 : memref<1024xf32, #tpu.memory_space<hbm>>) dst(%dma_wait3A_619 : memref<1024xf32, #tpu.memory_space<vmem>>)
    %dma_wait3A_623 = arith.constant 0 : i32
    %dma_wait3A_624 = arith.constant 0 : i32
    %dma_wait3A_625 = arith.constant 3 : i32
    %dma_wait3A_626 = arith.constant 2 : i32
    %dma_wait3A_627 = arith.constant 2 : i32
    %dma_wait3A_628 = arith.constant 3072 : i32
    %dma_wait3A_629 = tpu.memref_slice %arg9[%dma_wait3A_626, %dma_wait3A_628] : memref<4x8192xf32, #tpu.memory_space<vmem>> -> memref<1x1024xf32, #tpu.memory_space<vmem>>
    %dma_wait3A_630 = tpu.memref_squeeze %dma_wait3A_629 : memref<1x1024xf32, #tpu.memory_space<vmem>> -> memref<1024xf32, #tpu.memory_space<vmem>>
    %dma_wait3A_631 = arith.constant 0 : i32
    %dma_wait3A_632 = tpu.memref_slice %arg4[%dma_wait3A_623, %dma_wait3A_624, %dma_wait3A_625, %add3A, %dma_wait3A_631] : memref<8x50x8x32x1024xf32, #tpu.memory_space<hbm>> -> memref<1x1x1x1x1024xf32, #tpu.memory_space<hbm>>
    %dma_wait3A_633 = tpu.memref_squeeze %dma_wait3A_632 : memref<1x1x1x1x1024xf32, #tpu.memory_space<hbm>> -> memref<1024xf32, #tpu.memory_space<hbm>>
    %dma_wait3A_634 = tpu.memref_slice %arg11[%dma_wait3A_627] : memref<4x!tpu.dma_semaphore, #tpu.memory_space<semaphore_mem>> -> memref<1x!tpu.dma_semaphore, #tpu.memory_space<semaphore_mem>>
    %dma_wait3A_635 = tpu.memref_squeeze %dma_wait3A_634 : memref<1x!tpu.dma_semaphore, #tpu.memory_space<semaphore_mem>> -> memref<!tpu.dma_semaphore, #tpu.memory_space<semaphore_mem>>
    %dma_wait3A_636 = arith.constant 3072 : i32
    %dma_wait3A_637 = tpu.memref_slice %arg9[%dma_wait3A_626, %dma_wait3A_636] : memref<4x8192xf32, #tpu.memory_space<vmem>> -> memref<1x1024xf32, #tpu.memory_space<vmem>>
    %dma_wait3A_638 = tpu.memref_squeeze %dma_wait3A_637 : memref<1x1024xf32, #tpu.memory_space<vmem>> -> memref<1024xf32, #tpu.memory_space<vmem>>
    %dma_wait3A_639 = arith.constant 0 : i32
    %dma_wait3A_640 = tpu.memref_slice %arg4[%dma_wait3A_623, %dma_wait3A_624, %dma_wait3A_625, %add3A, %dma_wait3A_639] : memref<8x50x8x32x1024xf32, #tpu.memory_space<hbm>> -> memref<1x1x1x1x1024xf32, #tpu.memory_space<hbm>>
    %dma_wait3A_641 = tpu.memref_squeeze %dma_wait3A_640 : memref<1x1x1x1x1024xf32, #tpu.memory_space<hbm>> -> memref<1024xf32, #tpu.memory_space<hbm>>
    tpu.wait_dma2 semaphore(%dma_wait3A_635 : memref<!tpu.dma_semaphore, #tpu.memory_space<semaphore_mem>>) src(%dma_wait3A_641 : memref<1024xf32, #tpu.memory_space<hbm>>) dst(%dma_wait3A_638 : memref<1024xf32, #tpu.memory_space<vmem>>)
    %dma_wait3A_642 = arith.constant 0 : i32
    %dma_wait3A_643 = arith.constant 0 : i32
    %dma_wait3A_644 = arith.constant 4 : i32
    %dma_wait3A_645 = arith.constant 2 : i32
    %dma_wait3A_646 = arith.constant 2 : i32
    %dma_wait3A_647 = arith.constant 4096 : i32
    %dma_wait3A_648 = tpu.memref_slice %arg9[%dma_wait3A_645, %dma_wait3A_647] : memref<4x8192xf32, #tpu.memory_space<vmem>> -> memref<1x1024xf32, #tpu.memory_space<vmem>>
    %dma_wait3A_649 = tpu.memref_squeeze %dma_wait3A_648 : memref<1x1024xf32, #tpu.memory_space<vmem>> -> memref<1024xf32, #tpu.memory_space<vmem>>
    %dma_wait3A_650 = arith.constant 0 : i32
    %dma_wait3A_651 = tpu.memref_slice %arg4[%dma_wait3A_642, %dma_wait3A_643, %dma_wait3A_644, %add3A, %dma_wait3A_650] : memref<8x50x8x32x1024xf32, #tpu.memory_space<hbm>> -> memref<1x1x1x1x1024xf32, #tpu.memory_space<hbm>>
    %dma_wait3A_652 = tpu.memref_squeeze %dma_wait3A_651 : memref<1x1x1x1x1024xf32, #tpu.memory_space<hbm>> -> memref<1024xf32, #tpu.memory_space<hbm>>
    %dma_wait3A_653 = tpu.memref_slice %arg11[%dma_wait3A_646] : memref<4x!tpu.dma_semaphore, #tpu.memory_space<semaphore_mem>> -> memref<1x!tpu.dma_semaphore, #tpu.memory_space<semaphore_mem>>
    %dma_wait3A_654 = tpu.memref_squeeze %dma_wait3A_653 : memref<1x!tpu.dma_semaphore, #tpu.memory_space<semaphore_mem>> -> memref<!tpu.dma_semaphore, #tpu.memory_space<semaphore_mem>>
    %dma_wait3A_655 = arith.constant 4096 : i32
    %dma_wait3A_656 = tpu.memref_slice %arg9[%dma_wait3A_645, %dma_wait3A_655] : memref<4x8192xf32, #tpu.memory_space<vmem>> -> memref<1x1024xf32, #tpu.memory_space<vmem>>
    %dma_wait3A_657 = tpu.memref_squeeze %dma_wait3A_656 : memref<1x1024xf32, #tpu.memory_space<vmem>> -> memref<1024xf32, #tpu.memory_space<vmem>>
    %dma_wait3A_658 = arith.constant 0 : i32
    %dma_wait3A_659 = tpu.memref_slice %arg4[%dma_wait3A_642, %dma_wait3A_643, %dma_wait3A_644, %add3A, %dma_wait3A_658] : memref<8x50x8x32x1024xf32, #tpu.memory_space<hbm>> -> memref<1x1x1x1x1024xf32, #tpu.memory_space<hbm>>
    %dma_wait3A_660 = tpu.memref_squeeze %dma_wait3A_659 : memref<1x1x1x1x1024xf32, #tpu.memory_space<hbm>> -> memref<1024xf32, #tpu.memory_space<hbm>>
    tpu.wait_dma2 semaphore(%dma_wait3A_654 : memref<!tpu.dma_semaphore, #tpu.memory_space<semaphore_mem>>) src(%dma_wait3A_660 : memref<1024xf32, #tpu.memory_space<hbm>>) dst(%dma_wait3A_657 : memref<1024xf32, #tpu.memory_space<vmem>>)
    %dma_wait3A_661 = arith.constant 0 : i32
    %dma_wait3A_662 = arith.constant 0 : i32
    %dma_wait3A_663 = arith.constant 5 : i32
    %dma_wait3A_664 = arith.constant 2 : i32
    %dma_wait3A_665 = arith.constant 2 : i32
    %dma_wait3A_666 = arith.constant 5120 : i32
    %dma_wait3A_667 = tpu.memref_slice %arg9[%dma_wait3A_664, %dma_wait3A_666] : memref<4x8192xf32, #tpu.memory_space<vmem>> -> memref<1x1024xf32, #tpu.memory_space<vmem>>
    %dma_wait3A_668 = tpu.memref_squeeze %dma_wait3A_667 : memref<1x1024xf32, #tpu.memory_space<vmem>> -> memref<1024xf32, #tpu.memory_space<vmem>>
    %dma_wait3A_669 = arith.constant 0 : i32
    %dma_wait3A_670 = tpu.memref_slice %arg4[%dma_wait3A_661, %dma_wait3A_662, %dma_wait3A_663, %add3A, %dma_wait3A_669] : memref<8x50x8x32x1024xf32, #tpu.memory_space<hbm>> -> memref<1x1x1x1x1024xf32, #tpu.memory_space<hbm>>
    %dma_wait3A_671 = tpu.memref_squeeze %dma_wait3A_670 : memref<1x1x1x1x1024xf32, #tpu.memory_space<hbm>> -> memref<1024xf32, #tpu.memory_space<hbm>>
    %dma_wait3A_672 = tpu.memref_slice %arg11[%dma_wait3A_665] : memref<4x!tpu.dma_semaphore, #tpu.memory_space<semaphore_mem>> -> memref<1x!tpu.dma_semaphore, #tpu.memory_space<semaphore_mem>>
    %dma_wait3A_673 = tpu.memref_squeeze %dma_wait3A_672 : memref<1x!tpu.dma_semaphore, #tpu.memory_space<semaphore_mem>> -> memref<!tpu.dma_semaphore, #tpu.memory_space<semaphore_mem>>
    %dma_wait3A_674 = arith.constant 5120 : i32
    %dma_wait3A_675 = tpu.memref_slice %arg9[%dma_wait3A_664, %dma_wait3A_674] : memref<4x8192xf32, #tpu.memory_space<vmem>> -> memref<1x1024xf32, #tpu.memory_space<vmem>>
    %dma_wait3A_676 = tpu.memref_squeeze %dma_wait3A_675 : memref<1x1024xf32, #tpu.memory_space<vmem>> -> memref<1024xf32, #tpu.memory_space<vmem>>
    %dma_wait3A_677 = arith.constant 0 : i32
    %dma_wait3A_678 = tpu.memref_slice %arg4[%dma_wait3A_661, %dma_wait3A_662, %dma_wait3A_663, %add3A, %dma_wait3A_677] : memref<8x50x8x32x1024xf32, #tpu.memory_space<hbm>> -> memref<1x1x1x1x1024xf32, #tpu.memory_space<hbm>>
    %dma_wait3A_679 = tpu.memref_squeeze %dma_wait3A_678 : memref<1x1x1x1x1024xf32, #tpu.memory_space<hbm>> -> memref<1024xf32, #tpu.memory_space<hbm>>
    tpu.wait_dma2 semaphore(%dma_wait3A_673 : memref<!tpu.dma_semaphore, #tpu.memory_space<semaphore_mem>>) src(%dma_wait3A_679 : memref<1024xf32, #tpu.memory_space<hbm>>) dst(%dma_wait3A_676 : memref<1024xf32, #tpu.memory_space<vmem>>)
    %dma_wait3A_680 = arith.constant 0 : i32
    %dma_wait3A_681 = arith.constant 0 : i32
    %dma_wait3A_682 = arith.constant 6 : i32
    %dma_wait3A_683 = arith.constant 2 : i32
    %dma_wait3A_684 = arith.constant 2 : i32
    %dma_wait3A_685 = arith.constant 6144 : i32
    %dma_wait3A_686 = tpu.memref_slice %arg9[%dma_wait3A_683, %dma_wait3A_685] : memref<4x8192xf32, #tpu.memory_space<vmem>> -> memref<1x1024xf32, #tpu.memory_space<vmem>>
    %dma_wait3A_687 = tpu.memref_squeeze %dma_wait3A_686 : memref<1x1024xf32, #tpu.memory_space<vmem>> -> memref<1024xf32, #tpu.memory_space<vmem>>
    %dma_wait3A_688 = arith.constant 0 : i32
    %dma_wait3A_689 = tpu.memref_slice %arg4[%dma_wait3A_680, %dma_wait3A_681, %dma_wait3A_682, %add3A, %dma_wait3A_688] : memref<8x50x8x32x1024xf32, #tpu.memory_space<hbm>> -> memref<1x1x1x1x1024xf32, #tpu.memory_space<hbm>>
    %dma_wait3A_690 = tpu.memref_squeeze %dma_wait3A_689 : memref<1x1x1x1x1024xf32, #tpu.memory_space<hbm>> -> memref<1024xf32, #tpu.memory_space<hbm>>
    %dma_wait3A_691 = tpu.memref_slice %arg11[%dma_wait3A_684] : memref<4x!tpu.dma_semaphore, #tpu.memory_space<semaphore_mem>> -> memref<1x!tpu.dma_semaphore, #tpu.memory_space<semaphore_mem>>
    %dma_wait3A_692 = tpu.memref_squeeze %dma_wait3A_691 : memref<1x!tpu.dma_semaphore, #tpu.memory_space<semaphore_mem>> -> memref<!tpu.dma_semaphore, #tpu.memory_space<semaphore_mem>>
    %dma_wait3A_693 = arith.constant 6144 : i32
    %dma_wait3A_694 = tpu.memref_slice %arg9[%dma_wait3A_683, %dma_wait3A_693] : memref<4x8192xf32, #tpu.memory_space<vmem>> -> memref<1x1024xf32, #tpu.memory_space<vmem>>
    %dma_wait3A_695 = tpu.memref_squeeze %dma_wait3A_694 : memref<1x1024xf32, #tpu.memory_space<vmem>> -> memref<1024xf32, #tpu.memory_space<vmem>>
    %dma_wait3A_696 = arith.constant 0 : i32
    %dma_wait3A_697 = tpu.memref_slice %arg4[%dma_wait3A_680, %dma_wait3A_681, %dma_wait3A_682, %add3A, %dma_wait3A_696] : memref<8x50x8x32x1024xf32, #tpu.memory_space<hbm>> -> memref<1x1x1x1x1024xf32, #tpu.memory_space<hbm>>
    %dma_wait3A_698 = tpu.memref_squeeze %dma_wait3A_697 : memref<1x1x1x1x1024xf32, #tpu.memory_space<hbm>> -> memref<1024xf32, #tpu.memory_space<hbm>>
    tpu.wait_dma2 semaphore(%dma_wait3A_692 : memref<!tpu.dma_semaphore, #tpu.memory_space<semaphore_mem>>) src(%dma_wait3A_698 : memref<1024xf32, #tpu.memory_space<hbm>>) dst(%dma_wait3A_695 : memref<1024xf32, #tpu.memory_space<vmem>>)
    %dma_wait3A_699 = arith.constant 0 : i32
    %dma_wait3A_700 = arith.constant 0 : i32
    %dma_wait3A_701 = arith.constant 7 : i32
    %dma_wait3A_702 = arith.constant 2 : i32
    %dma_wait3A_703 = arith.constant 2 : i32
    %dma_wait3A_704 = arith.constant 7168 : i32
    %dma_wait3A_705 = tpu.memref_slice %arg9[%dma_wait3A_702, %dma_wait3A_704] : memref<4x8192xf32, #tpu.memory_space<vmem>> -> memref<1x1024xf32, #tpu.memory_space<vmem>>
    %dma_wait3A_706 = tpu.memref_squeeze %dma_wait3A_705 : memref<1x1024xf32, #tpu.memory_space<vmem>> -> memref<1024xf32, #tpu.memory_space<vmem>>
    %dma_wait3A_707 = arith.constant 0 : i32
    %dma_wait3A_708 = tpu.memref_slice %arg4[%dma_wait3A_699, %dma_wait3A_700, %dma_wait3A_701, %add3A, %dma_wait3A_707] : memref<8x50x8x32x1024xf32, #tpu.memory_space<hbm>> -> memref<1x1x1x1x1024xf32, #tpu.memory_space<hbm>>
    %dma_wait3A_709 = tpu.memref_squeeze %dma_wait3A_708 : memref<1x1x1x1x1024xf32, #tpu.memory_space<hbm>> -> memref<1024xf32, #tpu.memory_space<hbm>>
    %dma_wait3A_710 = tpu.memref_slice %arg11[%dma_wait3A_703] : memref<4x!tpu.dma_semaphore, #tpu.memory_space<semaphore_mem>> -> memref<1x!tpu.dma_semaphore, #tpu.memory_space<semaphore_mem>>
    %dma_wait3A_711 = tpu.memref_squeeze %dma_wait3A_710 : memref<1x!tpu.dma_semaphore, #tpu.memory_space<semaphore_mem>> -> memref<!tpu.dma_semaphore, #tpu.memory_space<semaphore_mem>>
    %dma_wait3A_712 = arith.constant 7168 : i32
    %dma_wait3A_713 = tpu.memref_slice %arg9[%dma_wait3A_702, %dma_wait3A_712] : memref<4x8192xf32, #tpu.memory_space<vmem>> -> memref<1x1024xf32, #tpu.memory_space<vmem>>
    %dma_wait3A_714 = tpu.memref_squeeze %dma_wait3A_713 : memref<1x1024xf32, #tpu.memory_space<vmem>> -> memref<1024xf32, #tpu.memory_space<vmem>>
    %dma_wait3A_715 = arith.constant 0 : i32
    %dma_wait3A_716 = tpu.memref_slice %arg4[%dma_wait3A_699, %dma_wait3A_700, %dma_wait3A_701, %add3A, %dma_wait3A_715] : memref<8x50x8x32x1024xf32, #tpu.memory_space<hbm>> -> memref<1x1x1x1x1024xf32, #tpu.memory_space<hbm>>
    %dma_wait3A_717 = tpu.memref_squeeze %dma_wait3A_716 : memref<1x1x1x1x1024xf32, #tpu.memory_space<hbm>> -> memref<1024xf32, #tpu.memory_space<hbm>>
    tpu.wait_dma2 semaphore(%dma_wait3A_711 : memref<!tpu.dma_semaphore, #tpu.memory_space<semaphore_mem>>) src(%dma_wait3A_717 : memref<1024xf32, #tpu.memory_space<hbm>>) dst(%dma_wait3A_714 : memref<1024xf32, #tpu.memory_space<vmem>>)
    %dma_wait3A_718 = arith.constant 0 : i32
    %dma_wait3A_719 = arith.constant 0 : i32
    %dma_wait3A_720 = arith.constant 0 : i32
    %dma_wait3A_721 = arith.constant 3 : i32
    %dma_wait3A_722 = arith.constant 3 : i32
    %dma_wait3A_723 = arith.constant 0 : i32
    %dma_wait3A_724 = tpu.memref_slice %arg9[%dma_wait3A_721, %dma_wait3A_723] : memref<4x8192xf32, #tpu.memory_space<vmem>> -> memref<1x1024xf32, #tpu.memory_space<vmem>>
    %dma_wait3A_725 = tpu.memref_squeeze %dma_wait3A_724 : memref<1x1024xf32, #tpu.memory_space<vmem>> -> memref<1024xf32, #tpu.memory_space<vmem>>
    %dma_wait3A_726 = arith.constant 0 : i32
    %dma_wait3A_727 = tpu.memref_slice %arg4[%dma_wait3A_718, %dma_wait3A_719, %dma_wait3A_720, %add3A, %dma_wait3A_726] : memref<8x50x8x32x1024xf32, #tpu.memory_space<hbm>> -> memref<1x1x1x1x1024xf32, #tpu.memory_space<hbm>>
    %dma_wait3A_728 = tpu.memref_squeeze %dma_wait3A_727 : memref<1x1x1x1x1024xf32, #tpu.memory_space<hbm>> -> memref<1024xf32, #tpu.memory_space<hbm>>
    %dma_wait3A_729 = tpu.memref_slice %arg11[%dma_wait3A_722] : memref<4x!tpu.dma_semaphore, #tpu.memory_space<semaphore_mem>> -> memref<1x!tpu.dma_semaphore, #tpu.memory_space<semaphore_mem>>
    %dma_wait3A_730 = tpu.memref_squeeze %dma_wait3A_729 : memref<1x!tpu.dma_semaphore, #tpu.memory_space<semaphore_mem>> -> memref<!tpu.dma_semaphore, #tpu.memory_space<semaphore_mem>>
    %dma_wait3A_731 = arith.constant 0 : i32
    %dma_wait3A_732 = tpu.memref_slice %arg9[%dma_wait3A_721, %dma_wait3A_731] : memref<4x8192xf32, #tpu.memory_space<vmem>> -> memref<1x1024xf32, #tpu.memory_space<vmem>>
    %dma_wait3A_733 = tpu.memref_squeeze %dma_wait3A_732 : memref<1x1024xf32, #tpu.memory_space<vmem>> -> memref<1024xf32, #tpu.memory_space<vmem>>
    %dma_wait3A_734 = arith.constant 0 : i32
    %dma_wait3A_735 = tpu.memref_slice %arg4[%dma_wait3A_718, %dma_wait3A_719, %dma_wait3A_720, %add3A, %dma_wait3A_734] : memref<8x50x8x32x1024xf32, #tpu.memory_space<hbm>> -> memref<1x1x1x1x1024xf32, #tpu.memory_space<hbm>>
    %dma_wait3A_736 = tpu.memref_squeeze %dma_wait3A_735 : memref<1x1x1x1x1024xf32, #tpu.memory_space<hbm>> -> memref<1024xf32, #tpu.memory_space<hbm>>
    tpu.wait_dma2 semaphore(%dma_wait3A_730 : memref<!tpu.dma_semaphore, #tpu.memory_space<semaphore_mem>>) src(%dma_wait3A_736 : memref<1024xf32, #tpu.memory_space<hbm>>) dst(%dma_wait3A_733 : memref<1024xf32, #tpu.memory_space<vmem>>)
    %dma_wait3A_737 = arith.constant 0 : i32
    %dma_wait3A_738 = arith.constant 0 : i32
    %dma_wait3A_739 = arith.constant 1 : i32
    %dma_wait3A_740 = arith.constant 3 : i32
    %dma_wait3A_741 = arith.constant 3 : i32
    %dma_wait3A_742 = arith.constant 1024 : i32
    %dma_wait3A_743 = tpu.memref_slice %arg9[%dma_wait3A_740, %dma_wait3A_742] : memref<4x8192xf32, #tpu.memory_space<vmem>> -> memref<1x1024xf32, #tpu.memory_space<vmem>>
    %dma_wait3A_744 = tpu.memref_squeeze %dma_wait3A_743 : memref<1x1024xf32, #tpu.memory_space<vmem>> -> memref<1024xf32, #tpu.memory_space<vmem>>
    %dma_wait3A_745 = arith.constant 0 : i32
    %dma_wait3A_746 = tpu.memref_slice %arg4[%dma_wait3A_737, %dma_wait3A_738, %dma_wait3A_739, %add3A, %dma_wait3A_745] : memref<8x50x8x32x1024xf32, #tpu.memory_space<hbm>> -> memref<1x1x1x1x1024xf32, #tpu.memory_space<hbm>>
    %dma_wait3A_747 = tpu.memref_squeeze %dma_wait3A_746 : memref<1x1x1x1x1024xf32, #tpu.memory_space<hbm>> -> memref<1024xf32, #tpu.memory_space<hbm>>
    %dma_wait3A_748 = tpu.memref_slice %arg11[%dma_wait3A_741] : memref<4x!tpu.dma_semaphore, #tpu.memory_space<semaphore_mem>> -> memref<1x!tpu.dma_semaphore, #tpu.memory_space<semaphore_mem>>
    %dma_wait3A_749 = tpu.memref_squeeze %dma_wait3A_748 : memref<1x!tpu.dma_semaphore, #tpu.memory_space<semaphore_mem>> -> memref<!tpu.dma_semaphore, #tpu.memory_space<semaphore_mem>>
    %dma_wait3A_750 = arith.constant 1024 : i32
    %dma_wait3A_751 = tpu.memref_slice %arg9[%dma_wait3A_740, %dma_wait3A_750] : memref<4x8192xf32, #tpu.memory_space<vmem>> -> memref<1x1024xf32, #tpu.memory_space<vmem>>
    %dma_wait3A_752 = tpu.memref_squeeze %dma_wait3A_751 : memref<1x1024xf32, #tpu.memory_space<vmem>> -> memref<1024xf32, #tpu.memory_space<vmem>>
    %dma_wait3A_753 = arith.constant 0 : i32
    %dma_wait3A_754 = tpu.memref_slice %arg4[%dma_wait3A_737, %dma_wait3A_738, %dma_wait3A_739, %add3A, %dma_wait3A_753] : memref<8x50x8x32x1024xf32, #tpu.memory_space<hbm>> -> memref<1x1x1x1x1024xf32, #tpu.memory_space<hbm>>
    %dma_wait3A_755 = tpu.memref_squeeze %dma_wait3A_754 : memref<1x1x1x1x1024xf32, #tpu.memory_space<hbm>> -> memref<1024xf32, #tpu.memory_space<hbm>>
    tpu.wait_dma2 semaphore(%dma_wait3A_749 : memref<!tpu.dma_semaphore, #tpu.memory_space<semaphore_mem>>) src(%dma_wait3A_755 : memref<1024xf32, #tpu.memory_space<hbm>>) dst(%dma_wait3A_752 : memref<1024xf32, #tpu.memory_space<vmem>>)
    %dma_wait3A_756 = arith.constant 0 : i32
    %dma_wait3A_757 = arith.constant 0 : i32
    %dma_wait3A_758 = arith.constant 2 : i32
    %dma_wait3A_759 = arith.constant 3 : i32
    %dma_wait3A_760 = arith.constant 3 : i32
    %dma_wait3A_761 = arith.constant 2048 : i32
    %dma_wait3A_762 = tpu.memref_slice %arg9[%dma_wait3A_759, %dma_wait3A_761] : memref<4x8192xf32, #tpu.memory_space<vmem>> -> memref<1x1024xf32, #tpu.memory_space<vmem>>
    %dma_wait3A_763 = tpu.memref_squeeze %dma_wait3A_762 : memref<1x1024xf32, #tpu.memory_space<vmem>> -> memref<1024xf32, #tpu.memory_space<vmem>>
    %dma_wait3A_764 = arith.constant 0 : i32
    %dma_wait3A_765 = tpu.memref_slice %arg4[%dma_wait3A_756, %dma_wait3A_757, %dma_wait3A_758, %add3A, %dma_wait3A_764] : memref<8x50x8x32x1024xf32, #tpu.memory_space<hbm>> -> memref<1x1x1x1x1024xf32, #tpu.memory_space<hbm>>
    %dma_wait3A_766 = tpu.memref_squeeze %dma_wait3A_765 : memref<1x1x1x1x1024xf32, #tpu.memory_space<hbm>> -> memref<1024xf32, #tpu.memory_space<hbm>>
    %dma_wait3A_767 = tpu.memref_slice %arg11[%dma_wait3A_760] : memref<4x!tpu.dma_semaphore, #tpu.memory_space<semaphore_mem>> -> memref<1x!tpu.dma_semaphore, #tpu.memory_space<semaphore_mem>>
    %dma_wait3A_768 = tpu.memref_squeeze %dma_wait3A_767 : memref<1x!tpu.dma_semaphore, #tpu.memory_space<semaphore_mem>> -> memref<!tpu.dma_semaphore, #tpu.memory_space<semaphore_mem>>
    %dma_wait3A_769 = arith.constant 2048 : i32
    %dma_wait3A_770 = tpu.memref_slice %arg9[%dma_wait3A_759, %dma_wait3A_769] : memref<4x8192xf32, #tpu.memory_space<vmem>> -> memref<1x1024xf32, #tpu.memory_space<vmem>>
    %dma_wait3A_771 = tpu.memref_squeeze %dma_wait3A_770 : memref<1x1024xf32, #tpu.memory_space<vmem>> -> memref<1024xf32, #tpu.memory_space<vmem>>
    %dma_wait3A_772 = arith.constant 0 : i32
    %dma_wait3A_773 = tpu.memref_slice %arg4[%dma_wait3A_756, %dma_wait3A_757, %dma_wait3A_758, %add3A, %dma_wait3A_772] : memref<8x50x8x32x1024xf32, #tpu.memory_space<hbm>> -> memref<1x1x1x1x1024xf32, #tpu.memory_space<hbm>>
    %dma_wait3A_774 = tpu.memref_squeeze %dma_wait3A_773 : memref<1x1x1x1x1024xf32, #tpu.memory_space<hbm>> -> memref<1024xf32, #tpu.memory_space<hbm>>
    tpu.wait_dma2 semaphore(%dma_wait3A_768 : memref<!tpu.dma_semaphore, #tpu.memory_space<semaphore_mem>>) src(%dma_wait3A_774 : memref<1024xf32, #tpu.memory_space<hbm>>) dst(%dma_wait3A_771 : memref<1024xf32, #tpu.memory_space<vmem>>)
    %dma_wait3A_775 = arith.constant 0 : i32
    %dma_wait3A_776 = arith.constant 0 : i32
    %dma_wait3A_777 = arith.constant 3 : i32
    %dma_wait3A_778 = arith.constant 3 : i32
    %dma_wait3A_779 = arith.constant 3 : i32
    %dma_wait3A_780 = arith.constant 3072 : i32
    %dma_wait3A_781 = tpu.memref_slice %arg9[%dma_wait3A_778, %dma_wait3A_780] : memref<4x8192xf32, #tpu.memory_space<vmem>> -> memref<1x1024xf32, #tpu.memory_space<vmem>>
    %dma_wait3A_782 = tpu.memref_squeeze %dma_wait3A_781 : memref<1x1024xf32, #tpu.memory_space<vmem>> -> memref<1024xf32, #tpu.memory_space<vmem>>
    %dma_wait3A_783 = arith.constant 0 : i32
    %dma_wait3A_784 = tpu.memref_slice %arg4[%dma_wait3A_775, %dma_wait3A_776, %dma_wait3A_777, %add3A, %dma_wait3A_783] : memref<8x50x8x32x1024xf32, #tpu.memory_space<hbm>> -> memref<1x1x1x1x1024xf32, #tpu.memory_space<hbm>>
    %dma_wait3A_785 = tpu.memref_squeeze %dma_wait3A_784 : memref<1x1x1x1x1024xf32, #tpu.memory_space<hbm>> -> memref<1024xf32, #tpu.memory_space<hbm>>
    %dma_wait3A_786 = tpu.memref_slice %arg11[%dma_wait3A_779] : memref<4x!tpu.dma_semaphore, #tpu.memory_space<semaphore_mem>> -> memref<1x!tpu.dma_semaphore, #tpu.memory_space<semaphore_mem>>
    %dma_wait3A_787 = tpu.memref_squeeze %dma_wait3A_786 : memref<1x!tpu.dma_semaphore, #tpu.memory_space<semaphore_mem>> -> memref<!tpu.dma_semaphore, #tpu.memory_space<semaphore_mem>>
    %dma_wait3A_788 = arith.constant 3072 : i32
    %dma_wait3A_789 = tpu.memref_slice %arg9[%dma_wait3A_778, %dma_wait3A_788] : memref<4x8192xf32, #tpu.memory_space<vmem>> -> memref<1x1024xf32, #tpu.memory_space<vmem>>
    %dma_wait3A_790 = tpu.memref_squeeze %dma_wait3A_789 : memref<1x1024xf32, #tpu.memory_space<vmem>> -> memref<1024xf32, #tpu.memory_space<vmem>>
    %dma_wait3A_791 = arith.constant 0 : i32
    %dma_wait3A_792 = tpu.memref_slice %arg4[%dma_wait3A_775, %dma_wait3A_776, %dma_wait3A_777, %add3A, %dma_wait3A_791] : memref<8x50x8x32x1024xf32, #tpu.memory_space<hbm>> -> memref<1x1x1x1x1024xf32, #tpu.memory_space<hbm>>
    %dma_wait3A_793 = tpu.memref_squeeze %dma_wait3A_792 : memref<1x1x1x1x1024xf32, #tpu.memory_space<hbm>> -> memref<1024xf32, #tpu.memory_space<hbm>>
    tpu.wait_dma2 semaphore(%dma_wait3A_787 : memref<!tpu.dma_semaphore, #tpu.memory_space<semaphore_mem>>) src(%dma_wait3A_793 : memref<1024xf32, #tpu.memory_space<hbm>>) dst(%dma_wait3A_790 : memref<1024xf32, #tpu.memory_space<vmem>>)
    %dma_wait3A_794 = arith.constant 0 : i32
    %dma_wait3A_795 = arith.constant 0 : i32
    %dma_wait3A_796 = arith.constant 4 : i32
    %dma_wait3A_797 = arith.constant 3 : i32
    %dma_wait3A_798 = arith.constant 3 : i32
    %dma_wait3A_799 = arith.constant 4096 : i32
    %dma_wait3A_800 = tpu.memref_slice %arg9[%dma_wait3A_797, %dma_wait3A_799] : memref<4x8192xf32, #tpu.memory_space<vmem>> -> memref<1x1024xf32, #tpu.memory_space<vmem>>
    %dma_wait3A_801 = tpu.memref_squeeze %dma_wait3A_800 : memref<1x1024xf32, #tpu.memory_space<vmem>> -> memref<1024xf32, #tpu.memory_space<vmem>>
    %dma_wait3A_802 = arith.constant 0 : i32
    %dma_wait3A_803 = tpu.memref_slice %arg4[%dma_wait3A_794, %dma_wait3A_795, %dma_wait3A_796, %add3A, %dma_wait3A_802] : memref<8x50x8x32x1024xf32, #tpu.memory_space<hbm>> -> memref<1x1x1x1x1024xf32, #tpu.memory_space<hbm>>
    %dma_wait3A_804 = tpu.memref_squeeze %dma_wait3A_803 : memref<1x1x1x1x1024xf32, #tpu.memory_space<hbm>> -> memref<1024xf32, #tpu.memory_space<hbm>>
    %dma_wait3A_805 = tpu.memref_slice %arg11[%dma_wait3A_798] : memref<4x!tpu.dma_semaphore, #tpu.memory_space<semaphore_mem>> -> memref<1x!tpu.dma_semaphore, #tpu.memory_space<semaphore_mem>>
    %dma_wait3A_806 = tpu.memref_squeeze %dma_wait3A_805 : memref<1x!tpu.dma_semaphore, #tpu.memory_space<semaphore_mem>> -> memref<!tpu.dma_semaphore, #tpu.memory_space<semaphore_mem>>
    %dma_wait3A_807 = arith.constant 4096 : i32
    %dma_wait3A_808 = tpu.memref_slice %arg9[%dma_wait3A_797, %dma_wait3A_807] : memref<4x8192xf32, #tpu.memory_space<vmem>> -> memref<1x1024xf32, #tpu.memory_space<vmem>>
    %dma_wait3A_809 = tpu.memref_squeeze %dma_wait3A_808 : memref<1x1024xf32, #tpu.memory_space<vmem>> -> memref<1024xf32, #tpu.memory_space<vmem>>
    %dma_wait3A_810 = arith.constant 0 : i32
    %dma_wait3A_811 = tpu.memref_slice %arg4[%dma_wait3A_794, %dma_wait3A_795, %dma_wait3A_796, %add3A, %dma_wait3A_810] : memref<8x50x8x32x1024xf32, #tpu.memory_space<hbm>> -> memref<1x1x1x1x1024xf32, #tpu.memory_space<hbm>>
    %dma_wait3A_812 = tpu.memref_squeeze %dma_wait3A_811 : memref<1x1x1x1x1024xf32, #tpu.memory_space<hbm>> -> memref<1024xf32, #tpu.memory_space<hbm>>
    tpu.wait_dma2 semaphore(%dma_wait3A_806 : memref<!tpu.dma_semaphore, #tpu.memory_space<semaphore_mem>>) src(%dma_wait3A_812 : memref<1024xf32, #tpu.memory_space<hbm>>) dst(%dma_wait3A_809 : memref<1024xf32, #tpu.memory_space<vmem>>)
    %dma_wait3A_813 = arith.constant 0 : i32
    %dma_wait3A_814 = arith.constant 0 : i32
    %dma_wait3A_815 = arith.constant 5 : i32
    %dma_wait3A_816 = arith.constant 3 : i32
    %dma_wait3A_817 = arith.constant 3 : i32
    %dma_wait3A_818 = arith.constant 5120 : i32
    %dma_wait3A_819 = tpu.memref_slice %arg9[%dma_wait3A_816, %dma_wait3A_818] : memref<4x8192xf32, #tpu.memory_space<vmem>> -> memref<1x1024xf32, #tpu.memory_space<vmem>>
    %dma_wait3A_820 = tpu.memref_squeeze %dma_wait3A_819 : memref<1x1024xf32, #tpu.memory_space<vmem>> -> memref<1024xf32, #tpu.memory_space<vmem>>
    %dma_wait3A_821 = arith.constant 0 : i32
    %dma_wait3A_822 = tpu.memref_slice %arg4[%dma_wait3A_813, %dma_wait3A_814, %dma_wait3A_815, %add3A, %dma_wait3A_821] : memref<8x50x8x32x1024xf32, #tpu.memory_space<hbm>> -> memref<1x1x1x1x1024xf32, #tpu.memory_space<hbm>>
    %dma_wait3A_823 = tpu.memref_squeeze %dma_wait3A_822 : memref<1x1x1x1x1024xf32, #tpu.memory_space<hbm>> -> memref<1024xf32, #tpu.memory_space<hbm>>
    %dma_wait3A_824 = tpu.memref_slice %arg11[%dma_wait3A_817] : memref<4x!tpu.dma_semaphore, #tpu.memory_space<semaphore_mem>> -> memref<1x!tpu.dma_semaphore, #tpu.memory_space<semaphore_mem>>
    %dma_wait3A_825 = tpu.memref_squeeze %dma_wait3A_824 : memref<1x!tpu.dma_semaphore, #tpu.memory_space<semaphore_mem>> -> memref<!tpu.dma_semaphore, #tpu.memory_space<semaphore_mem>>
    %dma_wait3A_826 = arith.constant 5120 : i32
    %dma_wait3A_827 = tpu.memref_slice %arg9[%dma_wait3A_816, %dma_wait3A_826] : memref<4x8192xf32, #tpu.memory_space<vmem>> -> memref<1x1024xf32, #tpu.memory_space<vmem>>
    %dma_wait3A_828 = tpu.memref_squeeze %dma_wait3A_827 : memref<1x1024xf32, #tpu.memory_space<vmem>> -> memref<1024xf32, #tpu.memory_space<vmem>>
    %dma_wait3A_829 = arith.constant 0 : i32
    %dma_wait3A_830 = tpu.memref_slice %arg4[%dma_wait3A_813, %dma_wait3A_814, %dma_wait3A_815, %add3A, %dma_wait3A_829] : memref<8x50x8x32x1024xf32, #tpu.memory_space<hbm>> -> memref<1x1x1x1x1024xf32, #tpu.memory_space<hbm>>
    %dma_wait3A_831 = tpu.memref_squeeze %dma_wait3A_830 : memref<1x1x1x1x1024xf32, #tpu.memory_space<hbm>> -> memref<1024xf32, #tpu.memory_space<hbm>>
    tpu.wait_dma2 semaphore(%dma_wait3A_825 : memref<!tpu.dma_semaphore, #tpu.memory_space<semaphore_mem>>) src(%dma_wait3A_831 : memref<1024xf32, #tpu.memory_space<hbm>>) dst(%dma_wait3A_828 : memref<1024xf32, #tpu.memory_space<vmem>>)
    %dma_wait3A_832 = arith.constant 0 : i32
    %dma_wait3A_833 = arith.constant 0 : i32
    %dma_wait3A_834 = arith.constant 6 : i32
    %dma_wait3A_835 = arith.constant 3 : i32
    %dma_wait3A_836 = arith.constant 3 : i32
    %dma_wait3A_837 = arith.constant 6144 : i32
    %dma_wait3A_838 = tpu.memref_slice %arg9[%dma_wait3A_835, %dma_wait3A_837] : memref<4x8192xf32, #tpu.memory_space<vmem>> -> memref<1x1024xf32, #tpu.memory_space<vmem>>
    %dma_wait3A_839 = tpu.memref_squeeze %dma_wait3A_838 : memref<1x1024xf32, #tpu.memory_space<vmem>> -> memref<1024xf32, #tpu.memory_space<vmem>>
    %dma_wait3A_840 = arith.constant 0 : i32
    %dma_wait3A_841 = tpu.memref_slice %arg4[%dma_wait3A_832, %dma_wait3A_833, %dma_wait3A_834, %add3A, %dma_wait3A_840] : memref<8x50x8x32x1024xf32, #tpu.memory_space<hbm>> -> memref<1x1x1x1x1024xf32, #tpu.memory_space<hbm>>
    %dma_wait3A_842 = tpu.memref_squeeze %dma_wait3A_841 : memref<1x1x1x1x1024xf32, #tpu.memory_space<hbm>> -> memref<1024xf32, #tpu.memory_space<hbm>>
    %dma_wait3A_843 = tpu.memref_slice %arg11[%dma_wait3A_836] : memref<4x!tpu.dma_semaphore, #tpu.memory_space<semaphore_mem>> -> memref<1x!tpu.dma_semaphore, #tpu.memory_space<semaphore_mem>>
    %dma_wait3A_844 = tpu.memref_squeeze %dma_wait3A_843 : memref<1x!tpu.dma_semaphore, #tpu.memory_space<semaphore_mem>> -> memref<!tpu.dma_semaphore, #tpu.memory_space<semaphore_mem>>
    %dma_wait3A_845 = arith.constant 6144 : i32
    %dma_wait3A_846 = tpu.memref_slice %arg9[%dma_wait3A_835, %dma_wait3A_845] : memref<4x8192xf32, #tpu.memory_space<vmem>> -> memref<1x1024xf32, #tpu.memory_space<vmem>>
    %dma_wait3A_847 = tpu.memref_squeeze %dma_wait3A_846 : memref<1x1024xf32, #tpu.memory_space<vmem>> -> memref<1024xf32, #tpu.memory_space<vmem>>
    %dma_wait3A_848 = arith.constant 0 : i32
    %dma_wait3A_849 = tpu.memref_slice %arg4[%dma_wait3A_832, %dma_wait3A_833, %dma_wait3A_834, %add3A, %dma_wait3A_848] : memref<8x50x8x32x1024xf32, #tpu.memory_space<hbm>> -> memref<1x1x1x1x1024xf32, #tpu.memory_space<hbm>>
    %dma_wait3A_850 = tpu.memref_squeeze %dma_wait3A_849 : memref<1x1x1x1x1024xf32, #tpu.memory_space<hbm>> -> memref<1024xf32, #tpu.memory_space<hbm>>
    tpu.wait_dma2 semaphore(%dma_wait3A_844 : memref<!tpu.dma_semaphore, #tpu.memory_space<semaphore_mem>>) src(%dma_wait3A_850 : memref<1024xf32, #tpu.memory_space<hbm>>) dst(%dma_wait3A_847 : memref<1024xf32, #tpu.memory_space<vmem>>)
    %dma_wait3A_851 = arith.constant 0 : i32
    %dma_wait3A_852 = arith.constant 0 : i32
    %dma_wait3A_853 = arith.constant 7 : i32
    %dma_wait3A_854 = arith.constant 3 : i32
    %dma_wait3A_855 = arith.constant 3 : i32
    %dma_wait3A_856 = arith.constant 7168 : i32
    %dma_wait3A_857 = tpu.memref_slice %arg9[%dma_wait3A_854, %dma_wait3A_856] : memref<4x8192xf32, #tpu.memory_space<vmem>> -> memref<1x1024xf32, #tpu.memory_space<vmem>>
    %dma_wait3A_858 = tpu.memref_squeeze %dma_wait3A_857 : memref<1x1024xf32, #tpu.memory_space<vmem>> -> memref<1024xf32, #tpu.memory_space<vmem>>
    %dma_wait3A_859 = arith.constant 0 : i32
    %dma_wait3A_860 = tpu.memref_slice %arg4[%dma_wait3A_851, %dma_wait3A_852, %dma_wait3A_853, %add3A, %dma_wait3A_859] : memref<8x50x8x32x1024xf32, #tpu.memory_space<hbm>> -> memref<1x1x1x1x1024xf32, #tpu.memory_space<hbm>>
    %dma_wait3A_861 = tpu.memref_squeeze %dma_wait3A_860 : memref<1x1x1x1x1024xf32, #tpu.memory_space<hbm>> -> memref<1024xf32, #tpu.memory_space<hbm>>
    %dma_wait3A_862 = tpu.memref_slice %arg11[%dma_wait3A_855] : memref<4x!tpu.dma_semaphore, #tpu.memory_space<semaphore_mem>> -> memref<1x!tpu.dma_semaphore, #tpu.memory_space<semaphore_mem>>
    %dma_wait3A_863 = tpu.memref_squeeze %dma_wait3A_862 : memref<1x!tpu.dma_semaphore, #tpu.memory_space<semaphore_mem>> -> memref<!tpu.dma_semaphore, #tpu.memory_space<semaphore_mem>>
    %dma_wait3A_864 = arith.constant 7168 : i32
    %dma_wait3A_865 = tpu.memref_slice %arg9[%dma_wait3A_854, %dma_wait3A_864] : memref<4x8192xf32, #tpu.memory_space<vmem>> -> memref<1x1024xf32, #tpu.memory_space<vmem>>
    %dma_wait3A_866 = tpu.memref_squeeze %dma_wait3A_865 : memref<1x1024xf32, #tpu.memory_space<vmem>> -> memref<1024xf32, #tpu.memory_space<vmem>>
    %dma_wait3A_867 = arith.constant 0 : i32
    %dma_wait3A_868 = tpu.memref_slice %arg4[%dma_wait3A_851, %dma_wait3A_852, %dma_wait3A_853, %add3A, %dma_wait3A_867] : memref<8x50x8x32x1024xf32, #tpu.memory_space<hbm>> -> memref<1x1x1x1x1024xf32, #tpu.memory_space<hbm>>
    %dma_wait3A_869 = tpu.memref_squeeze %dma_wait3A_868 : memref<1x1x1x1x1024xf32, #tpu.memory_space<hbm>> -> memref<1024xf32, #tpu.memory_space<hbm>>
    tpu.wait_dma2 semaphore(%dma_wait3A_863 : memref<!tpu.dma_semaphore, #tpu.memory_space<semaphore_mem>>) src(%dma_wait3A_869 : memref<1024xf32, #tpu.memory_space<hbm>>) dst(%dma_wait3A_866 : memref<1024xf32, #tpu.memory_space<vmem>>)
    return
  }
}

</mosaic_0001>

<sc_bundles>
// kernel: kernel.3.cloned.1.call-start
scs
__scs_entry_jumppad:
0x0: {  	(pc) =	sbr.rel $0x88, $3  }
0x1: {  	(tag) =	ssettag $0x0;
	lr =	simm.s32 $0x1  }
0x2: {  	[smem:$0x3F9F] =	sst lr;
	_ =	strace $0xD0000000  }
0x3: {  	_ = 	snop  }
0x4: {  	_ = 	snop  }
0x5: {  	_ = 	snop  }
0x6: {  	_ = 	snop  }
0x7: {  	_ = 	snop  }
__scs_overlays_trampoline_lowered:
0x8: {  	[smem:$0x3FAE] =	sst s0  }
0x9: {  	[smem:$0x3FAF] =	sst s1  }
0xa: {  	[smem:$0x3FB0] =	sst s2  }
0xb: {  	[smem:$0x3FB1] =	sst s3  }
0xc: {  	[smem:$0x3FB2] =	sst s4  }
0xd: {  	[smem:$0x3FB3] =	sst s5  }
0xe: {  	[smem:$0x3FB4] =	sst s6  }
0xf: {  	[smem:$0x3FB5] =	sst s7  }
0x10: {  	[smem:$0x3FB6] =	sst s8  }
0x11: {  	[smem:$0x3FB7] =	sst s9;
	s0 =	simm.s32 @!p0 $0x0  }
0x12: {  	s1 =	sld [smem:$0x3F9D];
	s0 =	simm.s32 @p0 $0x1  }
0x13: {  	[smem:$0x3FB8] =	sst s0;
	s0 =	simm.s32 @!p1 $0x0  }
0x14: {  	s2 =	sld [smem:$0x3F9C];
	s0 =	simm.s32 @p1 $0x1  }
0x15: {  	[smem:$0x3FB9] =	sst s0;
	s0 =	simm.s32 @!p2 $0x0  }
0x16: {  	s3 =	sld [smem:$0x3FDB];
	s0 =	simm.s32 @p2 $0x1  }
0x17: {  	s4 =	simm.s32 $0x1BF5;
	[smem:$0x3FBB] =	sst s0  }
0x18: {  	s0 =	sld [smem:$0x3F9E];
	_ =	swait.ge [sflag:s4], $0x0  }
0x19: {  	s7 =	sld [smem:$0x3F9F]  }
0x1a: {  	s8 =	sadd.s32 $0xFFFFE003, lr  }
0x1b: {  	s9 =	sadd.s32 $0xFFFFFEF7, lr;
	s5 =	simm.s32 $0xFFFFFFFF;
	p2 =	slt.u32 s8, $0xFFFFF086  }
0x1c: {  	p1 =	slt.u32 s9, $0xF7A;
	s5 =	simm.s32 @!p2 $0x0  }
0x1d: {  	s5 =	simm.s32 @p1 $0x1;
	p0 =	seq.s32 s7, s2  }
0x1e: {  	s7 =	smul.u32 @!p0 $0xF7A, s2;
	p2 =	seq.s32 @!p0 s5, $0x0  }
0x1f: {  	s9 =	smul.u32 $0xF7A, s1;
	s8 =	simm.s32 @!p0 $0x1BF5;
	p2 =	por !p2, p0  }
0x20: {  	[sflag:s8] =	ssyncset.s32 @!p0 $0xFFFFF086;
	s6 =	sadd.s32 @!p0 s3, s7;
	s7 =	simm.s32 @!p0 $0x108  }
0x21: {  	s3 =	sadd.s32 s3, s9;
	s6 =	sadd.s32 @!p0 $0x88, s6;
	s7 =	simm.s32 @p2 $0x1082  }
0x22: {  	[simem:s7], [sflag:s8] =	dma.local @!p0 [hbm:s6], $0xF7A  }
0x23: {  	s9 =	sor.u32 $0xD0000000, s2;
	s6 =	simm.s32 $0x108;
	_ =	swait.ge @!p0 [sflag:s8], $0x0  }
0x24: {  	s3 =	sadd.s32 $0x88, s3;
	s6 =	simm.s32 @!p1 $0x1082;
	[sflag:s4] =	ssyncset.s32 $0xFFFFF086  }
0x25: {  	[simem:s6], [sflag:s4] =	dma.local [hbm:s3], $0xF7A  }
0x26: {  	[smem:$0x3F9F] =	sst s1;
	(tag) =	ssettag s2;
	_ =	strace s9  }
0x27: {  	s1 =	sld [smem:$0x3FAF]  }
0x28: {  	s2 =	sld [smem:$0x3FB0]  }
0x29: {  	s4 =	sld [smem:$0x3FB2]  }
0x2a: {  	p0 =	seq.s32 s5, $0x0;
	s5 =	sld [smem:$0x3FB3]  }
0x2b: {  	s6 =	sld [smem:$0x3FB4]  }
0x2c: {  	s7 =	sld [smem:$0x3FB5]  }
0x2d: {  	s3 =	simm.s32 $0x108;
	s8 =	sld [smem:$0x3FB6]  }
0x2e: {  	s3 =	simm.s32 @!p0 $0x1082;
	s9 =	sld [smem:$0x3FB7]  }
0x2f: {  	lr =	sadd.s32 s0, s3;
	s0 =	sld [smem:$0x3FAE]  }
0x30: {  	s3 =	sld [smem:$0x3FB1]  }
0x31: {  	[smem:$0x3FBA] =	sst s10  }
0x32: {  	s10 =	sld [smem:$0x3FB8];
	_ =	sdelay $0x3  }
0x33: {  	p0 =	seq.s32 s10, $0x1;
	s10 =	sld [smem:$0x3FBA];
	_ =	sdelay $0x3  }
0x34: {  	[smem:$0x3FBA] =	sst s10  }
0x35: {  	s10 =	sld [smem:$0x3FB9];
	_ =	sdelay $0x3  }
0x36: {  	p1 =	seq.s32 s10, $0x1;
	s10 =	sld [smem:$0x3FBA];
	_ =	sdelay $0x3  }
0x37: {  	[smem:$0x3FBA] =	sst s10  }
0x38: {  	s10 =	sld [smem:$0x3FBB]  }
0x39: {  	_ = 	snop;
	(pc) =	sbr.ind lr, $3  }
0x3a: {  	_ = 	snop  }
0x3b: {  	_ = 	snop  }
0x3c: {  	p2 =	seq.s32 s10, $0x1;
	s10 =	sld [smem:$0x3FBA]  }
0x3d: {  	_ =	shalt  }
0x3e: {  	_ =	shalt  }
0x3f: {  	_ =	shalt  }
0x40: {  	_ =	shalt  }
0x41: {  	_ =	shalt  }
0x42: {  	_ =	shalt  }
0x43: {  	_ =	shalt  }
0x44: {  	_ =	shalt  }
0x45: {  	_ =	shalt  }
0x46: {  	_ =	shalt  }
0x47: {  	_ =	shalt  }
0x48: {  	_ =	shalt  }
0x49: {  	_ =	shalt  }
0x4a: {  	_ =	shalt  }
0x4b: {  	_ =	shalt  }
0x4c: {  	_ =	shalt  }
0x4d: {  	_ =	shalt  }
0x4e: {  	_ =	shalt  }
0x4f: {  	_ =	shalt  }
0x50: {  	_ =	shalt  }
0x51: {  	_ =	shalt  }
0x52: {  	_ =	shalt  }
0x53: {  	_ =	shalt  }
0x54: {  	_ =	shalt  }
0x55: {  	_ =	shalt  }
0x56: {  	_ =	shalt  }
0x57: {  	_ =	shalt  }
0x58: {  	_ =	shalt  }
0x59: {  	_ =	shalt  }
0x5a: {  	_ =	shalt  }
0x5b: {  	_ =	shalt  }
0x5c: {  	_ =	shalt  }
0x5d: {  	_ =	shalt  }
0x5e: {  	_ =	shalt  }
0x5f: {  	_ =	shalt  }
0x60: {  	_ =	shalt  }
0x61: {  	_ =	shalt  }
0x62: {  	_ =	shalt  }
0x63: {  	_ =	shalt  }
0x64: {  	_ =	shalt  }
0x65: {  	_ =	shalt  }
0x66: {  	_ =	shalt  }
0x67: {  	_ =	shalt  }
0x68: {  	_ =	shalt  }
0x69: {  	_ =	shalt  }
0x6a: {  	_ =	shalt  }
0x6b: {  	_ =	shalt  }
0x6c: {  	_ =	shalt  }
0x6d: {  	_ =	shalt  }
0x6e: {  	_ =	shalt  }
0x6f: {  	_ =	shalt  }
0x70: {  	_ =	shalt  }
0x71: {  	_ =	shalt  }
0x72: {  	_ =	shalt  }
0x73: {  	_ =	shalt  }
0x74: {  	_ =	shalt  }
0x75: {  	_ =	shalt  }
0x76: {  	_ =	shalt  }
0x77: {  	_ =	shalt  }
0x78: {  	_ =	shalt  }
0x79: {  	_ =	shalt  }
0x7a: {  	_ =	shalt  }
0x7b: {  	_ =	shalt  }
0x7c: {  	_ =	shalt  }
0x7d: {  	_ =	shalt  }
0x7e: {  	_ =	shalt  }
0x7f: {  	_ =	shalt  }
0x80: {  	_ =	shalt  }
0x81: {  	_ =	shalt  }
0x82: {  	_ =	shalt  }
0x83: {  	_ =	shalt  }
0x84: {  	_ =	shalt  }
0x85: {  	_ =	shalt  }
0x86: {  	_ =	shalt  }
0x87: {  	_ =	shalt  }
.Lfunc_end0:
.L_simem_size_0:
called_computation_lowered:
.L_overlay_start_0:
0x88: {  	s2 =	sld [smem:$0x3FD9]  }
0x89: {  	s3 =	sld [smem:$0x3FFE];
	_ =	sdelay $0x1  }
0x8a: {  	s1 =	srdreg.scid  }
0x8b: {  	s0 =	sand.u32 $0x1, s1  }
0x8c: {  	s17 =	sshll.u32 s0, $0xA;
	s2 =	sadd.s32 s3, s2  }
0x8d: {  	s2 =	sadd.s32 s2, s17  }
0x8e: {  	[smem:$0x3FC6] =	sst s2  }
0x8f: {  	_ = 	snop  }
0x90: {  	s2 =	sld [smem:$0x3FD0];
	(tm) =	ssettm $0x1  }
0x91: {  	s18 =	sld [smem:$0x3FFB];
	_ =	sdelay $0x3  }
0x92: {  	_ =	strace s18  }
0x93: {  	s3 =	sld [smem:$0x3FFC];
	_ =	sdelay $0x3  }
0x94: {  	_ =	strace s3  }
0x95: {  	s3 =	sld [smem:$0x3FFD];
	_ =	sdelay $0x3  }
0x96: {  	_ =	strace s3  }
0x97: {  	_ =	strace $0x8FFFFFFF  }
0x98: {  	s19 =	sld [smem:$0x3FDB];
	_ =	sdelay $0x1  }
0x99: {  	s4 =	simm.s32 $_scs_section_size  }
0x9a: {  	s5 =	simm.s32 $_size__tile_overlayer_lowered;
	s6 =	simm.s32 $_tile_overlayer_lowered  }
0x9b: {  	s22 =	simm.s32 $0x1BFF;
	s21 =	sshll.u32 s6, $0x1;
	s3 =	sadd.s32 s4, s19  }
0x9c: {  	s7 =	simm.s32 $0x0;
	s20 =	sshll.u32 s5, $0x1;
	s5 =	sadd.s32 s21, s3  }
0x9d: {  	[timem:s7], [sflag:s22] =	dma.local [hbm:s5], s20  }
0x9e: {  	_ =	swait.ge [sflag:s22], s20  }
0x9f: {  	s4 =	ssub.s32 $0x0, s20;
	[sflag:s22] =	ssyncset.done $0x0  }
0xa0: {  	[sflag:s22] =	ssyncadd.s32 s4;
	_ =	sdelay $0x1  }
0xa1: {  	s23 =	simm.s32 $0x1B8B  }
0xa2: {  	_ =	swait.ge [sflag:s23], $0x1  }
0xa3: {  	[sflag:s23] =	ssyncset.done $0x0  }
0xa4: {  	s25 =	simm.s32 $0x1B8E;
	s24 =	sld [smem:$0x3FFE];
	[sflag:s23] =	ssyncadd.s32 $0xFFFFFFFF  }
0xa5: {  	s26 =	simm.s32 $execute0_lowered;
	[smem:$0x3FD2] =	sst s25  }
0xa6: {  	s5 =	sshll.u32 s26, $0x1;
	_ =	strace $0x80000046;
	[dreg:$0x1] =	wrdreg $0xFFFFFFFF  }
0xa7: {  	s28 =	simm.s32 $_size_execute0_lowered;
	s3 =	sadd.s32 s3, s5;
	[dreg:$0x0] =	wrdreg $0x0  }
0xa8: {  	s5 =	sshll.u32 s28, $0x1;
	[dreg:$0x2] =	wrdreg s3  }
0xa9: {  	[dreg:$0x3] =	wrdreg s5  }
0xaa: {  	[dreg:$0x4] =	wrdreg $0xC0  }
0xab: {  	_ =	task [dreg:s7], $0x5FFFF  }
0xac: {  	[dreg:$0x1] =	wrdreg $0xFFFFFFFF  }
0xad: {  	[dreg:$0x0] =	wrdreg $0x60  }
0xae: {  	[dreg:$0x2] =	wrdreg s24  }
0xaf: {  	[dreg:$0x3] =	wrdreg s2  }
0xb0: {  	[dreg:$0x4] =	wrdreg $0x9  }
0xb1: {  	_ =	task.clear_ibuf [dreg:s7], $0x5FFFF;
	_ =	strace $0x90000046  }
0xb2: {  	s29 =	simm.s32 $0x9;
	_ =	strace $0x80000048  }
0xb3: {  	_ =	swait.ge [sflag:s29], $0x1  }
0xb4: {  	[sflag:s29] =	ssyncadd.s32 $0xFFFFFFFF  }
0xb5: {  	_ =	strace $0x90000048  }
0xb6: {  	_ =	sfence  }
0xb7: {  	s30 =	sld [smem:$0x0];
	_ =	sdelay $0x2  }
0xb8: {  	s31 =	sshll.u32 s1, $0xD;
	s1 =	sshrl.u32 s1, $0x2  }
0xb9: {  	s3 =	sand.u32 $0x4000, s31;
	s1 =	sadd.s32 s1, s30  }
0xba: {  	s0 =	sor.u32 s3, s0;
	s1 =	sshll.u32 s1, $0x11  }
0xbb: {  	s0 =	sor.u32 s1, s0  }
0xbc: {  	s0 =	sadd.s32 $0x8F2B, s0  }
0xbd: {  	[sflag:s0] =	ssyncadd.remote.s32 $0x1  }
0xbe: {  	_ =	sfence.sel $0xFFFF  }
0xbf: {  	[dreg:$0x0] =	wrdreg $0xFFFFFFFF;
	(pc) =	sbr.abs _section_cstart, $3  }
0xc0: {  	[dreg:$0x1] =	wrdreg $0xFFFFFFFF  }
0xc1: {  	_ =	task.clear_ibuf [dreg:s7], $0x2FFFF;
	_ =	strace $0x9FFFFFFF  }
0xc2: {  	(tm) =	ssettm $0x7FFFFFFF  }
0xc3: {  	_ =	shalt  }
tec
execute0_lowered:
.L_overlay_start_1:
0x0: {  	(tag) =	ssettag $0x1  }
0x1: {  	v0 =	vimm.s32 $0xFEDCBA9;
	v1 =	vimm.s32 $0x87654321  }
0x2: {  	vm8 =	vcmask $0x300;
	v2 =	vimm.s32 $0xF;
	vm11 =	vcmask $0x704  }
0x3: {  	vm12 =	vcmask $0xB08;
	vm13 =	vcmask $0xF0C;
	v0 =	vunpack.c.l.s4.s8 v0  }
0x4: {  	vm9 =	vcmask $0x1310;
	v1 =	vunpack.c.l.s4.s8 v1;
	v2 =	vsel vm8, $0x80, v2  }
0x5: {  	vm10 =	vcmask $0x1714;
	v15 =	vunpack.c.0.s8.s32 v0;
	v0 =	vsel vm11, $0x101, v2  }
0x6: {  	vm5 =	vcmask $0x1B18;
	v16 =	vunpack.c.0.s8.s32 v1;
	v0 =	vsel vm12, $0x182, v0  }
0x7: {  	vm6 =	vcmask $0x1F1C;
	vm0 =	vcmask $0x2320;
	v0 =	vsel vm13, $0x203, v0  }
0x8: {  	vm1 =	vcmask $0x2724;
	v1 =	vcombine.low v16, v15;
	v0 =	vsel vm9, $0x284, v0  }
0x9: {  	vm2 =	vcmask $0x2B28;
	vm3 =	vcmask $0x2F2C;
	v2 =	vsel vm10, $0x305, v0  }
0xa: {  	v51 =	vand.u32 $0xF, v1;
	v1 =	vsel vm5, $0x386, v2;
	v2 =	vimm.s32 $0x8F  }
0xb: {  	vm4 =	vcmask $0x3330;
	vm7 =	vcmask $0x3734;
	v2 =	vsel vm8, $0x100, v2  }
0xc: {  	v3 =	vimm.s32 $0x10FEDCBA;
	v4 =	vimm.s32 $0x98765432;
	v2 =	vsel vm11, $0x181, v2  }
0xd: {  	vm14 =	vcmask $0x3B38;
	v3 =	vunpack.c.l.s4.s8 v3;
	v2 =	vsel vm12, $0x202, v2  }
0xe: {  	v6 =	vimm.s32 $0xA9876543;
	v4 =	vunpack.c.l.s4.s8 v4;
	v2 =	vsel vm13, $0x283, v2  }
0xf: {  	v6 =	vunpack.c.l.s4.s8 v6;
	v17 =	vunpack.c.0.s8.s32 v3;
	v2 =	vsel vm9, $0x304, v2  }
0x10: {  	v3 =	vimm.s32 $0x10F;
	v1 =	vsel vm6, $0x407, v1;
	v2 =	vsel vm10, $0x385, v2  }
0x11: {  	v18 =	vunpack.c.0.s8.s32 v4;
	v1 =	vsel vm0, $0x488, v1;
	v2 =	vsel vm5, $0x406, v2  }
0x12: {  	v20 =	vunpack.c.0.s8.s32 v6;
	v1 =	vsel vm1, $0x509, v1;
	v2 =	vsel vm6, $0x487, v2  }
0x13: {  	v3 =	vsel vm8, $0x180, v3;
	v1 =	vsel vm2, $0x58A, v1;
	v2 =	vsel vm0, $0x508, v2  }
0x14: {  	v3 =	vsel vm11, $0x201, v3;
	v1 =	vsel vm3, $0x60B, v1;
	v2 =	vsel vm1, $0x589, v2  }
0x15: {  	v4 =	vcombine.low v18, v17;
	v1 =	vsel vm4, $0x68C, v1;
	v2 =	vsel vm2, $0x60A, v2  }
0x16: {  	v5 =	vsel vm3, $0x68B, v2;
	v2 =	vsel vm12, $0x282, v3;
	v3 =	vimm.s32 $0x210FEDCB  }
0x17: {  	v1 =	vsel vm7, $0x70D, v1;
	v2 =	vsel vm13, $0x303, v2;
	v3 =	vunpack.c.l.s4.s8 v3  }
0x18: {  	v52 =	vand.u32 $0xF, v4;
	v0 =	vsel vm14, $0x78E, v1;
	v7 =	vsel vm9, $0x384, v2  }
0x19: {  	v4 =	vsel vm4, $0x70C, v5;
	v5 =	vsel vm10, $0x405, v7;
	v19 =	vunpack.c.0.s8.s32 v3  }
0x1a: {  	v4 =	vsel vm7, $0x78D, v4;
	v3 =	vsel vm5, $0x486, v5;
	v5 =	vimm.s32 $0x18F  }
0x1b: {  	v3 =	vsel vm6, $0x507, v3;
	v6 =	vcombine.low v20, v19;
	v5 =	vsel vm8, $0x200, v5  }
0x1c: {  	v7 =	vsel vm0, $0x588, v3;
	v3 =	vsel vm14, $0xE, v4;
	v5 =	vsel vm11, $0x281, v5  }
0x1d: {  	v7 =	vsel vm1, $0x609, v7;
	v4 =	vand.u32 $0xF, v6;
	v5 =	vsel vm12, $0x302, v5  }
0x1e: {  	v6 =	vsel vm2, $0x68A, v7;
	v7 =	vimm.s32 $0x3210FEDC;
	v5 =	vsel vm13, $0x383, v5  }
0x1f: {  	[tilespmem:$0x1FB90] =	vst v0;
	v0 =	vimm.s32 $0xBA987654;
	v7 =	vunpack.c.l.s4.s8 v7;
	v5 =	vsel vm9, $0x404, v5  }
0x20: {  	v0 =	vunpack.c.l.s4.s8 v0;
	v5 =	vsel vm10, $0x485, v5  }
0x21: {  	v21 =	vunpack.c.0.s8.s32 v7;
	v5 =	vsel vm5, $0x506, v5;
	v7 =	vimm.s32 $0x20F  }
0x22: {  	v22 =	vunpack.c.0.s8.s32 v0;
	v5 =	vsel vm6, $0x587, v5;
	v7 =	vsel vm8, $0x280, v7  }
0x23: {  	v5 =	vsel vm0, $0x608, v5;
	v7 =	vsel vm11, $0x301, v7  }
0x24: {  	v0 =	vcombine.low v22, v21;
	v9 =	vsel vm1, $0x689, v5;
	v7 =	vsel vm12, $0x382, v7  }
0x25: {  	v11 =	vimm.s32 $0x28F;
	v9 =	vsel vm2, $0x70A, v9;
	v7 =	vsel vm13, $0x403, v7  }
0x26: {  	v26 =	vand.u32 $0xF, v0;
	v0 =	vsel vm3, $0x78B, v9;
	v7 =	vsel vm9, $0x484, v7  }
0x27: {  	v9 =	vimm.s32 $0x43210FED;
	v1 =	vsel vm4, $0xC, v0;
	v7 =	vsel vm10, $0x505, v7  }
0x28: {  	v9 =	vunpack.c.l.s4.s8 v9;
	v0 =	vimm.s32 $0xCBA98765;
	v7 =	vsel vm5, $0x586, v7  }
0x29: {  	v12 =	vimm.s32 $0x30F;
	v0 =	vunpack.c.l.s4.s8 v0;
	v7 =	vsel vm6, $0x607, v7  }
0x2a: {  	v2 =	vunpack.c.0.s8.s32 v9;
	v9 =	vsel vm8, $0x300, v11;
	v7 =	vsel vm0, $0x688, v7  }
0x2b: {  	v24 =	vunpack.c.0.s8.s32 v0;
	v9 =	vsel vm11, $0x381, v9;
	v7 =	vsel vm1, $0x709, v7  }
0x2c: {  	v13 =	vimm.s32 $0xDCBA9876;
	v9 =	vsel vm12, $0x402, v9;
	v7 =	vsel vm2, $0x78A, v7  }
0x2d: {  	v0 =	vcombine.low v24, v2;
	v9 =	vsel vm13, $0x483, v9;
	v11 =	vsel vm3, $0xB, v7  }
0x2e: {  	v13 =	vunpack.c.l.s4.s8 v13;
	v9 =	vsel vm9, $0x504, v9;
	v11 =	vsel vm4, $0x8C, v11  }
0x2f: {  	v54 =	vand.u32 $0xF, v0;
	v0 =	vsel vm7, $0x10D, v11;
	v11 =	vsel vm10, $0x585, v9  }
0x30: {  	v12 =	vsel vm8, $0x380, v12;
	v27 =	vunpack.c.0.s8.s32 v13;
	v11 =	vsel vm5, $0x606, v11  }
0x31: {  	v9 =	vsel vm14, $0x18E, v0;
	v0 =	vimm.s32 $0x543210FE;
	v11 =	vsel vm6, $0x687, v11  }
0x32: {  	v13 =	vimm.s32 $0xEDCBA987;
	v0 =	vunpack.c.l.s4.s8 v0;
	v11 =	vsel vm0, $0x708, v11  }
0x33: {  	v12 =	vsel vm11, $0x401, v12;
	v13 =	vunpack.c.l.s4.s8 v13;
	v11 =	vsel vm1, $0x789, v11  }
0x34: {  	v8 =	vunpack.c.0.s8.s32 v0;
	v0 =	vsel vm2, $0xA, v11;
	v11 =	vsel vm12, $0x482, v12  }
0x35: {  	v30 =	vimm.s32 $0x76543210;
	v10 =	vunpack.c.0.s8.s32 v13;
	v11 =	vsel vm13, $0x503, v11  }
0x36: {  	v1 =	vsel vm7, $0x8D, v1;
	v12 =	vimm.s32 $0x6543210F;
	v11 =	vsel vm9, $0x584, v11  }
0x37: {  	v29 =	vsel vm14, $0x10E, v1;
	v12 =	vunpack.c.l.s4.s8 v12;
	v11 =	vsel vm10, $0x605, v11  }
0x38: {  	v0 =	vsel vm3, $0x8B, v0;
	v14 =	vcombine.low v27, v8;
	v1 =	vsel vm5, $0x686, v11  }
0x39: {  	v25 =	vsel vm4, $0x10C, v0;
	v0 =	vunpack.c.0.s8.s32 v12;
	v11 =	vsel vm6, $0x707, v1  }
0x3a: {  	v7 =	vand.u32 $0xF, v14;
	v12 =	vsel vm7, $0x18D, v25;
	v11 =	vsel vm0, $0x788, v11  }
0x3b: {  	v25 =	vimm.s32 $0x38F;
	v13 =	vcombine.low v10, v0;
	v14 =	vsel vm1, $0x9, v11  }
0x3c: {  	v31 =	vimm.s32 $0xFEDCBA98;
	v25 =	vsel vm8, $0x400, v25;
	v14 =	vsel vm2, $0x8A, v14  }
0x3d: {  	v61 =	vand.u32 $0xF, v13;
	v13 =	vsel vm3, $0x10B, v14;
	v14 =	vsel vm11, $0x481, v25  }
0x3e: {  	v31 =	vunpack.c.l.s4.s8 v31;
	v25 =	vimm.s32 $0x40F;
	v14 =	vsel vm12, $0x502, v14  }
0x3f: {  	v30 =	vunpack.c.l.s4.s8 v30;
	v25 =	vsel vm8, $0x480, v25;
	v1 =	vsel vm13, $0x583, v14  }
0x40: {  	v31 =	vunpack.c.0.s8.s32 v31;
	v25 =	vsel vm11, $0x501, v25;
	v1 =	vsel vm9, $0x604, v1  }
0x41: {  	v30 =	vunpack.c.0.s8.s32 v30;
	v25 =	vsel vm12, $0x582, v25;
	v1 =	vsel vm10, $0x685, v1  }
0x42: {  	v31 =	vand.u32 $0xF, v31;
	v25 =	vsel vm13, $0x603, v25;
	v1 =	vsel vm5, $0x706, v1  }
0x43: {  	v18 =	vcombine.low v17, v18;
	v25 =	vsel vm9, $0x684, v25;
	v1 =	vsel vm6, $0x787, v1  }
0x44: {  	v62 =	vcombine.low v31, v30;
	v25 =	vsel vm10, $0x705, v25;
	v1 =	vsel vm0, $0x8, v1  }
0x45: {  	v31 =	vimm.s32 $0x48F;
	v25 =	vsel vm5, $0x786, v25;
	v1 =	vsel vm1, $0x89, v1  }
0x46: {  	v31 =	vsel vm8, $0x500, v31;
	v25 =	vsel vm6, $0x7, v25;
	v1 =	vsel vm2, $0x10A, v1  }
0x47: {  	v20 =	vcombine.low v19, v20;
	v25 =	vsel vm0, $0x88, v25;
	v32 =	vsel vm3, $0x18B, v1  }
0x48: {  	v6 =	vsel vm3, $0x70B, v6;
	v25 =	vsel vm1, $0x109, v25;
	v30 =	vsel vm4, $0x20C, v32  }
0x49: {  	v6 =	vsel vm4, $0x78C, v6;
	v25 =	vsel vm2, $0x18A, v25;
	v30 =	vsel vm7, $0x28D, v30  }
0x4a: {  	v25 =	vsel vm3, $0x20B, v25;
	v46 =	vsel vm14, $0x30E, v30;
	v30 =	vsel vm11, $0x581, v31  }
0x4b: {  	v45 =	vsel vm14, $0x20E, v12;
	v25 =	vsel vm4, $0x28C, v25;
	v30 =	vsel vm12, $0x602, v30  }
0x4c: {  	v31 =	vimm.s32 $0x50F;
	v25 =	vsel vm7, $0x30D, v25;
	v30 =	vsel vm13, $0x683, v30  }
0x4d: {  	v12 =	vsel vm14, $0x38E, v25;
	v25 =	vsel vm9, $0x704, v30;
	v30 =	vsel vm8, $0x580, v31  }
0x4e: {  	v6 =	vsel vm7, $0xD, v6;
	v22 =	vcombine.low v21, v22;
	v30 =	vsel vm11, $0x601, v30  }
0x4f: {  	v31 =	vimm.s32 $0x58F;
	v25 =	vsel vm10, $0x785, v25;
	v30 =	vsel vm12, $0x682, v30  }
0x50: {  	v31 =	vsel vm8, $0x600, v31;
	v25 =	vsel vm5, $0x6, v25;
	v30 =	vsel vm13, $0x703, v30  }
0x51: {  	v31 =	vsel vm11, $0x681, v31;
	v25 =	vsel vm6, $0x87, v25;
	v30 =	vsel vm9, $0x784, v30  }
0x52: {  	v31 =	vsel vm12, $0x702, v31;
	v25 =	vsel vm0, $0x108, v25;
	v30 =	vsel vm10, $0x5, v30  }
0x53: {  	v31 =	vsel vm13, $0x783, v31;
	v25 =	vsel vm1, $0x189, v25;
	v30 =	vsel vm5, $0x86, v30  }
0x54: {  	v31 =	vsel vm9, $0x4, v31;
	v25 =	vsel vm2, $0x20A, v25;
	v30 =	vsel vm6, $0x107, v30  }
0x55: {  	v31 =	vsel vm10, $0x85, v31;
	v25 =	vsel vm3, $0x28B, v25;
	v30 =	vsel vm0, $0x188, v30  }
0x56: {  	v31 =	vsel vm5, $0x106, v31;
	v25 =	vsel vm4, $0x30C, v25;
	v30 =	vsel vm1, $0x209, v30  }
0x57: {  	v31 =	vsel vm6, $0x187, v31;
	v25 =	vsel vm7, $0x38D, v25;
	v30 =	vsel vm2, $0x28A, v30  }
0x58: {  	v17 =	vsel vm14, $0x40E, v25;
	v25 =	vsel vm3, $0x30B, v30;
	v30 =	vsel vm0, $0x208, v31  }
0x59: {  	v5 =	vsel vm14, $0x8E, v6;
	v25 =	vsel vm4, $0x38C, v25;
	v30 =	vsel vm1, $0x289, v30  }
0x5a: {  	v24 =	vcombine.low v2, v24;
	v25 =	vsel vm7, $0x40D, v25;
	v30 =	vsel vm2, $0x30A, v30  }
0x5b: {  	v19 =	vsel vm14, $0x48E, v25;
	v25 =	vsel vm3, $0x38B, v30;
	v30 =	vimm.s32 $0x60F  }
0x5c: {  	v0 =	vcombine.low v0, v10;
	v25 =	vsel vm4, $0x40C, v25;
	v30 =	vsel vm8, $0x680, v30  }
0x5d: {  	v1 =	vcombine.low v8, v27;
	v25 =	vsel vm7, $0x48D, v25;
	v30 =	vsel vm11, $0x701, v30  }
0x5e: {  	v21 =	vsel vm14, $0x50E, v25;
	v25 =	vsel vm12, $0x782, v30;
	v30 =	vimm.s32 $0x68F  }
0x5f: {  	v10 =	vand.u32 $0xF, v1;
	v1 =	vand.u32 $0xF, v0;
	v30 =	vsel vm8, $0x700, v30  }
0x60: {  	v31 =	vimm.s32 $0x70F;
	v25 =	vsel vm13, $0x3, v25;
	v30 =	vsel vm11, $0x781, v30  }
0x61: {  	v31 =	vsel vm8, $0x780, v31;
	v25 =	vsel vm9, $0x84, v25;
	v30 =	vsel vm12, $0x2, v30  }
0x62: {  	v31 =	vsel vm11, $0x1, v31;
	v25 =	vsel vm10, $0x105, v25;
	v30 =	vsel vm13, $0x83, v30  }
0x63: {  	v31 =	vsel vm12, $0x82, v31;
	v25 =	vsel vm5, $0x186, v25;
	v30 =	vsel vm9, $0x104, v30  }
0x64: {  	v31 =	vsel vm13, $0x103, v31;
	v25 =	vsel vm6, $0x207, v25;
	v30 =	vsel vm10, $0x185, v30  }
0x65: {  	v31 =	vsel vm9, $0x184, v31;
	v25 =	vsel vm0, $0x288, v25;
	v30 =	vsel vm5, $0x206, v30  }
0x66: {  	v31 =	vsel vm10, $0x205, v31;
	v25 =	vsel vm1, $0x309, v25;
	v30 =	vsel vm6, $0x287, v30  }
0x67: {  	v31 =	vsel vm5, $0x286, v31;
	v25 =	vsel vm2, $0x38A, v25;
	v30 =	vsel vm0, $0x308, v30  }
0x68: {  	v31 =	vsel vm6, $0x307, v31;
	v25 =	vsel vm3, $0x40B, v25;
	v30 =	vsel vm1, $0x389, v30  }
0x69: {  	v31 =	vsel vm0, $0x388, v31;
	v25 =	vsel vm4, $0x48C, v25;
	v30 =	vsel vm2, $0x40A, v30  }
0x6a: {  	v31 =	vsel vm1, $0x409, v31;
	v25 =	vsel vm7, $0x50D, v25;
	v30 =	vsel vm3, $0x48B, v30  }
0x6b: {  	v6 =	vsel vm14, $0x58E, v25;
	v27 =	vsel vm4, $0x50C, v30;
	v30 =	vsel vm2, $0x48A, v31  }
0x6c: {  	v31 =	vimm.s32 $0x14131211;
	v27 =	vsel vm7, $0x58D, v27;
	v2 =	vsel vm3, $0x50B, v30  }
0x6d: {  	v30 =	vimm.s32 $0x1C1B1A19;
	v40 =	vunpack.c.0.s8.s32 v31;
	v31 =	vimm.s32 $0x11101F1E  }
0x6e: {  	v25 =	vsel vm14, $0x60E, v27;
	v2 =	vsel vm4, $0x58C, v2;
	v38 =	vunpack.c.0.s8.s32 v30  }
0x6f: {  	v30 =	vimm.s32 $0x101F1E1D;
	v35 =	vunpack.c.0.s8.s32 v31;
	v31 =	vimm.s32 $0x1E1D1C1B  }
0x70: {  	v0 =	vsel vm7, $0x60D, v2;
	v39 =	vunpack.c.0.s8.s32 v30;
	v30 =	vimm.s32 $0x1D1C1B1A  }
0x71: {  	v47 =	vunpack.c.0.s8.s32 v31;
	v33 =	vunpack.c.0.s8.s32 v30;
	v30 =	vimm.s32 $0x19181716  }
0x72: {  	v31 =	vimm.s32 $0x1A191817;
	v37 =	vunpack.c.0.s8.s32 v30;
	v30 =	vimm.s32 $0x16151413  }
0x73: {  	v27 =	vsel vm14, $0x68E, v0;
	v0 =	vunpack.c.0.s8.s32 v30;
	v30 =	vunpack.c.0.s8.s32 v31  }
0x74: {  	v59 =	vimm.s32 $0x1F1E1D1C  }
0x75: {  	[tilespmem:$0x1FBB0] =	vst v30;
	v30 =	vunpack.c.0.s8.s32 v59;
	_ =	sdelay $0x1  }
0x76: {  	[tilespmem:$0x1FBC0] =	vst v30;
	v30 =	vimm.s32 $0x13121110  }
0x77: {  	v30 =	vunpack.c.0.s8.s32 v30  }
0x78: {  	v31 =	vimm.s32 $0x17161514  }
0x79: {  	[tilespmem:$0x1FBD0] =	vst v30;
	v30 =	vunpack.c.0.s8.s32 v31  }
0x7a: {  	v60 =	vimm.s32 $0x1B1A1918  }
0x7b: {  	[tilespmem:$0x1FBE0] =	vst v30;
	v30 =	vunpack.c.0.s8.s32 v60;
	_ =	sdelay $0x1  }
0x7c: {  	[tilespmem:$0x1FBF0] =	vst v30;
	v30 =	vimm.s32 $0x2C2B2A29  }
0x7d: {  	v30 =	vunpack.c.0.s8.s32 v30  }
0x7e: {  	v31 =	vimm.s32 $0x202F2E2D  }
0x7f: {  	[tilespmem:$0x1FC00] =	vst v30;
	v30 =	vunpack.c.0.s8.s32 v31  }
0x80: {  	v41 =	vimm.s32 $0x24232221  }
0x81: {  	[tilespmem:$0x1FC10] =	vst v30;
	v30 =	vunpack.c.0.s8.s32 v41;
	_ =	sdelay $0x1  }
0x82: {  	[tilespmem:$0x1FC20] =	vst v30;
	v30 =	vimm.s32 $0x28272625  }
0x83: {  	v30 =	vunpack.c.0.s8.s32 v30  }
0x84: {  	v31 =	vimm.s32 $0x2D2C2B2A  }
0x85: {  	[tilespmem:$0x1FC30] =	vst v30;
	v30 =	vunpack.c.0.s8.s32 v31  }
0x86: {  	v43 =	vimm.s32 $0x21202F2E  }
0x87: {  	[tilespmem:$0x1FC40] =	vst v30;
	v30 =	vunpack.c.0.s8.s32 v43;
	_ =	sdelay $0x1  }
0x88: {  	[tilespmem:$0x1FC50] =	vst v30;
	v30 =	vimm.s32 $0x25242322  }
0x89: {  	v30 =	vunpack.c.0.s8.s32 v30  }
0x8a: {  	v31 =	vimm.s32 $0x29282726  }
0x8b: {  	[tilespmem:$0x1FC60] =	vst v30;
	v30 =	vunpack.c.0.s8.s32 v31  }
0x8c: {  	v44 =	vimm.s32 $0x2E2D2C2B  }
0x8d: {  	[tilespmem:$0x1FC70] =	vst v30;
	v30 =	vunpack.c.0.s8.s32 v44;
	_ =	sdelay $0x1  }
0x8e: {  	[tilespmem:$0x1FC80] =	vst v30;
	v30 =	vimm.s32 $0x2221202F  }
0x8f: {  	v30 =	vunpack.c.0.s8.s32 v30  }
0x90: {  	v31 =	vimm.s32 $0x26252423  }
0x91: {  	[tilespmem:$0x1FC90] =	vst v30;
	v30 =	vunpack.c.0.s8.s32 v31  }
0x92: {  	v48 =	vimm.s32 $0x2A292827  }
0x93: {  	[tilespmem:$0x1FCA0] =	vst v30;
	v30 =	vunpack.c.0.s8.s32 v48;
	_ =	sdelay $0x1  }
0x94: {  	[tilespmem:$0x1FCB0] =	vst v30;
	v30 =	vimm.s32 $0x2F2E2D2C  }
0x95: {  	v30 =	vunpack.c.0.s8.s32 v30  }
0x96: {  	v31 =	vimm.s32 $0x23222120  }
0x97: {  	[tilespmem:$0x1FCC0] =	vst v30;
	v30 =	vunpack.c.0.s8.s32 v31  }
0x98: {  	v50 =	vimm.s32 $0x27262524  }
0x99: {  	[tilespmem:$0x1FCD0] =	vst v30;
	v30 =	vunpack.c.0.s8.s32 v50;
	_ =	sdelay $0x1  }
0x9a: {  	[tilespmem:$0x1FCE0] =	vst v30;
	v30 =	vimm.s32 $0x2B2A2928  }
0x9b: {  	v30 =	vunpack.c.0.s8.s32 v30  }
0x9c: {  	v31 =	vimm.s32 $0x3C3B3A39  }
0x9d: {  	[tilespmem:$0x1FCF0] =	vst v30;
	v30 =	vunpack.c.0.s8.s32 v31  }
0x9e: {  	v53 =	vimm.s32 $0x303F3E3D  }
0x9f: {  	[tilespmem:$0x1FD00] =	vst v30;
	v30 =	vunpack.c.0.s8.s32 v53;
	_ =	sdelay $0x1  }
0xa0: {  	[tilespmem:$0x1FD10] =	vst v30;
	v30 =	vimm.s32 $0x34333231  }
0xa1: {  	v30 =	vunpack.c.0.s8.s32 v30  }
0xa2: {  	v31 =	vimm.s32 $0x38373635  }
0xa3: {  	[tilespmem:$0x1FD20] =	vst v30;
	v30 =	vunpack.c.0.s8.s32 v31  }
0xa4: {  	v55 =	vimm.s32 $0x3D3C3B3A  }
0xa5: {  	[tilespmem:$0x1FD30] =	vst v30;
	v30 =	vunpack.c.0.s8.s32 v55;
	_ =	sdelay $0x1  }
0xa6: {  	[tilespmem:$0x1FD40] =	vst v30;
	v30 =	vimm.s32 $0x31303F3E  }
0xa7: {  	v30 =	vunpack.c.0.s8.s32 v30  }
0xa8: {  	v31 =	vimm.s32 $0x35343332  }
0xa9: {  	v56 =	vimm.s32 $0x18171615;
	[tilespmem:$0x1FD50] =	vst v30;
	v30 =	vunpack.c.0.s8.s32 v31  }
0xaa: {  	v49 =	vunpack.c.0.s8.s32 v56;
	v56 =	vimm.s32 $0x39383736  }
0xab: {  	v57 =	vimm.s32 $0x15141312;
	[tilespmem:$0x1FD60] =	vst v30;
	v30 =	vunpack.c.0.s8.s32 v56  }
0xac: {  	s3 =	rddreg [dreg:$0x0];
	s2 =	simm.s32 $0x0;
	v36 =	vunpack.c.0.s8.s32 v57;
	[tilespmem:$0x1FBA0] =	vst v0  }
0xad: {  	s1 =	stileid.u32;
	[smem:$0x7FF] =	sst s2;
	vm0 =	vcmask $0x1F10;
	[tilespmem:$0x1FD70] =	vst v30  }
0xae: {  	s4 =	sshll.u32 s1, $0x1;
	s1 =	rddreg [dreg:$0x1];
	v60 =	vsel vm0, v37, v36;
	_ =	strace $0x80000047;
	[tilespmem:$0x1FE30] =	vst v33  }
0xaf: {  	[tilespmem:$0x1FE50] =	vst v60  }
0xb0: {  	[tilespmem:$0x1FE60] =	vst v38  }
0xb1: {  	[tilespmem:$0x1FE70] =	vst v39  }
0xb2: {  	[tilespmem:$0x1FE80] =	vst v40  }
0xb3: {  	v28 =	vmov v35;
	[tilespmem:$0x1FE90] =	vst v49  }
0xb4: {  	v43 =	vmov v36;
	[tilespmem:$0x1FEA0] =	vst v28  }
0xb5: {  	v58 =	vimm.s32 $0x1211101F;
	v44 =	vmov v37;
	[tilespmem:$0x1FEB0] =	vst v43  }
0xb6: {  	v23 =	vand.u32 $0xF, v22;
	v22 =	vunpack.c.0.s8.s32 v58;
	v24 =	vand.u32 $0xF, v24;
	[tilespmem:$0x1FEC0] =	vst v44  }
0xb7: {  	v59 =	vlaneseq.u32;
	[tilespmem:$0x1FED0] =	vst v24  }
0xb8: {  	v18 =	vand.u32 $0xF, v18;
	v34 =	vmul.u32 $0x40, v59;
	[tilespmem:$0x1FEE0] =	vst v22  }
0xb9: {  	[tilespmem:$0x1FEF0] =	vst v18  }
0xba: {  	v36 =	vor.u32 $0x10, v59;
	[tilespmem:$0x1FF00] =	vst v34  }
0xbb: {  	[tilespmem:$0x1FF10] =	vst v36  }
0xbc: {  	[tilespmem:$0x1FF40] =	vst v61  }
0xbd: {  	v30 =	vimm.s32 $0x3E3D3C3B;
	[tilespmem:$0x1FF50] =	vst v23  }
0xbe: {  	v30 =	vunpack.c.0.s8.s32 v30;
	[tilespmem:$0x1FF60] =	vst v26  }
0xbf: {  	v31 =	vimm.s32 $0x3231303F;
	[tilespmem:$0x1FF70] =	vst v51  }
0xc0: {  	[tilespmem:$0x1FD80] =	vst v30;
	v30 =	vunpack.c.0.s8.s32 v31  }
0xc1: {  	v57 =	vimm.s32 $0x36353433;
	[tilespmem:$0x1FF80] =	vst v1  }
0xc2: {  	[tilespmem:$0x1FD90] =	vst v30;
	v30 =	vunpack.c.0.s8.s32 v57  }
0xc3: {  	v16 =	vcombine.low v15, v16;
	[tilespmem:$0x1FF90] =	vst v7  }
0xc4: {  	[tilespmem:$0x1FDA0] =	vst v30;
	v30 =	vimm.s32 $0x3A393837  }
0xc5: {  	v63 =	vand.u32 $0xF, v16;
	[tilespmem:$0x1FFA0] =	vst v47;
	v30 =	vunpack.c.0.s8.s32 v30  }
0xc6: {  	[tilespmem:$0x1FFB0] =	vst v63;
	v31 =	vimm.s32 $0x3F3E3D3C  }
0xc7: {  	[tilespmem:$0x1FDB0] =	vst v30;
	v30 =	vunpack.c.0.s8.s32 v31  }
0xc8: {  	v58 =	vimm.s32 $0x33323130;
	[tilespmem:$0x1FFC0] =	vst v52  }
0xc9: {  	[tilespmem:$0x1FDC0] =	vst v30;
	v30 =	vunpack.c.0.s8.s32 v58  }
0xca: {  	[tilespmem:$0x1FFD0] =	vst v4  }
0xcb: {  	[tilespmem:$0x1FDD0] =	vst v30;
	v30 =	vimm.s32 $0x37363534  }
0xcc: {  	s0 =	srdreg.scid;
	[tilespmem:$0x1FFE0] =	vst v54;
	v30 =	vunpack.c.0.s8.s32 v30  }
0xcd: {  	s15 =	simm.s32 $0xD;
	s16 =	simm.s32 $0x80;
	s17 =	simm.s32 $0x9;
	[tilespmem:$0x1FFF0] =	vst v62;
	v31 =	vimm.s32 $0x3B3A3938  }
0xce: {  	s18 =	simm.s32 $0xA;
	s19 =	simm.s32 $0xB;
	s0 =	sand.u32 $0x1, s0;
	v33 =	vsel vm0, v35, v33;
	[tilespmem:$0x1FDE0] =	vst v30;
	v30 =	vunpack.c.0.s8.s32 v31  }
0xcf: {  	s20 =	simm.s32 $0xC;
	s21 =	simm.s32 $0x0;
	s5 =	sor.u32 s0, s4;
	[tilespmem:$0x1FE40] =	vst v33;
	v35 =	vcombine.low v60, v33  }
0xd0: {  	s4 =	sadd.s32 $0x6800, s3;
	s0 =	ssub.s32 $0x2, s0;
	s6 =	smul.u32 $0x320, s5;
	[tilespmem:$0x1FDF0] =	vst v30;
	v30 =	vmul.u32 $0x32, v59  }
.Ltmp0:
0xd1: {  	s7 =	sadd.s32 $0x1000, s1;
	s9 =	sadd.s32 $0x3000, s1;
	[tilespmem:$0x1FF30] =	vst v35;
	(pc) =	sbr.rel .LBB2_1-.Ltmp0, $4  }
0xd2: {  	s10 =	sadd.s32 $0x4000, s1;
	s11 =	sadd.s32 $0x5000, s1;
	s12 =	sadd.s32 $0x6000, s1;
	v31 =	vsel vm0, v49, v40;
	[tilespmem:$0x1FE00] =	vst v30;
	v30 =	vsel vm0, v39, v38  }
0xd3: {  	s13 =	sadd.s32 $0x7000, s1;
	s8 =	sshrl.u32 s0, $0x1;
	s3 =	sadd.s32 s6, s3;
	v13 =	vsel vm4, $0x18C, v13;
	[tilespmem:$0x1FE20] =	vst v31;
	v37 =	vcombine.low v31, v30  }
0xd4: {  	s0 =	ssub.s32 s0, s8;
	s8 =	sadd.s32 $0x2000, s1;
	s3 =	sadd.s32 $0x400, s3;
	v13 =	vsel vm7, $0x20D, v13;
	[tilespmem:$0x1FE10] =	vst v30  }
0xd5: {  	s6 =	sshll.u32 s5, $0xA;
	s14 =	smax.u32 s0, $0x1;
	v42 =	vand.u32 $0xF, v20;
	v13 =	vsel vm14, $0x28E, v13;
	v16 =	vmul.u32 $0x81, v59;
	[dreg:$0x3] =	wrdreg s3;
	[tilespmem:$0x1FF20] =	vst v37  }
.LBB2_13:
0xd6: {  	_ =	swait.ge [sflag:s17], $0x400  }
0xd7: {  	[sflag:s17] =	ssyncset.done $0x0  }
0xd8: {  	[sflag:s17] =	ssyncadd.s32 $0xFFFFFC00  }
0xd9: {  	_ =	swait.ge [sflag:s17], $0x400  }
0xda: {  	[sflag:s17] =	ssyncset.done $0x0  }
0xdb: {  	[sflag:s17] =	ssyncadd.s32 $0xFFFFFC00  }
0xdc: {  	_ =	swait.ge [sflag:s17], $0x400  }
0xdd: {  	[sflag:s17] =	ssyncset.done $0x0  }
0xde: {  	[sflag:s17] =	ssyncadd.s32 $0xFFFFFC00  }
0xdf: {  	_ =	swait.ge [sflag:s17], $0x400  }
0xe0: {  	[sflag:s17] =	ssyncset.done $0x0  }
0xe1: {  	[sflag:s17] =	ssyncadd.s32 $0xFFFFFC00  }
0xe2: {  	_ =	swait.ge [sflag:s17], $0x400  }
0xe3: {  	[sflag:s17] =	ssyncset.done $0x0  }
0xe4: {  	[sflag:s17] =	ssyncadd.s32 $0xFFFFFC00  }
0xe5: {  	_ =	swait.ge [sflag:s17], $0x400  }
0xe6: {  	[sflag:s17] =	ssyncset.done $0x0  }
0xe7: {  	[sflag:s17] =	ssyncadd.s32 $0xFFFFFC00  }
0xe8: {  	_ =	swait.ge [sflag:s17], $0x400  }
0xe9: {  	[sflag:s17] =	ssyncset.done $0x0  }
0xea: {  	[sflag:s17] =	ssyncadd.s32 $0xFFFFFC00  }
0xeb: {  	_ =	swait.ge [sflag:s17], $0x400  }
0xec: {  	[sflag:s17] =	ssyncset.done $0x0  }
0xed: {  	[sflag:s17] =	ssyncadd.s32 $0xFFFFFC00  }
0xee: {  	_ =	swait.ge [sflag:s18], $0x400  }
0xef: {  	[sflag:s18] =	ssyncset.done $0x0  }
0xf0: {  	[sflag:s18] =	ssyncadd.s32 $0xFFFFFC00  }
0xf1: {  	_ =	swait.ge [sflag:s18], $0x400  }
0xf2: {  	[sflag:s18] =	ssyncset.done $0x0  }
0xf3: {  	[sflag:s18] =	ssyncadd.s32 $0xFFFFFC00  }
0xf4: {  	_ =	swait.ge [sflag:s18], $0x400  }
0xf5: {  	[sflag:s18] =	ssyncset.done $0x0  }
0xf6: {  	[sflag:s18] =	ssyncadd.s32 $0xFFFFFC00  }
0xf7: {  	_ =	swait.ge [sflag:s18], $0x400  }
0xf8: {  	[sflag:s18] =	ssyncset.done $0x0  }
0xf9: {  	[sflag:s18] =	ssyncadd.s32 $0xFFFFFC00  }
0xfa: {  	_ =	swait.ge [sflag:s18], $0x400  }
0xfb: {  	[sflag:s18] =	ssyncset.done $0x0  }
0xfc: {  	[sflag:s18] =	ssyncadd.s32 $0xFFFFFC00  }
0xfd: {  	_ =	swait.ge [sflag:s18], $0x400  }
0xfe: {  	[sflag:s18] =	ssyncset.done $0x0  }
0xff: {  	[sflag:s18] =	ssyncadd.s32 $0xFFFFFC00  }
0x100: {  	_ =	swait.ge [sflag:s18], $0x400  }
0x101: {  	[sflag:s18] =	ssyncset.done $0x0  }
0x102: {  	[sflag:s18] =	ssyncadd.s32 $0xFFFFFC00  }
0x103: {  	_ =	swait.ge [sflag:s18], $0x400  }
0x104: {  	[sflag:s18] =	ssyncset.done $0x0  }
0x105: {  	[sflag:s18] =	ssyncadd.s32 $0xFFFFFC00  }
0x106: {  	_ =	swait.ge [sflag:s19], $0x400  }
0x107: {  	[sflag:s19] =	ssyncset.done $0x0  }
0x108: {  	[sflag:s19] =	ssyncadd.s32 $0xFFFFFC00  }
0x109: {  	_ =	swait.ge [sflag:s19], $0x400  }
0x10a: {  	[sflag:s19] =	ssyncset.done $0x0  }
0x10b: {  	[sflag:s19] =	ssyncadd.s32 $0xFFFFFC00  }
0x10c: {  	_ =	swait.ge [sflag:s19], $0x400  }
0x10d: {  	[sflag:s19] =	ssyncset.done $0x0  }
0x10e: {  	[sflag:s19] =	ssyncadd.s32 $0xFFFFFC00  }
0x10f: {  	_ =	swait.ge [sflag:s19], $0x400  }
0x110: {  	[sflag:s19] =	ssyncset.done $0x0  }
0x111: {  	[sflag:s19] =	ssyncadd.s32 $0xFFFFFC00  }
0x112: {  	_ =	swait.ge [sflag:s19], $0x400  }
0x113: {  	[sflag:s19] =	ssyncset.done $0x0  }
0x114: {  	[sflag:s19] =	ssyncadd.s32 $0xFFFFFC00  }
0x115: {  	_ =	swait.ge [sflag:s19], $0x400  }
0x116: {  	[sflag:s19] =	ssyncset.done $0x0  }
0x117: {  	[sflag:s19] =	ssyncadd.s32 $0xFFFFFC00  }
0x118: {  	_ =	swait.ge [sflag:s19], $0x400  }
0x119: {  	[sflag:s19] =	ssyncset.done $0x0  }
0x11a: {  	[sflag:s19] =	ssyncadd.s32 $0xFFFFFC00  }
0x11b: {  	_ =	swait.ge [sflag:s19], $0x400  }
0x11c: {  	[sflag:s19] =	ssyncset.done $0x0  }
0x11d: {  	[sflag:s19] =	ssyncadd.s32 $0xFFFFFC00  }
0x11e: {  	_ =	swait.ge [sflag:s20], $0x400  }
0x11f: {  	[sflag:s20] =	ssyncset.done $0x0  }
0x120: {  	[sflag:s20] =	ssyncadd.s32 $0xFFFFFC00  }
0x121: {  	_ =	swait.ge [sflag:s20], $0x400  }
0x122: {  	[sflag:s20] =	ssyncset.done $0x0  }
0x123: {  	[sflag:s20] =	ssyncadd.s32 $0xFFFFFC00  }
0x124: {  	_ =	swait.ge [sflag:s20], $0x400  }
0x125: {  	[sflag:s20] =	ssyncset.done $0x0  }
0x126: {  	[sflag:s20] =	ssyncadd.s32 $0xFFFFFC00  }
0x127: {  	_ =	swait.ge [sflag:s20], $0x400  }
0x128: {  	[sflag:s20] =	ssyncset.done $0x0  }
0x129: {  	[sflag:s20] =	ssyncadd.s32 $0xFFFFFC00  }
0x12a: {  	_ =	swait.ge [sflag:s20], $0x400  }
0x12b: {  	[sflag:s20] =	ssyncset.done $0x0  }
0x12c: {  	[sflag:s20] =	ssyncadd.s32 $0xFFFFFC00  }
0x12d: {  	_ =	swait.ge [sflag:s20], $0x400  }
0x12e: {  	[sflag:s20] =	ssyncset.done $0x0  }
0x12f: {  	s21 =	sadd.s32 $0x1, s21;
	[sflag:s20] =	ssyncadd.s32 $0xFFFFFC00  }
0x130: {  	p0 =	sne.s32 s21, s14;
	_ =	swait.ge [sflag:s20], $0x400  }
.Ltmp1:
0x131: {  	[sflag:s20] =	ssyncset.done $0x0;
	(pc) =	sbr.rel @!p0 .LBB2_14-.Ltmp1, $4  }
0x132: {  	[sflag:s20] =	ssyncadd.s32 $0xFFFFFC00  }
0x133: {  	_ =	swait.ge [sflag:s20], $0x400  }
0x134: {  	[sflag:s20] =	ssyncset.done $0x0  }
0x135: {  	[sflag:s20] =	ssyncadd.s32 $0xFFFFFC00  }
.LBB2_1:
.Ltmp2:
0x136: {  	s0 =	rddreg [dreg:$0x3];
	(pc) =	sbr.rel .LBB2_2-.Ltmp2, $4  }
0x137: {  	[tilespmem:s2], [sflag:$0xD] =	stream.linear.gather [hbm4b:s0+s2], $0x1900, $0x38;
	[tilespmem:$0x19D80] =	vst v63  }
0x138: {  	_ =	swait.ge [sflag:s15], $0x1900  }
0x139: {  	[sflag:s15] =	ssyncset.done $0x0  }
0x13a: {  	s22 =	simm.s32 $0x0;
	[sflag:s15] =	ssyncadd.s32 $0xFFFFE700  }
.LBB2_12:
0x13b: {  	s22 =	sadd.s32 $0x1, s22  }
0x13c: {  	p0 =	sne.s32 s22, $0x194  }
.Ltmp3:
0x13d: {  	_ = 	snop;
	(pc) =	sbr.rel @!p0 .LBB2_13-.Ltmp3, $1  }
0x13e: {  	_ =	sdelay $0x3  }
.LBB2_2:
0x13f: {  	s0 =	sand.u32 $0x7, s22;
	p0 =	sgt.u32 s22, $0x18F  }
0x140: {  	p1 =	sne.s32 @!p0 s0, $0x0  }
0x141: {  	p0 =	por p0, p1  }
.Ltmp4:
0x142: {  	_ = 	snop;
	(pc) =	sbr.rel @p0 .LBB2_6-.Ltmp4, $1  }
0x143: {  	_ =	sdelay $0x3  }
0x144: {  	v32 =	vld [tilespmem:$0x1FE00];
	_ =	sdelay $0x3  }
0x145: {  	s3 =	sshrl.u32 s22, $0x3  }
0x146: {  	v30 =	vadd.s32 s3, v32;
	_ =	sdelay $0x4  }
0x147: {  	s5 =	sadd.s32 $0x320, s3;
	v30 =	vld.idx.msk [tilespmem:v30+s2+$0x0], $0xffff  }
0x148: {  	v31 =	vadd.s32 s5, v32;
	_ =	sdelay $0x3  }
0x149: {  	[tilespmem:$0x1900] =	vst v30  }
0x14a: {  	s26 =	sor.u32 $0x640, s3;
	v30 =	vld.idx.msk [tilespmem:v31+s2+$0x0], $0xffff  }
0x14b: {  	v31 =	vadd.s32 s26, v32;
	_ =	sdelay $0x3  }
0x14c: {  	[tilespmem:$0x1910] =	vst v30  }
0x14d: {  	s28 =	sadd.s32 $0x960, s3;
	v30 =	vld.idx.msk [tilespmem:v31+s2+$0x0], $0xffff  }
0x14e: {  	v31 =	vadd.s32 s28, v32;
	_ =	sdelay $0x3  }
0x14f: {  	[tilespmem:$0x1920] =	vst v30  }
0x150: {  	s29 =	sor.u32 $0xC80, s3;
	v30 =	vld.idx.msk [tilespmem:v31+s2+$0x0], $0xffff  }
0x151: {  	v31 =	vadd.s32 s29, v32;
	_ =	sdelay $0x3  }
0x152: {  	[tilespmem:$0x1930] =	vst v30  }
0x153: {  	s30 =	sadd.s32 $0xFA0, s3;
	v30 =	vld.idx.msk [tilespmem:v31+s2+$0x0], $0xffff  }
0x154: {  	v31 =	vadd.s32 s30, v32;
	_ =	sdelay $0x3  }
0x155: {  	[tilespmem:$0x1940] =	vst v30  }
0x156: {  	s31 =	sor.u32 $0x12C0, s3;
	v30 =	vld.idx.msk [tilespmem:v31+s2+$0x0], $0xffff  }
0x157: {  	v31 =	vadd.s32 s31, v32;
	_ =	sdelay $0x3  }
0x158: {  	[tilespmem:$0x1950] =	vst v30  }
0x159: {  	s3 =	sadd.s32 $0x15E0, s3;
	v30 =	vld.idx.msk [tilespmem:v31+s2+$0x0], $0xffff  }
0x15a: {  	v31 =	vadd.s32 s3, v32;
	_ =	sdelay $0x3  }
0x15b: {  	[tilespmem:$0x1960] =	vst v30  }
0x15c: {  	v30 =	vld.idx.msk [tilespmem:v31+s2+$0x0], $0xffff;
	_ =	sdelay $0x4  }
0x15d: {  	[tilespmem:$0x1970] =	vst v30  }
.LBB2_4:
0x15e: {  	v30 =	vld [tilespmem:$0x1900];
	_ =	sdelay $0x2  }
0x15f: {  	s3 =	smul.u32 $0x186A0, s0;
	_ =	sdelay $0x1  }
0x160: {  	s5 =	sshll.u32 s0, $0x7;
	v30 =	vadd.s32 s3, v30  }
0x161: {  	[tilespmem:s5+$0x1980] =	vst v30  }
0x162: {  	v30 =	vld [tilespmem:$0x1910];
	_ =	sdelay $0x4  }
0x163: {  	v30 =	vadd.s32 s3, v30  }
0x164: {  	[tilespmem:s5+$0x1990] =	vst v30  }
0x165: {  	v30 =	vld [tilespmem:$0x1920];
	_ =	sdelay $0x4  }
0x166: {  	v30 =	vadd.s32 s3, v30  }
0x167: {  	[tilespmem:s5+$0x19A0] =	vst v30  }
0x168: {  	v30 =	vld [tilespmem:$0x1930];
	_ =	sdelay $0x4  }
0x169: {  	v30 =	vadd.s32 s3, v30  }
0x16a: {  	[tilespmem:s5+$0x19B0] =	vst v30  }
0x16b: {  	v30 =	vld [tilespmem:$0x1940];
	_ =	sdelay $0x4  }
0x16c: {  	v30 =	vadd.s32 s3, v30  }
0x16d: {  	[tilespmem:s5+$0x19C0] =	vst v30  }
0x16e: {  	v30 =	vld [tilespmem:$0x1950];
	_ =	sdelay $0x4  }
0x16f: {  	v30 =	vadd.s32 s3, v30  }
0x170: {  	[tilespmem:s5+$0x19D0] =	vst v30  }
0x171: {  	v30 =	vld [tilespmem:$0x1960];
	_ =	sdelay $0x4  }
0x172: {  	v30 =	vadd.s32 s3, v30  }
0x173: {  	[tilespmem:s5+$0x19E0] =	vst v30  }
0x174: {  	v30 =	vld [tilespmem:$0x1970];
	_ =	sdelay $0x1  }
0x175: {  	p0 =	slt.u32 s22, $0x4  }
.Ltmp5:
0x176: {  	_ = 	snop;
	(pc) =	sbr.rel @p0 .LBB2_12-.Ltmp5, $4  }
0x177: {  	_ = 	snop  }
0x178: {  	s30 =	sshll.u32 s0, $0xD;
	v30 =	vadd.s32 s3, v30  }
0x179: {  	s31 =	sadd.s32 $0x1, s0;
	s23 =	sadd.s32 $0x1980, s5;
	s3 =	sor.u32 $0x1D80, s30;
	[tilespmem:s5+$0x19F0] =	vst v30  }
0x17a: {  	[tilespmem:s3], [sflag:s31] =	stream.indirect.gather [hbm4b:s4+s16], $0x40, s23, s16, $0xb8;
	[tilespmem:$0x19D80] =	vst v63  }
0x17b: {  	p0 =	slt.u32 s22, $0x8  }
.Ltmp6:
0x17c: {  	_ = 	snop;
	(pc) =	sbr.rel @p0 .LBB2_9-.Ltmp6, $4  }
.Ltmp7:
0x17d: {  	_ = 	snop;
	(pc) =	sbr.rel @!p0 .LBB2_8-.Ltmp7, $4  }
0x17e: {  	_ = 	snop  }
0x17f: {  	s24 =	sadd.s32 $0xFFFFFFFC, s22  }
0x180: {  	s23 =	sand.u32 $0x3, s22;
	s25 =	sand.u32 $0x7, s24  }
0x181: {  	_ = 	snop  }
.LBB2_6:
0x182: {  	p0 =	slt.u32 s22, $0x190  }
.Ltmp8:
0x183: {  	_ = 	snop;
	(pc) =	sbr.rel @p0 .LBB2_4-.Ltmp8, $1  }
0x184: {  	_ =	sdelay $0x3  }
0x185: {  	s24 =	sadd.s32 $0xFFFFFFFC, s22  }
0x186: {  	s23 =	sand.u32 $0x3, s22;
	s25 =	sand.u32 $0x7, s24  }
.LBB2_8:
0x187: {  	s0 =	sadd.s32 $0x9, s23  }
0x188: {  	_ =	swait.ge [sflag:s0], $0x400  }
0x189: {  	[sflag:s0] =	ssyncset.done $0x0  }
0x18a: {  	[sflag:s0] =	ssyncadd.s32 $0xFFFFFC00  }
0x18b: {  	_ =	swait.ge [sflag:s0], $0x400  }
0x18c: {  	[sflag:s0] =	ssyncset.done $0x0  }
0x18d: {  	[sflag:s0] =	ssyncadd.s32 $0xFFFFFC00  }
0x18e: {  	_ =	swait.ge [sflag:s0], $0x400  }
0x18f: {  	[sflag:s0] =	ssyncset.done $0x0  }
0x190: {  	[sflag:s0] =	ssyncadd.s32 $0xFFFFFC00  }
0x191: {  	_ =	swait.ge [sflag:s0], $0x400  }
0x192: {  	[sflag:s0] =	ssyncset.done $0x0  }
0x193: {  	[sflag:s0] =	ssyncadd.s32 $0xFFFFFC00  }
0x194: {  	_ =	swait.ge [sflag:s0], $0x400  }
0x195: {  	[sflag:s0] =	ssyncset.done $0x0  }
0x196: {  	[sflag:s0] =	ssyncadd.s32 $0xFFFFFC00  }
0x197: {  	_ =	swait.ge [sflag:s0], $0x400  }
0x198: {  	[sflag:s0] =	ssyncset.done $0x0  }
0x199: {  	[sflag:s0] =	ssyncadd.s32 $0xFFFFFC00  }
0x19a: {  	_ =	swait.ge [sflag:s0], $0x400  }
0x19b: {  	[sflag:s0] =	ssyncset.done $0x0  }
0x19c: {  	[sflag:s0] =	ssyncadd.s32 $0xFFFFFC00  }
0x19d: {  	_ =	swait.ge [sflag:s0], $0x400  }
0x19e: {  	[sflag:s0] =	ssyncset.done $0x0  }
0x19f: {  	[sflag:s0] =	ssyncadd.s32 $0xFFFFFC00  }
.LBB2_9:
0x1a0: {  	s0 =	sadd.s32 $0x1, s25  }
0x1a1: {  	s3 =	sshll.u32 s25, $0xD;
	s26 =	sshll.u32 s23, $0xD;
	_ =	swait.ge [sflag:s0], $0x2000  }
0x1a2: {  	s30 =	simm.s32 $0x0;
	p0 =	por $0x1, $0x1;
	[sflag:s0] =	ssyncset.done $0x0  }
0x1a3: {  	s29 =	sor.u32 $0x1D80, s3;
	s28 =	sor.u32 $0x11D80, s26;
	[sflag:s0] =	ssyncadd.s32 $0xFFFFE000  }
.LBB2_10:
0x1a4: {  	v30 =	vmov s30  }
0x1a5: {  	v30 =	vshll.u32 v30, $0x6  }
0x1a6: {  	v2 =	vlaneseq.u32;
	v50 =	vor.u32 v34, v30  }
0x1a7: {  	v30 =	vor.u32 v2, v50;
	_ =	sdelay $0x4  }
0x1a8: {  	v31 =	vor.u32 s30, v16;
	v30 =	vld.idx.msk [tilespmem:v30+s29+$0x0], $0xffff  }
0x1a9: {  	v8 =	vld [tilespmem:$0x1FB90];
	v32 =	vor.u32 v51, v50;
	_ =	sdelay $0x3  }
0x1aa: {  	[tilespmem:v31+s28+$0x0] =	vst.idx.msk $0xffff, v30  }
0x1ab: {  	v31 =	vor.u32 s30, v8;
	v30 =	vld.idx.msk [tilespmem:v32+s29+$0x0], $0xffff  }
0x1ac: {  	v55 =	vor.u32 v52, v50;
	_ =	sdelay $0x3  }
0x1ad: {  	[tilespmem:v31+s28+$0x0] =	vst.idx.msk $0xffff, v30  }
0x1ae: {  	v31 =	vor.u32 s30, v3;
	v30 =	vld.idx.msk [tilespmem:v55+s29+$0x0], $0xffff  }
0x1af: {  	v56 =	vor.u32 v4, v50;
	_ =	sdelay $0x3  }
0x1b0: {  	[tilespmem:v31+s28+$0x0] =	vst.idx.msk $0xffff, v30  }
0x1b1: {  	v31 =	vor.u32 s30, v5;
	v30 =	vld.idx.msk [tilespmem:v56+s29+$0x0], $0xffff  }
0x1b2: {  	v57 =	vor.u32 v26, v50;
	_ =	sdelay $0x3  }
0x1b3: {  	[tilespmem:v31+s28+$0x0] =	vst.idx.msk $0xffff, v30  }
0x1b4: {  	v31 =	vor.u32 s30, v29;
	v30 =	vld.idx.msk [tilespmem:v57+s29+$0x0], $0xffff;
	_ =	sdelay $0x2  }
0x1b5: {  	v58 =	vor.u32 v54, v50  }
0x1b6: {  	s0 =	sor.u32 $0x10, s30  }
0x1b7: {  	s3 =	sor.u32 $0x20, s30;
	s5 =	sor.u32 $0x30, s30;
	[tilespmem:v31+s28+$0x0] =	vst.idx.msk $0xffff, v30;
	v31 =	vmov s0  }
0x1b8: {  	v59 =	vmov s3;
	v53 =	vmov s5;
	v31 =	vshll.u32 v31, $0x6  }
0x1b9: {  	v0 =	vmovc v22;
	v22 =	vmovc v51;
	v30 =	vor.u32 s30, v9;
	v51 =	vor.u32 v34, v31;
	v31 =	vshll.u32 v59, $0x6  }
0x1ba: {  	v14 =	vmovc v52;
	v32 =	vld.idx.msk [tilespmem:v58+s29+$0x0], $0xffff;
	v60 =	vor.u32 v2, v51;
	v52 =	vor.u32 v34, v31;
	v31 =	vshll.u32 v53, $0x6  }
0x1bb: {  	v55 =	vor.u32 v2, v52;
	v53 =	vor.u32 v34, v31  }
0x1bc: {  	v31 =	vor.u32 v2, v53;
	_ =	sdelay $0x2  }
0x1bd: {  	v48 =	vor.u32 s0, v16;
	v33 =	vor.u32 v7, v50;
	[tilespmem:v30+s28+$0x0] =	vst.idx.msk $0xffff, v32;
	v32 =	vld.idx.msk [tilespmem:v60+s29+$0x0], $0xffff  }
0x1be: {  	v56 =	vor.u32 s3, v16;
	v60 =	vor.u32 v22, v51;
	v55 =	vld.idx.msk [tilespmem:v55+s29+$0x0], $0xffff  }
0x1bf: {  	v58 =	vor.u32 s5, v16;
	v57 =	vor.u32 v22, v52;
	v31 =	vld.idx.msk [tilespmem:v31+s29+$0x0], $0xffff  }
0x1c0: {  	v59 =	vor.u32 v22, v53;
	_ =	sdelay $0x1  }
0x1c1: {  	v30 =	vld.idx.msk [tilespmem:v33+s29+$0x0], $0xffff;
	[tilespmem:v48+s28+$0x0] =	vst.idx.msk $0xffff, v32  }
0x1c2: {  	v33 =	vor.u32 s0, v8;
	v32 =	vld.idx.msk [tilespmem:v60+s29+$0x0], $0xffff;
	[tilespmem:v56+s28+$0x0] =	vst.idx.msk $0xffff, v55  }
0x1c3: {  	v34 =	vor.u32 v14, v51;
	v56 =	vor.u32 s3, v8;
	v55 =	vld.idx.msk [tilespmem:v57+s29+$0x0], $0xffff;
	[tilespmem:v58+s28+$0x0] =	vst.idx.msk $0xffff, v31  }
0x1c4: {  	v48 =	vor.u32 s5, v8;
	v31 =	vor.u32 v14, v52;
	v57 =	vld.idx.msk [tilespmem:v59+s29+$0x0], $0xffff  }
0x1c5: {  	v60 =	vor.u32 v14, v53;
	_ =	sdelay $0x1  }
0x1c6: {  	[tilespmem:v33+s28+$0x0] =	vst.idx.msk $0xffff, v32  }
0x1c7: {  	v33 =	vor.u32 s0, v3;
	v32 =	vld.idx.msk [tilespmem:v34+s29+$0x0], $0xffff;
	[tilespmem:v56+s28+$0x0] =	vst.idx.msk $0xffff, v55  }
0x1c8: {  	v34 =	vor.u32 v4, v51;
	v55 =	vor.u32 s3, v3;
	v31 =	vld.idx.msk [tilespmem:v31+s29+$0x0], $0xffff;
	[tilespmem:v48+s28+$0x0] =	vst.idx.msk $0xffff, v57  }
0x1c9: {  	v56 =	vor.u32 v4, v52;
	v48 =	vor.u32 s5, v3;
	v57 =	vld.idx.msk [tilespmem:v60+s29+$0x0], $0xffff  }
0x1ca: {  	v60 =	vor.u32 v4, v53;
	_ =	sdelay $0x1  }
0x1cb: {  	[tilespmem:v33+s28+$0x0] =	vst.idx.msk $0xffff, v32  }
0x1cc: {  	v33 =	vor.u32 s0, v5;
	v32 =	vld.idx.msk [tilespmem:v34+s29+$0x0], $0xffff;
	[tilespmem:v55+s28+$0x0] =	vst.idx.msk $0xffff, v31  }
0x1cd: {  	v15 =	vmov v54;
	v31 =	vor.u32 v26, v51;
	v55 =	vor.u32 s3, v5;
	v54 =	vld.idx.msk [tilespmem:v56+s29+$0x0], $0xffff;
	[tilespmem:v48+s28+$0x0] =	vst.idx.msk $0xffff, v57  }
0x1ce: {  	v56 =	vor.u32 v26, v52;
	v48 =	vor.u32 s5, v5;
	v57 =	vld.idx.msk [tilespmem:v60+s29+$0x0], $0xffff  }
0x1cf: {  	v60 =	vor.u32 v26, v53;
	_ =	sdelay $0x1  }
0x1d0: {  	[tilespmem:v33+s28+$0x0] =	vst.idx.msk $0xffff, v32  }
0x1d1: {  	v32 =	vor.u32 s0, v29;
	v31 =	vld.idx.msk [tilespmem:v31+s29+$0x0], $0xffff;
	[tilespmem:v55+s28+$0x0] =	vst.idx.msk $0xffff, v54  }
0x1d2: {  	v33 =	vor.u32 v15, v51;
	v55 =	vor.u32 s3, v29;
	v54 =	vld.idx.msk [tilespmem:v56+s29+$0x0], $0xffff;
	[tilespmem:v48+s28+$0x0] =	vst.idx.msk $0xffff, v57  }
0x1d3: {  	v56 =	vor.u32 v15, v52;
	v48 =	vor.u32 s5, v29;
	v57 =	vld.idx.msk [tilespmem:v60+s29+$0x0], $0xffff  }
0x1d4: {  	v60 =	vor.u32 v15, v53;
	_ =	sdelay $0x1  }
0x1d5: {  	[tilespmem:v32+s28+$0x0] =	vst.idx.msk $0xffff, v31  }
0x1d6: {  	v20 =	vmov v7;
	v32 =	vor.u32 s0, v9;
	v31 =	vld.idx.msk [tilespmem:v33+s29+$0x0], $0xffff;
	[tilespmem:v55+s28+$0x0] =	vst.idx.msk $0xffff, v54  }
0x1d7: {  	v33 =	vor.u32 v20, v51;
	v55 =	vor.u32 s3, v9;
	v54 =	vld.idx.msk [tilespmem:v56+s29+$0x0], $0xffff;
	[tilespmem:v48+s28+$0x0] =	vst.idx.msk $0xffff, v57  }
0x1d8: {  	v58 =	vor.u32 s5, v9;
	v56 =	vor.u32 v20, v52;
	v57 =	vld.idx.msk [tilespmem:v60+s29+$0x0], $0xffff  }
0x1d9: {  	v48 =	vor.u32 v20, v53;
	_ =	sdelay $0x1  }
0x1da: {  	v60 =	vor.u32 s30, v45;
	[tilespmem:v32+s28+$0x0] =	vst.idx.msk $0xffff, v31  }
0x1db: {  	v31 =	vor.u32 v61, v50;
	v32 =	vld.idx.msk [tilespmem:v33+s29+$0x0], $0xffff;
	v33 =	vor.u32 s0, v45;
	[tilespmem:v55+s28+$0x0] =	vst.idx.msk $0xffff, v54  }
0x1dc: {  	v54 =	vor.u32 v61, v51;
	v55 =	vld.idx.msk [tilespmem:v56+s29+$0x0], $0xffff;
	v56 =	vor.u32 s3, v45;
	[tilespmem:v58+s28+$0x0] =	vst.idx.msk $0xffff, v57  }
0x1dd: {  	v59 =	vor.u32 s5, v45;
	v57 =	vor.u32 v61, v52;
	v58 =	vld.idx.msk [tilespmem:v48+s29+$0x0], $0xffff  }
0x1de: {  	v48 =	vor.u32 v61, v53  }
0x1df: {  	[tilespmem:v60+s28+$0x0] =	vst.idx.msk $0xffff, v30  }
0x1e0: {  	v30 =	vld.idx.msk [tilespmem:v31+s29+$0x0], $0xffff;
	v31 =	vor.u32 s30, v13;
	[tilespmem:v33+s28+$0x0] =	vst.idx.msk $0xffff, v32  }
0x1e1: {  	v34 =	vor.u32 s0, v13;
	v32 =	vor.u32 v62, v50;
	v33 =	vld.idx.msk [tilespmem:v54+s29+$0x0], $0xffff;
	[tilespmem:v56+s28+$0x0] =	vst.idx.msk $0xffff, v55  }
0x1e2: {  	v55 =	vor.u32 v62, v51;
	v56 =	vld.idx.msk [tilespmem:v57+s29+$0x0], $0xffff;
	v57 =	vor.u32 s3, v13;
	[tilespmem:v59+s28+$0x0] =	vst.idx.msk $0xffff, v58  }
0x1e3: {  	v60 =	vor.u32 s5, v13;
	v58 =	vor.u32 v62, v52;
	v59 =	vld.idx.msk [tilespmem:v48+s29+$0x0], $0xffff  }
0x1e4: {  	v48 =	vor.u32 v62, v53  }
0x1e5: {  	[tilespmem:v31+s28+$0x0] =	vst.idx.msk $0xffff, v30  }
0x1e6: {  	v31 =	vor.u32 s30, v46;
	v30 =	vld.idx.msk [tilespmem:v32+s29+$0x0], $0xffff;
	[tilespmem:v34+s28+$0x0] =	vst.idx.msk $0xffff, v33  }
0x1e7: {  	v32 =	vor.u32 v63, v50;
	v34 =	vor.u32 s0, v46;
	v33 =	vld.idx.msk [tilespmem:v55+s29+$0x0], $0xffff;
	[tilespmem:v57+s28+$0x0] =	vst.idx.msk $0xffff, v56  }
0x1e8: {  	v55 =	vor.u32 v63, v51;
	v57 =	vor.u32 s3, v46;
	v56 =	vld.idx.msk [tilespmem:v58+s29+$0x0], $0xffff;
	[tilespmem:v60+s28+$0x0] =	vst.idx.msk $0xffff, v59  }
0x1e9: {  	v58 =	vor.u32 v63, v52;
	v60 =	vor.u32 s5, v46;
	v59 =	vld.idx.msk [tilespmem:v48+s29+$0x0], $0xffff  }
0x1ea: {  	v48 =	vor.u32 v63, v53  }
0x1eb: {  	[tilespmem:v31+s28+$0x0] =	vst.idx.msk $0xffff, v30  }
0x1ec: {  	v31 =	vor.u32 s30, v12;
	v30 =	vld.idx.msk [tilespmem:v32+s29+$0x0], $0xffff;
	[tilespmem:v34+s28+$0x0] =	vst.idx.msk $0xffff, v33  }
0x1ed: {  	v32 =	vor.u32 v18, v50;
	v34 =	vor.u32 s0, v12;
	v33 =	vld.idx.msk [tilespmem:v55+s29+$0x0], $0xffff;
	[tilespmem:v57+s28+$0x0] =	vst.idx.msk $0xffff, v56  }
0x1ee: {  	v55 =	vor.u32 v18, v51;
	v57 =	vor.u32 s3, v12;
	v56 =	vld.idx.msk [tilespmem:v58+s29+$0x0], $0xffff;
	[tilespmem:v60+s28+$0x0] =	vst.idx.msk $0xffff, v59  }
0x1ef: {  	v58 =	vor.u32 v18, v52;
	v60 =	vor.u32 s5, v12;
	v59 =	vld.idx.msk [tilespmem:v48+s29+$0x0], $0xffff  }
0x1f0: {  	v48 =	vor.u32 v18, v53  }
0x1f1: {  	[tilespmem:v31+s28+$0x0] =	vst.idx.msk $0xffff, v30  }
0x1f2: {  	v30 =	vld.idx.msk [tilespmem:v32+s29+$0x0], $0xffff;
	[tilespmem:v34+s28+$0x0] =	vst.idx.msk $0xffff, v33  }
0x1f3: {  	v31 =	vor.u32 s30, v17;
	v33 =	vld.idx.msk [tilespmem:v55+s29+$0x0], $0xffff;
	[tilespmem:v57+s28+$0x0] =	vst.idx.msk $0xffff, v56  }
0x1f4: {  	v32 =	vor.u32 v42, v50;
	v34 =	vor.u32 s0, v17;
	v56 =	vld.idx.msk [tilespmem:v58+s29+$0x0], $0xffff;
	[tilespmem:v60+s28+$0x0] =	vst.idx.msk $0xffff, v59  }
0x1f5: {  	v55 =	vor.u32 v42, v51;
	v60 =	vor.u32 s5, v17;
	v59 =	vld.idx.msk [tilespmem:v48+s29+$0x0], $0xffff  }
0x1f6: {  	v57 =	vor.u32 s3, v17;
	v48 =	vor.u32 v42, v53  }
0x1f7: {  	v58 =	vor.u32 v42, v52  }
0x1f8: {  	[tilespmem:v31+s28+$0x0] =	vst.idx.msk $0xffff, v30  }
0x1f9: {  	v31 =	vor.u32 s30, v19;
	v30 =	vld.idx.msk [tilespmem:v32+s29+$0x0], $0xffff;
	[tilespmem:v34+s28+$0x0] =	vst.idx.msk $0xffff, v33  }
0x1fa: {  	v32 =	vor.u32 v23, v50;
	v34 =	vor.u32 s0, v19;
	v33 =	vld.idx.msk [tilespmem:v55+s29+$0x0], $0xffff;
	[tilespmem:v60+s28+$0x0] =	vst.idx.msk $0xffff, v59  }
0x1fb: {  	v26 =	vmov v42;
	v42 =	vor.u32 s5, v19;
	[tilespmem:v57+s28+$0x0] =	vst.idx.msk $0xffff, v56;
	v55 =	vor.u32 v23, v51;
	v59 =	vld.idx.msk [tilespmem:v48+s29+$0x0], $0xffff  }
0x1fc: {  	v57 =	vor.u32 s3, v19;
	v56 =	vld.idx.msk [tilespmem:v58+s29+$0x0], $0xffff;
	v48 =	vor.u32 v23, v53  }
0x1fd: {  	v58 =	vor.u32 v23, v52  }
0x1fe: {  	[tilespmem:v31+s28+$0x0] =	vst.idx.msk $0xffff, v30  }
0x1ff: {  	v31 =	vor.u32 s30, v21;
	v30 =	vld.idx.msk [tilespmem:v32+s29+$0x0], $0xffff;
	[tilespmem:v34+s28+$0x0] =	vst.idx.msk $0xffff, v33  }
0x200: {  	v32 =	vor.u32 v24, v50;
	v34 =	vor.u32 s0, v21;
	v33 =	vld.idx.msk [tilespmem:v55+s29+$0x0], $0xffff;
	[tilespmem:v42+s28+$0x0] =	vst.idx.msk $0xffff, v59  }
0x201: {  	[tilespmem:v57+s28+$0x0] =	vst.idx.msk $0xffff, v56;
	v55 =	vor.u32 v24, v51;
	v42 =	vor.u32 s5, v21;
	v59 =	vld.idx.msk [tilespmem:v48+s29+$0x0], $0xffff  }
0x202: {  	v57 =	vor.u32 s3, v21;
	v56 =	vld.idx.msk [tilespmem:v58+s29+$0x0], $0xffff;
	v48 =	vor.u32 v24, v53  }
0x203: {  	v58 =	vor.u32 v24, v52  }
0x204: {  	[tilespmem:v31+s28+$0x0] =	vst.idx.msk $0xffff, v30  }
0x205: {  	v31 =	vor.u32 s30, v6;
	v30 =	vld.idx.msk [tilespmem:v32+s29+$0x0], $0xffff;
	[tilespmem:v34+s28+$0x0] =	vst.idx.msk $0xffff, v33  }
0x206: {  	v32 =	vor.u32 v10, v50;
	v34 =	vor.u32 s0, v6;
	v33 =	vld.idx.msk [tilespmem:v55+s29+$0x0], $0xffff;
	[tilespmem:v42+s28+$0x0] =	vst.idx.msk $0xffff, v59  }
0x207: {  	[tilespmem:v57+s28+$0x0] =	vst.idx.msk $0xffff, v56;
	v55 =	vor.u32 v10, v51;
	v42 =	vor.u32 s5, v6;
	v59 =	vld.idx.msk [tilespmem:v48+s29+$0x0], $0xffff  }
0x208: {  	v57 =	vor.u32 s3, v6;
	v56 =	vld.idx.msk [tilespmem:v58+s29+$0x0], $0xffff;
	v48 =	vor.u32 v10, v53  }
0x209: {  	v58 =	vor.u32 v10, v52  }
0x20a: {  	[tilespmem:v31+s28+$0x0] =	vst.idx.msk $0xffff, v30  }
0x20b: {  	v31 =	vor.u32 s30, v25;
	v30 =	vld.idx.msk [tilespmem:v32+s29+$0x0], $0xffff;
	[tilespmem:v34+s28+$0x0] =	vst.idx.msk $0xffff, v33  }
0x20c: {  	v32 =	vor.u32 v1, v50;
	v34 =	vor.u32 s0, v25;
	v33 =	vld.idx.msk [tilespmem:v55+s29+$0x0], $0xffff;
	[tilespmem:v42+s28+$0x0] =	vst.idx.msk $0xffff, v59  }
0x20d: {  	[tilespmem:v57+s28+$0x0] =	vst.idx.msk $0xffff, v56;
	v55 =	vor.u32 v1, v51;
	v42 =	vor.u32 s5, v25;
	v59 =	vld.idx.msk [tilespmem:v48+s29+$0x0], $0xffff  }
0x20e: {  	v57 =	vor.u32 s3, v25;
	v56 =	vld.idx.msk [tilespmem:v58+s29+$0x0], $0xffff;
	v48 =	vor.u32 v1, v53  }
0x20f: {  	v58 =	vor.u32 v1, v52  }
0x210: {  	[tilespmem:v31+s28+$0x0] =	vst.idx.msk $0xffff, v30  }
0x211: {  	v31 =	vor.u32 s30, v27;
	v30 =	vld.idx.msk [tilespmem:v32+s29+$0x0], $0xffff;
	[tilespmem:v34+s28+$0x0] =	vst.idx.msk $0xffff, v33  }
0x212: {  	v32 =	vor.u32 v36, v50;
	v34 =	vor.u32 s0, v27;
	v33 =	vld.idx.msk [tilespmem:v55+s29+$0x0], $0xffff;
	[tilespmem:v42+s28+$0x0] =	vst.idx.msk $0xffff, v59  }
0x213: {  	[tilespmem:v57+s28+$0x0] =	vst.idx.msk $0xffff, v56;
	v55 =	vor.u32 v36, v51;
	v42 =	vor.u32 s5, v27;
	v59 =	vld.idx.msk [tilespmem:v48+s29+$0x0], $0xffff  }
0x214: {  	v57 =	vor.u32 s3, v27;
	v56 =	vld.idx.msk [tilespmem:v58+s29+$0x0], $0xffff;
	v48 =	vor.u32 v36, v53  }
0x215: {  	v58 =	vor.u32 v36, v52  }
0x216: {  	v18 =	vld [tilespmem:$0x1FBB0];
	s3 =	sor.u32 $0x800, s30;
	[tilespmem:v31+s28+$0x0] =	vst.idx.msk $0xffff, v30  }
0x217: {  	s0 =	sor.u32 $0x810, s30;
	v31 =	vor.u32 s3, v16;
	v30 =	vld.idx.msk [tilespmem:v32+s29+$0x0], $0xffff;
	[tilespmem:v34+s28+$0x0] =	vst.idx.msk $0xffff, v33  }
0x218: {  	s31 =	sor.u32 $0x830, s30;
	v32 =	vor.u32 v37, v50;
	v34 =	vor.u32 s0, v16;
	v33 =	vld.idx.msk [tilespmem:v55+s29+$0x0], $0xffff;
	[tilespmem:v42+s28+$0x0] =	vst.idx.msk $0xffff, v59  }
0x219: {  	s5 =	sor.u32 $0x820, s30;
	[tilespmem:v57+s28+$0x0] =	vst.idx.msk $0xffff, v56;
	v55 =	vor.u32 v37, v51;
	v42 =	vor.u32 s31, v16;
	v59 =	vld.idx.msk [tilespmem:v48+s29+$0x0], $0xffff  }
0x21a: {  	v36 =	vor.u32 s5, v16;
	v56 =	vld.idx.msk [tilespmem:v58+s29+$0x0], $0xffff;
	v48 =	vor.u32 v37, v53  }
0x21b: {  	v41 =	vmov v28;
	v28 =	vld [tilespmem:$0x1FBA0];
	v58 =	vor.u32 v37, v52  }
0x21c: {  	v22 =	vld [tilespmem:$0x1FBF0];
	[tilespmem:v31+s28+$0x0] =	vst.idx.msk $0xffff, v30  }
0x21d: {  	v31 =	vor.u32 s3, v8;
	v30 =	vld.idx.msk [tilespmem:v32+s29+$0x0], $0xffff;
	[tilespmem:v34+s28+$0x0] =	vst.idx.msk $0xffff, v33  }
0x21e: {  	v62 =	vor.u32 s0, v8;
	v32 =	vor.u32 v35, v50;
	v33 =	vld.idx.msk [tilespmem:v55+s29+$0x0], $0xffff;
	[tilespmem:v42+s28+$0x0] =	vst.idx.msk $0xffff, v59  }
0x21f: {  	[tilespmem:v36+s28+$0x0] =	vst.idx.msk $0xffff, v56;
	v42 =	vor.u32 s31, v8;
	v60 =	vld.idx.msk [tilespmem:v48+s29+$0x0], $0xffff  }
0x220: {  	v37 =	vor.u32 s5, v8;
	v57 =	vld.idx.msk [tilespmem:v58+s29+$0x0], $0xffff;
	v48 =	vor.u32 v35, v53  }
0x221: {  	v54 =	vsel vm0, v0, v47;
	v24 =	vld [tilespmem:$0x1FBC0]  }
0x222: {  	v1 =	vmov v47;
	v47 =	vld [tilespmem:$0x1FBE0];
	v36 =	vor.u32 v35, v51;
	v55 =	vsel vm0, v18, v28;
	[tilespmem:v31+s28+$0x0] =	vst.idx.msk $0xffff, v30  }
0x223: {  	v59 =	vor.u32 v35, v52;
	v30 =	vcombine.low v55, v54;
	v31 =	vld.idx.msk [tilespmem:v32+s29+$0x0], $0xffff;
	[tilespmem:v62+s28+$0x0] =	vst.idx.msk $0xffff, v33  }
0x224: {  	v32 =	vor.u32 s3, v3;
	[tilespmem:v42+s28+$0x0] =	vst.idx.msk $0xffff, v60;
	v42 =	vld [tilespmem:$0x1FBD0]  }
0x225: {  	v33 =	vor.u32 v30, v50;
	[tilespmem:v37+s28+$0x0] =	vst.idx.msk $0xffff, v57;
	v61 =	vld.idx.msk [tilespmem:v48+s29+$0x0], $0xffff;
	v48 =	vor.u32 s31, v3  }
0x226: {  	v37 =	vor.u32 v30, v51;
	v60 =	vor.u32 v30, v52;
	v30 =	vor.u32 v30, v53  }
0x227: {  	v62 =	vld.idx.msk [tilespmem:v36+s29+$0x0], $0xffff;
	v36 =	vor.u32 s0, v3  }
0x228: {  	v35 =	vor.u32 s5, v3;
	v59 =	vld.idx.msk [tilespmem:v59+s29+$0x0], $0xffff  }
0x229: {  	v57 =	vsel vm0, v22, v47;
	[tilespmem:v32+s28+$0x0] =	vst.idx.msk $0xffff, v31;
	v56 =	vsel vm0, v42, v24  }
0x22a: {  	v32 =	vld.idx.msk [tilespmem:v33+s29+$0x0], $0xffff;
	v33 =	vor.u32 s3, v5;
	v31 =	vcombine.low v57, v56;
	[tilespmem:v48+s28+$0x0] =	vst.idx.msk $0xffff, v61  }
0x22b: {  	v48 =	vor.u32 s31, v5;
	v30 =	vld.idx.msk [tilespmem:v30+s29+$0x0], $0xffff  }
0x22c: {  	[tilespmem:v36+s28+$0x0] =	vst.idx.msk $0xffff, v62;
	v34 =	vor.u32 v31, v50  }
0x22d: {  	v36 =	vor.u32 s0, v5;
	v62 =	vld.idx.msk [tilespmem:v37+s29+$0x0], $0xffff;
	[tilespmem:v35+s28+$0x0] =	vst.idx.msk $0xffff, v59  }
0x22e: {  	v58 =	vsel vm0, v40, v39;
	v37 =	vor.u32 s5, v5;
	v60 =	vld.idx.msk [tilespmem:v60+s29+$0x0], $0xffff;
	v35 =	vor.u32 v31, v51  }
0x22f: {  	v59 =	vsel vm0, v38, v49;
	v61 =	vor.u32 v31, v52;
	[tilespmem:v33+s28+$0x0] =	vst.idx.msk $0xffff, v32  }
0x230: {  	v31 =	vor.u32 v31, v53;
	v32 =	vcombine.low v59, v58;
	[tilespmem:v48+s28+$0x0] =	vst.idx.msk $0xffff, v30;
	v30 =	vld [tilespmem:$0x1FE30]  }
0x231: {  	v33 =	vld.idx.msk [tilespmem:v34+s29+$0x0], $0xffff;
	v34 =	vor.u32 s3, v29  }
0x232: {  	[tilespmem:v36+s28+$0x0] =	vst.idx.msk $0xffff, v62;
	v36 =	vor.u32 v32, v50  }
0x233: {  	v62 =	vor.u32 s0, v29;
	[tilespmem:v37+s28+$0x0] =	vst.idx.msk $0xffff, v60;
	v35 =	vld.idx.msk [tilespmem:v35+s29+$0x0], $0xffff  }
0x234: {  	v38 =	vor.u32 s5, v29;
	v49 =	vor.u32 s31, v29;
	v37 =	vor.u32 v32, v51;
	v61 =	vld.idx.msk [tilespmem:v61+s29+$0x0], $0xffff  }
0x235: {  	v60 =	vsel vm0, v43, v41;
	v48 =	vor.u32 v32, v52;
	v31 =	vld.idx.msk [tilespmem:v31+s29+$0x0], $0xffff;
	v30 =	vsel vm0, v30, v44  }
0x236: {  	v32 =	vor.u32 v32, v53;
	[tilespmem:v34+s28+$0x0] =	vst.idx.msk $0xffff, v33;
	v33 =	vcombine.low v30, v60  }
0x237: {  	v34 =	vld.idx.msk [tilespmem:v36+s29+$0x0], $0xffff;
	v36 =	vor.u32 s3, v9  }
0x238: {  	[tilespmem:v62+s28+$0x0] =	vst.idx.msk $0xffff, v35;
	v35 =	vor.u32 v33, v50  }
0x239: {  	v62 =	vor.u32 s0, v9;
	[tilespmem:v38+s28+$0x0] =	vst.idx.msk $0xffff, v61;
	v37 =	vld.idx.msk [tilespmem:v37+s29+$0x0], $0xffff  }
0x23a: {  	v63 =	vor.u32 s5, v9;
	v44 =	vor.u32 s31, v9;
	[tilespmem:v49+s28+$0x0] =	vst.idx.msk $0xffff, v31;
	v61 =	vld.idx.msk [tilespmem:v48+s29+$0x0], $0xffff;
	v38 =	vor.u32 v33, v51  }
0x23b: {  	v31 =	vsel vm0, v28, v0;
	v49 =	vld.idx.msk [tilespmem:v32+s29+$0x0], $0xffff;
	v32 =	vsel vm0, v1, v18;
	v48 =	vor.u32 v33, v52  }
0x23c: {  	v33 =	vor.u32 v33, v53;
	[tilespmem:v36+s28+$0x0] =	vst.idx.msk $0xffff, v34;
	v34 =	vcombine.low v32, v31  }
0x23d: {  	v36 =	vor.u32 s3, v45;
	v35 =	vld.idx.msk [tilespmem:v35+s29+$0x0], $0xffff  }
0x23e: {  	v0 =	vld [tilespmem:$0x1FE10];
	[tilespmem:v62+s28+$0x0] =	vst.idx.msk $0xffff, v37;
	v37 =	vor.u32 v34, v50  }
0x23f: {  	v62 =	vor.u32 s0, v45;
	[tilespmem:v63+s28+$0x0] =	vst.idx.msk $0xffff, v61;
	v38 =	vld.idx.msk [tilespmem:v38+s29+$0x0], $0xffff  }
0x240: {  	v63 =	vor.u32 s5, v45;
	[tilespmem:v44+s28+$0x0] =	vst.idx.msk $0xffff, v49;
	v39 =	vld.idx.msk [tilespmem:v48+s29+$0x0], $0xffff;
	v61 =	vor.u32 v34, v51  }
0x241: {  	v41 =	vor.u32 s31, v45;
	v49 =	vsel vm0, v24, v22;
	v33 =	vld.idx.msk [tilespmem:v33+s29+$0x0], $0xffff;
	v40 =	vor.u32 v34, v52  }
0x242: {  	v1 =	vld [tilespmem:$0x1FE20];
	v48 =	vsel vm0, v47, v42;
	v34 =	vor.u32 v34, v53;
	[tilespmem:v36+s28+$0x0] =	vst.idx.msk $0xffff, v35  }
0x243: {  	v35 =	vcombine.low v49, v48;
	v36 =	vld.idx.msk [tilespmem:v37+s29+$0x0], $0xffff;
	v37 =	vor.u32 s3, v13  }
0x244: {  	[tilespmem:v62+s28+$0x0] =	vst.idx.msk $0xffff, v38  }
0x245: {  	v44 =	vor.u32 s0, v13;
	[tilespmem:v63+s28+$0x0] =	vst.idx.msk $0xffff, v39;
	v43 =	vld.idx.msk [tilespmem:v61+s29+$0x0], $0xffff;
	v38 =	vor.u32 v35, v50  }
0x246: {  	[tilespmem:v41+s28+$0x0] =	vst.idx.msk $0xffff, v33;
	v40 =	vld.idx.msk [tilespmem:v40+s29+$0x0], $0xffff;
	v47 =	vor.u32 v35, v51  }
0x247: {  	v61 =	vor.u32 s5, v13;
	v34 =	vld.idx.msk [tilespmem:v34+s29+$0x0], $0xffff  }
0x248: {  	v49 =	vor.u32 s31, v13;
	v48 =	vor.u32 v35, v52;
	[tilespmem:v37+s28+$0x0] =	vst.idx.msk $0xffff, v36;
	v36 =	vcombine.low v0, v1;
	v0 =	vld [tilespmem:$0x1FE40]  }
0x249: {  	v35 =	vor.u32 v35, v53;
	v1 =	vld [tilespmem:$0x1FE50]  }
0x24a: {  	[tilespmem:v44+s28+$0x0] =	vst.idx.msk $0xffff, v43;
	v37 =	vld.idx.msk [tilespmem:v38+s29+$0x0], $0xffff;
	v38 =	vor.u32 s3, v46  }
0x24b: {  	v44 =	vor.u32 s0, v46;
	v39 =	vld.idx.msk [tilespmem:v47+s29+$0x0], $0xffff;
	v43 =	vor.u32 v36, v50  }
0x24c: {  	[tilespmem:v61+s28+$0x0] =	vst.idx.msk $0xffff, v40;
	v47 =	vor.u32 v36, v51  }
0x24d: {  	v61 =	vor.u32 s5, v46;
	[tilespmem:v49+s28+$0x0] =	vst.idx.msk $0xffff, v34;
	v33 =	vld.idx.msk [tilespmem:v48+s29+$0x0], $0xffff  }
0x24e: {  	v49 =	vor.u32 s31, v46;
	v35 =	vld.idx.msk [tilespmem:v35+s29+$0x0], $0xffff;
	v48 =	vor.u32 v36, v52  }
0x24f: {  	v36 =	vor.u32 v36, v53;
	[tilespmem:v38+s28+$0x0] =	vst.idx.msk $0xffff, v37;
	v37 =	vcombine.low v0, v1  }
0x250: {  	[tilespmem:v44+s28+$0x0] =	vst.idx.msk $0xffff, v39;
	v38 =	vld.idx.msk [tilespmem:v43+s29+$0x0], $0xffff;
	v43 =	vor.u32 s3, v12  }
0x251: {  	v44 =	vor.u32 s0, v12;
	v40 =	vld.idx.msk [tilespmem:v47+s29+$0x0], $0xffff;
	v39 =	vor.u32 v37, v50  }
0x252: {  	[tilespmem:v61+s28+$0x0] =	vst.idx.msk $0xffff, v33;
	v47 =	vor.u32 v37, v51  }
0x253: {  	[tilespmem:v49+s28+$0x0] =	vst.idx.msk $0xffff, v35;
	v34 =	vld.idx.msk [tilespmem:v48+s29+$0x0], $0xffff;
	v48 =	vor.u32 s5, v12  }
0x254: {  	v41 =	vor.u32 s31, v12;
	v36 =	vld.idx.msk [tilespmem:v36+s29+$0x0], $0xffff;
	v49 =	vor.u32 v37, v52  }
0x255: {  	v37 =	vor.u32 v37, v53;
	[tilespmem:v43+s28+$0x0] =	vst.idx.msk $0xffff, v38;
	v38 =	vcombine.low v54, v55  }
0x256: {  	v43 =	vor.u32 s3, v17;
	[tilespmem:v44+s28+$0x0] =	vst.idx.msk $0xffff, v40;
	v39 =	vld.idx.msk [tilespmem:v39+s29+$0x0], $0xffff  }
0x257: {  	v63 =	vor.u32 s0, v17;
	v33 =	vld.idx.msk [tilespmem:v47+s29+$0x0], $0xffff;
	v62 =	vor.u32 v38, v50  }
0x258: {  	[tilespmem:v48+s28+$0x0] =	vst.idx.msk $0xffff, v34;
	v48 =	vor.u32 v38, v51  }
0x259: {  	[tilespmem:v41+s28+$0x0] =	vst.idx.msk $0xffff, v36;
	v35 =	vld.idx.msk [tilespmem:v49+s29+$0x0], $0xffff;
	v49 =	vor.u32 s5, v17  }
0x25a: {  	v41 =	vor.u32 s31, v17;
	v37 =	vld.idx.msk [tilespmem:v37+s29+$0x0], $0xffff;
	v55 =	vor.u32 v38, v52  }
0x25b: {  	v38 =	vor.u32 v38, v53;
	[tilespmem:v43+s28+$0x0] =	vst.idx.msk $0xffff, v39;
	v39 =	vcombine.low v56, v57  }
0x25c: {  	v61 =	vor.u32 s3, v19;
	[tilespmem:v63+s28+$0x0] =	vst.idx.msk $0xffff, v33;
	v40 =	vld.idx.msk [tilespmem:v62+s29+$0x0], $0xffff  }
0x25d: {  	v63 =	vor.u32 s0, v19;
	v34 =	vld.idx.msk [tilespmem:v48+s29+$0x0], $0xffff;
	v62 =	vor.u32 v39, v50  }
0x25e: {  	v14 =	vld [tilespmem:$0x1FCC0];
	[tilespmem:v49+s28+$0x0] =	vst.idx.msk $0xffff, v35;
	v48 =	vor.u32 v39, v51  }
0x25f: {  	v49 =	vor.u32 s5, v19;
	[tilespmem:v41+s28+$0x0] =	vst.idx.msk $0xffff, v37;
	v36 =	vld.idx.msk [tilespmem:v55+s29+$0x0], $0xffff  }
0x260: {  	v41 =	vor.u32 s31, v19;
	v38 =	vld.idx.msk [tilespmem:v38+s29+$0x0], $0xffff;
	v57 =	vor.u32 v39, v52  }
0x261: {  	v2 =	vmov v10;
	v10 =	vld [tilespmem:$0x1FCA0];
	v39 =	vor.u32 v39, v53;
	[tilespmem:v61+s28+$0x0] =	vst.idx.msk $0xffff, v40;
	v61 =	vcombine.low v58, v59  }
0x262: {  	[tilespmem:v63+s28+$0x0] =	vst.idx.msk $0xffff, v34;
	v33 =	vld.idx.msk [tilespmem:v62+s29+$0x0], $0xffff;
	v62 =	vor.u32 s3, v21  }
0x263: {  	v35 =	vld.idx.msk [tilespmem:v48+s29+$0x0], $0xffff;
	v48 =	vor.u32 s0, v21;
	v63 =	vor.u32 v61, v50  }
0x264: {  	v28 =	vld [tilespmem:$0x1FC40];
	[tilespmem:v49+s28+$0x0] =	vst.idx.msk $0xffff, v36;
	v49 =	vor.u32 v61, v51  }
0x265: {  	[tilespmem:v41+s28+$0x0] =	vst.idx.msk $0xffff, v38;
	v37 =	vld.idx.msk [tilespmem:v57+s29+$0x0], $0xffff;
	v57 =	vor.u32 s5, v21  }
0x266: {  	v59 =	vor.u32 s31, v21;
	v39 =	vld.idx.msk [tilespmem:v39+s29+$0x0], $0xffff;
	v58 =	vor.u32 v61, v52  }
0x267: {  	v18 =	vld [tilespmem:$0x1FC10];
	v40 =	vor.u32 v61, v53;
	[tilespmem:v62+s28+$0x0] =	vst.idx.msk $0xffff, v33  }
0x268: {  	v30 =	vcombine.low v60, v30;
	[tilespmem:v48+s28+$0x0] =	vst.idx.msk $0xffff, v35;
	v33 =	vld.idx.msk [tilespmem:v63+s29+$0x0], $0xffff  }
0x269: {  	v36 =	vld.idx.msk [tilespmem:v49+s29+$0x0], $0xffff;
	v63 =	vor.u32 s0, v6  }
0x26a: {  	v22 =	vld [tilespmem:$0x1FC20];
	v61 =	vor.u32 s3, v6;
	[tilespmem:v57+s28+$0x0] =	vst.idx.msk $0xffff, v37;
	v48 =	vor.u32 v30, v51  }
0x26b: {  	v62 =	vor.u32 v30, v50;
	[tilespmem:v59+s28+$0x0] =	vst.idx.msk $0xffff, v39;
	v38 =	vld.idx.msk [tilespmem:v58+s29+$0x0], $0xffff;
	v49 =	vor.u32 s5, v6  }
0x26c: {  	v54 =	vor.u32 v30, v52;
	v55 =	vor.u32 s31, v6;
	v40 =	vld.idx.msk [tilespmem:v40+s29+$0x0], $0xffff  }
0x26d: {  	v24 =	vld [tilespmem:$0x1FC30];
	v30 =	vor.u32 v30, v53  }
0x26e: {  	v31 =	vcombine.low v31, v32;
	v42 =	vld [tilespmem:$0x1FC50];
	[tilespmem:v63+s28+$0x0] =	vst.idx.msk $0xffff, v36  }
0x26f: {  	v60 =	vor.u32 s0, v25;
	[tilespmem:v61+s28+$0x0] =	vst.idx.msk $0xffff, v33;
	v59 =	vld.idx.msk [tilespmem:v48+s29+$0x0], $0xffff  }
0x270: {  	v57 =	vor.u32 s3, v25;
	[tilespmem:v49+s28+$0x0] =	vst.idx.msk $0xffff, v38;
	v61 =	vor.u32 v31, v51;
	v56 =	vld.idx.msk [tilespmem:v62+s29+$0x0], $0xffff  }
0x271: {  	v58 =	vor.u32 v31, v50;
	[tilespmem:v55+s28+$0x0] =	vst.idx.msk $0xffff, v40;
	v38 =	vld.idx.msk [tilespmem:v54+s29+$0x0], $0xffff;
	v62 =	vor.u32 s5, v25  }
0x272: {  	v11 =	vmov v45;
	v44 =	vor.u32 s31, v25;
	v30 =	vld.idx.msk [tilespmem:v30+s29+$0x0], $0xffff  }
0x273: {  	v15 =	vmov v13;
	v13 =	vmov v11;
	v11 =	vld [tilespmem:$0x1FCB0];
	v63 =	vor.u32 v31, v52  }
0x274: {  	v7 =	vlaneseq.u32;
	v0 =	vld [tilespmem:$0x1FC00];
	v31 =	vor.u32 v31, v53;
	[tilespmem:v60+s28+$0x0] =	vst.idx.msk $0xffff, v59  }
0x275: {  	v45 =	vor.u32 s3, v27;
	v47 =	vor.u32 $0x20, v7;
	v49 =	vor.u32 s0, v27;
	[tilespmem:v57+s28+$0x0] =	vst.idx.msk $0xffff, v56;
	v36 =	vld.idx.msk [tilespmem:v61+s29+$0x0], $0xffff  }
0x276: {  	v34 =	vor.u32 v47, v53;
	v48 =	vor.u32 v47, v50;
	[tilespmem:v62+s28+$0x0] =	vst.idx.msk $0xffff, v38;
	v32 =	vld.idx.msk [tilespmem:v58+s29+$0x0], $0xffff  }
0x277: {  	v57 =	vor.u32 v47, v51;
	[tilespmem:v44+s28+$0x0] =	vst.idx.msk $0xffff, v30;
	v30 =	vor.u32 v47, v52;
	v47 =	vld [tilespmem:$0x1FC60]  }
0x278: {  	v39 =	vld.idx.msk [tilespmem:v63+s29+$0x0], $0xffff;
	v58 =	vor.u32 s5, v27  }
0x279: {  	v59 =	vor.u32 s31, v27;
	v31 =	vld.idx.msk [tilespmem:v31+s29+$0x0], $0xffff  }
0x27a: {  	v55 =	vsel vm0, v24, v22;
	v54 =	vsel vm0, v18, v0;
	[tilespmem:v49+s28+$0x0] =	vst.idx.msk $0xffff, v36;
	v49 =	vld [tilespmem:$0x1FC70]  }
0x27b: {  	s3 =	sor.u32 $0x1000, s30;
	[tilespmem:v45+s28+$0x0] =	vst.idx.msk $0xffff, v32;
	v32 =	vcombine.low v55, v54;
	v45 =	vld [tilespmem:$0x1FC80]  }
0x27c: {  	v35 =	vor.u32 s3, v16;
	s31 =	sor.u32 $0x1010, s30;
	v33 =	vld.idx.msk [tilespmem:v48+s29+$0x0], $0xffff  }
0x27d: {  	s0 =	sor.u32 $0x1020, s30;
	v60 =	vor.u32 s31, v16;
	[tilespmem:v58+s28+$0x0] =	vst.idx.msk $0xffff, v39;
	v37 =	vld.idx.msk [tilespmem:v57+s29+$0x0], $0xffff;
	v36 =	vor.u32 v32, v50  }
0x27e: {  	v62 =	vor.u32 s0, v16;
	s5 =	sor.u32 $0x1030, s30;
	[tilespmem:v59+s28+$0x0] =	vst.idx.msk $0xffff, v31;
	v30 =	vld.idx.msk [tilespmem:v30+s29+$0x0], $0xffff;
	v61 =	vor.u32 v32, v51  }
0x27f: {  	v63 =	vor.u32 s5, v16;
	v34 =	vld.idx.msk [tilespmem:v34+s29+$0x0], $0xffff  }
0x280: {  	v56 =	vsel vm0, v42, v28;
	v48 =	vld [tilespmem:$0x1FC90];
	v31 =	vor.u32 v32, v52;
	v57 =	vsel vm0, v49, v47  }
0x281: {  	v20 =	vld [tilespmem:$0x1FCE0];
	v32 =	vor.u32 v32, v53;
	[tilespmem:v35+s28+$0x0] =	vst.idx.msk $0xffff, v33;
	v33 =	vcombine.low v57, v56  }
0x282: {  	[tilespmem:v60+s28+$0x0] =	vst.idx.msk $0xffff, v37;
	v35 =	vld.idx.msk [tilespmem:v36+s29+$0x0], $0xffff;
	v36 =	vor.u32 s3, v8  }
0x283: {  	v60 =	vor.u32 s31, v8;
	[tilespmem:v62+s28+$0x0] =	vst.idx.msk $0xffff, v30;
	v38 =	vld.idx.msk [tilespmem:v61+s29+$0x0], $0xffff;
	v37 =	vor.u32 v33, v50  }
0x284: {  	v1 =	vmov v16;
	v16 =	vld [tilespmem:$0x1FCF0];
	v59 =	vsel vm0, v11, v10;
	[tilespmem:v63+s28+$0x0] =	vst.idx.msk $0xffff, v34;
	v30 =	vor.u32 v33, v51  }
0x285: {  	v7 =	vmovc v8;
	v63 =	vor.u32 s5, v8;
	v58 =	vsel vm0, v48, v45;
	v31 =	vld.idx.msk [tilespmem:v31+s29+$0x0], $0xffff;
	v61 =	vor.u32 s0, v8;
	v8 =	vmovc v29  }
0x286: {  	v32 =	vld.idx.msk [tilespmem:v32+s29+$0x0], $0xffff;
	v29 =	vmovc v25;
	v25 =	vmovc v21;
	v21 =	vmov v17;
	v17 =	vmov v46;
	v62 =	vor.u32 v33, v52  }
0x287: {  	v46 =	vmov v6;
	v6 =	vld [tilespmem:$0x1FCD0];
	v33 =	vor.u32 v33, v53;
	[tilespmem:v36+s28+$0x0] =	vst.idx.msk $0xffff, v35;
	v35 =	vcombine.low v59, v58  }
0x288: {  	[tilespmem:v60+s28+$0x0] =	vst.idx.msk $0xffff, v38;
	v36 =	vld.idx.msk [tilespmem:v37+s29+$0x0], $0xffff;
	v37 =	vor.u32 s3, v3  }
0x289: {  	v39 =	vor.u32 s31, v3;
	v30 =	vld.idx.msk [tilespmem:v30+s29+$0x0], $0xffff;
	v38 =	vor.u32 v35, v50  }
0x28a: {  	[tilespmem:v61+s28+$0x0] =	vst.idx.msk $0xffff, v31;
	v31 =	vor.u32 v35, v51  }
0x28b: {  	v40 =	vor.u32 s0, v3;
	v41 =	vor.u32 s5, v3;
	[tilespmem:v63+s28+$0x0] =	vst.idx.msk $0xffff, v32;
	v34 =	vld.idx.msk [tilespmem:v62+s29+$0x0], $0xffff  }
0x28c: {  	v60 =	vsel vm0, v6, v14;
	v61 =	vsel vm0, v16, v20;
	v33 =	vld.idx.msk [tilespmem:v33+s29+$0x0], $0xffff;
	v32 =	vor.u32 v35, v52  }
0x28d: {  	v35 =	vor.u32 v35, v53;
	[tilespmem:v37+s28+$0x0] =	vst.idx.msk $0xffff, v36;
	v36 =	vcombine.low v61, v60  }
0x28e: {  	v44 =	vor.u32 s3, v5;
	[tilespmem:v39+s28+$0x0] =	vst.idx.msk $0xffff, v30;
	v37 =	vld.idx.msk [tilespmem:v38+s29+$0x0], $0xffff  }
0x28f: {  	v39 =	vor.u32 s31, v5;
	v31 =	vld.idx.msk [tilespmem:v31+s29+$0x0], $0xffff;
	v30 =	vor.u32 v36, v50  }
0x290: {  	[tilespmem:v40+s28+$0x0] =	vst.idx.msk $0xffff, v34;
	v34 =	vor.u32 v36, v51  }
0x291: {  	v63 =	vsel vm0, v0, v24;
	v40 =	vor.u32 s0, v5;
	[tilespmem:v41+s28+$0x0] =	vst.idx.msk $0xffff, v33;
	v32 =	vld.idx.msk [tilespmem:v32+s29+$0x0], $0xffff  }
0x292: {  	v62 =	vsel vm0, v22, v18;
	v41 =	vor.u32 s5, v5;
	v35 =	vld.idx.msk [tilespmem:v35+s29+$0x0], $0xffff;
	v33 =	vor.u32 v36, v52  }
0x293: {  	v36 =	vor.u32 v36, v53;
	[tilespmem:v44+s28+$0x0] =	vst.idx.msk $0xffff, v37;
	v37 =	vcombine.low v63, v62  }
0x294: {  	v43 =	vor.u32 s3, v8;
	[tilespmem:v39+s28+$0x0] =	vst.idx.msk $0xffff, v31;
	v38 =	vld.idx.msk [tilespmem:v30+s29+$0x0], $0xffff  }
0x295: {  	v44 =	vor.u32 s31, v8;
	v34 =	vld.idx.msk [tilespmem:v34+s29+$0x0], $0xffff;
	v39 =	vor.u32 v37, v50  }
0x296: {  	[tilespmem:v40+s28+$0x0] =	vst.idx.msk $0xffff, v32;
	v32 =	vor.u32 v37, v51  }
0x297: {  	v40 =	vor.u32 s0, v8;
	[tilespmem:v41+s28+$0x0] =	vst.idx.msk $0xffff, v35;
	v41 =	vor.u32 s5, v8;
	v33 =	vld.idx.msk [tilespmem:v33+s29+$0x0], $0xffff  }
0x298: {  	v31 =	vsel vm0, v28, v49;
	v36 =	vld.idx.msk [tilespmem:v36+s29+$0x0], $0xffff;
	v30 =	vsel vm0, v47, v42;
	v35 =	vor.u32 v37, v52  }
0x299: {  	[tilespmem:v43+s28+$0x0] =	vst.idx.msk $0xffff, v38;
	v38 =	vcombine.low v31, v30  }
0x29a: {  	v37 =	vor.u32 v37, v53;
	v43 =	vor.u32 s3, v9;
	[tilespmem:v44+s28+$0x0] =	vst.idx.msk $0xffff, v34;
	v39 =	vld.idx.msk [tilespmem:v39+s29+$0x0], $0xffff  }
0x29b: {  	v42 =	vor.u32 s31, v9;
	v44 =	vld.idx.msk [tilespmem:v32+s29+$0x0], $0xffff;
	v34 =	vor.u32 v38, v50  }
0x29c: {  	[tilespmem:v40+s28+$0x0] =	vst.idx.msk $0xffff, v33;
	v47 =	vor.u32 v38, v51  }
0x29d: {  	v0 =	vor.u32 s0, v9;
	[tilespmem:v41+s28+$0x0] =	vst.idx.msk $0xffff, v36;
	v35 =	vld.idx.msk [tilespmem:v35+s29+$0x0], $0xffff  }
0x29e: {  	v33 =	vsel vm0, v45, v11;
	v32 =	vsel vm0, v10, v48;
	v36 =	vor.u32 v38, v52  }
0x29f: {  	v49 =	vor.u32 s5, v9;
	v37 =	vld.idx.msk [tilespmem:v37+s29+$0x0], $0xffff;
	[tilespmem:v43+s28+$0x0] =	vst.idx.msk $0xffff, v39;
	v39 =	vcombine.low v33, v32  }
0x2a0: {  	v38 =	vor.u32 v38, v53;
	v43 =	vor.u32 s3, v13;
	[tilespmem:v42+s28+$0x0] =	vst.idx.msk $0xffff, v44;
	v34 =	vld.idx.msk [tilespmem:v34+s29+$0x0], $0xffff  }
0x2a1: {  	v44 =	vor.u32 s31, v13;
	v40 =	vld.idx.msk [tilespmem:v47+s29+$0x0], $0xffff;
	v42 =	vor.u32 v39, v50  }
0x2a2: {  	[tilespmem:v0+s28+$0x0] =	vst.idx.msk $0xffff, v35;
	v0 =	vor.u32 v39, v51  }
0x2a3: {  	v4 =	vsel vm0, v14, v16;
	v35 =	vld.idx.msk [tilespmem:v36+s29+$0x0], $0xffff;
	v36 =	vor.u32 s0, v13  }
0x2a4: {  	[tilespmem:v49+s28+$0x0] =	vst.idx.msk $0xffff, v37;
	v47 =	vmov v2;
	v2 =	vsel vm0, v20, v6;
	v48 =	vor.u32 v39, v52  }
0x2a5: {  	v49 =	vor.u32 s5, v13;
	v38 =	vld.idx.msk [tilespmem:v38+s29+$0x0], $0xffff;
	v2 =	vcombine.low v4, v2;
	[tilespmem:v43+s28+$0x0] =	vst.idx.msk $0xffff, v34  }
0x2a6: {  	v39 =	vor.u32 v39, v53;
	v34 =	vor.u32 s3, v15;
	[tilespmem:v44+s28+$0x0] =	vst.idx.msk $0xffff, v40;
	v4 =	vld.idx.msk [tilespmem:v42+s29+$0x0], $0xffff  }
0x2a7: {  	v40 =	vor.u32 v2, v50;
	v0 =	vld.idx.msk [tilespmem:v0+s29+$0x0], $0xffff;
	v42 =	vor.u32 s31, v15  }
0x2a8: {  	[tilespmem:v36+s28+$0x0] =	vst.idx.msk $0xffff, v35;
	v44 =	vor.u32 v2, v51  }
0x2a9: {  	v45 =	vor.u32 s0, v15;
	v36 =	vld.idx.msk [tilespmem:v48+s29+$0x0], $0xffff  }
0x2aa: {  	v6 =	vmov v46;
	[tilespmem:v49+s28+$0x0] =	vst.idx.msk $0xffff, v38;
	v48 =	vor.u32 v2, v52  }
0x2ab: {  	v46 =	vmov v17;
	v49 =	vor.u32 s5, v15;
	v39 =	vld.idx.msk [tilespmem:v39+s29+$0x0], $0xffff;
	[tilespmem:v34+s28+$0x0] =	vst.idx.msk $0xffff, v4;
	v4 =	vcombine.low v54, v55  }
0x2ac: {  	v2 =	vor.u32 v2, v53;
	v55 =	vor.u32 s3, v46;
	[tilespmem:v42+s28+$0x0] =	vst.idx.msk $0xffff, v0;
	v34 =	vld.idx.msk [tilespmem:v40+s29+$0x0], $0xffff  }
0x2ad: {  	v42 =	vor.u32 s31, v46;
	v35 =	vld.idx.msk [tilespmem:v44+s29+$0x0], $0xffff;
	v0 =	vor.u32 v4, v50  }
0x2ae: {  	[tilespmem:v45+s28+$0x0] =	vst.idx.msk $0xffff, v36;
	v45 =	vor.u32 v4, v51  }
0x2af: {  	v37 =	vld.idx.msk [tilespmem:v48+s29+$0x0], $0xffff;
	v48 =	vor.u32 s0, v46  }
0x2b0: {  	[tilespmem:v49+s28+$0x0] =	vst.idx.msk $0xffff, v39;
	v49 =	vor.u32 v4, v52  }
0x2b1: {  	v54 =	vor.u32 s5, v46;
	v2 =	vld.idx.msk [tilespmem:v2+s29+$0x0], $0xffff;
	[tilespmem:v55+s28+$0x0] =	vst.idx.msk $0xffff, v34;
	v55 =	vcombine.low v56, v57  }
0x2b2: {  	v4 =	vor.u32 v4, v53;
	v56 =	vor.u32 s3, v12;
	[tilespmem:v42+s28+$0x0] =	vst.idx.msk $0xffff, v35;
	v0 =	vld.idx.msk [tilespmem:v0+s29+$0x0], $0xffff  }
0x2b3: {  	v36 =	vld.idx.msk [tilespmem:v45+s29+$0x0], $0xffff;
	v45 =	vor.u32 s31, v12;
	v57 =	vor.u32 v55, v50  }
0x2b4: {  	[tilespmem:v48+s28+$0x0] =	vst.idx.msk $0xffff, v37;
	v48 =	vor.u32 v55, v51  }
0x2b5: {  	v38 =	vld.idx.msk [tilespmem:v49+s29+$0x0], $0xffff;
	v49 =	vor.u32 s0, v12  }
0x2b6: {  	[tilespmem:v54+s28+$0x0] =	vst.idx.msk $0xffff, v2;
	v2 =	vor.u32 v55, v52  }
0x2b7: {  	v17 =	vmov v21;
	v54 =	vor.u32 s5, v12;
	v4 =	vld.idx.msk [tilespmem:v4+s29+$0x0], $0xffff;
	[tilespmem:v56+s28+$0x0] =	vst.idx.msk $0xffff, v0;
	v0 =	vcombine.low v58, v59  }
0x2b8: {  	v34 =	vor.u32 v55, v53;
	v55 =	vor.u32 s3, v17;
	[tilespmem:v45+s28+$0x0] =	vst.idx.msk $0xffff, v36;
	v35 =	vld.idx.msk [tilespmem:v57+s29+$0x0], $0xffff  }
0x2b9: {  	v37 =	vld.idx.msk [tilespmem:v48+s29+$0x0], $0xffff;
	v57 =	vor.u32 s31, v17;
	v56 =	vor.u32 v0, v50  }
0x2ba: {  	[tilespmem:v49+s28+$0x0] =	vst.idx.msk $0xffff, v38;
	v58 =	vor.u32 v0, v51  }
0x2bb: {  	v59 =	vor.u32 s0, v17;
	v2 =	vld.idx.msk [tilespmem:v2+s29+$0x0], $0xffff  }
0x2bc: {  	[tilespmem:v54+s28+$0x0] =	vst.idx.msk $0xffff, v4;
	v4 =	vor.u32 v0, v52  }
0x2bd: {  	v45 =	vor.u32 s5, v17;
	v34 =	vld.idx.msk [tilespmem:v34+s29+$0x0], $0xffff;
	v48 =	vcombine.low v60, v61;
	[tilespmem:v55+s28+$0x0] =	vst.idx.msk $0xffff, v35  }
0x2be: {  	v49 =	vor.u32 s3, v19;
	v0 =	vor.u32 v0, v53;
	[tilespmem:v57+s28+$0x0] =	vst.idx.msk $0xffff, v37;
	v36 =	vld.idx.msk [tilespmem:v56+s29+$0x0], $0xffff  }
0x2bf: {  	v54 =	vor.u32 v48, v50;
	v55 =	vor.u32 s31, v19;
	v38 =	vld.idx.msk [tilespmem:v58+s29+$0x0], $0xffff  }
0x2c0: {  	[tilespmem:v59+s28+$0x0] =	vst.idx.msk $0xffff, v2;
	v2 =	vor.u32 v48, v51  }
0x2c1: {  	v4 =	vld.idx.msk [tilespmem:v4+s29+$0x0], $0xffff;
	v56 =	vor.u32 s0, v19  }
0x2c2: {  	[tilespmem:v45+s28+$0x0] =	vst.idx.msk $0xffff, v34;
	v57 =	vor.u32 v48, v52  }
0x2c3: {  	v21 =	vmov v25;
	v59 =	vcombine.low v62, v63;
	v0 =	vld.idx.msk [tilespmem:v0+s29+$0x0], $0xffff;
	v58 =	vor.u32 s5, v19;
	[tilespmem:v49+s28+$0x0] =	vst.idx.msk $0xffff, v36  }
0x2c4: {  	v60 =	vor.u32 s3, v21;
	v35 =	vor.u32 v48, v53;
	[tilespmem:v55+s28+$0x0] =	vst.idx.msk $0xffff, v38;
	v37 =	vld.idx.msk [tilespmem:v54+s29+$0x0], $0xffff  }
0x2c5: {  	v62 =	vor.u32 s31, v21;
	v61 =	vor.u32 v59, v50;
	v2 =	vld.idx.msk [tilespmem:v2+s29+$0x0], $0xffff  }
0x2c6: {  	[tilespmem:v56+s28+$0x0] =	vst.idx.msk $0xffff, v4;
	v4 =	vor.u32 v59, v51  }
0x2c7: {  	v63 =	vor.u32 s0, v21;
	v34 =	vld.idx.msk [tilespmem:v57+s29+$0x0], $0xffff  }
0x2c8: {  	v23 =	vld [tilespmem:$0x1FDA0];
	[tilespmem:v58+s28+$0x0] =	vst.idx.msk $0xffff, v0;
	v0 =	vor.u32 v59, v52  }
0x2c9: {  	v30 =	vcombine.low v30, v31;
	v44 =	vor.u32 s5, v21;
	v35 =	vld.idx.msk [tilespmem:v35+s29+$0x0], $0xffff;
	[tilespmem:v60+s28+$0x0] =	vst.idx.msk $0xffff, v37  }
0x2ca: {  	v45 =	vor.u32 s3, v6;
	v36 =	vor.u32 v59, v53;
	[tilespmem:v62+s28+$0x0] =	vst.idx.msk $0xffff, v2;
	v31 =	vld.idx.msk [tilespmem:v61+s29+$0x0], $0xffff  }
0x2cb: {  	v48 =	vor.u32 s31, v6;
	v2 =	vor.u32 v30, v50;
	v4 =	vld.idx.msk [tilespmem:v4+s29+$0x0], $0xffff  }
0x2cc: {  	v24 =	vmov v26;
	v26 =	vld [tilespmem:$0x1FDD0];
	v49 =	vor.u32 v30, v51;
	[tilespmem:v63+s28+$0x0] =	vst.idx.msk $0xffff, v34  }
0x2cd: {  	v54 =	vor.u32 s0, v6;
	v0 =	vld.idx.msk [tilespmem:v0+s29+$0x0], $0xffff  }
0x2ce: {  	v28 =	vld [tilespmem:$0x1FD10];
	v55 =	vor.u32 v30, v52;
	[tilespmem:v44+s28+$0x0] =	vst.idx.msk $0xffff, v35  }
0x2cf: {  	v56 =	vor.u32 s5, v6;
	v36 =	vld.idx.msk [tilespmem:v36+s29+$0x0], $0xffff;
	[tilespmem:v45+s28+$0x0] =	vst.idx.msk $0xffff, v31;
	v31 =	vcombine.low v32, v33  }
0x2d0: {  	v57 =	vor.u32 s3, v29;
	v30 =	vor.u32 v30, v53;
	[tilespmem:v48+s28+$0x0] =	vst.idx.msk $0xffff, v4;
	v2 =	vld.idx.msk [tilespmem:v2+s29+$0x0], $0xffff  }
0x2d1: {  	v59 =	vor.u32 s31, v29;
	v58 =	vld.idx.msk [tilespmem:v49+s29+$0x0], $0xffff;
	v4 =	vor.u32 v31, v50  }
0x2d2: {  	v41 =	vld [tilespmem:$0x1FD40];
	[tilespmem:v54+s28+$0x0] =	vst.idx.msk $0xffff, v0;
	v0 =	vor.u32 v31, v51  }
0x2d3: {  	v39 =	vld [tilespmem:$0x1FD30]  }
0x2d4: {  	v60 =	vor.u32 s0, v29;
	[tilespmem:v56+s28+$0x0] =	vst.idx.msk $0xffff, v36;
	v35 =	vld.idx.msk [tilespmem:v55+s29+$0x0], $0xffff  }
0x2d5: {  	v62 =	vor.u32 s5, v29;
	v30 =	vld.idx.msk [tilespmem:v30+s29+$0x0], $0xffff;
	v61 =	vor.u32 v31, v52;
	[tilespmem:v57+s28+$0x0] =	vst.idx.msk $0xffff, v2  }
0x2d6: {  	v16 =	vmovc v1;
	v1 =	vlaneseq.u32;
	v31 =	vor.u32 v31, v53;
	v2 =	vor.u32 s3, v27;
	[tilespmem:v59+s28+$0x0] =	vst.idx.msk $0xffff, v58;
	v4 =	vld.idx.msk [tilespmem:v4+s29+$0x0], $0xffff  }
0x2d7: {  	v43 =	vor.u32 s31, v27;
	v63 =	vor.u32 $0x30, v1;
	v0 =	vld.idx.msk [tilespmem:v0+s29+$0x0], $0xffff  }
0x2d8: {  	v1 =	vld [tilespmem:$0x1FD00];
	v42 =	vor.u32 v63, v50  }
0x2d9: {  	v25 =	vmov v29;
	v29 =	vld [tilespmem:$0x1FD20];
	v44 =	vor.u32 v63, v51;
	[tilespmem:v60+s28+$0x0] =	vst.idx.msk $0xffff, v35  }
0x2da: {  	[tilespmem:v62+s28+$0x0] =	vst.idx.msk $0xffff, v30;
	v36 =	vld.idx.msk [tilespmem:v61+s29+$0x0], $0xffff  }
0x2db: {  	v31 =	vld.idx.msk [tilespmem:v31+s29+$0x0], $0xffff;
	[tilespmem:v2+s28+$0x0] =	vst.idx.msk $0xffff, v4  }
0x2dc: {  	[tilespmem:v43+s28+$0x0] =	vst.idx.msk $0xffff, v0;
	v43 =	vld [tilespmem:$0x1FD60]  }
0x2dd: {  	v45 =	vor.u32 s0, v27;
	v4 =	vld.idx.msk [tilespmem:v42+s29+$0x0], $0xffff  }
0x2de: {  	v48 =	vor.u32 s5, v27;
	v30 =	vor.u32 v63, v52;
	v34 =	vld.idx.msk [tilespmem:v44+s29+$0x0], $0xffff  }
0x2df: {  	v54 =	vsel vm0, v28, v1;
	v32 =	vor.u32 v63, v53;
	v55 =	vsel vm0, v39, v29;
	v42 =	vld [tilespmem:$0x1FD50]  }
0x2e0: {  	s31 =	sor.u32 $0x1800, s30;
	v2 =	vcombine.low v55, v54;
	v44 =	vld [tilespmem:$0x1FD70]  }
0x2e1: {  	v14 =	vld [tilespmem:$0x1FDF0];
	s0 =	sor.u32 $0x1810, s30;
	v49 =	vor.u32 s31, v16  }
0x2e2: {  	v60 =	vor.u32 s0, v16;
	s3 =	sor.u32 $0x1820, s30;
	[tilespmem:v45+s28+$0x0] =	vst.idx.msk $0xffff, v36;
	v45 =	vld [tilespmem:$0x1FD90];
	v0 =	vor.u32 v2, v50  }
0x2e3: {  	s5 =	sor.u32 $0x1830, s30;
	v62 =	vor.u32 s3, v16;
	[tilespmem:v48+s28+$0x0] =	vst.idx.msk $0xffff, v31;
	v30 =	vld.idx.msk [tilespmem:v30+s29+$0x0], $0xffff;
	v61 =	vor.u32 v2, v51  }
0x2e4: {  	v63 =	vor.u32 s5, v16;
	v32 =	vld.idx.msk [tilespmem:v32+s29+$0x0], $0xffff;
	v31 =	vor.u32 v2, v52  }
0x2e5: {  	v48 =	vld [tilespmem:$0x1FDB0];
	v2 =	vor.u32 v2, v53;
	v56 =	vsel vm0, v42, v41;
	v57 =	vsel vm0, v44, v43  }
0x2e6: {  	[tilespmem:v49+s28+$0x0] =	vst.idx.msk $0xffff, v4;
	v49 =	vld [tilespmem:$0x1FD80];
	v4 =	vcombine.low v57, v56  }
0x2e7: {  	v33 =	vor.u32 s31, v7;
	[tilespmem:v60+s28+$0x0] =	vst.idx.msk $0xffff, v34;
	v0 =	vld.idx.msk [tilespmem:v0+s29+$0x0], $0xffff  }
0x2e8: {  	v60 =	vor.u32 s0, v7;
	[tilespmem:v62+s28+$0x0] =	vst.idx.msk $0xffff, v30;
	v35 =	vld.idx.msk [tilespmem:v61+s29+$0x0], $0xffff;
	v40 =	vor.u32 v4, v50  }
0x2e9: {  	[tilespmem:v63+s28+$0x0] =	vst.idx.msk $0xffff, v32;
	v31 =	vld.idx.msk [tilespmem:v31+s29+$0x0], $0xffff;
	v61 =	vor.u32 s3, v7;
	v30 =	vor.u32 v4, v51  }
0x2ea: {  	v63 =	vor.u32 s5, v7;
	v2 =	vld.idx.msk [tilespmem:v2+s29+$0x0], $0xffff;
	v62 =	vor.u32 v4, v52  }
0x2eb: {  	v11 =	vld [tilespmem:$0x1FDE0];
	v59 =	vsel vm0, v48, v23;
	v4 =	vor.u32 v4, v53;
	v58 =	vsel vm0, v45, v49  }
0x2ec: {  	v10 =	vld [tilespmem:$0x1FDC0];
	[tilespmem:v33+s28+$0x0] =	vst.idx.msk $0xffff, v0;
	v0 =	vcombine.low v59, v58  }
0x2ed: {  	v34 =	vor.u32 s31, v3;
	[tilespmem:v60+s28+$0x0] =	vst.idx.msk $0xffff, v35;
	v33 =	vld.idx.msk [tilespmem:v40+s29+$0x0], $0xffff  }
0x2ee: {  	v36 =	vor.u32 s0, v3;
	[tilespmem:v61+s28+$0x0] =	vst.idx.msk $0xffff, v31;
	v40 =	vor.u32 v0, v50;
	v30 =	vld.idx.msk [tilespmem:v30+s29+$0x0], $0xffff  }
0x2ef: {  	v37 =	vor.u32 s3, v3;
	[tilespmem:v63+s28+$0x0] =	vst.idx.msk $0xffff, v2;
	v31 =	vor.u32 v0, v51;
	v32 =	vld.idx.msk [tilespmem:v62+s29+$0x0], $0xffff  }
0x2f0: {  	v38 =	vor.u32 s5, v3;
	v2 =	vor.u32 v0, v52;
	v4 =	vld.idx.msk [tilespmem:v4+s29+$0x0], $0xffff  }
0x2f1: {  	v60 =	vsel vm0, v26, v10;
	v61 =	vsel vm0, v14, v11;
	v0 =	vor.u32 v0, v53  }
0x2f2: {  	[tilespmem:v34+s28+$0x0] =	vst.idx.msk $0xffff, v33;
	v33 =	vcombine.low v61, v60  }
0x2f3: {  	[tilespmem:v36+s28+$0x0] =	vst.idx.msk $0xffff, v30;
	v34 =	vld.idx.msk [tilespmem:v40+s29+$0x0], $0xffff;
	v40 =	vor.u32 s31, v5  }
0x2f4: {  	v36 =	vor.u32 s0, v5;
	[tilespmem:v37+s28+$0x0] =	vst.idx.msk $0xffff, v32;
	v31 =	vld.idx.msk [tilespmem:v31+s29+$0x0], $0xffff;
	v30 =	vor.u32 v33, v50  }
0x2f5: {  	v37 =	vor.u32 s3, v5;
	[tilespmem:v38+s28+$0x0] =	vst.idx.msk $0xffff, v4;
	v2 =	vld.idx.msk [tilespmem:v2+s29+$0x0], $0xffff;
	v32 =	vor.u32 v33, v51  }
0x2f6: {  	v38 =	vor.u32 s5, v5;
	v0 =	vld.idx.msk [tilespmem:v0+s29+$0x0], $0xffff;
	v4 =	vor.u32 v33, v52  }
0x2f7: {  	v63 =	vsel vm0, v1, v39;
	v62 =	vsel vm0, v29, v28;
	v33 =	vor.u32 v33, v53  }
0x2f8: {  	[tilespmem:v40+s28+$0x0] =	vst.idx.msk $0xffff, v34;
	v34 =	vcombine.low v63, v62  }
0x2f9: {  	v39 =	vor.u32 s31, v8;
	[tilespmem:v36+s28+$0x0] =	vst.idx.msk $0xffff, v31;
	v35 =	vld.idx.msk [tilespmem:v30+s29+$0x0], $0xffff  }
0x2fa: {  	v40 =	vor.u32 s0, v8;
	[tilespmem:v37+s28+$0x0] =	vst.idx.msk $0xffff, v2;
	v32 =	vld.idx.msk [tilespmem:v32+s29+$0x0], $0xffff;
	v36 =	vor.u32 v34, v50  }
0x2fb: {  	v37 =	vor.u32 s3, v8;
	[tilespmem:v38+s28+$0x0] =	vst.idx.msk $0xffff, v0;
	v4 =	vld.idx.msk [tilespmem:v4+s29+$0x0], $0xffff;
	v2 =	vor.u32 v34, v51  }
0x2fc: {  	v38 =	vor.u32 s5, v8;
	v33 =	vld.idx.msk [tilespmem:v33+s29+$0x0], $0xffff;
	v0 =	vor.u32 v34, v52  }
0x2fd: {  	v31 =	vsel vm0, v41, v44;
	v30 =	vsel vm0, v43, v42;
	v34 =	vor.u32 v34, v53  }
0x2fe: {  	[tilespmem:v39+s28+$0x0] =	vst.idx.msk $0xffff, v35;
	v35 =	vcombine.low v31, v30  }
0x2ff: {  	v39 =	vor.u32 s31, v9;
	[tilespmem:v40+s28+$0x0] =	vst.idx.msk $0xffff, v32;
	v36 =	vld.idx.msk [tilespmem:v36+s29+$0x0], $0xffff  }
0x300: {  	v41 =	vor.u32 s0, v9;
	[tilespmem:v37+s28+$0x0] =	vst.idx.msk $0xffff, v4;
	v2 =	vld.idx.msk [tilespmem:v2+s29+$0x0], $0xffff;
	v40 =	vor.u32 v35, v50  }
0x301: {  	v37 =	vor.u32 s3, v9;
	[tilespmem:v38+s28+$0x0] =	vst.idx.msk $0xffff, v33;
	v0 =	vld.idx.msk [tilespmem:v0+s29+$0x0], $0xffff;
	v4 =	vor.u32 v35, v51  }
0x302: {  	v42 =	vor.u32 s5, v9;
	v34 =	vld.idx.msk [tilespmem:v34+s29+$0x0], $0xffff;
	v38 =	vor.u32 v35, v52  }
0x303: {  	v32 =	vsel vm0, v23, v45;
	v33 =	vsel vm0, v49, v48;
	v35 =	vor.u32 v35, v53  }
0x304: {  	[tilespmem:v39+s28+$0x0] =	vst.idx.msk $0xffff, v36;
	v36 =	vcombine.low v33, v32  }
0x305: {  	[tilespmem:v41+s28+$0x0] =	vst.idx.msk $0xffff, v2;
	v39 =	vld.idx.msk [tilespmem:v40+s29+$0x0], $0xffff;
	v40 =	vor.u32 s31, v13  }
0x306: {  	v41 =	vor.u32 s0, v13;
	[tilespmem:v37+s28+$0x0] =	vst.idx.msk $0xffff, v0;
	v4 =	vld.idx.msk [tilespmem:v4+s29+$0x0], $0xffff;
	v2 =	vor.u32 v36, v50  }
0x307: {  	[tilespmem:v42+s28+$0x0] =	vst.idx.msk $0xffff, v34;
	v37 =	vld.idx.msk [tilespmem:v38+s29+$0x0], $0xffff;
	v38 =	vor.u32 s3, v13;
	v0 =	vor.u32 v36, v51  }
0x308: {  	v42 =	vor.u32 s5, v13;
	v35 =	vld.idx.msk [tilespmem:v35+s29+$0x0], $0xffff;
	v34 =	vor.u32 v36, v52  }
0x309: {  	v18 =	vld [tilespmem:$0x1FEF0];
	v48 =	vsel vm0, v11, v26;
	v49 =	vsel vm0, v10, v14;
	v36 =	vor.u32 v36, v53  }
0x30a: {  	v22 =	vld [tilespmem:$0x1FEE0];
	[tilespmem:v40+s28+$0x0] =	vst.idx.msk $0xffff, v39;
	v39 =	vcombine.low v49, v48  }
0x30b: {  	v40 =	vor.u32 s31, v15;
	[tilespmem:v41+s28+$0x0] =	vst.idx.msk $0xffff, v4;
	v2 =	vld.idx.msk [tilespmem:v2+s29+$0x0], $0xffff  }
0x30c: {  	v41 =	vor.u32 s0, v15;
	[tilespmem:v38+s28+$0x0] =	vst.idx.msk $0xffff, v37;
	v0 =	vld.idx.msk [tilespmem:v0+s29+$0x0], $0xffff;
	v4 =	vor.u32 v39, v50  }
0x30d: {  	v48 =	vor.u32 s3, v15;
	[tilespmem:v42+s28+$0x0] =	vst.idx.msk $0xffff, v35;
	v34 =	vld.idx.msk [tilespmem:v34+s29+$0x0], $0xffff;
	v37 =	vor.u32 v39, v51  }
0x30e: {  	v42 =	vor.u32 s5, v15;
	v36 =	vld.idx.msk [tilespmem:v36+s29+$0x0], $0xffff;
	v49 =	vor.u32 v39, v52  }
0x30f: {  	v7 =	vld [tilespmem:$0x1FF90];
	v39 =	vor.u32 v39, v53  }
0x310: {  	v1 =	vld [tilespmem:$0x1FF80];
	[tilespmem:v40+s28+$0x0] =	vst.idx.msk $0xffff, v2;
	v2 =	vcombine.low v54, v55  }
0x311: {  	v40 =	vor.u32 s31, v46;
	[tilespmem:v41+s28+$0x0] =	vst.idx.msk $0xffff, v0;
	v4 =	vld.idx.msk [tilespmem:v4+s29+$0x0], $0xffff  }
0x312: {  	v41 =	vor.u32 s0, v46;
	[tilespmem:v48+s28+$0x0] =	vst.idx.msk $0xffff, v34;
	v37 =	vld.idx.msk [tilespmem:v37+s29+$0x0], $0xffff;
	v0 =	vor.u32 v2, v50  }
0x313: {  	[tilespmem:v42+s28+$0x0] =	vst.idx.msk $0xffff, v36;
	v35 =	vld.idx.msk [tilespmem:v49+s29+$0x0], $0xffff;
	v49 =	vor.u32 s3, v46;
	v48 =	vor.u32 v2, v51  }
0x314: {  	v55 =	vor.u32 s5, v46;
	v39 =	vld.idx.msk [tilespmem:v39+s29+$0x0], $0xffff;
	v54 =	vor.u32 v2, v52  }
0x315: {  	v28 =	vld [tilespmem:$0x1FEA0];
	v2 =	vor.u32 v2, v53  }
0x316: {  	v43 =	vld [tilespmem:$0x1FEB0];
	[tilespmem:v40+s28+$0x0] =	vst.idx.msk $0xffff, v4;
	v4 =	vcombine.low v56, v57  }
0x317: {  	v40 =	vor.u32 s31, v12;
	[tilespmem:v41+s28+$0x0] =	vst.idx.msk $0xffff, v37;
	v0 =	vld.idx.msk [tilespmem:v0+s29+$0x0], $0xffff  }
0x318: {  	[tilespmem:v49+s28+$0x0] =	vst.idx.msk $0xffff, v35;
	v34 =	vld.idx.msk [tilespmem:v48+s29+$0x0], $0xffff;
	v48 =	vor.u32 s0, v12;
	v57 =	vor.u32 v4, v50  }
0x319: {  	[tilespmem:v55+s28+$0x0] =	vst.idx.msk $0xffff, v39;
	v36 =	vld.idx.msk [tilespmem:v54+s29+$0x0], $0xffff;
	v54 =	vor.u32 s3, v12;
	v49 =	vor.u32 v4, v51  }
0x31a: {  	v56 =	vor.u32 s5, v12;
	v2 =	vld.idx.msk [tilespmem:v2+s29+$0x0], $0xffff;
	v55 =	vor.u32 v4, v52  }
0x31b: {  	v10 =	vmov v47;
	v47 =	vld [tilespmem:$0x1FFA0];
	v4 =	vor.u32 v4, v53  }
0x31c: {  	v26 =	vld [tilespmem:$0x1FF60];
	[tilespmem:v40+s28+$0x0] =	vst.idx.msk $0xffff, v0;
	v0 =	vcombine.low v58, v59  }
0x31d: {  	[tilespmem:v48+s28+$0x0] =	vst.idx.msk $0xffff, v34;
	v37 =	vld.idx.msk [tilespmem:v57+s29+$0x0], $0xffff;
	v57 =	vor.u32 s31, v17  }
0x31e: {  	v59 =	vor.u32 s0, v17;
	[tilespmem:v54+s28+$0x0] =	vst.idx.msk $0xffff, v36;
	v35 =	vld.idx.msk [tilespmem:v49+s29+$0x0], $0xffff;
	v58 =	vor.u32 v0, v50  }
0x31f: {  	[tilespmem:v56+s28+$0x0] =	vst.idx.msk $0xffff, v2;
	v38 =	vld.idx.msk [tilespmem:v55+s29+$0x0], $0xffff;
	v49 =	vor.u32 s3, v17;
	v48 =	vor.u32 v0, v51  }
0x320: {  	v54 =	vor.u32 s5, v17;
	v4 =	vld.idx.msk [tilespmem:v4+s29+$0x0], $0xffff;
	v2 =	vor.u32 v0, v52  }
0x321: {  	v23 =	vld [tilespmem:$0x1FF50];
	v0 =	vor.u32 v0, v53  }
0x322: {  	v42 =	vmov v24;
	v24 =	vld [tilespmem:$0x1FED0];
	v55 =	vcombine.low v60, v61;
	[tilespmem:v57+s28+$0x0] =	vst.idx.msk $0xffff, v37  }
0x323: {  	v56 =	vor.u32 s31, v19;
	[tilespmem:v59+s28+$0x0] =	vst.idx.msk $0xffff, v35;
	v34 =	vld.idx.msk [tilespmem:v58+s29+$0x0], $0xffff  }
0x324: {  	v57 =	vor.u32 v55, v50;
	[tilespmem:v49+s28+$0x0] =	vst.idx.msk $0xffff, v38;
	v36 =	vld.idx.msk [tilespmem:v48+s29+$0x0], $0xffff;
	v58 =	vor.u32 s0, v19  }
0x325: {  	v60 =	vor.u32 s3, v19;
	[tilespmem:v54+s28+$0x0] =	vst.idx.msk $0xffff, v4;
	v2 =	vld.idx.msk [tilespmem:v2+s29+$0x0], $0xffff  }
0x326: {  	v61 =	vor.u32 s5, v19;
	v4 =	vor.u32 v55, v52;
	v0 =	vld.idx.msk [tilespmem:v0+s29+$0x0], $0xffff  }
0x327: {  	v39 =	vld [tilespmem:$0x1FE70];
	v37 =	vor.u32 v55, v53  }
0x328: {  	v40 =	vld [tilespmem:$0x1FE80];
	v59 =	vor.u32 v55, v51;
	[tilespmem:v56+s28+$0x0] =	vst.idx.msk $0xffff, v34  }
0x329: {  	v49 =	vor.u32 s31, v21;
	v48 =	vcombine.low v62, v63;
	[tilespmem:v58+s28+$0x0] =	vst.idx.msk $0xffff, v36;
	v35 =	vld.idx.msk [tilespmem:v57+s29+$0x0], $0xffff  }
0x32a: {  	[tilespmem:v60+s28+$0x0] =	vst.idx.msk $0xffff, v2;
	v36 =	vld [tilespmem:$0x1FF10]  }
0x32b: {  	v54 =	vor.u32 v48, v50;
	v56 =	vor.u32 s3, v21;
	[tilespmem:v61+s28+$0x0] =	vst.idx.msk $0xffff, v0;
	v4 =	vld.idx.msk [tilespmem:v4+s29+$0x0], $0xffff  }
0x32c: {  	v0 =	vor.u32 v48, v52;
	v37 =	vld.idx.msk [tilespmem:v37+s29+$0x0], $0xffff;
	v57 =	vor.u32 s5, v21  }
0x32d: {  	v55 =	vor.u32 s0, v21;
	v34 =	vor.u32 v48, v53;
	v38 =	vld.idx.msk [tilespmem:v59+s29+$0x0], $0xffff  }
0x32e: {  	v2 =	vor.u32 v48, v51;
	[tilespmem:v49+s28+$0x0] =	vst.idx.msk $0xffff, v35;
	v49 =	vld [tilespmem:$0x1FE90]  }
0x32f: {  	v35 =	vld [tilespmem:$0x1FF30]  }
0x330: {  	v30 =	vcombine.low v30, v31;
	v58 =	vor.u32 s31, v6;
	[tilespmem:v56+s28+$0x0] =	vst.idx.msk $0xffff, v4;
	v31 =	vld.idx.msk [tilespmem:v54+s29+$0x0], $0xffff  }
0x331: {  	v61 =	vor.u32 s3, v6;
	[tilespmem:v57+s28+$0x0] =	vst.idx.msk $0xffff, v37;
	v0 =	vld.idx.msk [tilespmem:v0+s29+$0x0], $0xffff  }
0x332: {  	v63 =	vor.u32 s5, v6;
	[tilespmem:v55+s28+$0x0] =	vst.idx.msk $0xffff, v38;
	v34 =	vld.idx.msk [tilespmem:v34+s29+$0x0], $0xffff  }
0x333: {  	v60 =	vor.u32 s0, v6;
	v59 =	vor.u32 v30, v50;
	v2 =	vld.idx.msk [tilespmem:v2+s29+$0x0], $0xffff  }
0x334: {  	v4 =	vor.u32 v30, v51;
	v37 =	vld [tilespmem:$0x1FF20]  }
0x335: {  	v62 =	vor.u32 v30, v52;
	v30 =	vor.u32 v30, v53;
	v38 =	vld [tilespmem:$0x1FE60];
	[tilespmem:v58+s28+$0x0] =	vst.idx.msk $0xffff, v31  }
0x336: {  	[tilespmem:v61+s28+$0x0] =	vst.idx.msk $0xffff, v0;
	v61 =	vld [tilespmem:$0x1FF40]  }
0x337: {  	v31 =	vcombine.low v32, v33;
	[tilespmem:v63+s28+$0x0] =	vst.idx.msk $0xffff, v34;
	v63 =	vld [tilespmem:$0x1FFB0]  }
0x338: {  	v44 =	vor.u32 s31, v25;
	[tilespmem:v60+s28+$0x0] =	vst.idx.msk $0xffff, v2;
	v2 =	vld.idx.msk [tilespmem:v59+s29+$0x0], $0xffff  }
0x339: {  	v48 =	vor.u32 s0, v25;
	v4 =	vld.idx.msk [tilespmem:v4+s29+$0x0], $0xffff;
	v0 =	vor.u32 v31, v50  }
0x33a: {  	v56 =	vor.u32 s5, v25;
	v30 =	vld.idx.msk [tilespmem:v30+s29+$0x0], $0xffff;
	v50 =	vor.u32 v31, v51  }
0x33b: {  	v54 =	vor.u32 s3, v25;
	v51 =	vld.idx.msk [tilespmem:v62+s29+$0x0], $0xffff;
	v55 =	vor.u32 v31, v52;
	v31 =	vor.u32 v31, v53  }
0x33c: {  	v34 =	vld [tilespmem:$0x1FF00]  }
0x33d: {  	v52 =	vld [tilespmem:$0x1FFC0];
	[tilespmem:v44+s28+$0x0] =	vst.idx.msk $0xffff, v2  }
0x33e: {  	[tilespmem:v48+s28+$0x0] =	vst.idx.msk $0xffff, v4;
	v2 =	vor.u32 s31, v27;
	v0 =	vld.idx.msk [tilespmem:v0+s29+$0x0], $0xffff  }
0x33f: {  	v4 =	vor.u32 s0, v27;
	[tilespmem:v56+s28+$0x0] =	vst.idx.msk $0xffff, v30;
	v57 =	vld.idx.msk [tilespmem:v50+s29+$0x0], $0xffff  }
0x340: {  	v59 =	vor.u32 s5, v27;
	[tilespmem:v54+s28+$0x0] =	vst.idx.msk $0xffff, v51;
	v31 =	vld.idx.msk [tilespmem:v31+s29+$0x0], $0xffff  }
0x341: {  	p1 =	por p0, p0;
	v30 =	vor.u32 s3, v27;
	v58 =	vld.idx.msk [tilespmem:v55+s29+$0x0], $0xffff  }
.Ltmp9:
0x342: {  	v62 =	vld [tilespmem:$0x1FFF0];
	(pc) =	sbr.rel @p1 .LBB2_10-.Ltmp9, $4  }
0x343: {  	v44 =	vld [tilespmem:$0x1FEC0];
	[tilespmem:v2+s28+$0x0] =	vst.idx.msk $0xffff, v0  }
0x344: {  	v54 =	vld [tilespmem:$0x1FFE0];
	[tilespmem:v4+s28+$0x0] =	vst.idx.msk $0xffff, v57  }
0x345: {  	v51 =	vld [tilespmem:$0x1FF70];
	[tilespmem:v59+s28+$0x0] =	vst.idx.msk $0xffff, v31  }
0x346: {  	p0 =	por $0x0, $0x0;
	s30 =	simm.s32 $0x40;
	v29 =	vmov v8;
	v45 =	vmov v13;
	v13 =	vmov v15;
	v4 =	vld [tilespmem:$0x1FFD0];
	[tilespmem:v30+s28+$0x0] =	vst.idx.msk $0xffff, v58  }
0x347: {  	s0 =	smul.u32 $0xC80000, s25;
	s3 =	sshll.u32 s24, $0xF  }
0x348: {  	s3 =	sand.u32 $0x7FFC0000, s3  }
0x349: {  	s0 =	sadd.s32 s0, s3  }
0x34a: {  	s0 =	sor.u32 s6, s0  }
0x34b: {  	s0 =	sshrl.u32 s0, $0x3  }
0x34c: {  	s3 =	sadd.s32 $0x9, s23;
	s5 =	sadd.s32 s1, s0  }
0x34d: {  	[hbm4b:s5+s2] =	stream.linear.scatter [tilespmem:s28], [sflag:s3], $0x400, $0x38;
	[tilespmem:$0x19D80] =	vst v63  }
0x34e: {  	s25 =	sadd.s32 $0x12180, s26;
	s24 =	sadd.s32 s0, s7  }
0x34f: {  	[hbm4b:s24+s2] =	stream.linear.scatter [tilespmem:s25], [sflag:s3], $0x400, $0x38;
	[tilespmem:$0x19D80] =	vst v63  }
0x350: {  	s29 =	sadd.s32 $0x12580, s26;
	s28 =	sadd.s32 s0, s8  }
0x351: {  	[hbm4b:s28+s2] =	stream.linear.scatter [tilespmem:s29], [sflag:s3], $0x400, $0x38;
	[tilespmem:$0x19D80] =	vst v63  }
0x352: {  	s31 =	sadd.s32 $0x12980, s26;
	s30 =	sadd.s32 s0, s9  }
0x353: {  	[hbm4b:s30+s2] =	stream.linear.scatter [tilespmem:s31], [sflag:s3], $0x400, $0x38;
	[tilespmem:$0x19D80] =	vst v63  }
0x354: {  	s23 =	sadd.s32 s0, s10;
	s24 =	sadd.s32 $0x12D80, s26  }
0x355: {  	[hbm4b:s23+s2] =	stream.linear.scatter [tilespmem:s24], [sflag:s3], $0x400, $0x38;
	[tilespmem:$0x19D80] =	vst v63  }
0x356: {  	s25 =	sadd.s32 s0, s11;
	s28 =	sadd.s32 $0x13180, s26  }
0x357: {  	[hbm4b:s25+s2] =	stream.linear.scatter [tilespmem:s28], [sflag:s3], $0x400, $0x38;
	[tilespmem:$0x19D80] =	vst v63  }
.Ltmp10:
0x358: {  	_ = 	snop;
	(pc) =	sbr.rel .LBB2_12-.Ltmp10, $4  }
0x359: {  	s29 =	sadd.s32 s0, s12;
	s30 =	sadd.s32 $0x13580, s26  }
0x35a: {  	[hbm4b:s29+s2] =	stream.linear.scatter [tilespmem:s30], [sflag:s3], $0x400, $0x38;
	[tilespmem:$0x19D80] =	vst v63  }
0x35b: {  	s0 =	sadd.s32 s0, s13;
	s31 =	sadd.s32 $0x13980, s26  }
0x35c: {  	[hbm4b:s0+s2] =	stream.linear.scatter [tilespmem:s31], [sflag:s3], $0x400, $0x38;
	[tilespmem:$0x19D80] =	vst v63  }
.LBB2_14:
0x35d: {  	_ =	sfence.sel $0x180000  }
0x35e: {  	[bflag:$0x0] =	sbarrier.arrive $0xFFFF  }
0x35f: {  	_ =	strace $0x90000047  }
0x360: {  	s0 =	stileid.u32;
	[bflag:$0x2] =	sbarrier.arrive $0xFFFF  }
0x361: {  	p0 =	sne.s32 s0, $0x0;
	s0 =	rddreg [dreg:$0x2]  }
0x362: {  	s0 =	sadd.s32 @!p0 $0x100000, s0  }
0x363: {  	[sflag:s0] =	ssyncadd.tile.s32 @!p0 $0x1;
	_ =	shalt  }
.Lfunc_end2:
_tile_overlayer_lowered:
.L_overlay_start_2:
0x364: {  	(tag) =	ssettag $0x2  }
0x365: {  	s0 =	rddreg [dreg:$0x0];
	s2 =	stileid.u32  }
0x366: {  	s1 =	rddreg [dreg:$0x1];
	p0 =	sne.s32 s2, $0x0  }
0x367: {  	s3 =	rddreg [dreg:$0x2];
	[bflag:$0x3] =	sbarrier.arrive $0xFFFF;
	s2 =	simm.s32 @!p0 $0x1C0D  }
0x368: {  	[timem:s3], [sflag:s2] =	dma.local @!p0 [hbm:s0], s1  }
0x369: {  	s0 =	simm.s32 @!p0 $0xD  }
0x36a: {  	_ =	swait.ge @!p0 [sflag:s0], s1  }
0x36b: {  	s1 =	ssub.s32 @!p0 $0x0, s1;
	[sflag:s0] =	ssyncset.done @!p0 $0x0  }
0x36c: {  	[sflag:s0] =	ssyncadd.s32 @!p0 s1  }
0x36d: {  	[bflag:$0x3] =	sbarrier.arrive $0xFFFF  }
0x36e: {  	_ =	shalt  }

</sc_bundles>
